<compile_context>
chip_gen: v7x
topology: tpu7x:2x2x1
jax: 0.10.2.dev20260603
libtpu: 0.0.44.dev20260713+nightly
codegen_flags: <defaults>
</compile_context>

<pallas_src>
import functools

import jax
import jax.numpy as jnp
from jax import lax
from jax.experimental import pallas as pl
from jax.experimental.pallas import tpu as pltpu
from jax.experimental.pallas import tpu_sc as plsc

DW = 128
CHUNK = 128
CPT_A = 80
CPT_D = 80
IB = 8
ROW_BLK = 400


def _degree_kernel(N_pad, n_sub):
  stripe = N_pad // n_sub
  mesh = plsc.VectorSubcoreMesh(core_axis_name="c", subcore_axis_name="s")

  @functools.partial(
      pl.kernel,
      out_type=jax.ShapeDtypeStruct((2, N_pad, DW), jnp.float32),
      mesh=mesh,
      scratch_types=[
          pltpu.VMEM((CPT_D, CHUNK), jnp.int32),
          pltpu.VMEM((CHUNK, DW), jnp.float32),
          pltpu.SemaphoreType.DMA,
          pltpu.VMEM_SHARED((N_pad, DW), jnp.float32),
      ],
  )
  def deg_kernel(idx_hbm, ones_hbm, zeros_hbm, out_hbm, idx_v, ones_v, ssem, acc):
    cid = lax.axis_index("c")
    sid = lax.axis_index("s")
    row0 = sid * stripe
    pltpu.sync_copy(zeros_hbm, acc.at[pl.ds(row0, stripe)])
    pltpu.sync_copy(idx_hbm.at[pl.ds((cid * n_sub + sid) * CPT_D, CPT_D)], idx_v)
    pltpu.sync_copy(ones_hbm, ones_v)
    plsc.subcore_barrier()

    @pl.loop(0, CPT_D)
    def _(j):
      pltpu.async_copy(ones_v, acc.at[idx_v.at[j]], ssem, add=True)

    @pl.loop(0, CPT_D)
    def _(j):
      pltpu.make_async_copy(ones_v, acc.at[idx_v.at[j]], ssem).wait()

    plsc.subcore_barrier()
    pltpu.sync_copy(acc.at[pl.ds(row0, stripe)],
                    out_hbm.at[cid].at[pl.ds(row0, stripe)])

  return deg_kernel


def _aggregate_kernel(N_pad, Dh, n_sub):
  stripe = N_pad // n_sub
  mesh = plsc.VectorSubcoreMesh(core_axis_name="c", subcore_axis_name="s")
  NG = CPT_A // IB

  @functools.partial(
      pl.kernel,
      out_type=jax.ShapeDtypeStruct((2, N_pad, Dh), jnp.float32),
      mesh=mesh,
      scratch_types=[
          *[pltpu.VMEM((IB, CHUNK), jnp.int32) for _ in range(4)],
          pltpu.VMEM((CHUNK, Dh), jnp.float32),
          pltpu.VMEM((CHUNK, Dh), jnp.float32),
          pltpu.SemaphoreType.DMA,
          pltpu.SemaphoreType.DMA,
          pltpu.VMEM_SHARED((N_pad, Dh), jnp.float32),
      ],
  )
  def agg_kernel(vals_hbm, src_hbm, dst_hbm, zeros_hbm, out_hbm,
                 sib0, sib1, dib0, dib1, b0, b1, gsem, ssem, acc):
    sib = [sib0, sib1]
    dib = [dib0, dib1]
    bufs = [b0, b1]
    cid = lax.axis_index("c")
    sid = lax.axis_index("s")
    row0 = sid * stripe
    base = sid * CPT_A
    vals = vals_hbm.at[cid]
    pltpu.sync_copy(zeros_hbm, acc.at[pl.ds(row0, stripe)])
    pltpu.sync_copy(src_hbm.at[pl.ds(base, IB)], sib0)
    pltpu.sync_copy(dst_hbm.at[pl.ds(base, IB)], dib0)
    pltpu.async_copy(vals.at[sib0.at[0]], b0, gsem)
    pltpu.sync_copy(zeros_hbm.at[pl.ds(0, CHUNK)], b1)
    pltpu.async_copy(b1, acc.at[dib0.at[0]], ssem, add=True)
    plsc.subcore_barrier()

    @pl.loop(0, NG // 2)
    def _(h):
      g0 = h * 2
      for p in range(2):
        g = g0 + p
        cur_s, cur_d = sib[p], dib[p]
        nxt_s, nxt_d = sib[1 - p], dib[1 - p]
        gn = g + 1
        gn = jnp.where(gn >= NG, 0, gn)
        pltpu.sync_copy(src_hbm.at[pl.ds(base + gn * IB, IB)], nxt_s)
        pltpu.sync_copy(dst_hbm.at[pl.ds(base + gn * IB, IB)], nxt_d)
        for u in range(IB):
          pltpu.make_async_copy(vals.at[cur_s.at[u]], bufs[u % 2], gsem).wait()
          pltpu.async_copy(bufs[u % 2], acc.at[cur_d.at[u]], ssem, add=True)
          pltpu.make_async_copy(bufs[(u + 1) % 2], acc.at[cur_d.at[u]], ssem).wait()
          nidx = cur_s.at[u + 1] if u + 1 < IB else nxt_s.at[0]
          pltpu.async_copy(vals.at[nidx], bufs[(u + 1) % 2], gsem)

    pltpu.make_async_copy(vals.at[sib0.at[0]], b0, gsem).wait()
    pltpu.make_async_copy(b0, acc.at[dib0.at[0]], ssem).wait()
    plsc.subcore_barrier()
    pltpu.sync_copy(acc.at[pl.ds(row0, stripe)],
                    out_hbm.at[cid].at[pl.ds(row0, stripe)])

  return agg_kernel


def _norm_col(deg_blk):
  return lax.rsqrt(jnp.maximum(deg_blk[:, :1], 1.0))


def _prescale_body(x_ref, degs_ref, o_ref):
  Dh = o_ref.shape[2]
  xn = x_ref[...] * _norm_col(degs_ref[...])
  o_ref[0] = xn[:, :Dh]
  o_ref[1] = xn[:, Dh:]


def _dense_body(agg_ref, degs_ref, degd_ref, W1_ref, b1_ref, W2_ref, o_ref):
  Dh = o_ref.shape[2]
  a = jnp.concatenate([agg_ref[0], agg_ref[1]], axis=1)
  a = a * _norm_col(degd_ref[...])
  h = jnp.dot(a, W1_ref[...], preferred_element_type=jnp.float32)
  h = jnp.maximum(h + b1_ref[...], 0.0)
  h = h * _norm_col(degs_ref[...])
  g = jnp.dot(h, W2_ref[...], preferred_element_type=jnp.float32)
  o_ref[0] = g[:, :Dh]
  o_ref[1] = g[:, Dh:]


def _finish_body(agg_ref, degd_ref, b2_ref, o_ref):
  a = jnp.concatenate([agg_ref[0], agg_ref[1]], axis=1)
  o_ref[...] = a * _norm_col(degd_ref[...]) + b2_ref[...]


def kernel(x, edge_index, W1, b1, W2, b2):
  N, D_in = x.shape
  E = edge_index.shape[1]
  D_hid = W1.shape[1]
  D_out = W2.shape[1]
  Dh = D_in // 2
  info = plsc.get_sparse_core_info()
  n_sub = info.num_subcores

  Ep_a = n_sub * CPT_A * CHUNK
  Ep_d = n_sub * CPT_D * CHUNK
  R_d = n_sub * CPT_D
  N_pad = -(-(N + 1) // (n_sub * 8)) * (n_sub * 8)
  src = edge_index[0]
  dst = edge_index[1]
  R_a = n_sub * CPT_A
  src_a = jnp.concatenate([src, jnp.zeros((Ep_a - E,), jnp.int32)]).reshape(R_a, CHUNK)
  dst_a = jnp.concatenate([dst, jnp.full((Ep_a - E,), N, jnp.int32)]).reshape(R_a, CHUNK)
  dummy_d = jnp.full((Ep_d - E,), N, jnp.int32)
  deg_idx = jnp.concatenate([src, dummy_d, dst, dummy_d]).reshape(2 * R_d, CHUNK)

  ones_rows = jnp.ones((CHUNK, DW), jnp.float32)
  zeros_deg = jnp.zeros((N_pad // n_sub, DW), jnp.float32)
  zeros_rows = jnp.zeros((N_pad // n_sub, Dh), jnp.float32)

  deg = _degree_kernel(N_pad, n_sub)(deg_idx, ones_rows, zeros_deg)
  deg_src = deg[0]
  deg_dst = deg[1]

  n_blk = N // ROW_BLK
  row_spec = lambda w: pl.BlockSpec((ROW_BLK, w), lambda i: (i, 0))
  halves_spec = pl.BlockSpec((2, ROW_BLK, Dh), lambda i: (0, i, 0))
  full_spec = lambda a: pl.BlockSpec(a.shape, lambda i: (0,) * a.ndim)

  xn = pl.pallas_call(
      _prescale_body,
      grid=(n_blk,),
      in_specs=[row_spec(D_in), row_spec(DW)],
      out_specs=halves_spec,
      out_shape=jax.ShapeDtypeStruct((2, N, Dh), jnp.float32),
  )(x, deg_src)

  agg_fn = _aggregate_kernel(N_pad, Dh, n_sub)

  agg1 = agg_fn(xn, src_a, dst_a, zeros_rows)

  b1r = b1.reshape(1, D_hid)
  h2w = pl.pallas_call(
      _dense_body,
      grid=(n_blk,),
      in_specs=[halves_spec, row_spec(DW), row_spec(DW),
                full_spec(W1), full_spec(b1r), full_spec(W2)],
      out_specs=halves_spec,
      out_shape=jax.ShapeDtypeStruct((2, N, Dh), jnp.float32),
  )(agg1, deg_src, deg_dst, W1, b1r, W2)

  agg2 = agg_fn(h2w, src_a, dst_a, zeros_rows)

  b2r = b2.reshape(1, D_out)
  out = pl.pallas_call(
      _finish_body,
      grid=(n_blk,),
      in_specs=[halves_spec, row_spec(DW), full_spec(b2r)],
      out_specs=row_spec(D_out),
      out_shape=jax.ShapeDtypeStruct((N, D_out), jnp.float32),
  )(agg2, deg_dst, b2r)

  return out

# --- scband reference (transcript-rebuilt; emitter-appended) ---
"""Pipeline reference for scband-two-layer-gcn-7971459301535 (READ-ONLY COPY).

The authoritative reference and input builder live on the scoring server;
editing this copy changes nothing except your own understanding.
"""

import jax, jax.numpy as jnp
import numpy as np

N = 10000
E = 160000
D_IN = 256
D_HID = 512
D_OUT = 256


def setup_inputs(seed: int = 0) -> dict:
    key = jax.random.key(seed)
    ks = jax.random.split(key, 7)
    x = jax.random.normal(ks[0], (N, D_IN), dtype=jnp.float32)
    edge_index = jax.random.randint(ks[1], (2, E), 0, N, dtype=jnp.int32)
    W1 = jax.random.normal(ks[2], (D_IN, D_HID), dtype=jnp.float32) * (1.0 / np.sqrt(D_IN))
    b1 = jnp.zeros((D_HID,), dtype=jnp.float32)
    W2 = jax.random.normal(ks[3], (D_HID, D_OUT), dtype=jnp.float32) * (1.0 / np.sqrt(D_HID))
    b2 = jnp.zeros((D_OUT,), dtype=jnp.float32)
    return {"x": x, "edge_index": edge_index, "W1": W1, "b1": b1, "W2": W2, "b2": b2}


def _gcn_layer(h, src, dst, W, b):
    # DGL GraphConv with norm='both', allow_zero_in_degree=True
    ones = jnp.ones((src.shape[0],), dtype=jnp.float32)
    out_deg = jax.ops.segment_sum(ones, src, num_segments=N)
    in_deg = jax.ops.segment_sum(ones, dst, num_segments=N)
    norm_src = jnp.power(jnp.clip(out_deg, 1.0, None), -0.5)
    norm_dst = jnp.power(jnp.clip(in_deg, 1.0, None), -0.5)
    h = h * norm_src[:, None]
    msg = jnp.take(h, src, axis=0)
    agg = jax.ops.segment_sum(msg, dst, num_segments=N)
    agg = agg * norm_dst[:, None]
    return agg @ W + b


def reference(x, edge_index, W1, b1, W2, b2):
    src = edge_index[0]
    dst = edge_index[1]
    h = _gcn_layer(x, src, dst, W1, b1)
    h = jax.nn.relu(h)
    # dropout p=0.0 -> identity
    out = _gcn_layer(h, src, dst, W2, b2)
    # is_out_layer=True -> no activation/dropout on second layer
    return out

if __name__ == "__main__":
    import jax
    _d = setup_inputs()
    print(jax.jit(kernel)(*tuple(_d.values())))

</pallas_src>

<mosaic_0001>
#map = affine_map<(d0, d1) -> (0, 0)>
#map1 = affine_map<(d0, d1) -> (0, 0, 0)>
module attributes {stable_mosaic.version = 14 : i64} {
  func.func @deg_kernel(%arg0: i32, %arg1: i32, %arg2: memref<2560x128xi32, #tpu.memory_space<hbm>>, %arg3: memref<128x128xf32, #tpu.memory_space<hbm>>, %arg4: memref<632x128xf32, #tpu.memory_space<hbm>>, %arg5: memref<2x10112x128xf32, #tpu.memory_space<hbm>>, %arg6: memref<80x128xi32, #tpu.memory_space<vmem>>, %arg7: memref<128x128xf32, #tpu.memory_space<vmem>>, %arg8: memref<!tpu.dma_semaphore, #tpu.memory_space<semaphore_mem>>, %arg9: memref<10112x128xf32, #tpu.memory_space<vmem_shared>>) attributes {dimension_semantics = [#tpu.dimension_semantics<core_parallel>, #tpu.dimension_semantics<subcore_parallel>], iteration_bounds = array<i64: 2, 16>, scalar_prefetch = 0 : i64, scratch_operands = 4 : i64, tpu.core_type = #tpu.core_type<sc_vector_subcore>, window_params = [{transform_indices = #map}, {transform_indices = #map}, {transform_indices = #map}, {transform_indices = #map1}]} {
    %mul3A = arith.constant 632 : i32
    %mul3A_0 = arith.muli %arg1, %mul3A : i32
    "tpu.region"() ({
      %run_scoped3A = tpu.sem_alloc : memref<!tpu.dma_semaphore, #tpu.memory_space<semaphore_mem>>
      %dma_start3A = arith.constant 0 : i32
      %dma_start3A_15 = tpu.memref_slice %arg9[%mul3A_0, %dma_start3A] : memref<10112x128xf32, #tpu.memory_space<vmem_shared>> -> memref<632x128xf32, #tpu.memory_space<vmem_shared>>
      tpu.enqueue_dma source(%arg4 : memref<632x128xf32, #tpu.memory_space<hbm>>) target(%dma_start3A_15 : memref<632x128xf32, #tpu.memory_space<vmem_shared>>) target_semaphore(%run_scoped3A : memref<!tpu.dma_semaphore, #tpu.memory_space<semaphore_mem>>)
      %dma_wait3A = arith.constant 0 : i32
      %dma_wait3A_16 = tpu.memref_slice %arg9[%mul3A_0, %dma_wait3A] : memref<10112x128xf32, #tpu.memory_space<vmem_shared>> -> memref<632x128xf32, #tpu.memory_space<vmem_shared>>
      tpu.wait_dma2 semaphore(%run_scoped3A : memref<!tpu.dma_semaphore, #tpu.memory_space<semaphore_mem>>) src(%arg4 : memref<632x128xf32, #tpu.memory_space<hbm>>) dst(%dma_wait3A_16 : memref<632x128xf32, #tpu.memory_space<vmem_shared>>)
      tpu.yield
    }) : () -> ()
    %mul3A_1 = arith.constant 16 : i32
    %mul3A_2 = arith.muli %arg0, %mul3A_1 : i32
    %add3A = arith.addi %mul3A_2, %arg1 : i32
    %mul3A_3 = arith.constant 80 : i32
    %mul3A_4 = arith.muli %add3A, %mul3A_3 : i32
    "tpu.region"() ({
      %run_scoped3A = tpu.sem_alloc : memref<!tpu.dma_semaphore, #tpu.memory_space<semaphore_mem>>
      %dma_start3A = arith.constant 0 : i32
      %dma_start3A_15 = tpu.memref_slice %arg2[%mul3A_4, %dma_start3A] : memref<2560x128xi32, #tpu.memory_space<hbm>> -> memref<80x128xi32, #tpu.memory_space<hbm>>
      %dma_start3A_16 = arith.constant 0 : i32
      %dma_start3A_17 = tpu.memref_slice %arg2[%mul3A_4, %dma_start3A_16] : memref<2560x128xi32, #tpu.memory_space<hbm>> -> memref<80x128xi32, #tpu.memory_space<hbm>>
      tpu.enqueue_dma source(%dma_start3A_17 : memref<80x128xi32, #tpu.memory_space<hbm>>) target(%arg6 : memref<80x128xi32, #tpu.memory_space<vmem>>) target_semaphore(%run_scoped3A : memref<!tpu.dma_semaphore, #tpu.memory_space<semaphore_mem>>)
      %dma_wait3A = arith.constant 0 : i32
      %dma_wait3A_18 = tpu.memref_slice %arg2[%mul3A_4, %dma_wait3A] : memref<2560x128xi32, #tpu.memory_space<hbm>> -> memref<80x128xi32, #tpu.memory_space<hbm>>
      %dma_wait3A_19 = arith.constant 0 : i32
      %dma_wait3A_20 = tpu.memref_slice %arg2[%mul3A_4, %dma_wait3A_19] : memref<2560x128xi32, #tpu.memory_space<hbm>> -> memref<80x128xi32, #tpu.memory_space<hbm>>
      tpu.wait_dma2 semaphore(%run_scoped3A : memref<!tpu.dma_semaphore, #tpu.memory_space<semaphore_mem>>) src(%dma_wait3A_20 : memref<80x128xi32, #tpu.memory_space<hbm>>) dst(%arg6 : memref<80x128xi32, #tpu.memory_space<vmem>>)
      tpu.yield
    }) : () -> ()
    "tpu.region"() ({
      %run_scoped3A = tpu.sem_alloc : memref<!tpu.dma_semaphore, #tpu.memory_space<semaphore_mem>>
      tpu.enqueue_dma source(%arg3 : memref<128x128xf32, #tpu.memory_space<hbm>>) target(%arg7 : memref<128x128xf32, #tpu.memory_space<vmem>>) target_semaphore(%run_scoped3A : memref<!tpu.dma_semaphore, #tpu.memory_space<semaphore_mem>>)
      tpu.wait_dma2 semaphore(%run_scoped3A : memref<!tpu.dma_semaphore, #tpu.memory_space<semaphore_mem>>) src(%arg3 : memref<128x128xf32, #tpu.memory_space<hbm>>) dst(%arg7 : memref<128x128xf32, #tpu.memory_space<vmem>>)
      tpu.yield
    }) : () -> ()
    %barrier3A = arith.constant 0 : index
    tpu.barrier barrier_id(%barrier3A)
    %scan3A = arith.constant 0 : i32
    %scan3A_5 = arith.constant 80 : i32
    %scan3A_6 = arith.addi %scan3A, %scan3A_5 : i32
    %scan3A_7 = arith.constant 1 : i32
    scf.for %scan3A_15 = %scan3A to %scan3A_6 step %scan3A_7  : i32 {
      %mul3A_16 = arith.constant 1 : i32
      %mul3A_17 = arith.muli %scan3A_15, %mul3A_16 : i32
      %add3A_18 = arith.constant 0 : i32
      %add3A_19 = arith.addi %add3A_18, %mul3A_17 : i32
      %dma_start3A = arith.constant 0 : i32
      %dma_start3A_20 = tpu.memref_slice %arg6[%add3A_19, %dma_start3A] : memref<80x128xi32, #tpu.memory_space<vmem>> -> memref<1x128xi32, #tpu.memory_space<vmem>>
      %dma_start3A_21 = tpu.memref_squeeze %dma_start3A_20 : memref<1x128xi32, #tpu.memory_space<vmem>> -> memref<128xi32, #tpu.memory_space<vmem>>
      %dma_start3A_22 = arith.constant 0 : i32
      %dma_start3A_23 = arith.constant 0 : i32
      %dma_start3A_24 = tpu.memref_slice %arg9[%dma_start3A_22, %dma_start3A_23] : memref<10112x128xf32, #tpu.memory_space<vmem_shared>> -> memref<10112x128xf32, #tpu.memory_space<vmem_shared>>
      tpu.enqueue_indirect_dma source(%arg7 : memref<128x128xf32, #tpu.memory_space<vmem>>) target(%dma_start3A_24 : memref<10112x128xf32, #tpu.memory_space<vmem_shared>>) offsets(%dma_start3A_21 : memref<128xi32, #tpu.memory_space<vmem>>) semaphore(%arg8 : memref<!tpu.dma_semaphore, #tpu.memory_space<semaphore_mem>>) {add = true}
    }
    %scan3A_8 = arith.constant 80 : i32
    %scan3A_9 = arith.constant 0 : i32
    %scan3A_10 = arith.constant 80 : i32
    %scan3A_11 = arith.addi %scan3A_9, %scan3A_10 : i32
    %scan3A_12 = arith.constant 1 : i32
    scf.for %scan3A_15 = %scan3A_9 to %scan3A_11 step %scan3A_12  : i32 {
      %mul3A_16 = arith.constant 1 : i32
      %mul3A_17 = arith.muli %scan3A_15, %mul3A_16 : i32
      %add3A_18 = arith.constant 0 : i32
      %add3A_19 = arith.addi %add3A_18, %mul3A_17 : i32
      %dma_wait3A = arith.constant 0 : i32
      %dma_wait3A_20 = tpu.memref_slice %arg6[%add3A_19, %dma_wait3A] : memref<80x128xi32, #tpu.memory_space<vmem>> -> memref<1x128xi32, #tpu.memory_space<vmem>>
      %dma_wait3A_21 = tpu.memref_squeeze %dma_wait3A_20 : memref<1x128xi32, #tpu.memory_space<vmem>> -> memref<128xi32, #tpu.memory_space<vmem>>
      %dma_wait3A_22 = arith.constant 0 : i32
      %dma_wait3A_23 = arith.constant 0 : i32
      %dma_wait3A_24 = tpu.memref_slice %arg9[%dma_wait3A_22, %dma_wait3A_23] : memref<10112x128xf32, #tpu.memory_space<vmem_shared>> -> memref<10112x128xf32, #tpu.memory_space<vmem_shared>>
      tpu.wait_indirect_dma semaphore(%arg8 : memref<!tpu.dma_semaphore, #tpu.memory_space<semaphore_mem>>) src(%arg7 : memref<128x128xf32, #tpu.memory_space<vmem>>) dst(%dma_wait3A_24 : memref<10112x128xf32, #tpu.memory_space<vmem_shared>>)
    }
    %scan3A_13 = arith.constant 80 : i32
    %barrier3A_14 = arith.constant 0 : index
    tpu.barrier barrier_id(%barrier3A_14)
    "tpu.region"() ({
      %run_scoped3A = tpu.sem_alloc : memref<!tpu.dma_semaphore, #tpu.memory_space<semaphore_mem>>
      %dma_start3A = arith.constant 0 : i32
      %dma_start3A_15 = arith.constant 0 : i32
      %dma_start3A_16 = tpu.memref_slice %arg5[%arg0, %dma_start3A, %dma_start3A_15] : memref<2x10112x128xf32, #tpu.memory_space<hbm>> -> memref<1x10112x128xf32, #tpu.memory_space<hbm>>
      %dma_start3A_17 = tpu.memref_squeeze %dma_start3A_16 : memref<1x10112x128xf32, #tpu.memory_space<hbm>> -> memref<10112x128xf32, #tpu.memory_space<hbm>>
      %dma_start3A_18 = arith.constant 0 : i32
      %dma_start3A_19 = tpu.memref_slice %dma_start3A_17[%mul3A_0, %dma_start3A_18] : memref<10112x128xf32, #tpu.memory_space<hbm>> -> memref<632x128xf32, #tpu.memory_space<hbm>>
      %dma_start3A_20 = arith.constant 0 : i32
      %dma_start3A_21 = tpu.memref_slice %arg9[%mul3A_0, %dma_start3A_20] : memref<10112x128xf32, #tpu.memory_space<vmem_shared>> -> memref<632x128xf32, #tpu.memory_space<vmem_shared>>
      tpu.enqueue_dma source(%dma_start3A_21 : memref<632x128xf32, #tpu.memory_space<vmem_shared>>) target(%dma_start3A_19 : memref<632x128xf32, #tpu.memory_space<hbm>>) target_semaphore(%run_scoped3A : memref<!tpu.dma_semaphore, #tpu.memory_space<semaphore_mem>>)
      %dma_wait3A = arith.constant 0 : i32
      %dma_wait3A_22 = arith.constant 0 : i32
      %dma_wait3A_23 = tpu.memref_slice %arg5[%arg0, %dma_wait3A, %dma_wait3A_22] : memref<2x10112x128xf32, #tpu.memory_space<hbm>> -> memref<1x10112x128xf32, #tpu.memory_space<hbm>>
      %dma_wait3A_24 = tpu.memref_squeeze %dma_wait3A_23 : memref<1x10112x128xf32, #tpu.memory_space<hbm>> -> memref<10112x128xf32, #tpu.memory_space<hbm>>
      %dma_wait3A_25 = arith.constant 0 : i32
      %dma_wait3A_26 = tpu.memref_slice %dma_wait3A_24[%mul3A_0, %dma_wait3A_25] : memref<10112x128xf32, #tpu.memory_space<hbm>> -> memref<632x128xf32, #tpu.memory_space<hbm>>
      %dma_wait3A_27 = arith.constant 0 : i32
      %dma_wait3A_28 = tpu.memref_slice %arg9[%mul3A_0, %dma_wait3A_27] : memref<10112x128xf32, #tpu.memory_space<vmem_shared>> -> memref<632x128xf32, #tpu.memory_space<vmem_shared>>
      tpu.wait_dma2 semaphore(%run_scoped3A : memref<!tpu.dma_semaphore, #tpu.memory_space<semaphore_mem>>) src(%dma_wait3A_28 : memref<632x128xf32, #tpu.memory_space<vmem_shared>>) dst(%dma_wait3A_26 : memref<632x128xf32, #tpu.memory_space<hbm>>)
      tpu.yield
    }) : () -> ()
    return
  }
}

#map = affine_map<(d0, d1) -> (0, 0, 0)>
#map1 = affine_map<(d0, d1) -> (0, 0)>
module attributes {stable_mosaic.version = 14 : i64} {
  func.func @agg_kernel(%arg0: i32, %arg1: i32, %arg2: memref<2x10000x128xf32, #tpu.memory_space<hbm>>, %arg3: memref<1280x128xi32, #tpu.memory_space<hbm>>, %arg4: memref<1280x128xi32, #tpu.memory_space<hbm>>, %arg5: memref<632x128xf32, #tpu.memory_space<hbm>>, %arg6: memref<2x10112x128xf32, #tpu.memory_space<hbm>>, %arg7: memref<8x128xi32, #tpu.memory_space<vmem>>, %arg8: memref<8x128xi32, #tpu.memory_space<vmem>>, %arg9: memref<8x128xi32, #tpu.memory_space<vmem>>, %arg10: memref<8x128xi32, #tpu.memory_space<vmem>>, %arg11: memref<128x128xf32, #tpu.memory_space<vmem>>, %arg12: memref<128x128xf32, #tpu.memory_space<vmem>>, %arg13: memref<!tpu.dma_semaphore, #tpu.memory_space<semaphore_mem>>, %arg14: memref<!tpu.dma_semaphore, #tpu.memory_space<semaphore_mem>>, %arg15: memref<10112x128xf32, #tpu.memory_space<vmem_shared>>) attributes {dimension_semantics = [#tpu.dimension_semantics<core_parallel>, #tpu.dimension_semantics<subcore_parallel>], iteration_bounds = array<i64: 2, 16>, scalar_prefetch = 0 : i64, scratch_operands = 9 : i64, tpu.core_type = #tpu.core_type<sc_vector_subcore>, window_params = [{transform_indices = #map}, {transform_indices = #map1}, {transform_indices = #map1}, {transform_indices = #map1}, {transform_indices = #map}]} {
    %mul3A = arith.constant 632 : i32
    %mul3A_0 = arith.muli %arg1, %mul3A : i32
    %mul3A_1 = arith.constant 80 : i32
    %mul3A_2 = arith.muli %arg1, %mul3A_1 : i32
    "tpu.region"() ({
      %run_scoped3A = tpu.sem_alloc : memref<!tpu.dma_semaphore, #tpu.memory_space<semaphore_mem>>
      %dma_start3A_42 = arith.constant 0 : i32
      %dma_start3A_43 = tpu.memref_slice %arg15[%mul3A_0, %dma_start3A_42] : memref<10112x128xf32, #tpu.memory_space<vmem_shared>> -> memref<632x128xf32, #tpu.memory_space<vmem_shared>>
      tpu.enqueue_dma source(%arg5 : memref<632x128xf32, #tpu.memory_space<hbm>>) target(%dma_start3A_43 : memref<632x128xf32, #tpu.memory_space<vmem_shared>>) target_semaphore(%run_scoped3A : memref<!tpu.dma_semaphore, #tpu.memory_space<semaphore_mem>>)
      %dma_wait3A_44 = arith.constant 0 : i32
      %dma_wait3A_45 = tpu.memref_slice %arg15[%mul3A_0, %dma_wait3A_44] : memref<10112x128xf32, #tpu.memory_space<vmem_shared>> -> memref<632x128xf32, #tpu.memory_space<vmem_shared>>
      tpu.wait_dma2 semaphore(%run_scoped3A : memref<!tpu.dma_semaphore, #tpu.memory_space<semaphore_mem>>) src(%arg5 : memref<632x128xf32, #tpu.memory_space<hbm>>) dst(%dma_wait3A_45 : memref<632x128xf32, #tpu.memory_space<vmem_shared>>)
      tpu.yield
    }) : () -> ()
    "tpu.region"() ({
      %run_scoped3A = tpu.sem_alloc : memref<!tpu.dma_semaphore, #tpu.memory_space<semaphore_mem>>
      %dma_start3A_42 = arith.constant 0 : i32
      %dma_start3A_43 = tpu.memref_slice %arg3[%mul3A_2, %dma_start3A_42] : memref<1280x128xi32, #tpu.memory_space<hbm>> -> memref<8x128xi32, #tpu.memory_space<hbm>>
      %dma_start3A_44 = arith.constant 0 : i32
      %dma_start3A_45 = tpu.memref_slice %arg3[%mul3A_2, %dma_start3A_44] : memref<1280x128xi32, #tpu.memory_space<hbm>> -> memref<8x128xi32, #tpu.memory_space<hbm>>
      tpu.enqueue_dma source(%dma_start3A_45 : memref<8x128xi32, #tpu.memory_space<hbm>>) target(%arg7 : memref<8x128xi32, #tpu.memory_space<vmem>>) target_semaphore(%run_scoped3A : memref<!tpu.dma_semaphore, #tpu.memory_space<semaphore_mem>>)
      %dma_wait3A_46 = arith.constant 0 : i32
      %dma_wait3A_47 = tpu.memref_slice %arg3[%mul3A_2, %dma_wait3A_46] : memref<1280x128xi32, #tpu.memory_space<hbm>> -> memref<8x128xi32, #tpu.memory_space<hbm>>
      %dma_wait3A_48 = arith.constant 0 : i32
      %dma_wait3A_49 = tpu.memref_slice %arg3[%mul3A_2, %dma_wait3A_48] : memref<1280x128xi32, #tpu.memory_space<hbm>> -> memref<8x128xi32, #tpu.memory_space<hbm>>
      tpu.wait_dma2 semaphore(%run_scoped3A : memref<!tpu.dma_semaphore, #tpu.memory_space<semaphore_mem>>) src(%dma_wait3A_49 : memref<8x128xi32, #tpu.memory_space<hbm>>) dst(%arg7 : memref<8x128xi32, #tpu.memory_space<vmem>>)
      tpu.yield
    }) : () -> ()
    "tpu.region"() ({
      %run_scoped3A = tpu.sem_alloc : memref<!tpu.dma_semaphore, #tpu.memory_space<semaphore_mem>>
      %dma_start3A_42 = arith.constant 0 : i32
      %dma_start3A_43 = tpu.memref_slice %arg4[%mul3A_2, %dma_start3A_42] : memref<1280x128xi32, #tpu.memory_space<hbm>> -> memref<8x128xi32, #tpu.memory_space<hbm>>
      %dma_start3A_44 = arith.constant 0 : i32
      %dma_start3A_45 = tpu.memref_slice %arg4[%mul3A_2, %dma_start3A_44] : memref<1280x128xi32, #tpu.memory_space<hbm>> -> memref<8x128xi32, #tpu.memory_space<hbm>>
      tpu.enqueue_dma source(%dma_start3A_45 : memref<8x128xi32, #tpu.memory_space<hbm>>) target(%arg9 : memref<8x128xi32, #tpu.memory_space<vmem>>) target_semaphore(%run_scoped3A : memref<!tpu.dma_semaphore, #tpu.memory_space<semaphore_mem>>)
      %dma_wait3A_46 = arith.constant 0 : i32
      %dma_wait3A_47 = tpu.memref_slice %arg4[%mul3A_2, %dma_wait3A_46] : memref<1280x128xi32, #tpu.memory_space<hbm>> -> memref<8x128xi32, #tpu.memory_space<hbm>>
      %dma_wait3A_48 = arith.constant 0 : i32
      %dma_wait3A_49 = tpu.memref_slice %arg4[%mul3A_2, %dma_wait3A_48] : memref<1280x128xi32, #tpu.memory_space<hbm>> -> memref<8x128xi32, #tpu.memory_space<hbm>>
      tpu.wait_dma2 semaphore(%run_scoped3A : memref<!tpu.dma_semaphore, #tpu.memory_space<semaphore_mem>>) src(%dma_wait3A_49 : memref<8x128xi32, #tpu.memory_space<hbm>>) dst(%arg9 : memref<8x128xi32, #tpu.memory_space<vmem>>)
      tpu.yield
    }) : () -> ()
    %dma_start3A = arith.constant 0 : i32
    %dma_start3A_3 = arith.constant 0 : i32
    %dma_start3A_4 = tpu.memref_slice %arg7[%dma_start3A, %dma_start3A_3] : memref<8x128xi32, #tpu.memory_space<vmem>> -> memref<1x128xi32, #tpu.memory_space<vmem>>
    %dma_start3A_5 = tpu.memref_squeeze %dma_start3A_4 : memref<1x128xi32, #tpu.memory_space<vmem>> -> memref<128xi32, #tpu.memory_space<vmem>>
    %dma_start3A_6 = arith.constant 0 : i32
    %dma_start3A_7 = arith.constant 0 : i32
    %dma_start3A_8 = tpu.memref_slice %arg2[%arg0, %dma_start3A_6, %dma_start3A_7] : memref<2x10000x128xf32, #tpu.memory_space<hbm>> -> memref<1x10000x128xf32, #tpu.memory_space<hbm>>
    %dma_start3A_9 = tpu.memref_squeeze %dma_start3A_8 : memref<1x10000x128xf32, #tpu.memory_space<hbm>> -> memref<10000x128xf32, #tpu.memory_space<hbm>>
    %dma_start3A_10 = arith.constant 0 : i32
    %dma_start3A_11 = arith.constant 0 : i32
    %dma_start3A_12 = tpu.memref_slice %dma_start3A_9[%dma_start3A_10, %dma_start3A_11] : memref<10000x128xf32, #tpu.memory_space<hbm>> -> memref<10000x128xf32, #tpu.memory_space<hbm>>
    tpu.enqueue_indirect_dma source(%dma_start3A_12 : memref<10000x128xf32, #tpu.memory_space<hbm>>) target(%arg11 : memref<128x128xf32, #tpu.memory_space<vmem>>) offsets(%dma_start3A_5 : memref<128xi32, #tpu.memory_space<vmem>>) semaphore(%arg13 : memref<!tpu.dma_semaphore, #tpu.memory_space<semaphore_mem>>)
    "tpu.region"() ({
      %run_scoped3A = tpu.sem_alloc : memref<!tpu.dma_semaphore, #tpu.memory_space<semaphore_mem>>
      %dma_start3A_42 = arith.constant 0 : i32
      %dma_start3A_43 = arith.constant 0 : i32
      %dma_start3A_44 = tpu.memref_slice %arg5[%dma_start3A_42, %dma_start3A_43] : memref<632x128xf32, #tpu.memory_space<hbm>> -> memref<128x128xf32, #tpu.memory_space<hbm>>
      %dma_start3A_45 = arith.constant 0 : i32
      %dma_start3A_46 = arith.constant 0 : i32
      %dma_start3A_47 = tpu.memref_slice %arg5[%dma_start3A_45, %dma_start3A_46] : memref<632x128xf32, #tpu.memory_space<hbm>> -> memref<128x128xf32, #tpu.memory_space<hbm>>
      tpu.enqueue_dma source(%dma_start3A_47 : memref<128x128xf32, #tpu.memory_space<hbm>>) target(%arg12 : memref<128x128xf32, #tpu.memory_space<vmem>>) target_semaphore(%run_scoped3A : memref<!tpu.dma_semaphore, #tpu.memory_space<semaphore_mem>>)
      %dma_wait3A_48 = arith.constant 0 : i32
      %dma_wait3A_49 = arith.constant 0 : i32
      %dma_wait3A_50 = tpu.memref_slice %arg5[%dma_wait3A_48, %dma_wait3A_49] : memref<632x128xf32, #tpu.memory_space<hbm>> -> memref<128x128xf32, #tpu.memory_space<hbm>>
      %dma_wait3A_51 = arith.constant 0 : i32
      %dma_wait3A_52 = arith.constant 0 : i32
      %dma_wait3A_53 = tpu.memref_slice %arg5[%dma_wait3A_51, %dma_wait3A_52] : memref<632x128xf32, #tpu.memory_space<hbm>> -> memref<128x128xf32, #tpu.memory_space<hbm>>
      tpu.wait_dma2 semaphore(%run_scoped3A : memref<!tpu.dma_semaphore, #tpu.memory_space<semaphore_mem>>) src(%dma_wait3A_53 : memref<128x128xf32, #tpu.memory_space<hbm>>) dst(%arg12 : memref<128x128xf32, #tpu.memory_space<vmem>>)
      tpu.yield
    }) : () -> ()
    %dma_start3A_13 = arith.constant 0 : i32
    %dma_start3A_14 = arith.constant 0 : i32
    %dma_start3A_15 = tpu.memref_slice %arg9[%dma_start3A_13, %dma_start3A_14] : memref<8x128xi32, #tpu.memory_space<vmem>> -> memref<1x128xi32, #tpu.memory_space<vmem>>
    %dma_start3A_16 = tpu.memref_squeeze %dma_start3A_15 : memref<1x128xi32, #tpu.memory_space<vmem>> -> memref<128xi32, #tpu.memory_space<vmem>>
    %dma_start3A_17 = arith.constant 0 : i32
    %dma_start3A_18 = arith.constant 0 : i32
    %dma_start3A_19 = tpu.memref_slice %arg15[%dma_start3A_17, %dma_start3A_18] : memref<10112x128xf32, #tpu.memory_space<vmem_shared>> -> memref<10112x128xf32, #tpu.memory_space<vmem_shared>>
    tpu.enqueue_indirect_dma source(%arg12 : memref<128x128xf32, #tpu.memory_space<vmem>>) target(%dma_start3A_19 : memref<10112x128xf32, #tpu.memory_space<vmem_shared>>) offsets(%dma_start3A_16 : memref<128xi32, #tpu.memory_space<vmem>>) semaphore(%arg14 : memref<!tpu.dma_semaphore, #tpu.memory_space<semaphore_mem>>) {add = true}
    %barrier3A = arith.constant 0 : index
    tpu.barrier barrier_id(%barrier3A)
    %scan3A = arith.constant 0 : i32
    %scan3A_20 = arith.constant 5 : i32
    %scan3A_21 = arith.addi %scan3A, %scan3A_20 : i32
    %scan3A_22 = arith.constant 1 : i32
    scf.for %scan3A_42 = %scan3A to %scan3A_21 step %scan3A_22  : i32 {
      %mul3A_43 = arith.constant 1 : i32
      %mul3A_44 = arith.muli %scan3A_42, %mul3A_43 : i32
      %add3A = arith.constant 0 : i32
      %add3A_45 = arith.addi %add3A, %mul3A_44 : i32
      %mul3A_46 = arith.constant 2 : i32
      %mul3A_47 = arith.muli %add3A_45, %mul3A_46 : i32
      %add3A_48 = arith.constant 0 : i32
      %add3A_49 = arith.addi %mul3A_47, %add3A_48 : i32
      %add3A_50 = arith.constant 1 : i32
      %add3A_51 = arith.addi %add3A_49, %add3A_50 : i32
      %ge3A = arith.constant 10 : i32
      %ge3A_52 = arith.cmpi sge, %add3A_51, %ge3A : i32
      %jit3A = arith.constant 0 : i32
      %select_n3A = arith.select %ge3A_52, %jit3A, %add3A_51 : i32
      %mul3A_53 = arith.constant 8 : i32
      %mul3A_54 = arith.muli %select_n3A, %mul3A_53 : i32
      %add3A_55 = arith.addi %mul3A_2, %mul3A_54 : i32
      "tpu.region"() ({
        %run_scoped3A = tpu.sem_alloc : memref<!tpu.dma_semaphore, #tpu.memory_space<semaphore_mem>>
        %dma_start3A_649 = arith.constant 0 : i32
        %dma_start3A_650 = tpu.memref_slice %arg3[%add3A_55, %dma_start3A_649] : memref<1280x128xi32, #tpu.memory_space<hbm>> -> memref<8x128xi32, #tpu.memory_space<hbm>>
        %dma_start3A_651 = arith.constant 0 : i32
        %dma_start3A_652 = tpu.memref_slice %arg3[%add3A_55, %dma_start3A_651] : memref<1280x128xi32, #tpu.memory_space<hbm>> -> memref<8x128xi32, #tpu.memory_space<hbm>>
        tpu.enqueue_dma source(%dma_start3A_652 : memref<8x128xi32, #tpu.memory_space<hbm>>) target(%arg8 : memref<8x128xi32, #tpu.memory_space<vmem>>) target_semaphore(%run_scoped3A : memref<!tpu.dma_semaphore, #tpu.memory_space<semaphore_mem>>)
        %dma_wait3A_653 = arith.constant 0 : i32
        %dma_wait3A_654 = tpu.memref_slice %arg3[%add3A_55, %dma_wait3A_653] : memref<1280x128xi32, #tpu.memory_space<hbm>> -> memref<8x128xi32, #tpu.memory_space<hbm>>
        %dma_wait3A_655 = arith.constant 0 : i32
        %dma_wait3A_656 = tpu.memref_slice %arg3[%add3A_55, %dma_wait3A_655] : memref<1280x128xi32, #tpu.memory_space<hbm>> -> memref<8x128xi32, #tpu.memory_space<hbm>>
        tpu.wait_dma2 semaphore(%run_scoped3A : memref<!tpu.dma_semaphore, #tpu.memory_space<semaphore_mem>>) src(%dma_wait3A_656 : memref<8x128xi32, #tpu.memory_space<hbm>>) dst(%arg8 : memref<8x128xi32, #tpu.memory_space<vmem>>)
        tpu.yield
      }) : () -> ()
      %mul3A_56 = arith.constant 8 : i32
      %mul3A_57 = arith.muli %select_n3A, %mul3A_56 : i32
      %add3A_58 = arith.addi %mul3A_2, %mul3A_57 : i32
      "tpu.region"() ({
        %run_scoped3A = tpu.sem_alloc : memref<!tpu.dma_semaphore, #tpu.memory_space<semaphore_mem>>
        %dma_start3A_649 = arith.constant 0 : i32
        %dma_start3A_650 = tpu.memref_slice %arg4[%add3A_58, %dma_start3A_649] : memref<1280x128xi32, #tpu.memory_space<hbm>> -> memref<8x128xi32, #tpu.memory_space<hbm>>
        %dma_start3A_651 = arith.constant 0 : i32
        %dma_start3A_652 = tpu.memref_slice %arg4[%add3A_58, %dma_start3A_651] : memref<1280x128xi32, #tpu.memory_space<hbm>> -> memref<8x128xi32, #tpu.memory_space<hbm>>
        tpu.enqueue_dma source(%dma_start3A_652 : memref<8x128xi32, #tpu.memory_space<hbm>>) target(%arg10 : memref<8x128xi32, #tpu.memory_space<vmem>>) target_semaphore(%run_scoped3A : memref<!tpu.dma_semaphore, #tpu.memory_space<semaphore_mem>>)
        %dma_wait3A_653 = arith.constant 0 : i32
        %dma_wait3A_654 = tpu.memref_slice %arg4[%add3A_58, %dma_wait3A_653] : memref<1280x128xi32, #tpu.memory_space<hbm>> -> memref<8x128xi32, #tpu.memory_space<hbm>>
        %dma_wait3A_655 = arith.constant 0 : i32
        %dma_wait3A_656 = tpu.memref_slice %arg4[%add3A_58, %dma_wait3A_655] : memref<1280x128xi32, #tpu.memory_space<hbm>> -> memref<8x128xi32, #tpu.memory_space<hbm>>
        tpu.wait_dma2 semaphore(%run_scoped3A : memref<!tpu.dma_semaphore, #tpu.memory_space<semaphore_mem>>) src(%dma_wait3A_656 : memref<8x128xi32, #tpu.memory_space<hbm>>) dst(%arg10 : memref<8x128xi32, #tpu.memory_space<vmem>>)
        tpu.yield
      }) : () -> ()
      %dma_wait3A_59 = arith.constant 0 : i32
      %dma_wait3A_60 = arith.constant 0 : i32
      %dma_wait3A_61 = tpu.memref_slice %arg7[%dma_wait3A_59, %dma_wait3A_60] : memref<8x128xi32, #tpu.memory_space<vmem>> -> memref<1x128xi32, #tpu.memory_space<vmem>>
      %dma_wait3A_62 = tpu.memref_squeeze %dma_wait3A_61 : memref<1x128xi32, #tpu.memory_space<vmem>> -> memref<128xi32, #tpu.memory_space<vmem>>
      %dma_wait3A_63 = arith.constant 0 : i32
      %dma_wait3A_64 = arith.constant 0 : i32
      %dma_wait3A_65 = tpu.memref_slice %arg2[%arg0, %dma_wait3A_63, %dma_wait3A_64] : memref<2x10000x128xf32, #tpu.memory_space<hbm>> -> memref<1x10000x128xf32, #tpu.memory_space<hbm>>
      %dma_wait3A_66 = tpu.memref_squeeze %dma_wait3A_65 : memref<1x10000x128xf32, #tpu.memory_space<hbm>> -> memref<10000x128xf32, #tpu.memory_space<hbm>>
      %dma_wait3A_67 = arith.constant 0 : i32
      %dma_wait3A_68 = arith.constant 0 : i32
      %dma_wait3A_69 = tpu.memref_slice %dma_wait3A_66[%dma_wait3A_67, %dma_wait3A_68] : memref<10000x128xf32, #tpu.memory_space<hbm>> -> memref<10000x128xf32, #tpu.memory_space<hbm>>
      tpu.wait_indirect_dma semaphore(%arg13 : memref<!tpu.dma_semaphore, #tpu.memory_space<semaphore_mem>>) src(%dma_wait3A_69 : memref<10000x128xf32, #tpu.memory_space<hbm>>) dst(%arg11 : memref<128x128xf32, #tpu.memory_space<vmem>>)
      %dma_start3A_70 = arith.constant 0 : i32
      %dma_start3A_71 = arith.constant 0 : i32
      %dma_start3A_72 = tpu.memref_slice %arg9[%dma_start3A_70, %dma_start3A_71] : memref<8x128xi32, #tpu.memory_space<vmem>> -> memref<1x128xi32, #tpu.memory_space<vmem>>
      %dma_start3A_73 = tpu.memref_squeeze %dma_start3A_72 : memref<1x128xi32, #tpu.memory_space<vmem>> -> memref<128xi32, #tpu.memory_space<vmem>>
      %dma_start3A_74 = arith.constant 0 : i32
      %dma_start3A_75 = arith.constant 0 : i32
      %dma_start3A_76 = tpu.memref_slice %arg15[%dma_start3A_74, %dma_start3A_75] : memref<10112x128xf32, #tpu.memory_space<vmem_shared>> -> memref<10112x128xf32, #tpu.memory_space<vmem_shared>>
      tpu.enqueue_indirect_dma source(%arg11 : memref<128x128xf32, #tpu.memory_space<vmem>>) target(%dma_start3A_76 : memref<10112x128xf32, #tpu.memory_space<vmem_shared>>) offsets(%dma_start3A_73 : memref<128xi32, #tpu.memory_space<vmem>>) semaphore(%arg14 : memref<!tpu.dma_semaphore, #tpu.memory_space<semaphore_mem>>) {add = true}
      %dma_wait3A_77 = arith.constant 0 : i32
      %dma_wait3A_78 = arith.constant 0 : i32
      %dma_wait3A_79 = tpu.memref_slice %arg9[%dma_wait3A_77, %dma_wait3A_78] : memref<8x128xi32, #tpu.memory_space<vmem>> -> memref<1x128xi32, #tpu.memory_space<vmem>>
      %dma_wait3A_80 = tpu.memref_squeeze %dma_wait3A_79 : memref<1x128xi32, #tpu.memory_space<vmem>> -> memref<128xi32, #tpu.memory_space<vmem>>
      %dma_wait3A_81 = arith.constant 0 : i32
      %dma_wait3A_82 = arith.constant 0 : i32
      %dma_wait3A_83 = tpu.memref_slice %arg15[%dma_wait3A_81, %dma_wait3A_82] : memref<10112x128xf32, #tpu.memory_space<vmem_shared>> -> memref<10112x128xf32, #tpu.memory_space<vmem_shared>>
      tpu.wait_indirect_dma semaphore(%arg14 : memref<!tpu.dma_semaphore, #tpu.memory_space<semaphore_mem>>) src(%arg12 : memref<128x128xf32, #tpu.memory_space<vmem>>) dst(%dma_wait3A_83 : memref<10112x128xf32, #tpu.memory_space<vmem_shared>>)
      %dma_start3A_84 = arith.constant 1 : i32
      %dma_start3A_85 = arith.constant 0 : i32
      %dma_start3A_86 = tpu.memref_slice %arg7[%dma_start3A_84, %dma_start3A_85] : memref<8x128xi32, #tpu.memory_space<vmem>> -> memref<1x128xi32, #tpu.memory_space<vmem>>
      %dma_start3A_87 = tpu.memref_squeeze %dma_start3A_86 : memref<1x128xi32, #tpu.memory_space<vmem>> -> memref<128xi32, #tpu.memory_space<vmem>>
      %dma_start3A_88 = arith.constant 0 : i32
      %dma_start3A_89 = arith.constant 0 : i32
      %dma_start3A_90 = tpu.memref_slice %arg2[%arg0, %dma_start3A_88, %dma_start3A_89] : memref<2x10000x128xf32, #tpu.memory_space<hbm>> -> memref<1x10000x128xf32, #tpu.memory_space<hbm>>
      %dma_start3A_91 = tpu.memref_squeeze %dma_start3A_90 : memref<1x10000x128xf32, #tpu.memory_space<hbm>> -> memref<10000x128xf32, #tpu.memory_space<hbm>>
      %dma_start3A_92 = arith.constant 0 : i32
      %dma_start3A_93 = arith.constant 0 : i32
      %dma_start3A_94 = tpu.memref_slice %dma_start3A_91[%dma_start3A_92, %dma_start3A_93] : memref<10000x128xf32, #tpu.memory_space<hbm>> -> memref<10000x128xf32, #tpu.memory_space<hbm>>
      tpu.enqueue_indirect_dma source(%dma_start3A_94 : memref<10000x128xf32, #tpu.memory_space<hbm>>) target(%arg12 : memref<128x128xf32, #tpu.memory_space<vmem>>) offsets(%dma_start3A_87 : memref<128xi32, #tpu.memory_space<vmem>>) semaphore(%arg13 : memref<!tpu.dma_semaphore, #tpu.memory_space<semaphore_mem>>)
      %dma_wait3A_95 = arith.constant 1 : i32
      %dma_wait3A_96 = arith.constant 0 : i32
      %dma_wait3A_97 = tpu.memref_slice %arg7[%dma_wait3A_95, %dma_wait3A_96] : memref<8x128xi32, #tpu.memory_space<vmem>> -> memref<1x128xi32, #tpu.memory_space<vmem>>
      %dma_wait3A_98 = tpu.memref_squeeze %dma_wait3A_97 : memref<1x128xi32, #tpu.memory_space<vmem>> -> memref<128xi32, #tpu.memory_space<vmem>>
      %dma_wait3A_99 = arith.constant 0 : i32
      %dma_wait3A_100 = arith.constant 0 : i32
      %dma_wait3A_101 = tpu.memref_slice %arg2[%arg0, %dma_wait3A_99, %dma_wait3A_100] : memref<2x10000x128xf32, #tpu.memory_space<hbm>> -> memref<1x10000x128xf32, #tpu.memory_space<hbm>>
      %dma_wait3A_102 = tpu.memref_squeeze %dma_wait3A_101 : memref<1x10000x128xf32, #tpu.memory_space<hbm>> -> memref<10000x128xf32, #tpu.memory_space<hbm>>
      %dma_wait3A_103 = arith.constant 0 : i32
      %dma_wait3A_104 = arith.constant 0 : i32
      %dma_wait3A_105 = tpu.memref_slice %dma_wait3A_102[%dma_wait3A_103, %dma_wait3A_104] : memref<10000x128xf32, #tpu.memory_space<hbm>> -> memref<10000x128xf32, #tpu.memory_space<hbm>>
      tpu.wait_indirect_dma semaphore(%arg13 : memref<!tpu.dma_semaphore, #tpu.memory_space<semaphore_mem>>) src(%dma_wait3A_105 : memref<10000x128xf32, #tpu.memory_space<hbm>>) dst(%arg12 : memref<128x128xf32, #tpu.memory_space<vmem>>)
      %dma_start3A_106 = arith.constant 1 : i32
      %dma_start3A_107 = arith.constant 0 : i32
      %dma_start3A_108 = tpu.memref_slice %arg9[%dma_start3A_106, %dma_start3A_107] : memref<8x128xi32, #tpu.memory_space<vmem>> -> memref<1x128xi32, #tpu.memory_space<vmem>>
      %dma_start3A_109 = tpu.memref_squeeze %dma_start3A_108 : memref<1x128xi32, #tpu.memory_space<vmem>> -> memref<128xi32, #tpu.memory_space<vmem>>
      %dma_start3A_110 = arith.constant 0 : i32
      %dma_start3A_111 = arith.constant 0 : i32
      %dma_start3A_112 = tpu.memref_slice %arg15[%dma_start3A_110, %dma_start3A_111] : memref<10112x128xf32, #tpu.memory_space<vmem_shared>> -> memref<10112x128xf32, #tpu.memory_space<vmem_shared>>
      tpu.enqueue_indirect_dma source(%arg12 : memref<128x128xf32, #tpu.memory_space<vmem>>) target(%dma_start3A_112 : memref<10112x128xf32, #tpu.memory_space<vmem_shared>>) offsets(%dma_start3A_109 : memref<128xi32, #tpu.memory_space<vmem>>) semaphore(%arg14 : memref<!tpu.dma_semaphore, #tpu.memory_space<semaphore_mem>>) {add = true}
      %dma_wait3A_113 = arith.constant 1 : i32
      %dma_wait3A_114 = arith.constant 0 : i32
      %dma_wait3A_115 = tpu.memref_slice %arg9[%dma_wait3A_113, %dma_wait3A_114] : memref<8x128xi32, #tpu.memory_space<vmem>> -> memref<1x128xi32, #tpu.memory_space<vmem>>
      %dma_wait3A_116 = tpu.memref_squeeze %dma_wait3A_115 : memref<1x128xi32, #tpu.memory_space<vmem>> -> memref<128xi32, #tpu.memory_space<vmem>>
      %dma_wait3A_117 = arith.constant 0 : i32
      %dma_wait3A_118 = arith.constant 0 : i32
      %dma_wait3A_119 = tpu.memref_slice %arg15[%dma_wait3A_117, %dma_wait3A_118] : memref<10112x128xf32, #tpu.memory_space<vmem_shared>> -> memref<10112x128xf32, #tpu.memory_space<vmem_shared>>
      tpu.wait_indirect_dma semaphore(%arg14 : memref<!tpu.dma_semaphore, #tpu.memory_space<semaphore_mem>>) src(%arg11 : memref<128x128xf32, #tpu.memory_space<vmem>>) dst(%dma_wait3A_119 : memref<10112x128xf32, #tpu.memory_space<vmem_shared>>)
      %dma_start3A_120 = arith.constant 2 : i32
      %dma_start3A_121 = arith.constant 0 : i32
      %dma_start3A_122 = tpu.memref_slice %arg7[%dma_start3A_120, %dma_start3A_121] : memref<8x128xi32, #tpu.memory_space<vmem>> -> memref<1x128xi32, #tpu.memory_space<vmem>>
      %dma_start3A_123 = tpu.memref_squeeze %dma_start3A_122 : memref<1x128xi32, #tpu.memory_space<vmem>> -> memref<128xi32, #tpu.memory_space<vmem>>
      %dma_start3A_124 = arith.constant 0 : i32
      %dma_start3A_125 = arith.constant 0 : i32
      %dma_start3A_126 = tpu.memref_slice %arg2[%arg0, %dma_start3A_124, %dma_start3A_125] : memref<2x10000x128xf32, #tpu.memory_space<hbm>> -> memref<1x10000x128xf32, #tpu.memory_space<hbm>>
      %dma_start3A_127 = tpu.memref_squeeze %dma_start3A_126 : memref<1x10000x128xf32, #tpu.memory_space<hbm>> -> memref<10000x128xf32, #tpu.memory_space<hbm>>
      %dma_start3A_128 = arith.constant 0 : i32
      %dma_start3A_129 = arith.constant 0 : i32
      %dma_start3A_130 = tpu.memref_slice %dma_start3A_127[%dma_start3A_128, %dma_start3A_129] : memref<10000x128xf32, #tpu.memory_space<hbm>> -> memref<10000x128xf32, #tpu.memory_space<hbm>>
      tpu.enqueue_indirect_dma source(%dma_start3A_130 : memref<10000x128xf32, #tpu.memory_space<hbm>>) target(%arg11 : memref<128x128xf32, #tpu.memory_space<vmem>>) offsets(%dma_start3A_123 : memref<128xi32, #tpu.memory_space<vmem>>) semaphore(%arg13 : memref<!tpu.dma_semaphore, #tpu.memory_space<semaphore_mem>>)
      %dma_wait3A_131 = arith.constant 2 : i32
      %dma_wait3A_132 = arith.constant 0 : i32
      %dma_wait3A_133 = tpu.memref_slice %arg7[%dma_wait3A_131, %dma_wait3A_132] : memref<8x128xi32, #tpu.memory_space<vmem>> -> memref<1x128xi32, #tpu.memory_space<vmem>>
      %dma_wait3A_134 = tpu.memref_squeeze %dma_wait3A_133 : memref<1x128xi32, #tpu.memory_space<vmem>> -> memref<128xi32, #tpu.memory_space<vmem>>
      %dma_wait3A_135 = arith.constant 0 : i32
      %dma_wait3A_136 = arith.constant 0 : i32
      %dma_wait3A_137 = tpu.memref_slice %arg2[%arg0, %dma_wait3A_135, %dma_wait3A_136] : memref<2x10000x128xf32, #tpu.memory_space<hbm>> -> memref<1x10000x128xf32, #tpu.memory_space<hbm>>
      %dma_wait3A_138 = tpu.memref_squeeze %dma_wait3A_137 : memref<1x10000x128xf32, #tpu.memory_space<hbm>> -> memref<10000x128xf32, #tpu.memory_space<hbm>>
      %dma_wait3A_139 = arith.constant 0 : i32
      %dma_wait3A_140 = arith.constant 0 : i32
      %dma_wait3A_141 = tpu.memref_slice %dma_wait3A_138[%dma_wait3A_139, %dma_wait3A_140] : memref<10000x128xf32, #tpu.memory_space<hbm>> -> memref<10000x128xf32, #tpu.memory_space<hbm>>
      tpu.wait_indirect_dma semaphore(%arg13 : memref<!tpu.dma_semaphore, #tpu.memory_space<semaphore_mem>>) src(%dma_wait3A_141 : memref<10000x128xf32, #tpu.memory_space<hbm>>) dst(%arg11 : memref<128x128xf32, #tpu.memory_space<vmem>>)
      %dma_start3A_142 = arith.constant 2 : i32
      %dma_start3A_143 = arith.constant 0 : i32
      %dma_start3A_144 = tpu.memref_slice %arg9[%dma_start3A_142, %dma_start3A_143] : memref<8x128xi32, #tpu.memory_space<vmem>> -> memref<1x128xi32, #tpu.memory_space<vmem>>
      %dma_start3A_145 = tpu.memref_squeeze %dma_start3A_144 : memref<1x128xi32, #tpu.memory_space<vmem>> -> memref<128xi32, #tpu.memory_space<vmem>>
      %dma_start3A_146 = arith.constant 0 : i32
      %dma_start3A_147 = arith.constant 0 : i32
      %dma_start3A_148 = tpu.memref_slice %arg15[%dma_start3A_146, %dma_start3A_147] : memref<10112x128xf32, #tpu.memory_space<vmem_shared>> -> memref<10112x128xf32, #tpu.memory_space<vmem_shared>>
      tpu.enqueue_indirect_dma source(%arg11 : memref<128x128xf32, #tpu.memory_space<vmem>>) target(%dma_start3A_148 : memref<10112x128xf32, #tpu.memory_space<vmem_shared>>) offsets(%dma_start3A_145 : memref<128xi32, #tpu.memory_space<vmem>>) semaphore(%arg14 : memref<!tpu.dma_semaphore, #tpu.memory_space<semaphore_mem>>) {add = true}
      %dma_wait3A_149 = arith.constant 2 : i32
      %dma_wait3A_150 = arith.constant 0 : i32
      %dma_wait3A_151 = tpu.memref_slice %arg9[%dma_wait3A_149, %dma_wait3A_150] : memref<8x128xi32, #tpu.memory_space<vmem>> -> memref<1x128xi32, #tpu.memory_space<vmem>>
      %dma_wait3A_152 = tpu.memref_squeeze %dma_wait3A_151 : memref<1x128xi32, #tpu.memory_space<vmem>> -> memref<128xi32, #tpu.memory_space<vmem>>
      %dma_wait3A_153 = arith.constant 0 : i32
      %dma_wait3A_154 = arith.constant 0 : i32
      %dma_wait3A_155 = tpu.memref_slice %arg15[%dma_wait3A_153, %dma_wait3A_154] : memref<10112x128xf32, #tpu.memory_space<vmem_shared>> -> memref<10112x128xf32, #tpu.memory_space<vmem_shared>>
      tpu.wait_indirect_dma semaphore(%arg14 : memref<!tpu.dma_semaphore, #tpu.memory_space<semaphore_mem>>) src(%arg12 : memref<128x128xf32, #tpu.memory_space<vmem>>) dst(%dma_wait3A_155 : memref<10112x128xf32, #tpu.memory_space<vmem_shared>>)
      %dma_start3A_156 = arith.constant 3 : i32
      %dma_start3A_157 = arith.constant 0 : i32
      %dma_start3A_158 = tpu.memref_slice %arg7[%dma_start3A_156, %dma_start3A_157] : memref<8x128xi32, #tpu.memory_space<vmem>> -> memref<1x128xi32, #tpu.memory_space<vmem>>
      %dma_start3A_159 = tpu.memref_squeeze %dma_start3A_158 : memref<1x128xi32, #tpu.memory_space<vmem>> -> memref<128xi32, #tpu.memory_space<vmem>>
      %dma_start3A_160 = arith.constant 0 : i32
      %dma_start3A_161 = arith.constant 0 : i32
      %dma_start3A_162 = tpu.memref_slice %arg2[%arg0, %dma_start3A_160, %dma_start3A_161] : memref<2x10000x128xf32, #tpu.memory_space<hbm>> -> memref<1x10000x128xf32, #tpu.memory_space<hbm>>
      %dma_start3A_163 = tpu.memref_squeeze %dma_start3A_162 : memref<1x10000x128xf32, #tpu.memory_space<hbm>> -> memref<10000x128xf32, #tpu.memory_space<hbm>>
      %dma_start3A_164 = arith.constant 0 : i32
      %dma_start3A_165 = arith.constant 0 : i32
      %dma_start3A_166 = tpu.memref_slice %dma_start3A_163[%dma_start3A_164, %dma_start3A_165] : memref<10000x128xf32, #tpu.memory_space<hbm>> -> memref<10000x128xf32, #tpu.memory_space<hbm>>
      tpu.enqueue_indirect_dma source(%dma_start3A_166 : memref<10000x128xf32, #tpu.memory_space<hbm>>) target(%arg12 : memref<128x128xf32, #tpu.memory_space<vmem>>) offsets(%dma_start3A_159 : memref<128xi32, #tpu.memory_space<vmem>>) semaphore(%arg13 : memref<!tpu.dma_semaphore, #tpu.memory_space<semaphore_mem>>)
      %dma_wait3A_167 = arith.constant 3 : i32
      %dma_wait3A_168 = arith.constant 0 : i32
      %dma_wait3A_169 = tpu.memref_slice %arg7[%dma_wait3A_167, %dma_wait3A_168] : memref<8x128xi32, #tpu.memory_space<vmem>> -> memref<1x128xi32, #tpu.memory_space<vmem>>
      %dma_wait3A_170 = tpu.memref_squeeze %dma_wait3A_169 : memref<1x128xi32, #tpu.memory_space<vmem>> -> memref<128xi32, #tpu.memory_space<vmem>>
      %dma_wait3A_171 = arith.constant 0 : i32
      %dma_wait3A_172 = arith.constant 0 : i32
      %dma_wait3A_173 = tpu.memref_slice %arg2[%arg0, %dma_wait3A_171, %dma_wait3A_172] : memref<2x10000x128xf32, #tpu.memory_space<hbm>> -> memref<1x10000x128xf32, #tpu.memory_space<hbm>>
      %dma_wait3A_174 = tpu.memref_squeeze %dma_wait3A_173 : memref<1x10000x128xf32, #tpu.memory_space<hbm>> -> memref<10000x128xf32, #tpu.memory_space<hbm>>
      %dma_wait3A_175 = arith.constant 0 : i32
      %dma_wait3A_176 = arith.constant 0 : i32
      %dma_wait3A_177 = tpu.memref_slice %dma_wait3A_174[%dma_wait3A_175, %dma_wait3A_176] : memref<10000x128xf32, #tpu.memory_space<hbm>> -> memref<10000x128xf32, #tpu.memory_space<hbm>>
      tpu.wait_indirect_dma semaphore(%arg13 : memref<!tpu.dma_semaphore, #tpu.memory_space<semaphore_mem>>) src(%dma_wait3A_177 : memref<10000x128xf32, #tpu.memory_space<hbm>>) dst(%arg12 : memref<128x128xf32, #tpu.memory_space<vmem>>)
      %dma_start3A_178 = arith.constant 3 : i32
      %dma_start3A_179 = arith.constant 0 : i32
      %dma_start3A_180 = tpu.memref_slice %arg9[%dma_start3A_178, %dma_start3A_179] : memref<8x128xi32, #tpu.memory_space<vmem>> -> memref<1x128xi32, #tpu.memory_space<vmem>>
      %dma_start3A_181 = tpu.memref_squeeze %dma_start3A_180 : memref<1x128xi32, #tpu.memory_space<vmem>> -> memref<128xi32, #tpu.memory_space<vmem>>
      %dma_start3A_182 = arith.constant 0 : i32
      %dma_start3A_183 = arith.constant 0 : i32
      %dma_start3A_184 = tpu.memref_slice %arg15[%dma_start3A_182, %dma_start3A_183] : memref<10112x128xf32, #tpu.memory_space<vmem_shared>> -> memref<10112x128xf32, #tpu.memory_space<vmem_shared>>
      tpu.enqueue_indirect_dma source(%arg12 : memref<128x128xf32, #tpu.memory_space<vmem>>) target(%dma_start3A_184 : memref<10112x128xf32, #tpu.memory_space<vmem_shared>>) offsets(%dma_start3A_181 : memref<128xi32, #tpu.memory_space<vmem>>) semaphore(%arg14 : memref<!tpu.dma_semaphore, #tpu.memory_space<semaphore_mem>>) {add = true}
      %dma_wait3A_185 = arith.constant 3 : i32
      %dma_wait3A_186 = arith.constant 0 : i32
      %dma_wait3A_187 = tpu.memref_slice %arg9[%dma_wait3A_185, %dma_wait3A_186] : memref<8x128xi32, #tpu.memory_space<vmem>> -> memref<1x128xi32, #tpu.memory_space<vmem>>
      %dma_wait3A_188 = tpu.memref_squeeze %dma_wait3A_187 : memref<1x128xi32, #tpu.memory_space<vmem>> -> memref<128xi32, #tpu.memory_space<vmem>>
      %dma_wait3A_189 = arith.constant 0 : i32
      %dma_wait3A_190 = arith.constant 0 : i32
      %dma_wait3A_191 = tpu.memref_slice %arg15[%dma_wait3A_189, %dma_wait3A_190] : memref<10112x128xf32, #tpu.memory_space<vmem_shared>> -> memref<10112x128xf32, #tpu.memory_space<vmem_shared>>
      tpu.wait_indirect_dma semaphore(%arg14 : memref<!tpu.dma_semaphore, #tpu.memory_space<semaphore_mem>>) src(%arg11 : memref<128x128xf32, #tpu.memory_space<vmem>>) dst(%dma_wait3A_191 : memref<10112x128xf32, #tpu.memory_space<vmem_shared>>)
      %dma_start3A_192 = arith.constant 4 : i32
      %dma_start3A_193 = arith.constant 0 : i32
      %dma_start3A_194 = tpu.memref_slice %arg7[%dma_start3A_192, %dma_start3A_193] : memref<8x128xi32, #tpu.memory_space<vmem>> -> memref<1x128xi32, #tpu.memory_space<vmem>>
      %dma_start3A_195 = tpu.memref_squeeze %dma_start3A_194 : memref<1x128xi32, #tpu.memory_space<vmem>> -> memref<128xi32, #tpu.memory_space<vmem>>
      %dma_start3A_196 = arith.constant 0 : i32
      %dma_start3A_197 = arith.constant 0 : i32
      %dma_start3A_198 = tpu.memref_slice %arg2[%arg0, %dma_start3A_196, %dma_start3A_197] : memref<2x10000x128xf32, #tpu.memory_space<hbm>> -> memref<1x10000x128xf32, #tpu.memory_space<hbm>>
      %dma_start3A_199 = tpu.memref_squeeze %dma_start3A_198 : memref<1x10000x128xf32, #tpu.memory_space<hbm>> -> memref<10000x128xf32, #tpu.memory_space<hbm>>
      %dma_start3A_200 = arith.constant 0 : i32
      %dma_start3A_201 = arith.constant 0 : i32
      %dma_start3A_202 = tpu.memref_slice %dma_start3A_199[%dma_start3A_200, %dma_start3A_201] : memref<10000x128xf32, #tpu.memory_space<hbm>> -> memref<10000x128xf32, #tpu.memory_space<hbm>>
      tpu.enqueue_indirect_dma source(%dma_start3A_202 : memref<10000x128xf32, #tpu.memory_space<hbm>>) target(%arg11 : memref<128x128xf32, #tpu.memory_space<vmem>>) offsets(%dma_start3A_195 : memref<128xi32, #tpu.memory_space<vmem>>) semaphore(%arg13 : memref<!tpu.dma_semaphore, #tpu.memory_space<semaphore_mem>>)
      %dma_wait3A_203 = arith.constant 4 : i32
      %dma_wait3A_204 = arith.constant 0 : i32
      %dma_wait3A_205 = tpu.memref_slice %arg7[%dma_wait3A_203, %dma_wait3A_204] : memref<8x128xi32, #tpu.memory_space<vmem>> -> memref<1x128xi32, #tpu.memory_space<vmem>>
      %dma_wait3A_206 = tpu.memref_squeeze %dma_wait3A_205 : memref<1x128xi32, #tpu.memory_space<vmem>> -> memref<128xi32, #tpu.memory_space<vmem>>
      %dma_wait3A_207 = arith.constant 0 : i32
      %dma_wait3A_208 = arith.constant 0 : i32
      %dma_wait3A_209 = tpu.memref_slice %arg2[%arg0, %dma_wait3A_207, %dma_wait3A_208] : memref<2x10000x128xf32, #tpu.memory_space<hbm>> -> memref<1x10000x128xf32, #tpu.memory_space<hbm>>
      %dma_wait3A_210 = tpu.memref_squeeze %dma_wait3A_209 : memref<1x10000x128xf32, #tpu.memory_space<hbm>> -> memref<10000x128xf32, #tpu.memory_space<hbm>>
      %dma_wait3A_211 = arith.constant 0 : i32
      %dma_wait3A_212 = arith.constant 0 : i32
      %dma_wait3A_213 = tpu.memref_slice %dma_wait3A_210[%dma_wait3A_211, %dma_wait3A_212] : memref<10000x128xf32, #tpu.memory_space<hbm>> -> memref<10000x128xf32, #tpu.memory_space<hbm>>
      tpu.wait_indirect_dma semaphore(%arg13 : memref<!tpu.dma_semaphore, #tpu.memory_space<semaphore_mem>>) src(%dma_wait3A_213 : memref<10000x128xf32, #tpu.memory_space<hbm>>) dst(%arg11 : memref<128x128xf32, #tpu.memory_space<vmem>>)
      %dma_start3A_214 = arith.constant 4 : i32
      %dma_start3A_215 = arith.constant 0 : i32
      %dma_start3A_216 = tpu.memref_slice %arg9[%dma_start3A_214, %dma_start3A_215] : memref<8x128xi32, #tpu.memory_space<vmem>> -> memref<1x128xi32, #tpu.memory_space<vmem>>
      %dma_start3A_217 = tpu.memref_squeeze %dma_start3A_216 : memref<1x128xi32, #tpu.memory_space<vmem>> -> memref<128xi32, #tpu.memory_space<vmem>>
      %dma_start3A_218 = arith.constant 0 : i32
      %dma_start3A_219 = arith.constant 0 : i32
      %dma_start3A_220 = tpu.memref_slice %arg15[%dma_start3A_218, %dma_start3A_219] : memref<10112x128xf32, #tpu.memory_space<vmem_shared>> -> memref<10112x128xf32, #tpu.memory_space<vmem_shared>>
      tpu.enqueue_indirect_dma source(%arg11 : memref<128x128xf32, #tpu.memory_space<vmem>>) target(%dma_start3A_220 : memref<10112x128xf32, #tpu.memory_space<vmem_shared>>) offsets(%dma_start3A_217 : memref<128xi32, #tpu.memory_space<vmem>>) semaphore(%arg14 : memref<!tpu.dma_semaphore, #tpu.memory_space<semaphore_mem>>) {add = true}
      %dma_wait3A_221 = arith.constant 4 : i32
      %dma_wait3A_222 = arith.constant 0 : i32
      %dma_wait3A_223 = tpu.memref_slice %arg9[%dma_wait3A_221, %dma_wait3A_222] : memref<8x128xi32, #tpu.memory_space<vmem>> -> memref<1x128xi32, #tpu.memory_space<vmem>>
      %dma_wait3A_224 = tpu.memref_squeeze %dma_wait3A_223 : memref<1x128xi32, #tpu.memory_space<vmem>> -> memref<128xi32, #tpu.memory_space<vmem>>
      %dma_wait3A_225 = arith.constant 0 : i32
      %dma_wait3A_226 = arith.constant 0 : i32
      %dma_wait3A_227 = tpu.memref_slice %arg15[%dma_wait3A_225, %dma_wait3A_226] : memref<10112x128xf32, #tpu.memory_space<vmem_shared>> -> memref<10112x128xf32, #tpu.memory_space<vmem_shared>>
      tpu.wait_indirect_dma semaphore(%arg14 : memref<!tpu.dma_semaphore, #tpu.memory_space<semaphore_mem>>) src(%arg12 : memref<128x128xf32, #tpu.memory_space<vmem>>) dst(%dma_wait3A_227 : memref<10112x128xf32, #tpu.memory_space<vmem_shared>>)
      %dma_start3A_228 = arith.constant 5 : i32
      %dma_start3A_229 = arith.constant 0 : i32
      %dma_start3A_230 = tpu.memref_slice %arg7[%dma_start3A_228, %dma_start3A_229] : memref<8x128xi32, #tpu.memory_space<vmem>> -> memref<1x128xi32, #tpu.memory_space<vmem>>
      %dma_start3A_231 = tpu.memref_squeeze %dma_start3A_230 : memref<1x128xi32, #tpu.memory_space<vmem>> -> memref<128xi32, #tpu.memory_space<vmem>>
      %dma_start3A_232 = arith.constant 0 : i32
      %dma_start3A_233 = arith.constant 0 : i32
      %dma_start3A_234 = tpu.memref_slice %arg2[%arg0, %dma_start3A_232, %dma_start3A_233] : memref<2x10000x128xf32, #tpu.memory_space<hbm>> -> memref<1x10000x128xf32, #tpu.memory_space<hbm>>
      %dma_start3A_235 = tpu.memref_squeeze %dma_start3A_234 : memref<1x10000x128xf32, #tpu.memory_space<hbm>> -> memref<10000x128xf32, #tpu.memory_space<hbm>>
      %dma_start3A_236 = arith.constant 0 : i32
      %dma_start3A_237 = arith.constant 0 : i32
      %dma_start3A_238 = tpu.memref_slice %dma_start3A_235[%dma_start3A_236, %dma_start3A_237] : memref<10000x128xf32, #tpu.memory_space<hbm>> -> memref<10000x128xf32, #tpu.memory_space<hbm>>
      tpu.enqueue_indirect_dma source(%dma_start3A_238 : memref<10000x128xf32, #tpu.memory_space<hbm>>) target(%arg12 : memref<128x128xf32, #tpu.memory_space<vmem>>) offsets(%dma_start3A_231 : memref<128xi32, #tpu.memory_space<vmem>>) semaphore(%arg13 : memref<!tpu.dma_semaphore, #tpu.memory_space<semaphore_mem>>)
      %dma_wait3A_239 = arith.constant 5 : i32
      %dma_wait3A_240 = arith.constant 0 : i32
      %dma_wait3A_241 = tpu.memref_slice %arg7[%dma_wait3A_239, %dma_wait3A_240] : memref<8x128xi32, #tpu.memory_space<vmem>> -> memref<1x128xi32, #tpu.memory_space<vmem>>
      %dma_wait3A_242 = tpu.memref_squeeze %dma_wait3A_241 : memref<1x128xi32, #tpu.memory_space<vmem>> -> memref<128xi32, #tpu.memory_space<vmem>>
      %dma_wait3A_243 = arith.constant 0 : i32
      %dma_wait3A_244 = arith.constant 0 : i32
      %dma_wait3A_245 = tpu.memref_slice %arg2[%arg0, %dma_wait3A_243, %dma_wait3A_244] : memref<2x10000x128xf32, #tpu.memory_space<hbm>> -> memref<1x10000x128xf32, #tpu.memory_space<hbm>>
      %dma_wait3A_246 = tpu.memref_squeeze %dma_wait3A_245 : memref<1x10000x128xf32, #tpu.memory_space<hbm>> -> memref<10000x128xf32, #tpu.memory_space<hbm>>
      %dma_wait3A_247 = arith.constant 0 : i32
      %dma_wait3A_248 = arith.constant 0 : i32
      %dma_wait3A_249 = tpu.memref_slice %dma_wait3A_246[%dma_wait3A_247, %dma_wait3A_248] : memref<10000x128xf32, #tpu.memory_space<hbm>> -> memref<10000x128xf32, #tpu.memory_space<hbm>>
      tpu.wait_indirect_dma semaphore(%arg13 : memref<!tpu.dma_semaphore, #tpu.memory_space<semaphore_mem>>) src(%dma_wait3A_249 : memref<10000x128xf32, #tpu.memory_space<hbm>>) dst(%arg12 : memref<128x128xf32, #tpu.memory_space<vmem>>)
      %dma_start3A_250 = arith.constant 5 : i32
      %dma_start3A_251 = arith.constant 0 : i32
      %dma_start3A_252 = tpu.memref_slice %arg9[%dma_start3A_250, %dma_start3A_251] : memref<8x128xi32, #tpu.memory_space<vmem>> -> memref<1x128xi32, #tpu.memory_space<vmem>>
      %dma_start3A_253 = tpu.memref_squeeze %dma_start3A_252 : memref<1x128xi32, #tpu.memory_space<vmem>> -> memref<128xi32, #tpu.memory_space<vmem>>
      %dma_start3A_254 = arith.constant 0 : i32
      %dma_start3A_255 = arith.constant 0 : i32
      %dma_start3A_256 = tpu.memref_slice %arg15[%dma_start3A_254, %dma_start3A_255] : memref<10112x128xf32, #tpu.memory_space<vmem_shared>> -> memref<10112x128xf32, #tpu.memory_space<vmem_shared>>
      tpu.enqueue_indirect_dma source(%arg12 : memref<128x128xf32, #tpu.memory_space<vmem>>) target(%dma_start3A_256 : memref<10112x128xf32, #tpu.memory_space<vmem_shared>>) offsets(%dma_start3A_253 : memref<128xi32, #tpu.memory_space<vmem>>) semaphore(%arg14 : memref<!tpu.dma_semaphore, #tpu.memory_space<semaphore_mem>>) {add = true}
      %dma_wait3A_257 = arith.constant 5 : i32
      %dma_wait3A_258 = arith.constant 0 : i32
      %dma_wait3A_259 = tpu.memref_slice %arg9[%dma_wait3A_257, %dma_wait3A_258] : memref<8x128xi32, #tpu.memory_space<vmem>> -> memref<1x128xi32, #tpu.memory_space<vmem>>
      %dma_wait3A_260 = tpu.memref_squeeze %dma_wait3A_259 : memref<1x128xi32, #tpu.memory_space<vmem>> -> memref<128xi32, #tpu.memory_space<vmem>>
      %dma_wait3A_261 = arith.constant 0 : i32
      %dma_wait3A_262 = arith.constant 0 : i32
      %dma_wait3A_263 = tpu.memref_slice %arg15[%dma_wait3A_261, %dma_wait3A_262] : memref<10112x128xf32, #tpu.memory_space<vmem_shared>> -> memref<10112x128xf32, #tpu.memory_space<vmem_shared>>
      tpu.wait_indirect_dma semaphore(%arg14 : memref<!tpu.dma_semaphore, #tpu.memory_space<semaphore_mem>>) src(%arg11 : memref<128x128xf32, #tpu.memory_space<vmem>>) dst(%dma_wait3A_263 : memref<10112x128xf32, #tpu.memory_space<vmem_shared>>)
      %dma_start3A_264 = arith.constant 6 : i32
      %dma_start3A_265 = arith.constant 0 : i32
      %dma_start3A_266 = tpu.memref_slice %arg7[%dma_start3A_264, %dma_start3A_265] : memref<8x128xi32, #tpu.memory_space<vmem>> -> memref<1x128xi32, #tpu.memory_space<vmem>>
      %dma_start3A_267 = tpu.memref_squeeze %dma_start3A_266 : memref<1x128xi32, #tpu.memory_space<vmem>> -> memref<128xi32, #tpu.memory_space<vmem>>
      %dma_start3A_268 = arith.constant 0 : i32
      %dma_start3A_269 = arith.constant 0 : i32
      %dma_start3A_270 = tpu.memref_slice %arg2[%arg0, %dma_start3A_268, %dma_start3A_269] : memref<2x10000x128xf32, #tpu.memory_space<hbm>> -> memref<1x10000x128xf32, #tpu.memory_space<hbm>>
      %dma_start3A_271 = tpu.memref_squeeze %dma_start3A_270 : memref<1x10000x128xf32, #tpu.memory_space<hbm>> -> memref<10000x128xf32, #tpu.memory_space<hbm>>
      %dma_start3A_272 = arith.constant 0 : i32
      %dma_start3A_273 = arith.constant 0 : i32
      %dma_start3A_274 = tpu.memref_slice %dma_start3A_271[%dma_start3A_272, %dma_start3A_273] : memref<10000x128xf32, #tpu.memory_space<hbm>> -> memref<10000x128xf32, #tpu.memory_space<hbm>>
      tpu.enqueue_indirect_dma source(%dma_start3A_274 : memref<10000x128xf32, #tpu.memory_space<hbm>>) target(%arg11 : memref<128x128xf32, #tpu.memory_space<vmem>>) offsets(%dma_start3A_267 : memref<128xi32, #tpu.memory_space<vmem>>) semaphore(%arg13 : memref<!tpu.dma_semaphore, #tpu.memory_space<semaphore_mem>>)
      %dma_wait3A_275 = arith.constant 6 : i32
      %dma_wait3A_276 = arith.constant 0 : i32
      %dma_wait3A_277 = tpu.memref_slice %arg7[%dma_wait3A_275, %dma_wait3A_276] : memref<8x128xi32, #tpu.memory_space<vmem>> -> memref<1x128xi32, #tpu.memory_space<vmem>>
      %dma_wait3A_278 = tpu.memref_squeeze %dma_wait3A_277 : memref<1x128xi32, #tpu.memory_space<vmem>> -> memref<128xi32, #tpu.memory_space<vmem>>
      %dma_wait3A_279 = arith.constant 0 : i32
      %dma_wait3A_280 = arith.constant 0 : i32
      %dma_wait3A_281 = tpu.memref_slice %arg2[%arg0, %dma_wait3A_279, %dma_wait3A_280] : memref<2x10000x128xf32, #tpu.memory_space<hbm>> -> memref<1x10000x128xf32, #tpu.memory_space<hbm>>
      %dma_wait3A_282 = tpu.memref_squeeze %dma_wait3A_281 : memref<1x10000x128xf32, #tpu.memory_space<hbm>> -> memref<10000x128xf32, #tpu.memory_space<hbm>>
      %dma_wait3A_283 = arith.constant 0 : i32
      %dma_wait3A_284 = arith.constant 0 : i32
      %dma_wait3A_285 = tpu.memref_slice %dma_wait3A_282[%dma_wait3A_283, %dma_wait3A_284] : memref<10000x128xf32, #tpu.memory_space<hbm>> -> memref<10000x128xf32, #tpu.memory_space<hbm>>
      tpu.wait_indirect_dma semaphore(%arg13 : memref<!tpu.dma_semaphore, #tpu.memory_space<semaphore_mem>>) src(%dma_wait3A_285 : memref<10000x128xf32, #tpu.memory_space<hbm>>) dst(%arg11 : memref<128x128xf32, #tpu.memory_space<vmem>>)
      %dma_start3A_286 = arith.constant 6 : i32
      %dma_start3A_287 = arith.constant 0 : i32
      %dma_start3A_288 = tpu.memref_slice %arg9[%dma_start3A_286, %dma_start3A_287] : memref<8x128xi32, #tpu.memory_space<vmem>> -> memref<1x128xi32, #tpu.memory_space<vmem>>
      %dma_start3A_289 = tpu.memref_squeeze %dma_start3A_288 : memref<1x128xi32, #tpu.memory_space<vmem>> -> memref<128xi32, #tpu.memory_space<vmem>>
      %dma_start3A_290 = arith.constant 0 : i32
      %dma_start3A_291 = arith.constant 0 : i32
      %dma_start3A_292 = tpu.memref_slice %arg15[%dma_start3A_290, %dma_start3A_291] : memref<10112x128xf32, #tpu.memory_space<vmem_shared>> -> memref<10112x128xf32, #tpu.memory_space<vmem_shared>>
      tpu.enqueue_indirect_dma source(%arg11 : memref<128x128xf32, #tpu.memory_space<vmem>>) target(%dma_start3A_292 : memref<10112x128xf32, #tpu.memory_space<vmem_shared>>) offsets(%dma_start3A_289 : memref<128xi32, #tpu.memory_space<vmem>>) semaphore(%arg14 : memref<!tpu.dma_semaphore, #tpu.memory_space<semaphore_mem>>) {add = true}
      %dma_wait3A_293 = arith.constant 6 : i32
      %dma_wait3A_294 = arith.constant 0 : i32
      %dma_wait3A_295 = tpu.memref_slice %arg9[%dma_wait3A_293, %dma_wait3A_294] : memref<8x128xi32, #tpu.memory_space<vmem>> -> memref<1x128xi32, #tpu.memory_space<vmem>>
      %dma_wait3A_296 = tpu.memref_squeeze %dma_wait3A_295 : memref<1x128xi32, #tpu.memory_space<vmem>> -> memref<128xi32, #tpu.memory_space<vmem>>
      %dma_wait3A_297 = arith.constant 0 : i32
      %dma_wait3A_298 = arith.constant 0 : i32
      %dma_wait3A_299 = tpu.memref_slice %arg15[%dma_wait3A_297, %dma_wait3A_298] : memref<10112x128xf32, #tpu.memory_space<vmem_shared>> -> memref<10112x128xf32, #tpu.memory_space<vmem_shared>>
      tpu.wait_indirect_dma semaphore(%arg14 : memref<!tpu.dma_semaphore, #tpu.memory_space<semaphore_mem>>) src(%arg12 : memref<128x128xf32, #tpu.memory_space<vmem>>) dst(%dma_wait3A_299 : memref<10112x128xf32, #tpu.memory_space<vmem_shared>>)
      %dma_start3A_300 = arith.constant 7 : i32
      %dma_start3A_301 = arith.constant 0 : i32
      %dma_start3A_302 = tpu.memref_slice %arg7[%dma_start3A_300, %dma_start3A_301] : memref<8x128xi32, #tpu.memory_space<vmem>> -> memref<1x128xi32, #tpu.memory_space<vmem>>
      %dma_start3A_303 = tpu.memref_squeeze %dma_start3A_302 : memref<1x128xi32, #tpu.memory_space<vmem>> -> memref<128xi32, #tpu.memory_space<vmem>>
      %dma_start3A_304 = arith.constant 0 : i32
      %dma_start3A_305 = arith.constant 0 : i32
      %dma_start3A_306 = tpu.memref_slice %arg2[%arg0, %dma_start3A_304, %dma_start3A_305] : memref<2x10000x128xf32, #tpu.memory_space<hbm>> -> memref<1x10000x128xf32, #tpu.memory_space<hbm>>
      %dma_start3A_307 = tpu.memref_squeeze %dma_start3A_306 : memref<1x10000x128xf32, #tpu.memory_space<hbm>> -> memref<10000x128xf32, #tpu.memory_space<hbm>>
      %dma_start3A_308 = arith.constant 0 : i32
      %dma_start3A_309 = arith.constant 0 : i32
      %dma_start3A_310 = tpu.memref_slice %dma_start3A_307[%dma_start3A_308, %dma_start3A_309] : memref<10000x128xf32, #tpu.memory_space<hbm>> -> memref<10000x128xf32, #tpu.memory_space<hbm>>
      tpu.enqueue_indirect_dma source(%dma_start3A_310 : memref<10000x128xf32, #tpu.memory_space<hbm>>) target(%arg12 : memref<128x128xf32, #tpu.memory_space<vmem>>) offsets(%dma_start3A_303 : memref<128xi32, #tpu.memory_space<vmem>>) semaphore(%arg13 : memref<!tpu.dma_semaphore, #tpu.memory_space<semaphore_mem>>)
      %dma_wait3A_311 = arith.constant 7 : i32
      %dma_wait3A_312 = arith.constant 0 : i32
      %dma_wait3A_313 = tpu.memref_slice %arg7[%dma_wait3A_311, %dma_wait3A_312] : memref<8x128xi32, #tpu.memory_space<vmem>> -> memref<1x128xi32, #tpu.memory_space<vmem>>
      %dma_wait3A_314 = tpu.memref_squeeze %dma_wait3A_313 : memref<1x128xi32, #tpu.memory_space<vmem>> -> memref<128xi32, #tpu.memory_space<vmem>>
      %dma_wait3A_315 = arith.constant 0 : i32
      %dma_wait3A_316 = arith.constant 0 : i32
      %dma_wait3A_317 = tpu.memref_slice %arg2[%arg0, %dma_wait3A_315, %dma_wait3A_316] : memref<2x10000x128xf32, #tpu.memory_space<hbm>> -> memref<1x10000x128xf32, #tpu.memory_space<hbm>>
      %dma_wait3A_318 = tpu.memref_squeeze %dma_wait3A_317 : memref<1x10000x128xf32, #tpu.memory_space<hbm>> -> memref<10000x128xf32, #tpu.memory_space<hbm>>
      %dma_wait3A_319 = arith.constant 0 : i32
      %dma_wait3A_320 = arith.constant 0 : i32
      %dma_wait3A_321 = tpu.memref_slice %dma_wait3A_318[%dma_wait3A_319, %dma_wait3A_320] : memref<10000x128xf32, #tpu.memory_space<hbm>> -> memref<10000x128xf32, #tpu.memory_space<hbm>>
      tpu.wait_indirect_dma semaphore(%arg13 : memref<!tpu.dma_semaphore, #tpu.memory_space<semaphore_mem>>) src(%dma_wait3A_321 : memref<10000x128xf32, #tpu.memory_space<hbm>>) dst(%arg12 : memref<128x128xf32, #tpu.memory_space<vmem>>)
      %dma_start3A_322 = arith.constant 7 : i32
      %dma_start3A_323 = arith.constant 0 : i32
      %dma_start3A_324 = tpu.memref_slice %arg9[%dma_start3A_322, %dma_start3A_323] : memref<8x128xi32, #tpu.memory_space<vmem>> -> memref<1x128xi32, #tpu.memory_space<vmem>>
      %dma_start3A_325 = tpu.memref_squeeze %dma_start3A_324 : memref<1x128xi32, #tpu.memory_space<vmem>> -> memref<128xi32, #tpu.memory_space<vmem>>
      %dma_start3A_326 = arith.constant 0 : i32
      %dma_start3A_327 = arith.constant 0 : i32
      %dma_start3A_328 = tpu.memref_slice %arg15[%dma_start3A_326, %dma_start3A_327] : memref<10112x128xf32, #tpu.memory_space<vmem_shared>> -> memref<10112x128xf32, #tpu.memory_space<vmem_shared>>
      tpu.enqueue_indirect_dma source(%arg12 : memref<128x128xf32, #tpu.memory_space<vmem>>) target(%dma_start3A_328 : memref<10112x128xf32, #tpu.memory_space<vmem_shared>>) offsets(%dma_start3A_325 : memref<128xi32, #tpu.memory_space<vmem>>) semaphore(%arg14 : memref<!tpu.dma_semaphore, #tpu.memory_space<semaphore_mem>>) {add = true}
      %dma_wait3A_329 = arith.constant 7 : i32
      %dma_wait3A_330 = arith.constant 0 : i32
      %dma_wait3A_331 = tpu.memref_slice %arg9[%dma_wait3A_329, %dma_wait3A_330] : memref<8x128xi32, #tpu.memory_space<vmem>> -> memref<1x128xi32, #tpu.memory_space<vmem>>
      %dma_wait3A_332 = tpu.memref_squeeze %dma_wait3A_331 : memref<1x128xi32, #tpu.memory_space<vmem>> -> memref<128xi32, #tpu.memory_space<vmem>>
      %dma_wait3A_333 = arith.constant 0 : i32
      %dma_wait3A_334 = arith.constant 0 : i32
      %dma_wait3A_335 = tpu.memref_slice %arg15[%dma_wait3A_333, %dma_wait3A_334] : memref<10112x128xf32, #tpu.memory_space<vmem_shared>> -> memref<10112x128xf32, #tpu.memory_space<vmem_shared>>
      tpu.wait_indirect_dma semaphore(%arg14 : memref<!tpu.dma_semaphore, #tpu.memory_space<semaphore_mem>>) src(%arg11 : memref<128x128xf32, #tpu.memory_space<vmem>>) dst(%dma_wait3A_335 : memref<10112x128xf32, #tpu.memory_space<vmem_shared>>)
      %dma_start3A_336 = arith.constant 0 : i32
      %dma_start3A_337 = arith.constant 0 : i32
      %dma_start3A_338 = tpu.memref_slice %arg8[%dma_start3A_336, %dma_start3A_337] : memref<8x128xi32, #tpu.memory_space<vmem>> -> memref<1x128xi32, #tpu.memory_space<vmem>>
      %dma_start3A_339 = tpu.memref_squeeze %dma_start3A_338 : memref<1x128xi32, #tpu.memory_space<vmem>> -> memref<128xi32, #tpu.memory_space<vmem>>
      %dma_start3A_340 = arith.constant 0 : i32
      %dma_start3A_341 = arith.constant 0 : i32
      %dma_start3A_342 = tpu.memref_slice %arg2[%arg0, %dma_start3A_340, %dma_start3A_341] : memref<2x10000x128xf32, #tpu.memory_space<hbm>> -> memref<1x10000x128xf32, #tpu.memory_space<hbm>>
      %dma_start3A_343 = tpu.memref_squeeze %dma_start3A_342 : memref<1x10000x128xf32, #tpu.memory_space<hbm>> -> memref<10000x128xf32, #tpu.memory_space<hbm>>
      %dma_start3A_344 = arith.constant 0 : i32
      %dma_start3A_345 = arith.constant 0 : i32
      %dma_start3A_346 = tpu.memref_slice %dma_start3A_343[%dma_start3A_344, %dma_start3A_345] : memref<10000x128xf32, #tpu.memory_space<hbm>> -> memref<10000x128xf32, #tpu.memory_space<hbm>>
      tpu.enqueue_indirect_dma source(%dma_start3A_346 : memref<10000x128xf32, #tpu.memory_space<hbm>>) target(%arg11 : memref<128x128xf32, #tpu.memory_space<vmem>>) offsets(%dma_start3A_339 : memref<128xi32, #tpu.memory_space<vmem>>) semaphore(%arg13 : memref<!tpu.dma_semaphore, #tpu.memory_space<semaphore_mem>>)
      %add3A_347 = arith.constant 1 : i32
      %add3A_348 = arith.addi %mul3A_47, %add3A_347 : i32
      %add3A_349 = arith.constant 1 : i32
      %add3A_350 = arith.addi %add3A_348, %add3A_349 : i32
      %ge3A_351 = arith.constant 10 : i32
      %ge3A_352 = arith.cmpi sge, %add3A_350, %ge3A_351 : i32
      %jit3A_353 = arith.constant 0 : i32
      %select_n3A_354 = arith.select %ge3A_352, %jit3A_353, %add3A_350 : i32
      %mul3A_355 = arith.constant 8 : i32
      %mul3A_356 = arith.muli %select_n3A_354, %mul3A_355 : i32
      %add3A_357 = arith.addi %mul3A_2, %mul3A_356 : i32
      "tpu.region"() ({
        %run_scoped3A = tpu.sem_alloc : memref<!tpu.dma_semaphore, #tpu.memory_space<semaphore_mem>>
        %dma_start3A_649 = arith.constant 0 : i32
        %dma_start3A_650 = tpu.memref_slice %arg3[%add3A_357, %dma_start3A_649] : memref<1280x128xi32, #tpu.memory_space<hbm>> -> memref<8x128xi32, #tpu.memory_space<hbm>>
        %dma_start3A_651 = arith.constant 0 : i32
        %dma_start3A_652 = tpu.memref_slice %arg3[%add3A_357, %dma_start3A_651] : memref<1280x128xi32, #tpu.memory_space<hbm>> -> memref<8x128xi32, #tpu.memory_space<hbm>>
        tpu.enqueue_dma source(%dma_start3A_652 : memref<8x128xi32, #tpu.memory_space<hbm>>) target(%arg7 : memref<8x128xi32, #tpu.memory_space<vmem>>) target_semaphore(%run_scoped3A : memref<!tpu.dma_semaphore, #tpu.memory_space<semaphore_mem>>)
        %dma_wait3A_653 = arith.constant 0 : i32
        %dma_wait3A_654 = tpu.memref_slice %arg3[%add3A_357, %dma_wait3A_653] : memref<1280x128xi32, #tpu.memory_space<hbm>> -> memref<8x128xi32, #tpu.memory_space<hbm>>
        %dma_wait3A_655 = arith.constant 0 : i32
        %dma_wait3A_656 = tpu.memref_slice %arg3[%add3A_357, %dma_wait3A_655] : memref<1280x128xi32, #tpu.memory_space<hbm>> -> memref<8x128xi32, #tpu.memory_space<hbm>>
        tpu.wait_dma2 semaphore(%run_scoped3A : memref<!tpu.dma_semaphore, #tpu.memory_space<semaphore_mem>>) src(%dma_wait3A_656 : memref<8x128xi32, #tpu.memory_space<hbm>>) dst(%arg7 : memref<8x128xi32, #tpu.memory_space<vmem>>)
        tpu.yield
      }) : () -> ()
      %mul3A_358 = arith.constant 8 : i32
      %mul3A_359 = arith.muli %select_n3A_354, %mul3A_358 : i32
      %add3A_360 = arith.addi %mul3A_2, %mul3A_359 : i32
      "tpu.region"() ({
        %run_scoped3A = tpu.sem_alloc : memref<!tpu.dma_semaphore, #tpu.memory_space<semaphore_mem>>
        %dma_start3A_649 = arith.constant 0 : i32
        %dma_start3A_650 = tpu.memref_slice %arg4[%add3A_360, %dma_start3A_649] : memref<1280x128xi32, #tpu.memory_space<hbm>> -> memref<8x128xi32, #tpu.memory_space<hbm>>
        %dma_start3A_651 = arith.constant 0 : i32
        %dma_start3A_652 = tpu.memref_slice %arg4[%add3A_360, %dma_start3A_651] : memref<1280x128xi32, #tpu.memory_space<hbm>> -> memref<8x128xi32, #tpu.memory_space<hbm>>
        tpu.enqueue_dma source(%dma_start3A_652 : memref<8x128xi32, #tpu.memory_space<hbm>>) target(%arg9 : memref<8x128xi32, #tpu.memory_space<vmem>>) target_semaphore(%run_scoped3A : memref<!tpu.dma_semaphore, #tpu.memory_space<semaphore_mem>>)
        %dma_wait3A_653 = arith.constant 0 : i32
        %dma_wait3A_654 = tpu.memref_slice %arg4[%add3A_360, %dma_wait3A_653] : memref<1280x128xi32, #tpu.memory_space<hbm>> -> memref<8x128xi32, #tpu.memory_space<hbm>>
        %dma_wait3A_655 = arith.constant 0 : i32
        %dma_wait3A_656 = tpu.memref_slice %arg4[%add3A_360, %dma_wait3A_655] : memref<1280x128xi32, #tpu.memory_space<hbm>> -> memref<8x128xi32, #tpu.memory_space<hbm>>
        tpu.wait_dma2 semaphore(%run_scoped3A : memref<!tpu.dma_semaphore, #tpu.memory_space<semaphore_mem>>) src(%dma_wait3A_656 : memref<8x128xi32, #tpu.memory_space<hbm>>) dst(%arg9 : memref<8x128xi32, #tpu.memory_space<vmem>>)
        tpu.yield
      }) : () -> ()
      %dma_wait3A_361 = arith.constant 0 : i32
      %dma_wait3A_362 = arith.constant 0 : i32
      %dma_wait3A_363 = tpu.memref_slice %arg8[%dma_wait3A_361, %dma_wait3A_362] : memref<8x128xi32, #tpu.memory_space<vmem>> -> memref<1x128xi32, #tpu.memory_space<vmem>>
      %dma_wait3A_364 = tpu.memref_squeeze %dma_wait3A_363 : memref<1x128xi32, #tpu.memory_space<vmem>> -> memref<128xi32, #tpu.memory_space<vmem>>
      %dma_wait3A_365 = arith.constant 0 : i32
      %dma_wait3A_366 = arith.constant 0 : i32
      %dma_wait3A_367 = tpu.memref_slice %arg2[%arg0, %dma_wait3A_365, %dma_wait3A_366] : memref<2x10000x128xf32, #tpu.memory_space<hbm>> -> memref<1x10000x128xf32, #tpu.memory_space<hbm>>
      %dma_wait3A_368 = tpu.memref_squeeze %dma_wait3A_367 : memref<1x10000x128xf32, #tpu.memory_space<hbm>> -> memref<10000x128xf32, #tpu.memory_space<hbm>>
      %dma_wait3A_369 = arith.constant 0 : i32
      %dma_wait3A_370 = arith.constant 0 : i32
      %dma_wait3A_371 = tpu.memref_slice %dma_wait3A_368[%dma_wait3A_369, %dma_wait3A_370] : memref<10000x128xf32, #tpu.memory_space<hbm>> -> memref<10000x128xf32, #tpu.memory_space<hbm>>
      tpu.wait_indirect_dma semaphore(%arg13 : memref<!tpu.dma_semaphore, #tpu.memory_space<semaphore_mem>>) src(%dma_wait3A_371 : memref<10000x128xf32, #tpu.memory_space<hbm>>) dst(%arg11 : memref<128x128xf32, #tpu.memory_space<vmem>>)
      %dma_start3A_372 = arith.constant 0 : i32
      %dma_start3A_373 = arith.constant 0 : i32
      %dma_start3A_374 = tpu.memref_slice %arg10[%dma_start3A_372, %dma_start3A_373] : memref<8x128xi32, #tpu.memory_space<vmem>> -> memref<1x128xi32, #tpu.memory_space<vmem>>
      %dma_start3A_375 = tpu.memref_squeeze %dma_start3A_374 : memref<1x128xi32, #tpu.memory_space<vmem>> -> memref<128xi32, #tpu.memory_space<vmem>>
      %dma_start3A_376 = arith.constant 0 : i32
      %dma_start3A_377 = arith.constant 0 : i32
      %dma_start3A_378 = tpu.memref_slice %arg15[%dma_start3A_376, %dma_start3A_377] : memref<10112x128xf32, #tpu.memory_space<vmem_shared>> -> memref<10112x128xf32, #tpu.memory_space<vmem_shared>>
      tpu.enqueue_indirect_dma source(%arg11 : memref<128x128xf32, #tpu.memory_space<vmem>>) target(%dma_start3A_378 : memref<10112x128xf32, #tpu.memory_space<vmem_shared>>) offsets(%dma_start3A_375 : memref<128xi32, #tpu.memory_space<vmem>>) semaphore(%arg14 : memref<!tpu.dma_semaphore, #tpu.memory_space<semaphore_mem>>) {add = true}
      %dma_wait3A_379 = arith.constant 0 : i32
      %dma_wait3A_380 = arith.constant 0 : i32
      %dma_wait3A_381 = tpu.memref_slice %arg10[%dma_wait3A_379, %dma_wait3A_380] : memref<8x128xi32, #tpu.memory_space<vmem>> -> memref<1x128xi32, #tpu.memory_space<vmem>>
      %dma_wait3A_382 = tpu.memref_squeeze %dma_wait3A_381 : memref<1x128xi32, #tpu.memory_space<vmem>> -> memref<128xi32, #tpu.memory_space<vmem>>
      %dma_wait3A_383 = arith.constant 0 : i32
      %dma_wait3A_384 = arith.constant 0 : i32
      %dma_wait3A_385 = tpu.memref_slice %arg15[%dma_wait3A_383, %dma_wait3A_384] : memref<10112x128xf32, #tpu.memory_space<vmem_shared>> -> memref<10112x128xf32, #tpu.memory_space<vmem_shared>>
      tpu.wait_indirect_dma semaphore(%arg14 : memref<!tpu.dma_semaphore, #tpu.memory_space<semaphore_mem>>) src(%arg12 : memref<128x128xf32, #tpu.memory_space<vmem>>) dst(%dma_wait3A_385 : memref<10112x128xf32, #tpu.memory_space<vmem_shared>>)
      %dma_start3A_386 = arith.constant 1 : i32
      %dma_start3A_387 = arith.constant 0 : i32
      %dma_start3A_388 = tpu.memref_slice %arg8[%dma_start3A_386, %dma_start3A_387] : memref<8x128xi32, #tpu.memory_space<vmem>> -> memref<1x128xi32, #tpu.memory_space<vmem>>
      %dma_start3A_389 = tpu.memref_squeeze %dma_start3A_388 : memref<1x128xi32, #tpu.memory_space<vmem>> -> memref<128xi32, #tpu.memory_space<vmem>>
      %dma_start3A_390 = arith.constant 0 : i32
      %dma_start3A_391 = arith.constant 0 : i32
      %dma_start3A_392 = tpu.memref_slice %arg2[%arg0, %dma_start3A_390, %dma_start3A_391] : memref<2x10000x128xf32, #tpu.memory_space<hbm>> -> memref<1x10000x128xf32, #tpu.memory_space<hbm>>
      %dma_start3A_393 = tpu.memref_squeeze %dma_start3A_392 : memref<1x10000x128xf32, #tpu.memory_space<hbm>> -> memref<10000x128xf32, #tpu.memory_space<hbm>>
      %dma_start3A_394 = arith.constant 0 : i32
      %dma_start3A_395 = arith.constant 0 : i32
      %dma_start3A_396 = tpu.memref_slice %dma_start3A_393[%dma_start3A_394, %dma_start3A_395] : memref<10000x128xf32, #tpu.memory_space<hbm>> -> memref<10000x128xf32, #tpu.memory_space<hbm>>
      tpu.enqueue_indirect_dma source(%dma_start3A_396 : memref<10000x128xf32, #tpu.memory_space<hbm>>) target(%arg12 : memref<128x128xf32, #tpu.memory_space<vmem>>) offsets(%dma_start3A_389 : memref<128xi32, #tpu.memory_space<vmem>>) semaphore(%arg13 : memref<!tpu.dma_semaphore, #tpu.memory_space<semaphore_mem>>)
      %dma_wait3A_397 = arith.constant 1 : i32
      %dma_wait3A_398 = arith.constant 0 : i32
      %dma_wait3A_399 = tpu.memref_slice %arg8[%dma_wait3A_397, %dma_wait3A_398] : memref<8x128xi32, #tpu.memory_space<vmem>> -> memref<1x128xi32, #tpu.memory_space<vmem>>
      %dma_wait3A_400 = tpu.memref_squeeze %dma_wait3A_399 : memref<1x128xi32, #tpu.memory_space<vmem>> -> memref<128xi32, #tpu.memory_space<vmem>>
      %dma_wait3A_401 = arith.constant 0 : i32
      %dma_wait3A_402 = arith.constant 0 : i32
      %dma_wait3A_403 = tpu.memref_slice %arg2[%arg0, %dma_wait3A_401, %dma_wait3A_402] : memref<2x10000x128xf32, #tpu.memory_space<hbm>> -> memref<1x10000x128xf32, #tpu.memory_space<hbm>>
      %dma_wait3A_404 = tpu.memref_squeeze %dma_wait3A_403 : memref<1x10000x128xf32, #tpu.memory_space<hbm>> -> memref<10000x128xf32, #tpu.memory_space<hbm>>
      %dma_wait3A_405 = arith.constant 0 : i32
      %dma_wait3A_406 = arith.constant 0 : i32
      %dma_wait3A_407 = tpu.memref_slice %dma_wait3A_404[%dma_wait3A_405, %dma_wait3A_406] : memref<10000x128xf32, #tpu.memory_space<hbm>> -> memref<10000x128xf32, #tpu.memory_space<hbm>>
      tpu.wait_indirect_dma semaphore(%arg13 : memref<!tpu.dma_semaphore, #tpu.memory_space<semaphore_mem>>) src(%dma_wait3A_407 : memref<10000x128xf32, #tpu.memory_space<hbm>>) dst(%arg12 : memref<128x128xf32, #tpu.memory_space<vmem>>)
      %dma_start3A_408 = arith.constant 1 : i32
      %dma_start3A_409 = arith.constant 0 : i32
      %dma_start3A_410 = tpu.memref_slice %arg10[%dma_start3A_408, %dma_start3A_409] : memref<8x128xi32, #tpu.memory_space<vmem>> -> memref<1x128xi32, #tpu.memory_space<vmem>>
      %dma_start3A_411 = tpu.memref_squeeze %dma_start3A_410 : memref<1x128xi32, #tpu.memory_space<vmem>> -> memref<128xi32, #tpu.memory_space<vmem>>
      %dma_start3A_412 = arith.constant 0 : i32
      %dma_start3A_413 = arith.constant 0 : i32
      %dma_start3A_414 = tpu.memref_slice %arg15[%dma_start3A_412, %dma_start3A_413] : memref<10112x128xf32, #tpu.memory_space<vmem_shared>> -> memref<10112x128xf32, #tpu.memory_space<vmem_shared>>
      tpu.enqueue_indirect_dma source(%arg12 : memref<128x128xf32, #tpu.memory_space<vmem>>) target(%dma_start3A_414 : memref<10112x128xf32, #tpu.memory_space<vmem_shared>>) offsets(%dma_start3A_411 : memref<128xi32, #tpu.memory_space<vmem>>) semaphore(%arg14 : memref<!tpu.dma_semaphore, #tpu.memory_space<semaphore_mem>>) {add = true}
      %dma_wait3A_415 = arith.constant 1 : i32
      %dma_wait3A_416 = arith.constant 0 : i32
      %dma_wait3A_417 = tpu.memref_slice %arg10[%dma_wait3A_415, %dma_wait3A_416] : memref<8x128xi32, #tpu.memory_space<vmem>> -> memref<1x128xi32, #tpu.memory_space<vmem>>
      %dma_wait3A_418 = tpu.memref_squeeze %dma_wait3A_417 : memref<1x128xi32, #tpu.memory_space<vmem>> -> memref<128xi32, #tpu.memory_space<vmem>>
      %dma_wait3A_419 = arith.constant 0 : i32
      %dma_wait3A_420 = arith.constant 0 : i32
      %dma_wait3A_421 = tpu.memref_slice %arg15[%dma_wait3A_419, %dma_wait3A_420] : memref<10112x128xf32, #tpu.memory_space<vmem_shared>> -> memref<10112x128xf32, #tpu.memory_space<vmem_shared>>
      tpu.wait_indirect_dma semaphore(%arg14 : memref<!tpu.dma_semaphore, #tpu.memory_space<semaphore_mem>>) src(%arg11 : memref<128x128xf32, #tpu.memory_space<vmem>>) dst(%dma_wait3A_421 : memref<10112x128xf32, #tpu.memory_space<vmem_shared>>)
      %dma_start3A_422 = arith.constant 2 : i32
      %dma_start3A_423 = arith.constant 0 : i32
      %dma_start3A_424 = tpu.memref_slice %arg8[%dma_start3A_422, %dma_start3A_423] : memref<8x128xi32, #tpu.memory_space<vmem>> -> memref<1x128xi32, #tpu.memory_space<vmem>>
      %dma_start3A_425 = tpu.memref_squeeze %dma_start3A_424 : memref<1x128xi32, #tpu.memory_space<vmem>> -> memref<128xi32, #tpu.memory_space<vmem>>
      %dma_start3A_426 = arith.constant 0 : i32
      %dma_start3A_427 = arith.constant 0 : i32
      %dma_start3A_428 = tpu.memref_slice %arg2[%arg0, %dma_start3A_426, %dma_start3A_427] : memref<2x10000x128xf32, #tpu.memory_space<hbm>> -> memref<1x10000x128xf32, #tpu.memory_space<hbm>>
      %dma_start3A_429 = tpu.memref_squeeze %dma_start3A_428 : memref<1x10000x128xf32, #tpu.memory_space<hbm>> -> memref<10000x128xf32, #tpu.memory_space<hbm>>
      %dma_start3A_430 = arith.constant 0 : i32
      %dma_start3A_431 = arith.constant 0 : i32
      %dma_start3A_432 = tpu.memref_slice %dma_start3A_429[%dma_start3A_430, %dma_start3A_431] : memref<10000x128xf32, #tpu.memory_space<hbm>> -> memref<10000x128xf32, #tpu.memory_space<hbm>>
      tpu.enqueue_indirect_dma source(%dma_start3A_432 : memref<10000x128xf32, #tpu.memory_space<hbm>>) target(%arg11 : memref<128x128xf32, #tpu.memory_space<vmem>>) offsets(%dma_start3A_425 : memref<128xi32, #tpu.memory_space<vmem>>) semaphore(%arg13 : memref<!tpu.dma_semaphore, #tpu.memory_space<semaphore_mem>>)
      %dma_wait3A_433 = arith.constant 2 : i32
      %dma_wait3A_434 = arith.constant 0 : i32
      %dma_wait3A_435 = tpu.memref_slice %arg8[%dma_wait3A_433, %dma_wait3A_434] : memref<8x128xi32, #tpu.memory_space<vmem>> -> memref<1x128xi32, #tpu.memory_space<vmem>>
      %dma_wait3A_436 = tpu.memref_squeeze %dma_wait3A_435 : memref<1x128xi32, #tpu.memory_space<vmem>> -> memref<128xi32, #tpu.memory_space<vmem>>
      %dma_wait3A_437 = arith.constant 0 : i32
      %dma_wait3A_438 = arith.constant 0 : i32
      %dma_wait3A_439 = tpu.memref_slice %arg2[%arg0, %dma_wait3A_437, %dma_wait3A_438] : memref<2x10000x128xf32, #tpu.memory_space<hbm>> -> memref<1x10000x128xf32, #tpu.memory_space<hbm>>
      %dma_wait3A_440 = tpu.memref_squeeze %dma_wait3A_439 : memref<1x10000x128xf32, #tpu.memory_space<hbm>> -> memref<10000x128xf32, #tpu.memory_space<hbm>>
      %dma_wait3A_441 = arith.constant 0 : i32
      %dma_wait3A_442 = arith.constant 0 : i32
      %dma_wait3A_443 = tpu.memref_slice %dma_wait3A_440[%dma_wait3A_441, %dma_wait3A_442] : memref<10000x128xf32, #tpu.memory_space<hbm>> -> memref<10000x128xf32, #tpu.memory_space<hbm>>
      tpu.wait_indirect_dma semaphore(%arg13 : memref<!tpu.dma_semaphore, #tpu.memory_space<semaphore_mem>>) src(%dma_wait3A_443 : memref<10000x128xf32, #tpu.memory_space<hbm>>) dst(%arg11 : memref<128x128xf32, #tpu.memory_space<vmem>>)
      %dma_start3A_444 = arith.constant 2 : i32
      %dma_start3A_445 = arith.constant 0 : i32
      %dma_start3A_446 = tpu.memref_slice %arg10[%dma_start3A_444, %dma_start3A_445] : memref<8x128xi32, #tpu.memory_space<vmem>> -> memref<1x128xi32, #tpu.memory_space<vmem>>
      %dma_start3A_447 = tpu.memref_squeeze %dma_start3A_446 : memref<1x128xi32, #tpu.memory_space<vmem>> -> memref<128xi32, #tpu.memory_space<vmem>>
      %dma_start3A_448 = arith.constant 0 : i32
      %dma_start3A_449 = arith.constant 0 : i32
      %dma_start3A_450 = tpu.memref_slice %arg15[%dma_start3A_448, %dma_start3A_449] : memref<10112x128xf32, #tpu.memory_space<vmem_shared>> -> memref<10112x128xf32, #tpu.memory_space<vmem_shared>>
      tpu.enqueue_indirect_dma source(%arg11 : memref<128x128xf32, #tpu.memory_space<vmem>>) target(%dma_start3A_450 : memref<10112x128xf32, #tpu.memory_space<vmem_shared>>) offsets(%dma_start3A_447 : memref<128xi32, #tpu.memory_space<vmem>>) semaphore(%arg14 : memref<!tpu.dma_semaphore, #tpu.memory_space<semaphore_mem>>) {add = true}
      %dma_wait3A_451 = arith.constant 2 : i32
      %dma_wait3A_452 = arith.constant 0 : i32
      %dma_wait3A_453 = tpu.memref_slice %arg10[%dma_wait3A_451, %dma_wait3A_452] : memref<8x128xi32, #tpu.memory_space<vmem>> -> memref<1x128xi32, #tpu.memory_space<vmem>>
      %dma_wait3A_454 = tpu.memref_squeeze %dma_wait3A_453 : memref<1x128xi32, #tpu.memory_space<vmem>> -> memref<128xi32, #tpu.memory_space<vmem>>
      %dma_wait3A_455 = arith.constant 0 : i32
      %dma_wait3A_456 = arith.constant 0 : i32
      %dma_wait3A_457 = tpu.memref_slice %arg15[%dma_wait3A_455, %dma_wait3A_456] : memref<10112x128xf32, #tpu.memory_space<vmem_shared>> -> memref<10112x128xf32, #tpu.memory_space<vmem_shared>>
      tpu.wait_indirect_dma semaphore(%arg14 : memref<!tpu.dma_semaphore, #tpu.memory_space<semaphore_mem>>) src(%arg12 : memref<128x128xf32, #tpu.memory_space<vmem>>) dst(%dma_wait3A_457 : memref<10112x128xf32, #tpu.memory_space<vmem_shared>>)
      %dma_start3A_458 = arith.constant 3 : i32
      %dma_start3A_459 = arith.constant 0 : i32
      %dma_start3A_460 = tpu.memref_slice %arg8[%dma_start3A_458, %dma_start3A_459] : memref<8x128xi32, #tpu.memory_space<vmem>> -> memref<1x128xi32, #tpu.memory_space<vmem>>
      %dma_start3A_461 = tpu.memref_squeeze %dma_start3A_460 : memref<1x128xi32, #tpu.memory_space<vmem>> -> memref<128xi32, #tpu.memory_space<vmem>>
      %dma_start3A_462 = arith.constant 0 : i32
      %dma_start3A_463 = arith.constant 0 : i32
      %dma_start3A_464 = tpu.memref_slice %arg2[%arg0, %dma_start3A_462, %dma_start3A_463] : memref<2x10000x128xf32, #tpu.memory_space<hbm>> -> memref<1x10000x128xf32, #tpu.memory_space<hbm>>
      %dma_start3A_465 = tpu.memref_squeeze %dma_start3A_464 : memref<1x10000x128xf32, #tpu.memory_space<hbm>> -> memref<10000x128xf32, #tpu.memory_space<hbm>>
      %dma_start3A_466 = arith.constant 0 : i32
      %dma_start3A_467 = arith.constant 0 : i32
      %dma_start3A_468 = tpu.memref_slice %dma_start3A_465[%dma_start3A_466, %dma_start3A_467] : memref<10000x128xf32, #tpu.memory_space<hbm>> -> memref<10000x128xf32, #tpu.memory_space<hbm>>
      tpu.enqueue_indirect_dma source(%dma_start3A_468 : memref<10000x128xf32, #tpu.memory_space<hbm>>) target(%arg12 : memref<128x128xf32, #tpu.memory_space<vmem>>) offsets(%dma_start3A_461 : memref<128xi32, #tpu.memory_space<vmem>>) semaphore(%arg13 : memref<!tpu.dma_semaphore, #tpu.memory_space<semaphore_mem>>)
      %dma_wait3A_469 = arith.constant 3 : i32
      %dma_wait3A_470 = arith.constant 0 : i32
      %dma_wait3A_471 = tpu.memref_slice %arg8[%dma_wait3A_469, %dma_wait3A_470] : memref<8x128xi32, #tpu.memory_space<vmem>> -> memref<1x128xi32, #tpu.memory_space<vmem>>
      %dma_wait3A_472 = tpu.memref_squeeze %dma_wait3A_471 : memref<1x128xi32, #tpu.memory_space<vmem>> -> memref<128xi32, #tpu.memory_space<vmem>>
      %dma_wait3A_473 = arith.constant 0 : i32
      %dma_wait3A_474 = arith.constant 0 : i32
      %dma_wait3A_475 = tpu.memref_slice %arg2[%arg0, %dma_wait3A_473, %dma_wait3A_474] : memref<2x10000x128xf32, #tpu.memory_space<hbm>> -> memref<1x10000x128xf32, #tpu.memory_space<hbm>>
      %dma_wait3A_476 = tpu.memref_squeeze %dma_wait3A_475 : memref<1x10000x128xf32, #tpu.memory_space<hbm>> -> memref<10000x128xf32, #tpu.memory_space<hbm>>
      %dma_wait3A_477 = arith.constant 0 : i32
      %dma_wait3A_478 = arith.constant 0 : i32
      %dma_wait3A_479 = tpu.memref_slice %dma_wait3A_476[%dma_wait3A_477, %dma_wait3A_478] : memref<10000x128xf32, #tpu.memory_space<hbm>> -> memref<10000x128xf32, #tpu.memory_space<hbm>>
      tpu.wait_indirect_dma semaphore(%arg13 : memref<!tpu.dma_semaphore, #tpu.memory_space<semaphore_mem>>) src(%dma_wait3A_479 : memref<10000x128xf32, #tpu.memory_space<hbm>>) dst(%arg12 : memref<128x128xf32, #tpu.memory_space<vmem>>)
      %dma_start3A_480 = arith.constant 3 : i32
      %dma_start3A_481 = arith.constant 0 : i32
      %dma_start3A_482 = tpu.memref_slice %arg10[%dma_start3A_480, %dma_start3A_481] : memref<8x128xi32, #tpu.memory_space<vmem>> -> memref<1x128xi32, #tpu.memory_space<vmem>>
      %dma_start3A_483 = tpu.memref_squeeze %dma_start3A_482 : memref<1x128xi32, #tpu.memory_space<vmem>> -> memref<128xi32, #tpu.memory_space<vmem>>
      %dma_start3A_484 = arith.constant 0 : i32
      %dma_start3A_485 = arith.constant 0 : i32
      %dma_start3A_486 = tpu.memref_slice %arg15[%dma_start3A_484, %dma_start3A_485] : memref<10112x128xf32, #tpu.memory_space<vmem_shared>> -> memref<10112x128xf32, #tpu.memory_space<vmem_shared>>
      tpu.enqueue_indirect_dma source(%arg12 : memref<128x128xf32, #tpu.memory_space<vmem>>) target(%dma_start3A_486 : memref<10112x128xf32, #tpu.memory_space<vmem_shared>>) offsets(%dma_start3A_483 : memref<128xi32, #tpu.memory_space<vmem>>) semaphore(%arg14 : memref<!tpu.dma_semaphore, #tpu.memory_space<semaphore_mem>>) {add = true}
      %dma_wait3A_487 = arith.constant 3 : i32
      %dma_wait3A_488 = arith.constant 0 : i32
      %dma_wait3A_489 = tpu.memref_slice %arg10[%dma_wait3A_487, %dma_wait3A_488] : memref<8x128xi32, #tpu.memory_space<vmem>> -> memref<1x128xi32, #tpu.memory_space<vmem>>
      %dma_wait3A_490 = tpu.memref_squeeze %dma_wait3A_489 : memref<1x128xi32, #tpu.memory_space<vmem>> -> memref<128xi32, #tpu.memory_space<vmem>>
      %dma_wait3A_491 = arith.constant 0 : i32
      %dma_wait3A_492 = arith.constant 0 : i32
      %dma_wait3A_493 = tpu.memref_slice %arg15[%dma_wait3A_491, %dma_wait3A_492] : memref<10112x128xf32, #tpu.memory_space<vmem_shared>> -> memref<10112x128xf32, #tpu.memory_space<vmem_shared>>
      tpu.wait_indirect_dma semaphore(%arg14 : memref<!tpu.dma_semaphore, #tpu.memory_space<semaphore_mem>>) src(%arg11 : memref<128x128xf32, #tpu.memory_space<vmem>>) dst(%dma_wait3A_493 : memref<10112x128xf32, #tpu.memory_space<vmem_shared>>)
      %dma_start3A_494 = arith.constant 4 : i32
      %dma_start3A_495 = arith.constant 0 : i32
      %dma_start3A_496 = tpu.memref_slice %arg8[%dma_start3A_494, %dma_start3A_495] : memref<8x128xi32, #tpu.memory_space<vmem>> -> memref<1x128xi32, #tpu.memory_space<vmem>>
      %dma_start3A_497 = tpu.memref_squeeze %dma_start3A_496 : memref<1x128xi32, #tpu.memory_space<vmem>> -> memref<128xi32, #tpu.memory_space<vmem>>
      %dma_start3A_498 = arith.constant 0 : i32
      %dma_start3A_499 = arith.constant 0 : i32
      %dma_start3A_500 = tpu.memref_slice %arg2[%arg0, %dma_start3A_498, %dma_start3A_499] : memref<2x10000x128xf32, #tpu.memory_space<hbm>> -> memref<1x10000x128xf32, #tpu.memory_space<hbm>>
      %dma_start3A_501 = tpu.memref_squeeze %dma_start3A_500 : memref<1x10000x128xf32, #tpu.memory_space<hbm>> -> memref<10000x128xf32, #tpu.memory_space<hbm>>
      %dma_start3A_502 = arith.constant 0 : i32
      %dma_start3A_503 = arith.constant 0 : i32
      %dma_start3A_504 = tpu.memref_slice %dma_start3A_501[%dma_start3A_502, %dma_start3A_503] : memref<10000x128xf32, #tpu.memory_space<hbm>> -> memref<10000x128xf32, #tpu.memory_space<hbm>>
      tpu.enqueue_indirect_dma source(%dma_start3A_504 : memref<10000x128xf32, #tpu.memory_space<hbm>>) target(%arg11 : memref<128x128xf32, #tpu.memory_space<vmem>>) offsets(%dma_start3A_497 : memref<128xi32, #tpu.memory_space<vmem>>) semaphore(%arg13 : memref<!tpu.dma_semaphore, #tpu.memory_space<semaphore_mem>>)
      %dma_wait3A_505 = arith.constant 4 : i32
      %dma_wait3A_506 = arith.constant 0 : i32
      %dma_wait3A_507 = tpu.memref_slice %arg8[%dma_wait3A_505, %dma_wait3A_506] : memref<8x128xi32, #tpu.memory_space<vmem>> -> memref<1x128xi32, #tpu.memory_space<vmem>>
      %dma_wait3A_508 = tpu.memref_squeeze %dma_wait3A_507 : memref<1x128xi32, #tpu.memory_space<vmem>> -> memref<128xi32, #tpu.memory_space<vmem>>
      %dma_wait3A_509 = arith.constant 0 : i32
      %dma_wait3A_510 = arith.constant 0 : i32
      %dma_wait3A_511 = tpu.memref_slice %arg2[%arg0, %dma_wait3A_509, %dma_wait3A_510] : memref<2x10000x128xf32, #tpu.memory_space<hbm>> -> memref<1x10000x128xf32, #tpu.memory_space<hbm>>
      %dma_wait3A_512 = tpu.memref_squeeze %dma_wait3A_511 : memref<1x10000x128xf32, #tpu.memory_space<hbm>> -> memref<10000x128xf32, #tpu.memory_space<hbm>>
      %dma_wait3A_513 = arith.constant 0 : i32
      %dma_wait3A_514 = arith.constant 0 : i32
      %dma_wait3A_515 = tpu.memref_slice %dma_wait3A_512[%dma_wait3A_513, %dma_wait3A_514] : memref<10000x128xf32, #tpu.memory_space<hbm>> -> memref<10000x128xf32, #tpu.memory_space<hbm>>
      tpu.wait_indirect_dma semaphore(%arg13 : memref<!tpu.dma_semaphore, #tpu.memory_space<semaphore_mem>>) src(%dma_wait3A_515 : memref<10000x128xf32, #tpu.memory_space<hbm>>) dst(%arg11 : memref<128x128xf32, #tpu.memory_space<vmem>>)
      %dma_start3A_516 = arith.constant 4 : i32
      %dma_start3A_517 = arith.constant 0 : i32
      %dma_start3A_518 = tpu.memref_slice %arg10[%dma_start3A_516, %dma_start3A_517] : memref<8x128xi32, #tpu.memory_space<vmem>> -> memref<1x128xi32, #tpu.memory_space<vmem>>
      %dma_start3A_519 = tpu.memref_squeeze %dma_start3A_518 : memref<1x128xi32, #tpu.memory_space<vmem>> -> memref<128xi32, #tpu.memory_space<vmem>>
      %dma_start3A_520 = arith.constant 0 : i32
      %dma_start3A_521 = arith.constant 0 : i32
      %dma_start3A_522 = tpu.memref_slice %arg15[%dma_start3A_520, %dma_start3A_521] : memref<10112x128xf32, #tpu.memory_space<vmem_shared>> -> memref<10112x128xf32, #tpu.memory_space<vmem_shared>>
      tpu.enqueue_indirect_dma source(%arg11 : memref<128x128xf32, #tpu.memory_space<vmem>>) target(%dma_start3A_522 : memref<10112x128xf32, #tpu.memory_space<vmem_shared>>) offsets(%dma_start3A_519 : memref<128xi32, #tpu.memory_space<vmem>>) semaphore(%arg14 : memref<!tpu.dma_semaphore, #tpu.memory_space<semaphore_mem>>) {add = true}
      %dma_wait3A_523 = arith.constant 4 : i32
      %dma_wait3A_524 = arith.constant 0 : i32
      %dma_wait3A_525 = tpu.memref_slice %arg10[%dma_wait3A_523, %dma_wait3A_524] : memref<8x128xi32, #tpu.memory_space<vmem>> -> memref<1x128xi32, #tpu.memory_space<vmem>>
      %dma_wait3A_526 = tpu.memref_squeeze %dma_wait3A_525 : memref<1x128xi32, #tpu.memory_space<vmem>> -> memref<128xi32, #tpu.memory_space<vmem>>
      %dma_wait3A_527 = arith.constant 0 : i32
      %dma_wait3A_528 = arith.constant 0 : i32
      %dma_wait3A_529 = tpu.memref_slice %arg15[%dma_wait3A_527, %dma_wait3A_528] : memref<10112x128xf32, #tpu.memory_space<vmem_shared>> -> memref<10112x128xf32, #tpu.memory_space<vmem_shared>>
      tpu.wait_indirect_dma semaphore(%arg14 : memref<!tpu.dma_semaphore, #tpu.memory_space<semaphore_mem>>) src(%arg12 : memref<128x128xf32, #tpu.memory_space<vmem>>) dst(%dma_wait3A_529 : memref<10112x128xf32, #tpu.memory_space<vmem_shared>>)
      %dma_start3A_530 = arith.constant 5 : i32
      %dma_start3A_531 = arith.constant 0 : i32
      %dma_start3A_532 = tpu.memref_slice %arg8[%dma_start3A_530, %dma_start3A_531] : memref<8x128xi32, #tpu.memory_space<vmem>> -> memref<1x128xi32, #tpu.memory_space<vmem>>
      %dma_start3A_533 = tpu.memref_squeeze %dma_start3A_532 : memref<1x128xi32, #tpu.memory_space<vmem>> -> memref<128xi32, #tpu.memory_space<vmem>>
      %dma_start3A_534 = arith.constant 0 : i32
      %dma_start3A_535 = arith.constant 0 : i32
      %dma_start3A_536 = tpu.memref_slice %arg2[%arg0, %dma_start3A_534, %dma_start3A_535] : memref<2x10000x128xf32, #tpu.memory_space<hbm>> -> memref<1x10000x128xf32, #tpu.memory_space<hbm>>
      %dma_start3A_537 = tpu.memref_squeeze %dma_start3A_536 : memref<1x10000x128xf32, #tpu.memory_space<hbm>> -> memref<10000x128xf32, #tpu.memory_space<hbm>>
      %dma_start3A_538 = arith.constant 0 : i32
      %dma_start3A_539 = arith.constant 0 : i32
      %dma_start3A_540 = tpu.memref_slice %dma_start3A_537[%dma_start3A_538, %dma_start3A_539] : memref<10000x128xf32, #tpu.memory_space<hbm>> -> memref<10000x128xf32, #tpu.memory_space<hbm>>
      tpu.enqueue_indirect_dma source(%dma_start3A_540 : memref<10000x128xf32, #tpu.memory_space<hbm>>) target(%arg12 : memref<128x128xf32, #tpu.memory_space<vmem>>) offsets(%dma_start3A_533 : memref<128xi32, #tpu.memory_space<vmem>>) semaphore(%arg13 : memref<!tpu.dma_semaphore, #tpu.memory_space<semaphore_mem>>)
      %dma_wait3A_541 = arith.constant 5 : i32
      %dma_wait3A_542 = arith.constant 0 : i32
      %dma_wait3A_543 = tpu.memref_slice %arg8[%dma_wait3A_541, %dma_wait3A_542] : memref<8x128xi32, #tpu.memory_space<vmem>> -> memref<1x128xi32, #tpu.memory_space<vmem>>
      %dma_wait3A_544 = tpu.memref_squeeze %dma_wait3A_543 : memref<1x128xi32, #tpu.memory_space<vmem>> -> memref<128xi32, #tpu.memory_space<vmem>>
      %dma_wait3A_545 = arith.constant 0 : i32
      %dma_wait3A_546 = arith.constant 0 : i32
      %dma_wait3A_547 = tpu.memref_slice %arg2[%arg0, %dma_wait3A_545, %dma_wait3A_546] : memref<2x10000x128xf32, #tpu.memory_space<hbm>> -> memref<1x10000x128xf32, #tpu.memory_space<hbm>>
      %dma_wait3A_548 = tpu.memref_squeeze %dma_wait3A_547 : memref<1x10000x128xf32, #tpu.memory_space<hbm>> -> memref<10000x128xf32, #tpu.memory_space<hbm>>
      %dma_wait3A_549 = arith.constant 0 : i32
      %dma_wait3A_550 = arith.constant 0 : i32
      %dma_wait3A_551 = tpu.memref_slice %dma_wait3A_548[%dma_wait3A_549, %dma_wait3A_550] : memref<10000x128xf32, #tpu.memory_space<hbm>> -> memref<10000x128xf32, #tpu.memory_space<hbm>>
      tpu.wait_indirect_dma semaphore(%arg13 : memref<!tpu.dma_semaphore, #tpu.memory_space<semaphore_mem>>) src(%dma_wait3A_551 : memref<10000x128xf32, #tpu.memory_space<hbm>>) dst(%arg12 : memref<128x128xf32, #tpu.memory_space<vmem>>)
      %dma_start3A_552 = arith.constant 5 : i32
      %dma_start3A_553 = arith.constant 0 : i32
      %dma_start3A_554 = tpu.memref_slice %arg10[%dma_start3A_552, %dma_start3A_553] : memref<8x128xi32, #tpu.memory_space<vmem>> -> memref<1x128xi32, #tpu.memory_space<vmem>>
      %dma_start3A_555 = tpu.memref_squeeze %dma_start3A_554 : memref<1x128xi32, #tpu.memory_space<vmem>> -> memref<128xi32, #tpu.memory_space<vmem>>
      %dma_start3A_556 = arith.constant 0 : i32
      %dma_start3A_557 = arith.constant 0 : i32
      %dma_start3A_558 = tpu.memref_slice %arg15[%dma_start3A_556, %dma_start3A_557] : memref<10112x128xf32, #tpu.memory_space<vmem_shared>> -> memref<10112x128xf32, #tpu.memory_space<vmem_shared>>
      tpu.enqueue_indirect_dma source(%arg12 : memref<128x128xf32, #tpu.memory_space<vmem>>) target(%dma_start3A_558 : memref<10112x128xf32, #tpu.memory_space<vmem_shared>>) offsets(%dma_start3A_555 : memref<128xi32, #tpu.memory_space<vmem>>) semaphore(%arg14 : memref<!tpu.dma_semaphore, #tpu.memory_space<semaphore_mem>>) {add = true}
      %dma_wait3A_559 = arith.constant 5 : i32
      %dma_wait3A_560 = arith.constant 0 : i32
      %dma_wait3A_561 = tpu.memref_slice %arg10[%dma_wait3A_559, %dma_wait3A_560] : memref<8x128xi32, #tpu.memory_space<vmem>> -> memref<1x128xi32, #tpu.memory_space<vmem>>
      %dma_wait3A_562 = tpu.memref_squeeze %dma_wait3A_561 : memref<1x128xi32, #tpu.memory_space<vmem>> -> memref<128xi32, #tpu.memory_space<vmem>>
      %dma_wait3A_563 = arith.constant 0 : i32
      %dma_wait3A_564 = arith.constant 0 : i32
      %dma_wait3A_565 = tpu.memref_slice %arg15[%dma_wait3A_563, %dma_wait3A_564] : memref<10112x128xf32, #tpu.memory_space<vmem_shared>> -> memref<10112x128xf32, #tpu.memory_space<vmem_shared>>
      tpu.wait_indirect_dma semaphore(%arg14 : memref<!tpu.dma_semaphore, #tpu.memory_space<semaphore_mem>>) src(%arg11 : memref<128x128xf32, #tpu.memory_space<vmem>>) dst(%dma_wait3A_565 : memref<10112x128xf32, #tpu.memory_space<vmem_shared>>)
      %dma_start3A_566 = arith.constant 6 : i32
      %dma_start3A_567 = arith.constant 0 : i32
      %dma_start3A_568 = tpu.memref_slice %arg8[%dma_start3A_566, %dma_start3A_567] : memref<8x128xi32, #tpu.memory_space<vmem>> -> memref<1x128xi32, #tpu.memory_space<vmem>>
      %dma_start3A_569 = tpu.memref_squeeze %dma_start3A_568 : memref<1x128xi32, #tpu.memory_space<vmem>> -> memref<128xi32, #tpu.memory_space<vmem>>
      %dma_start3A_570 = arith.constant 0 : i32
      %dma_start3A_571 = arith.constant 0 : i32
      %dma_start3A_572 = tpu.memref_slice %arg2[%arg0, %dma_start3A_570, %dma_start3A_571] : memref<2x10000x128xf32, #tpu.memory_space<hbm>> -> memref<1x10000x128xf32, #tpu.memory_space<hbm>>
      %dma_start3A_573 = tpu.memref_squeeze %dma_start3A_572 : memref<1x10000x128xf32, #tpu.memory_space<hbm>> -> memref<10000x128xf32, #tpu.memory_space<hbm>>
      %dma_start3A_574 = arith.constant 0 : i32
      %dma_start3A_575 = arith.constant 0 : i32
      %dma_start3A_576 = tpu.memref_slice %dma_start3A_573[%dma_start3A_574, %dma_start3A_575] : memref<10000x128xf32, #tpu.memory_space<hbm>> -> memref<10000x128xf32, #tpu.memory_space<hbm>>
      tpu.enqueue_indirect_dma source(%dma_start3A_576 : memref<10000x128xf32, #tpu.memory_space<hbm>>) target(%arg11 : memref<128x128xf32, #tpu.memory_space<vmem>>) offsets(%dma_start3A_569 : memref<128xi32, #tpu.memory_space<vmem>>) semaphore(%arg13 : memref<!tpu.dma_semaphore, #tpu.memory_space<semaphore_mem>>)
      %dma_wait3A_577 = arith.constant 6 : i32
      %dma_wait3A_578 = arith.constant 0 : i32
      %dma_wait3A_579 = tpu.memref_slice %arg8[%dma_wait3A_577, %dma_wait3A_578] : memref<8x128xi32, #tpu.memory_space<vmem>> -> memref<1x128xi32, #tpu.memory_space<vmem>>
      %dma_wait3A_580 = tpu.memref_squeeze %dma_wait3A_579 : memref<1x128xi32, #tpu.memory_space<vmem>> -> memref<128xi32, #tpu.memory_space<vmem>>
      %dma_wait3A_581 = arith.constant 0 : i32
      %dma_wait3A_582 = arith.constant 0 : i32
      %dma_wait3A_583 = tpu.memref_slice %arg2[%arg0, %dma_wait3A_581, %dma_wait3A_582] : memref<2x10000x128xf32, #tpu.memory_space<hbm>> -> memref<1x10000x128xf32, #tpu.memory_space<hbm>>
      %dma_wait3A_584 = tpu.memref_squeeze %dma_wait3A_583 : memref<1x10000x128xf32, #tpu.memory_space<hbm>> -> memref<10000x128xf32, #tpu.memory_space<hbm>>
      %dma_wait3A_585 = arith.constant 0 : i32
      %dma_wait3A_586 = arith.constant 0 : i32
      %dma_wait3A_587 = tpu.memref_slice %dma_wait3A_584[%dma_wait3A_585, %dma_wait3A_586] : memref<10000x128xf32, #tpu.memory_space<hbm>> -> memref<10000x128xf32, #tpu.memory_space<hbm>>
      tpu.wait_indirect_dma semaphore(%arg13 : memref<!tpu.dma_semaphore, #tpu.memory_space<semaphore_mem>>) src(%dma_wait3A_587 : memref<10000x128xf32, #tpu.memory_space<hbm>>) dst(%arg11 : memref<128x128xf32, #tpu.memory_space<vmem>>)
      %dma_start3A_588 = arith.constant 6 : i32
      %dma_start3A_589 = arith.constant 0 : i32
      %dma_start3A_590 = tpu.memref_slice %arg10[%dma_start3A_588, %dma_start3A_589] : memref<8x128xi32, #tpu.memory_space<vmem>> -> memref<1x128xi32, #tpu.memory_space<vmem>>
      %dma_start3A_591 = tpu.memref_squeeze %dma_start3A_590 : memref<1x128xi32, #tpu.memory_space<vmem>> -> memref<128xi32, #tpu.memory_space<vmem>>
      %dma_start3A_592 = arith.constant 0 : i32
      %dma_start3A_593 = arith.constant 0 : i32
      %dma_start3A_594 = tpu.memref_slice %arg15[%dma_start3A_592, %dma_start3A_593] : memref<10112x128xf32, #tpu.memory_space<vmem_shared>> -> memref<10112x128xf32, #tpu.memory_space<vmem_shared>>
      tpu.enqueue_indirect_dma source(%arg11 : memref<128x128xf32, #tpu.memory_space<vmem>>) target(%dma_start3A_594 : memref<10112x128xf32, #tpu.memory_space<vmem_shared>>) offsets(%dma_start3A_591 : memref<128xi32, #tpu.memory_space<vmem>>) semaphore(%arg14 : memref<!tpu.dma_semaphore, #tpu.memory_space<semaphore_mem>>) {add = true}
      %dma_wait3A_595 = arith.constant 6 : i32
      %dma_wait3A_596 = arith.constant 0 : i32
      %dma_wait3A_597 = tpu.memref_slice %arg10[%dma_wait3A_595, %dma_wait3A_596] : memref<8x128xi32, #tpu.memory_space<vmem>> -> memref<1x128xi32, #tpu.memory_space<vmem>>
      %dma_wait3A_598 = tpu.memref_squeeze %dma_wait3A_597 : memref<1x128xi32, #tpu.memory_space<vmem>> -> memref<128xi32, #tpu.memory_space<vmem>>
      %dma_wait3A_599 = arith.constant 0 : i32
      %dma_wait3A_600 = arith.constant 0 : i32
      %dma_wait3A_601 = tpu.memref_slice %arg15[%dma_wait3A_599, %dma_wait3A_600] : memref<10112x128xf32, #tpu.memory_space<vmem_shared>> -> memref<10112x128xf32, #tpu.memory_space<vmem_shared>>
      tpu.wait_indirect_dma semaphore(%arg14 : memref<!tpu.dma_semaphore, #tpu.memory_space<semaphore_mem>>) src(%arg12 : memref<128x128xf32, #tpu.memory_space<vmem>>) dst(%dma_wait3A_601 : memref<10112x128xf32, #tpu.memory_space<vmem_shared>>)
      %dma_start3A_602 = arith.constant 7 : i32
      %dma_start3A_603 = arith.constant 0 : i32
      %dma_start3A_604 = tpu.memref_slice %arg8[%dma_start3A_602, %dma_start3A_603] : memref<8x128xi32, #tpu.memory_space<vmem>> -> memref<1x128xi32, #tpu.memory_space<vmem>>
      %dma_start3A_605 = tpu.memref_squeeze %dma_start3A_604 : memref<1x128xi32, #tpu.memory_space<vmem>> -> memref<128xi32, #tpu.memory_space<vmem>>
      %dma_start3A_606 = arith.constant 0 : i32
      %dma_start3A_607 = arith.constant 0 : i32
      %dma_start3A_608 = tpu.memref_slice %arg2[%arg0, %dma_start3A_606, %dma_start3A_607] : memref<2x10000x128xf32, #tpu.memory_space<hbm>> -> memref<1x10000x128xf32, #tpu.memory_space<hbm>>
      %dma_start3A_609 = tpu.memref_squeeze %dma_start3A_608 : memref<1x10000x128xf32, #tpu.memory_space<hbm>> -> memref<10000x128xf32, #tpu.memory_space<hbm>>
      %dma_start3A_610 = arith.constant 0 : i32
      %dma_start3A_611 = arith.constant 0 : i32
      %dma_start3A_612 = tpu.memref_slice %dma_start3A_609[%dma_start3A_610, %dma_start3A_611] : memref<10000x128xf32, #tpu.memory_space<hbm>> -> memref<10000x128xf32, #tpu.memory_space<hbm>>
      tpu.enqueue_indirect_dma source(%dma_start3A_612 : memref<10000x128xf32, #tpu.memory_space<hbm>>) target(%arg12 : memref<128x128xf32, #tpu.memory_space<vmem>>) offsets(%dma_start3A_605 : memref<128xi32, #tpu.memory_space<vmem>>) semaphore(%arg13 : memref<!tpu.dma_semaphore, #tpu.memory_space<semaphore_mem>>)
      %dma_wait3A_613 = arith.constant 7 : i32
      %dma_wait3A_614 = arith.constant 0 : i32
      %dma_wait3A_615 = tpu.memref_slice %arg8[%dma_wait3A_613, %dma_wait3A_614] : memref<8x128xi32, #tpu.memory_space<vmem>> -> memref<1x128xi32, #tpu.memory_space<vmem>>
      %dma_wait3A_616 = tpu.memref_squeeze %dma_wait3A_615 : memref<1x128xi32, #tpu.memory_space<vmem>> -> memref<128xi32, #tpu.memory_space<vmem>>
      %dma_wait3A_617 = arith.constant 0 : i32
      %dma_wait3A_618 = arith.constant 0 : i32
      %dma_wait3A_619 = tpu.memref_slice %arg2[%arg0, %dma_wait3A_617, %dma_wait3A_618] : memref<2x10000x128xf32, #tpu.memory_space<hbm>> -> memref<1x10000x128xf32, #tpu.memory_space<hbm>>
      %dma_wait3A_620 = tpu.memref_squeeze %dma_wait3A_619 : memref<1x10000x128xf32, #tpu.memory_space<hbm>> -> memref<10000x128xf32, #tpu.memory_space<hbm>>
      %dma_wait3A_621 = arith.constant 0 : i32
      %dma_wait3A_622 = arith.constant 0 : i32
      %dma_wait3A_623 = tpu.memref_slice %dma_wait3A_620[%dma_wait3A_621, %dma_wait3A_622] : memref<10000x128xf32, #tpu.memory_space<hbm>> -> memref<10000x128xf32, #tpu.memory_space<hbm>>
      tpu.wait_indirect_dma semaphore(%arg13 : memref<!tpu.dma_semaphore, #tpu.memory_space<semaphore_mem>>) src(%dma_wait3A_623 : memref<10000x128xf32, #tpu.memory_space<hbm>>) dst(%arg12 : memref<128x128xf32, #tpu.memory_space<vmem>>)
      %dma_start3A_624 = arith.constant 7 : i32
      %dma_start3A_625 = arith.constant 0 : i32
      %dma_start3A_626 = tpu.memref_slice %arg10[%dma_start3A_624, %dma_start3A_625] : memref<8x128xi32, #tpu.memory_space<vmem>> -> memref<1x128xi32, #tpu.memory_space<vmem>>
      %dma_start3A_627 = tpu.memref_squeeze %dma_start3A_626 : memref<1x128xi32, #tpu.memory_space<vmem>> -> memref<128xi32, #tpu.memory_space<vmem>>
      %dma_start3A_628 = arith.constant 0 : i32
      %dma_start3A_629 = arith.constant 0 : i32
      %dma_start3A_630 = tpu.memref_slice %arg15[%dma_start3A_628, %dma_start3A_629] : memref<10112x128xf32, #tpu.memory_space<vmem_shared>> -> memref<10112x128xf32, #tpu.memory_space<vmem_shared>>
      tpu.enqueue_indirect_dma source(%arg12 : memref<128x128xf32, #tpu.memory_space<vmem>>) target(%dma_start3A_630 : memref<10112x128xf32, #tpu.memory_space<vmem_shared>>) offsets(%dma_start3A_627 : memref<128xi32, #tpu.memory_space<vmem>>) semaphore(%arg14 : memref<!tpu.dma_semaphore, #tpu.memory_space<semaphore_mem>>) {add = true}
      %dma_wait3A_631 = arith.constant 7 : i32
      %dma_wait3A_632 = arith.constant 0 : i32
      %dma_wait3A_633 = tpu.memref_slice %arg10[%dma_wait3A_631, %dma_wait3A_632] : memref<8x128xi32, #tpu.memory_space<vmem>> -> memref<1x128xi32, #tpu.memory_space<vmem>>
      %dma_wait3A_634 = tpu.memref_squeeze %dma_wait3A_633 : memref<1x128xi32, #tpu.memory_space<vmem>> -> memref<128xi32, #tpu.memory_space<vmem>>
      %dma_wait3A_635 = arith.constant 0 : i32
      %dma_wait3A_636 = arith.constant 0 : i32
      %dma_wait3A_637 = tpu.memref_slice %arg15[%dma_wait3A_635, %dma_wait3A_636] : memref<10112x128xf32, #tpu.memory_space<vmem_shared>> -> memref<10112x128xf32, #tpu.memory_space<vmem_shared>>
      tpu.wait_indirect_dma semaphore(%arg14 : memref<!tpu.dma_semaphore, #tpu.memory_space<semaphore_mem>>) src(%arg11 : memref<128x128xf32, #tpu.memory_space<vmem>>) dst(%dma_wait3A_637 : memref<10112x128xf32, #tpu.memory_space<vmem_shared>>)
      %dma_start3A_638 = arith.constant 0 : i32
      %dma_start3A_639 = arith.constant 0 : i32
      %dma_start3A_640 = tpu.memref_slice %arg7[%dma_start3A_638, %dma_start3A_639] : memref<8x128xi32, #tpu.memory_space<vmem>> -> memref<1x128xi32, #tpu.memory_space<vmem>>
      %dma_start3A_641 = tpu.memref_squeeze %dma_start3A_640 : memref<1x128xi32, #tpu.memory_space<vmem>> -> memref<128xi32, #tpu.memory_space<vmem>>
      %dma_start3A_642 = arith.constant 0 : i32
      %dma_start3A_643 = arith.constant 0 : i32
      %dma_start3A_644 = tpu.memref_slice %arg2[%arg0, %dma_start3A_642, %dma_start3A_643] : memref<2x10000x128xf32, #tpu.memory_space<hbm>> -> memref<1x10000x128xf32, #tpu.memory_space<hbm>>
      %dma_start3A_645 = tpu.memref_squeeze %dma_start3A_644 : memref<1x10000x128xf32, #tpu.memory_space<hbm>> -> memref<10000x128xf32, #tpu.memory_space<hbm>>
      %dma_start3A_646 = arith.constant 0 : i32
      %dma_start3A_647 = arith.constant 0 : i32
      %dma_start3A_648 = tpu.memref_slice %dma_start3A_645[%dma_start3A_646, %dma_start3A_647] : memref<10000x128xf32, #tpu.memory_space<hbm>> -> memref<10000x128xf32, #tpu.memory_space<hbm>>
      tpu.enqueue_indirect_dma source(%dma_start3A_648 : memref<10000x128xf32, #tpu.memory_space<hbm>>) target(%arg11 : memref<128x128xf32, #tpu.memory_space<vmem>>) offsets(%dma_start3A_641 : memref<128xi32, #tpu.memory_space<vmem>>) semaphore(%arg13 : memref<!tpu.dma_semaphore, #tpu.memory_space<semaphore_mem>>)
    }
    %scan3A_23 = arith.constant 5 : i32
    %dma_wait3A = arith.constant 0 : i32
    %dma_wait3A_24 = arith.constant 0 : i32
    %dma_wait3A_25 = tpu.memref_slice %arg7[%dma_wait3A, %dma_wait3A_24] : memref<8x128xi32, #tpu.memory_space<vmem>> -> memref<1x128xi32, #tpu.memory_space<vmem>>
    %dma_wait3A_26 = tpu.memref_squeeze %dma_wait3A_25 : memref<1x128xi32, #tpu.memory_space<vmem>> -> memref<128xi32, #tpu.memory_space<vmem>>
    %dma_wait3A_27 = arith.constant 0 : i32
    %dma_wait3A_28 = arith.constant 0 : i32
    %dma_wait3A_29 = tpu.memref_slice %arg2[%arg0, %dma_wait3A_27, %dma_wait3A_28] : memref<2x10000x128xf32, #tpu.memory_space<hbm>> -> memref<1x10000x128xf32, #tpu.memory_space<hbm>>
    %dma_wait3A_30 = tpu.memref_squeeze %dma_wait3A_29 : memref<1x10000x128xf32, #tpu.memory_space<hbm>> -> memref<10000x128xf32, #tpu.memory_space<hbm>>
    %dma_wait3A_31 = arith.constant 0 : i32
    %dma_wait3A_32 = arith.constant 0 : i32
    %dma_wait3A_33 = tpu.memref_slice %dma_wait3A_30[%dma_wait3A_31, %dma_wait3A_32] : memref<10000x128xf32, #tpu.memory_space<hbm>> -> memref<10000x128xf32, #tpu.memory_space<hbm>>
    tpu.wait_indirect_dma semaphore(%arg13 : memref<!tpu.dma_semaphore, #tpu.memory_space<semaphore_mem>>) src(%dma_wait3A_33 : memref<10000x128xf32, #tpu.memory_space<hbm>>) dst(%arg11 : memref<128x128xf32, #tpu.memory_space<vmem>>)
    %dma_wait3A_34 = arith.constant 0 : i32
    %dma_wait3A_35 = arith.constant 0 : i32
    %dma_wait3A_36 = tpu.memref_slice %arg9[%dma_wait3A_34, %dma_wait3A_35] : memref<8x128xi32, #tpu.memory_space<vmem>> -> memref<1x128xi32, #tpu.memory_space<vmem>>
    %dma_wait3A_37 = tpu.memref_squeeze %dma_wait3A_36 : memref<1x128xi32, #tpu.memory_space<vmem>> -> memref<128xi32, #tpu.memory_space<vmem>>
    %dma_wait3A_38 = arith.constant 0 : i32
    %dma_wait3A_39 = arith.constant 0 : i32
    %dma_wait3A_40 = tpu.memref_slice %arg15[%dma_wait3A_38, %dma_wait3A_39] : memref<10112x128xf32, #tpu.memory_space<vmem_shared>> -> memref<10112x128xf32, #tpu.memory_space<vmem_shared>>
    tpu.wait_indirect_dma semaphore(%arg14 : memref<!tpu.dma_semaphore, #tpu.memory_space<semaphore_mem>>) src(%arg11 : memref<128x128xf32, #tpu.memory_space<vmem>>) dst(%dma_wait3A_40 : memref<10112x128xf32, #tpu.memory_space<vmem_shared>>)
    %barrier3A_41 = arith.constant 0 : index
    tpu.barrier barrier_id(%barrier3A_41)
    "tpu.region"() ({
      %run_scoped3A = tpu.sem_alloc : memref<!tpu.dma_semaphore, #tpu.memory_space<semaphore_mem>>
      %dma_start3A_42 = arith.constant 0 : i32
      %dma_start3A_43 = arith.constant 0 : i32
      %dma_start3A_44 = tpu.memref_slice %arg6[%arg0, %dma_start3A_42, %dma_start3A_43] : memref<2x10112x128xf32, #tpu.memory_space<hbm>> -> memref<1x10112x128xf32, #tpu.memory_space<hbm>>
      %dma_start3A_45 = tpu.memref_squeeze %dma_start3A_44 : memref<1x10112x128xf32, #tpu.memory_space<hbm>> -> memref<10112x128xf32, #tpu.memory_space<hbm>>
      %dma_start3A_46 = arith.constant 0 : i32
      %dma_start3A_47 = tpu.memref_slice %dma_start3A_45[%mul3A_0, %dma_start3A_46] : memref<10112x128xf32, #tpu.memory_space<hbm>> -> memref<632x128xf32, #tpu.memory_space<hbm>>
      %dma_start3A_48 = arith.constant 0 : i32
      %dma_start3A_49 = tpu.memref_slice %arg15[%mul3A_0, %dma_start3A_48] : memref<10112x128xf32, #tpu.memory_space<vmem_shared>> -> memref<632x128xf32, #tpu.memory_space<vmem_shared>>
      tpu.enqueue_dma source(%dma_start3A_49 : memref<632x128xf32, #tpu.memory_space<vmem_shared>>) target(%dma_start3A_47 : memref<632x128xf32, #tpu.memory_space<hbm>>) target_semaphore(%run_scoped3A : memref<!tpu.dma_semaphore, #tpu.memory_space<semaphore_mem>>)
      %dma_wait3A_50 = arith.constant 0 : i32
      %dma_wait3A_51 = arith.constant 0 : i32
      %dma_wait3A_52 = tpu.memref_slice %arg6[%arg0, %dma_wait3A_50, %dma_wait3A_51] : memref<2x10112x128xf32, #tpu.memory_space<hbm>> -> memref<1x10112x128xf32, #tpu.memory_space<hbm>>
      %dma_wait3A_53 = tpu.memref_squeeze %dma_wait3A_52 : memref<1x10112x128xf32, #tpu.memory_space<hbm>> -> memref<10112x128xf32, #tpu.memory_space<hbm>>
      %dma_wait3A_54 = arith.constant 0 : i32
      %dma_wait3A_55 = tpu.memref_slice %dma_wait3A_53[%mul3A_0, %dma_wait3A_54] : memref<10112x128xf32, #tpu.memory_space<hbm>> -> memref<632x128xf32, #tpu.memory_space<hbm>>
      %dma_wait3A_56 = arith.constant 0 : i32
      %dma_wait3A_57 = tpu.memref_slice %arg15[%mul3A_0, %dma_wait3A_56] : memref<10112x128xf32, #tpu.memory_space<vmem_shared>> -> memref<632x128xf32, #tpu.memory_space<vmem_shared>>
      tpu.wait_dma2 semaphore(%run_scoped3A : memref<!tpu.dma_semaphore, #tpu.memory_space<semaphore_mem>>) src(%dma_wait3A_57 : memref<632x128xf32, #tpu.memory_space<vmem_shared>>) dst(%dma_wait3A_55 : memref<632x128xf32, #tpu.memory_space<hbm>>)
      tpu.yield
    }) : () -> ()
    return
  }
}

#map = affine_map<(d0, d1) -> (0, 0, 0)>
#map1 = affine_map<(d0, d1) -> (0, 0)>
module attributes {stable_mosaic.version = 14 : i64} {
  func.func @agg_kernel(%arg0: i32, %arg1: i32, %arg2: memref<2x10000x128xf32, #tpu.memory_space<hbm>>, %arg3: memref<1280x128xi32, #tpu.memory_space<hbm>>, %arg4: memref<1280x128xi32, #tpu.memory_space<hbm>>, %arg5: memref<632x128xf32, #tpu.memory_space<hbm>>, %arg6: memref<2x10112x128xf32, #tpu.memory_space<hbm>>, %arg7: memref<8x128xi32, #tpu.memory_space<vmem>>, %arg8: memref<8x128xi32, #tpu.memory_space<vmem>>, %arg9: memref<8x128xi32, #tpu.memory_space<vmem>>, %arg10: memref<8x128xi32, #tpu.memory_space<vmem>>, %arg11: memref<128x128xf32, #tpu.memory_space<vmem>>, %arg12: memref<128x128xf32, #tpu.memory_space<vmem>>, %arg13: memref<!tpu.dma_semaphore, #tpu.memory_space<semaphore_mem>>, %arg14: memref<!tpu.dma_semaphore, #tpu.memory_space<semaphore_mem>>, %arg15: memref<10112x128xf32, #tpu.memory_space<vmem_shared>>) attributes {dimension_semantics = [#tpu.dimension_semantics<core_parallel>, #tpu.dimension_semantics<subcore_parallel>], iteration_bounds = array<i64: 2, 16>, scalar_prefetch = 0 : i64, scratch_operands = 9 : i64, tpu.core_type = #tpu.core_type<sc_vector_subcore>, window_params = [{transform_indices = #map}, {transform_indices = #map1}, {transform_indices = #map1}, {transform_indices = #map1}, {transform_indices = #map}]} {
    %mul3A = arith.constant 632 : i32
    %mul3A_0 = arith.muli %arg1, %mul3A : i32
    %mul3A_1 = arith.constant 80 : i32
    %mul3A_2 = arith.muli %arg1, %mul3A_1 : i32
    "tpu.region"() ({
      %run_scoped3A = tpu.sem_alloc : memref<!tpu.dma_semaphore, #tpu.memory_space<semaphore_mem>>
      %dma_start3A_42 = arith.constant 0 : i32
      %dma_start3A_43 = tpu.memref_slice %arg15[%mul3A_0, %dma_start3A_42] : memref<10112x128xf32, #tpu.memory_space<vmem_shared>> -> memref<632x128xf32, #tpu.memory_space<vmem_shared>>
      tpu.enqueue_dma source(%arg5 : memref<632x128xf32, #tpu.memory_space<hbm>>) target(%dma_start3A_43 : memref<632x128xf32, #tpu.memory_space<vmem_shared>>) target_semaphore(%run_scoped3A : memref<!tpu.dma_semaphore, #tpu.memory_space<semaphore_mem>>)
      %dma_wait3A_44 = arith.constant 0 : i32
      %dma_wait3A_45 = tpu.memref_slice %arg15[%mul3A_0, %dma_wait3A_44] : memref<10112x128xf32, #tpu.memory_space<vmem_shared>> -> memref<632x128xf32, #tpu.memory_space<vmem_shared>>
      tpu.wait_dma2 semaphore(%run_scoped3A : memref<!tpu.dma_semaphore, #tpu.memory_space<semaphore_mem>>) src(%arg5 : memref<632x128xf32, #tpu.memory_space<hbm>>) dst(%dma_wait3A_45 : memref<632x128xf32, #tpu.memory_space<vmem_shared>>)
      tpu.yield
    }) : () -> ()
    "tpu.region"() ({
      %run_scoped3A = tpu.sem_alloc : memref<!tpu.dma_semaphore, #tpu.memory_space<semaphore_mem>>
      %dma_start3A_42 = arith.constant 0 : i32
      %dma_start3A_43 = tpu.memref_slice %arg3[%mul3A_2, %dma_start3A_42] : memref<1280x128xi32, #tpu.memory_space<hbm>> -> memref<8x128xi32, #tpu.memory_space<hbm>>
      %dma_start3A_44 = arith.constant 0 : i32
      %dma_start3A_45 = tpu.memref_slice %arg3[%mul3A_2, %dma_start3A_44] : memref<1280x128xi32, #tpu.memory_space<hbm>> -> memref<8x128xi32, #tpu.memory_space<hbm>>
      tpu.enqueue_dma source(%dma_start3A_45 : memref<8x128xi32, #tpu.memory_space<hbm>>) target(%arg7 : memref<8x128xi32, #tpu.memory_space<vmem>>) target_semaphore(%run_scoped3A : memref<!tpu.dma_semaphore, #tpu.memory_space<semaphore_mem>>)
      %dma_wait3A_46 = arith.constant 0 : i32
      %dma_wait3A_47 = tpu.memref_slice %arg3[%mul3A_2, %dma_wait3A_46] : memref<1280x128xi32, #tpu.memory_space<hbm>> -> memref<8x128xi32, #tpu.memory_space<hbm>>
      %dma_wait3A_48 = arith.constant 0 : i32
      %dma_wait3A_49 = tpu.memref_slice %arg3[%mul3A_2, %dma_wait3A_48] : memref<1280x128xi32, #tpu.memory_space<hbm>> -> memref<8x128xi32, #tpu.memory_space<hbm>>
      tpu.wait_dma2 semaphore(%run_scoped3A : memref<!tpu.dma_semaphore, #tpu.memory_space<semaphore_mem>>) src(%dma_wait3A_49 : memref<8x128xi32, #tpu.memory_space<hbm>>) dst(%arg7 : memref<8x128xi32, #tpu.memory_space<vmem>>)
      tpu.yield
    }) : () -> ()
    "tpu.region"() ({
      %run_scoped3A = tpu.sem_alloc : memref<!tpu.dma_semaphore, #tpu.memory_space<semaphore_mem>>
      %dma_start3A_42 = arith.constant 0 : i32
      %dma_start3A_43 = tpu.memref_slice %arg4[%mul3A_2, %dma_start3A_42] : memref<1280x128xi32, #tpu.memory_space<hbm>> -> memref<8x128xi32, #tpu.memory_space<hbm>>
      %dma_start3A_44 = arith.constant 0 : i32
      %dma_start3A_45 = tpu.memref_slice %arg4[%mul3A_2, %dma_start3A_44] : memref<1280x128xi32, #tpu.memory_space<hbm>> -> memref<8x128xi32, #tpu.memory_space<hbm>>
      tpu.enqueue_dma source(%dma_start3A_45 : memref<8x128xi32, #tpu.memory_space<hbm>>) target(%arg9 : memref<8x128xi32, #tpu.memory_space<vmem>>) target_semaphore(%run_scoped3A : memref<!tpu.dma_semaphore, #tpu.memory_space<semaphore_mem>>)
      %dma_wait3A_46 = arith.constant 0 : i32
      %dma_wait3A_47 = tpu.memref_slice %arg4[%mul3A_2, %dma_wait3A_46] : memref<1280x128xi32, #tpu.memory_space<hbm>> -> memref<8x128xi32, #tpu.memory_space<hbm>>
      %dma_wait3A_48 = arith.constant 0 : i32
      %dma_wait3A_49 = tpu.memref_slice %arg4[%mul3A_2, %dma_wait3A_48] : memref<1280x128xi32, #tpu.memory_space<hbm>> -> memref<8x128xi32, #tpu.memory_space<hbm>>
      tpu.wait_dma2 semaphore(%run_scoped3A : memref<!tpu.dma_semaphore, #tpu.memory_space<semaphore_mem>>) src(%dma_wait3A_49 : memref<8x128xi32, #tpu.memory_space<hbm>>) dst(%arg9 : memref<8x128xi32, #tpu.memory_space<vmem>>)
      tpu.yield
    }) : () -> ()
    %dma_start3A = arith.constant 0 : i32
    %dma_start3A_3 = arith.constant 0 : i32
    %dma_start3A_4 = tpu.memref_slice %arg7[%dma_start3A, %dma_start3A_3] : memref<8x128xi32, #tpu.memory_space<vmem>> -> memref<1x128xi32, #tpu.memory_space<vmem>>
    %dma_start3A_5 = tpu.memref_squeeze %dma_start3A_4 : memref<1x128xi32, #tpu.memory_space<vmem>> -> memref<128xi32, #tpu.memory_space<vmem>>
    %dma_start3A_6 = arith.constant 0 : i32
    %dma_start3A_7 = arith.constant 0 : i32
    %dma_start3A_8 = tpu.memref_slice %arg2[%arg0, %dma_start3A_6, %dma_start3A_7] : memref<2x10000x128xf32, #tpu.memory_space<hbm>> -> memref<1x10000x128xf32, #tpu.memory_space<hbm>>
    %dma_start3A_9 = tpu.memref_squeeze %dma_start3A_8 : memref<1x10000x128xf32, #tpu.memory_space<hbm>> -> memref<10000x128xf32, #tpu.memory_space<hbm>>
    %dma_start3A_10 = arith.constant 0 : i32
    %dma_start3A_11 = arith.constant 0 : i32
    %dma_start3A_12 = tpu.memref_slice %dma_start3A_9[%dma_start3A_10, %dma_start3A_11] : memref<10000x128xf32, #tpu.memory_space<hbm>> -> memref<10000x128xf32, #tpu.memory_space<hbm>>
    tpu.enqueue_indirect_dma source(%dma_start3A_12 : memref<10000x128xf32, #tpu.memory_space<hbm>>) target(%arg11 : memref<128x128xf32, #tpu.memory_space<vmem>>) offsets(%dma_start3A_5 : memref<128xi32, #tpu.memory_space<vmem>>) semaphore(%arg13 : memref<!tpu.dma_semaphore, #tpu.memory_space<semaphore_mem>>)
    "tpu.region"() ({
      %run_scoped3A = tpu.sem_alloc : memref<!tpu.dma_semaphore, #tpu.memory_space<semaphore_mem>>
      %dma_start3A_42 = arith.constant 0 : i32
      %dma_start3A_43 = arith.constant 0 : i32
      %dma_start3A_44 = tpu.memref_slice %arg5[%dma_start3A_42, %dma_start3A_43] : memref<632x128xf32, #tpu.memory_space<hbm>> -> memref<128x128xf32, #tpu.memory_space<hbm>>
      %dma_start3A_45 = arith.constant 0 : i32
      %dma_start3A_46 = arith.constant 0 : i32
      %dma_start3A_47 = tpu.memref_slice %arg5[%dma_start3A_45, %dma_start3A_46] : memref<632x128xf32, #tpu.memory_space<hbm>> -> memref<128x128xf32, #tpu.memory_space<hbm>>
      tpu.enqueue_dma source(%dma_start3A_47 : memref<128x128xf32, #tpu.memory_space<hbm>>) target(%arg12 : memref<128x128xf32, #tpu.memory_space<vmem>>) target_semaphore(%run_scoped3A : memref<!tpu.dma_semaphore, #tpu.memory_space<semaphore_mem>>)
      %dma_wait3A_48 = arith.constant 0 : i32
      %dma_wait3A_49 = arith.constant 0 : i32
      %dma_wait3A_50 = tpu.memref_slice %arg5[%dma_wait3A_48, %dma_wait3A_49] : memref<632x128xf32, #tpu.memory_space<hbm>> -> memref<128x128xf32, #tpu.memory_space<hbm>>
      %dma_wait3A_51 = arith.constant 0 : i32
      %dma_wait3A_52 = arith.constant 0 : i32
      %dma_wait3A_53 = tpu.memref_slice %arg5[%dma_wait3A_51, %dma_wait3A_52] : memref<632x128xf32, #tpu.memory_space<hbm>> -> memref<128x128xf32, #tpu.memory_space<hbm>>
      tpu.wait_dma2 semaphore(%run_scoped3A : memref<!tpu.dma_semaphore, #tpu.memory_space<semaphore_mem>>) src(%dma_wait3A_53 : memref<128x128xf32, #tpu.memory_space<hbm>>) dst(%arg12 : memref<128x128xf32, #tpu.memory_space<vmem>>)
      tpu.yield
    }) : () -> ()
    %dma_start3A_13 = arith.constant 0 : i32
    %dma_start3A_14 = arith.constant 0 : i32
    %dma_start3A_15 = tpu.memref_slice %arg9[%dma_start3A_13, %dma_start3A_14] : memref<8x128xi32, #tpu.memory_space<vmem>> -> memref<1x128xi32, #tpu.memory_space<vmem>>
    %dma_start3A_16 = tpu.memref_squeeze %dma_start3A_15 : memref<1x128xi32, #tpu.memory_space<vmem>> -> memref<128xi32, #tpu.memory_space<vmem>>
    %dma_start3A_17 = arith.constant 0 : i32
    %dma_start3A_18 = arith.constant 0 : i32
    %dma_start3A_19 = tpu.memref_slice %arg15[%dma_start3A_17, %dma_start3A_18] : memref<10112x128xf32, #tpu.memory_space<vmem_shared>> -> memref<10112x128xf32, #tpu.memory_space<vmem_shared>>
    tpu.enqueue_indirect_dma source(%arg12 : memref<128x128xf32, #tpu.memory_space<vmem>>) target(%dma_start3A_19 : memref<10112x128xf32, #tpu.memory_space<vmem_shared>>) offsets(%dma_start3A_16 : memref<128xi32, #tpu.memory_space<vmem>>) semaphore(%arg14 : memref<!tpu.dma_semaphore, #tpu.memory_space<semaphore_mem>>) {add = true}
    %barrier3A = arith.constant 0 : index
    tpu.barrier barrier_id(%barrier3A)
    %scan3A = arith.constant 0 : i32
    %scan3A_20 = arith.constant 5 : i32
    %scan3A_21 = arith.addi %scan3A, %scan3A_20 : i32
    %scan3A_22 = arith.constant 1 : i32
    scf.for %scan3A_42 = %scan3A to %scan3A_21 step %scan3A_22  : i32 {
      %mul3A_43 = arith.constant 1 : i32
      %mul3A_44 = arith.muli %scan3A_42, %mul3A_43 : i32
      %add3A = arith.constant 0 : i32
      %add3A_45 = arith.addi %add3A, %mul3A_44 : i32
      %mul3A_46 = arith.constant 2 : i32
      %mul3A_47 = arith.muli %add3A_45, %mul3A_46 : i32
      %add3A_48 = arith.constant 0 : i32
      %add3A_49 = arith.addi %mul3A_47, %add3A_48 : i32
      %add3A_50 = arith.constant 1 : i32
      %add3A_51 = arith.addi %add3A_49, %add3A_50 : i32
      %ge3A = arith.constant 10 : i32
      %ge3A_52 = arith.cmpi sge, %add3A_51, %ge3A : i32
      %jit3A = arith.constant 0 : i32
      %select_n3A = arith.select %ge3A_52, %jit3A, %add3A_51 : i32
      %mul3A_53 = arith.constant 8 : i32
      %mul3A_54 = arith.muli %select_n3A, %mul3A_53 : i32
      %add3A_55 = arith.addi %mul3A_2, %mul3A_54 : i32
      "tpu.region"() ({
        %run_scoped3A = tpu.sem_alloc : memref<!tpu.dma_semaphore, #tpu.memory_space<semaphore_mem>>
        %dma_start3A_649 = arith.constant 0 : i32
        %dma_start3A_650 = tpu.memref_slice %arg3[%add3A_55, %dma_start3A_649] : memref<1280x128xi32, #tpu.memory_space<hbm>> -> memref<8x128xi32, #tpu.memory_space<hbm>>
        %dma_start3A_651 = arith.constant 0 : i32
        %dma_start3A_652 = tpu.memref_slice %arg3[%add3A_55, %dma_start3A_651] : memref<1280x128xi32, #tpu.memory_space<hbm>> -> memref<8x128xi32, #tpu.memory_space<hbm>>
        tpu.enqueue_dma source(%dma_start3A_652 : memref<8x128xi32, #tpu.memory_space<hbm>>) target(%arg8 : memref<8x128xi32, #tpu.memory_space<vmem>>) target_semaphore(%run_scoped3A : memref<!tpu.dma_semaphore, #tpu.memory_space<semaphore_mem>>)
        %dma_wait3A_653 = arith.constant 0 : i32
        %dma_wait3A_654 = tpu.memref_slice %arg3[%add3A_55, %dma_wait3A_653] : memref<1280x128xi32, #tpu.memory_space<hbm>> -> memref<8x128xi32, #tpu.memory_space<hbm>>
        %dma_wait3A_655 = arith.constant 0 : i32
        %dma_wait3A_656 = tpu.memref_slice %arg3[%add3A_55, %dma_wait3A_655] : memref<1280x128xi32, #tpu.memory_space<hbm>> -> memref<8x128xi32, #tpu.memory_space<hbm>>
        tpu.wait_dma2 semaphore(%run_scoped3A : memref<!tpu.dma_semaphore, #tpu.memory_space<semaphore_mem>>) src(%dma_wait3A_656 : memref<8x128xi32, #tpu.memory_space<hbm>>) dst(%arg8 : memref<8x128xi32, #tpu.memory_space<vmem>>)
        tpu.yield
      }) : () -> ()
      %mul3A_56 = arith.constant 8 : i32
      %mul3A_57 = arith.muli %select_n3A, %mul3A_56 : i32
      %add3A_58 = arith.addi %mul3A_2, %mul3A_57 : i32
      "tpu.region"() ({
        %run_scoped3A = tpu.sem_alloc : memref<!tpu.dma_semaphore, #tpu.memory_space<semaphore_mem>>
        %dma_start3A_649 = arith.constant 0 : i32
        %dma_start3A_650 = tpu.memref_slice %arg4[%add3A_58, %dma_start3A_649] : memref<1280x128xi32, #tpu.memory_space<hbm>> -> memref<8x128xi32, #tpu.memory_space<hbm>>
        %dma_start3A_651 = arith.constant 0 : i32
        %dma_start3A_652 = tpu.memref_slice %arg4[%add3A_58, %dma_start3A_651] : memref<1280x128xi32, #tpu.memory_space<hbm>> -> memref<8x128xi32, #tpu.memory_space<hbm>>
        tpu.enqueue_dma source(%dma_start3A_652 : memref<8x128xi32, #tpu.memory_space<hbm>>) target(%arg10 : memref<8x128xi32, #tpu.memory_space<vmem>>) target_semaphore(%run_scoped3A : memref<!tpu.dma_semaphore, #tpu.memory_space<semaphore_mem>>)
        %dma_wait3A_653 = arith.constant 0 : i32
        %dma_wait3A_654 = tpu.memref_slice %arg4[%add3A_58, %dma_wait3A_653] : memref<1280x128xi32, #tpu.memory_space<hbm>> -> memref<8x128xi32, #tpu.memory_space<hbm>>
        %dma_wait3A_655 = arith.constant 0 : i32
        %dma_wait3A_656 = tpu.memref_slice %arg4[%add3A_58, %dma_wait3A_655] : memref<1280x128xi32, #tpu.memory_space<hbm>> -> memref<8x128xi32, #tpu.memory_space<hbm>>
        tpu.wait_dma2 semaphore(%run_scoped3A : memref<!tpu.dma_semaphore, #tpu.memory_space<semaphore_mem>>) src(%dma_wait3A_656 : memref<8x128xi32, #tpu.memory_space<hbm>>) dst(%arg10 : memref<8x128xi32, #tpu.memory_space<vmem>>)
        tpu.yield
      }) : () -> ()
      %dma_wait3A_59 = arith.constant 0 : i32
      %dma_wait3A_60 = arith.constant 0 : i32
      %dma_wait3A_61 = tpu.memref_slice %arg7[%dma_wait3A_59, %dma_wait3A_60] : memref<8x128xi32, #tpu.memory_space<vmem>> -> memref<1x128xi32, #tpu.memory_space<vmem>>
      %dma_wait3A_62 = tpu.memref_squeeze %dma_wait3A_61 : memref<1x128xi32, #tpu.memory_space<vmem>> -> memref<128xi32, #tpu.memory_space<vmem>>
      %dma_wait3A_63 = arith.constant 0 : i32
      %dma_wait3A_64 = arith.constant 0 : i32
      %dma_wait3A_65 = tpu.memref_slice %arg2[%arg0, %dma_wait3A_63, %dma_wait3A_64] : memref<2x10000x128xf32, #tpu.memory_space<hbm>> -> memref<1x10000x128xf32, #tpu.memory_space<hbm>>
      %dma_wait3A_66 = tpu.memref_squeeze %dma_wait3A_65 : memref<1x10000x128xf32, #tpu.memory_space<hbm>> -> memref<10000x128xf32, #tpu.memory_space<hbm>>
      %dma_wait3A_67 = arith.constant 0 : i32
      %dma_wait3A_68 = arith.constant 0 : i32
      %dma_wait3A_69 = tpu.memref_slice %dma_wait3A_66[%dma_wait3A_67, %dma_wait3A_68] : memref<10000x128xf32, #tpu.memory_space<hbm>> -> memref<10000x128xf32, #tpu.memory_space<hbm>>
      tpu.wait_indirect_dma semaphore(%arg13 : memref<!tpu.dma_semaphore, #tpu.memory_space<semaphore_mem>>) src(%dma_wait3A_69 : memref<10000x128xf32, #tpu.memory_space<hbm>>) dst(%arg11 : memref<128x128xf32, #tpu.memory_space<vmem>>)
      %dma_start3A_70 = arith.constant 0 : i32
      %dma_start3A_71 = arith.constant 0 : i32
      %dma_start3A_72 = tpu.memref_slice %arg9[%dma_start3A_70, %dma_start3A_71] : memref<8x128xi32, #tpu.memory_space<vmem>> -> memref<1x128xi32, #tpu.memory_space<vmem>>
      %dma_start3A_73 = tpu.memref_squeeze %dma_start3A_72 : memref<1x128xi32, #tpu.memory_space<vmem>> -> memref<128xi32, #tpu.memory_space<vmem>>
      %dma_start3A_74 = arith.constant 0 : i32
      %dma_start3A_75 = arith.constant 0 : i32
      %dma_start3A_76 = tpu.memref_slice %arg15[%dma_start3A_74, %dma_start3A_75] : memref<10112x128xf32, #tpu.memory_space<vmem_shared>> -> memref<10112x128xf32, #tpu.memory_space<vmem_shared>>
      tpu.enqueue_indirect_dma source(%arg11 : memref<128x128xf32, #tpu.memory_space<vmem>>) target(%dma_start3A_76 : memref<10112x128xf32, #tpu.memory_space<vmem_shared>>) offsets(%dma_start3A_73 : memref<128xi32, #tpu.memory_space<vmem>>) semaphore(%arg14 : memref<!tpu.dma_semaphore, #tpu.memory_space<semaphore_mem>>) {add = true}
      %dma_wait3A_77 = arith.constant 0 : i32
      %dma_wait3A_78 = arith.constant 0 : i32
      %dma_wait3A_79 = tpu.memref_slice %arg9[%dma_wait3A_77, %dma_wait3A_78] : memref<8x128xi32, #tpu.memory_space<vmem>> -> memref<1x128xi32, #tpu.memory_space<vmem>>
      %dma_wait3A_80 = tpu.memref_squeeze %dma_wait3A_79 : memref<1x128xi32, #tpu.memory_space<vmem>> -> memref<128xi32, #tpu.memory_space<vmem>>
      %dma_wait3A_81 = arith.constant 0 : i32
      %dma_wait3A_82 = arith.constant 0 : i32
      %dma_wait3A_83 = tpu.memref_slice %arg15[%dma_wait3A_81, %dma_wait3A_82] : memref<10112x128xf32, #tpu.memory_space<vmem_shared>> -> memref<10112x128xf32, #tpu.memory_space<vmem_shared>>
      tpu.wait_indirect_dma semaphore(%arg14 : memref<!tpu.dma_semaphore, #tpu.memory_space<semaphore_mem>>) src(%arg12 : memref<128x128xf32, #tpu.memory_space<vmem>>) dst(%dma_wait3A_83 : memref<10112x128xf32, #tpu.memory_space<vmem_shared>>)
      %dma_start3A_84 = arith.constant 1 : i32
      %dma_start3A_85 = arith.constant 0 : i32
      %dma_start3A_86 = tpu.memref_slice %arg7[%dma_start3A_84, %dma_start3A_85] : memref<8x128xi32, #tpu.memory_space<vmem>> -> memref<1x128xi32, #tpu.memory_space<vmem>>
      %dma_start3A_87 = tpu.memref_squeeze %dma_start3A_86 : memref<1x128xi32, #tpu.memory_space<vmem>> -> memref<128xi32, #tpu.memory_space<vmem>>
      %dma_start3A_88 = arith.constant 0 : i32
      %dma_start3A_89 = arith.constant 0 : i32
      %dma_start3A_90 = tpu.memref_slice %arg2[%arg0, %dma_start3A_88, %dma_start3A_89] : memref<2x10000x128xf32, #tpu.memory_space<hbm>> -> memref<1x10000x128xf32, #tpu.memory_space<hbm>>
      %dma_start3A_91 = tpu.memref_squeeze %dma_start3A_90 : memref<1x10000x128xf32, #tpu.memory_space<hbm>> -> memref<10000x128xf32, #tpu.memory_space<hbm>>
      %dma_start3A_92 = arith.constant 0 : i32
      %dma_start3A_93 = arith.constant 0 : i32
      %dma_start3A_94 = tpu.memref_slice %dma_start3A_91[%dma_start3A_92, %dma_start3A_93] : memref<10000x128xf32, #tpu.memory_space<hbm>> -> memref<10000x128xf32, #tpu.memory_space<hbm>>
      tpu.enqueue_indirect_dma source(%dma_start3A_94 : memref<10000x128xf32, #tpu.memory_space<hbm>>) target(%arg12 : memref<128x128xf32, #tpu.memory_space<vmem>>) offsets(%dma_start3A_87 : memref<128xi32, #tpu.memory_space<vmem>>) semaphore(%arg13 : memref<!tpu.dma_semaphore, #tpu.memory_space<semaphore_mem>>)
      %dma_wait3A_95 = arith.constant 1 : i32
      %dma_wait3A_96 = arith.constant 0 : i32
      %dma_wait3A_97 = tpu.memref_slice %arg7[%dma_wait3A_95, %dma_wait3A_96] : memref<8x128xi32, #tpu.memory_space<vmem>> -> memref<1x128xi32, #tpu.memory_space<vmem>>
      %dma_wait3A_98 = tpu.memref_squeeze %dma_wait3A_97 : memref<1x128xi32, #tpu.memory_space<vmem>> -> memref<128xi32, #tpu.memory_space<vmem>>
      %dma_wait3A_99 = arith.constant 0 : i32
      %dma_wait3A_100 = arith.constant 0 : i32
      %dma_wait3A_101 = tpu.memref_slice %arg2[%arg0, %dma_wait3A_99, %dma_wait3A_100] : memref<2x10000x128xf32, #tpu.memory_space<hbm>> -> memref<1x10000x128xf32, #tpu.memory_space<hbm>>
      %dma_wait3A_102 = tpu.memref_squeeze %dma_wait3A_101 : memref<1x10000x128xf32, #tpu.memory_space<hbm>> -> memref<10000x128xf32, #tpu.memory_space<hbm>>
      %dma_wait3A_103 = arith.constant 0 : i32
      %dma_wait3A_104 = arith.constant 0 : i32
      %dma_wait3A_105 = tpu.memref_slice %dma_wait3A_102[%dma_wait3A_103, %dma_wait3A_104] : memref<10000x128xf32, #tpu.memory_space<hbm>> -> memref<10000x128xf32, #tpu.memory_space<hbm>>
      tpu.wait_indirect_dma semaphore(%arg13 : memref<!tpu.dma_semaphore, #tpu.memory_space<semaphore_mem>>) src(%dma_wait3A_105 : memref<10000x128xf32, #tpu.memory_space<hbm>>) dst(%arg12 : memref<128x128xf32, #tpu.memory_space<vmem>>)
      %dma_start3A_106 = arith.constant 1 : i32
      %dma_start3A_107 = arith.constant 0 : i32
      %dma_start3A_108 = tpu.memref_slice %arg9[%dma_start3A_106, %dma_start3A_107] : memref<8x128xi32, #tpu.memory_space<vmem>> -> memref<1x128xi32, #tpu.memory_space<vmem>>
      %dma_start3A_109 = tpu.memref_squeeze %dma_start3A_108 : memref<1x128xi32, #tpu.memory_space<vmem>> -> memref<128xi32, #tpu.memory_space<vmem>>
      %dma_start3A_110 = arith.constant 0 : i32
      %dma_start3A_111 = arith.constant 0 : i32
      %dma_start3A_112 = tpu.memref_slice %arg15[%dma_start3A_110, %dma_start3A_111] : memref<10112x128xf32, #tpu.memory_space<vmem_shared>> -> memref<10112x128xf32, #tpu.memory_space<vmem_shared>>
      tpu.enqueue_indirect_dma source(%arg12 : memref<128x128xf32, #tpu.memory_space<vmem>>) target(%dma_start3A_112 : memref<10112x128xf32, #tpu.memory_space<vmem_shared>>) offsets(%dma_start3A_109 : memref<128xi32, #tpu.memory_space<vmem>>) semaphore(%arg14 : memref<!tpu.dma_semaphore, #tpu.memory_space<semaphore_mem>>) {add = true}
      %dma_wait3A_113 = arith.constant 1 : i32
      %dma_wait3A_114 = arith.constant 0 : i32
      %dma_wait3A_115 = tpu.memref_slice %arg9[%dma_wait3A_113, %dma_wait3A_114] : memref<8x128xi32, #tpu.memory_space<vmem>> -> memref<1x128xi32, #tpu.memory_space<vmem>>
      %dma_wait3A_116 = tpu.memref_squeeze %dma_wait3A_115 : memref<1x128xi32, #tpu.memory_space<vmem>> -> memref<128xi32, #tpu.memory_space<vmem>>
      %dma_wait3A_117 = arith.constant 0 : i32
      %dma_wait3A_118 = arith.constant 0 : i32
      %dma_wait3A_119 = tpu.memref_slice %arg15[%dma_wait3A_117, %dma_wait3A_118] : memref<10112x128xf32, #tpu.memory_space<vmem_shared>> -> memref<10112x128xf32, #tpu.memory_space<vmem_shared>>
      tpu.wait_indirect_dma semaphore(%arg14 : memref<!tpu.dma_semaphore, #tpu.memory_space<semaphore_mem>>) src(%arg11 : memref<128x128xf32, #tpu.memory_space<vmem>>) dst(%dma_wait3A_119 : memref<10112x128xf32, #tpu.memory_space<vmem_shared>>)
      %dma_start3A_120 = arith.constant 2 : i32
      %dma_start3A_121 = arith.constant 0 : i32
      %dma_start3A_122 = tpu.memref_slice %arg7[%dma_start3A_120, %dma_start3A_121] : memref<8x128xi32, #tpu.memory_space<vmem>> -> memref<1x128xi32, #tpu.memory_space<vmem>>
      %dma_start3A_123 = tpu.memref_squeeze %dma_start3A_122 : memref<1x128xi32, #tpu.memory_space<vmem>> -> memref<128xi32, #tpu.memory_space<vmem>>
      %dma_start3A_124 = arith.constant 0 : i32
      %dma_start3A_125 = arith.constant 0 : i32
      %dma_start3A_126 = tpu.memref_slice %arg2[%arg0, %dma_start3A_124, %dma_start3A_125] : memref<2x10000x128xf32, #tpu.memory_space<hbm>> -> memref<1x10000x128xf32, #tpu.memory_space<hbm>>
      %dma_start3A_127 = tpu.memref_squeeze %dma_start3A_126 : memref<1x10000x128xf32, #tpu.memory_space<hbm>> -> memref<10000x128xf32, #tpu.memory_space<hbm>>
      %dma_start3A_128 = arith.constant 0 : i32
      %dma_start3A_129 = arith.constant 0 : i32
      %dma_start3A_130 = tpu.memref_slice %dma_start3A_127[%dma_start3A_128, %dma_start3A_129] : memref<10000x128xf32, #tpu.memory_space<hbm>> -> memref<10000x128xf32, #tpu.memory_space<hbm>>
      tpu.enqueue_indirect_dma source(%dma_start3A_130 : memref<10000x128xf32, #tpu.memory_space<hbm>>) target(%arg11 : memref<128x128xf32, #tpu.memory_space<vmem>>) offsets(%dma_start3A_123 : memref<128xi32, #tpu.memory_space<vmem>>) semaphore(%arg13 : memref<!tpu.dma_semaphore, #tpu.memory_space<semaphore_mem>>)
      %dma_wait3A_131 = arith.constant 2 : i32
      %dma_wait3A_132 = arith.constant 0 : i32
      %dma_wait3A_133 = tpu.memref_slice %arg7[%dma_wait3A_131, %dma_wait3A_132] : memref<8x128xi32, #tpu.memory_space<vmem>> -> memref<1x128xi32, #tpu.memory_space<vmem>>
      %dma_wait3A_134 = tpu.memref_squeeze %dma_wait3A_133 : memref<1x128xi32, #tpu.memory_space<vmem>> -> memref<128xi32, #tpu.memory_space<vmem>>
      %dma_wait3A_135 = arith.constant 0 : i32
      %dma_wait3A_136 = arith.constant 0 : i32
      %dma_wait3A_137 = tpu.memref_slice %arg2[%arg0, %dma_wait3A_135, %dma_wait3A_136] : memref<2x10000x128xf32, #tpu.memory_space<hbm>> -> memref<1x10000x128xf32, #tpu.memory_space<hbm>>
      %dma_wait3A_138 = tpu.memref_squeeze %dma_wait3A_137 : memref<1x10000x128xf32, #tpu.memory_space<hbm>> -> memref<10000x128xf32, #tpu.memory_space<hbm>>
      %dma_wait3A_139 = arith.constant 0 : i32
      %dma_wait3A_140 = arith.constant 0 : i32
      %dma_wait3A_141 = tpu.memref_slice %dma_wait3A_138[%dma_wait3A_139, %dma_wait3A_140] : memref<10000x128xf32, #tpu.memory_space<hbm>> -> memref<10000x128xf32, #tpu.memory_space<hbm>>
      tpu.wait_indirect_dma semaphore(%arg13 : memref<!tpu.dma_semaphore, #tpu.memory_space<semaphore_mem>>) src(%dma_wait3A_141 : memref<10000x128xf32, #tpu.memory_space<hbm>>) dst(%arg11 : memref<128x128xf32, #tpu.memory_space<vmem>>)
      %dma_start3A_142 = arith.constant 2 : i32
      %dma_start3A_143 = arith.constant 0 : i32
      %dma_start3A_144 = tpu.memref_slice %arg9[%dma_start3A_142, %dma_start3A_143] : memref<8x128xi32, #tpu.memory_space<vmem>> -> memref<1x128xi32, #tpu.memory_space<vmem>>
      %dma_start3A_145 = tpu.memref_squeeze %dma_start3A_144 : memref<1x128xi32, #tpu.memory_space<vmem>> -> memref<128xi32, #tpu.memory_space<vmem>>
      %dma_start3A_146 = arith.constant 0 : i32
      %dma_start3A_147 = arith.constant 0 : i32
      %dma_start3A_148 = tpu.memref_slice %arg15[%dma_start3A_146, %dma_start3A_147] : memref<10112x128xf32, #tpu.memory_space<vmem_shared>> -> memref<10112x128xf32, #tpu.memory_space<vmem_shared>>
      tpu.enqueue_indirect_dma source(%arg11 : memref<128x128xf32, #tpu.memory_space<vmem>>) target(%dma_start3A_148 : memref<10112x128xf32, #tpu.memory_space<vmem_shared>>) offsets(%dma_start3A_145 : memref<128xi32, #tpu.memory_space<vmem>>) semaphore(%arg14 : memref<!tpu.dma_semaphore, #tpu.memory_space<semaphore_mem>>) {add = true}
      %dma_wait3A_149 = arith.constant 2 : i32
      %dma_wait3A_150 = arith.constant 0 : i32
      %dma_wait3A_151 = tpu.memref_slice %arg9[%dma_wait3A_149, %dma_wait3A_150] : memref<8x128xi32, #tpu.memory_space<vmem>> -> memref<1x128xi32, #tpu.memory_space<vmem>>
      %dma_wait3A_152 = tpu.memref_squeeze %dma_wait3A_151 : memref<1x128xi32, #tpu.memory_space<vmem>> -> memref<128xi32, #tpu.memory_space<vmem>>
      %dma_wait3A_153 = arith.constant 0 : i32
      %dma_wait3A_154 = arith.constant 0 : i32
      %dma_wait3A_155 = tpu.memref_slice %arg15[%dma_wait3A_153, %dma_wait3A_154] : memref<10112x128xf32, #tpu.memory_space<vmem_shared>> -> memref<10112x128xf32, #tpu.memory_space<vmem_shared>>
      tpu.wait_indirect_dma semaphore(%arg14 : memref<!tpu.dma_semaphore, #tpu.memory_space<semaphore_mem>>) src(%arg12 : memref<128x128xf32, #tpu.memory_space<vmem>>) dst(%dma_wait3A_155 : memref<10112x128xf32, #tpu.memory_space<vmem_shared>>)
      %dma_start3A_156 = arith.constant 3 : i32
      %dma_start3A_157 = arith.constant 0 : i32
      %dma_start3A_158 = tpu.memref_slice %arg7[%dma_start3A_156, %dma_start3A_157] : memref<8x128xi32, #tpu.memory_space<vmem>> -> memref<1x128xi32, #tpu.memory_space<vmem>>
      %dma_start3A_159 = tpu.memref_squeeze %dma_start3A_158 : memref<1x128xi32, #tpu.memory_space<vmem>> -> memref<128xi32, #tpu.memory_space<vmem>>
      %dma_start3A_160 = arith.constant 0 : i32
      %dma_start3A_161 = arith.constant 0 : i32
      %dma_start3A_162 = tpu.memref_slice %arg2[%arg0, %dma_start3A_160, %dma_start3A_161] : memref<2x10000x128xf32, #tpu.memory_space<hbm>> -> memref<1x10000x128xf32, #tpu.memory_space<hbm>>
      %dma_start3A_163 = tpu.memref_squeeze %dma_start3A_162 : memref<1x10000x128xf32, #tpu.memory_space<hbm>> -> memref<10000x128xf32, #tpu.memory_space<hbm>>
      %dma_start3A_164 = arith.constant 0 : i32
      %dma_start3A_165 = arith.constant 0 : i32
      %dma_start3A_166 = tpu.memref_slice %dma_start3A_163[%dma_start3A_164, %dma_start3A_165] : memref<10000x128xf32, #tpu.memory_space<hbm>> -> memref<10000x128xf32, #tpu.memory_space<hbm>>
      tpu.enqueue_indirect_dma source(%dma_start3A_166 : memref<10000x128xf32, #tpu.memory_space<hbm>>) target(%arg12 : memref<128x128xf32, #tpu.memory_space<vmem>>) offsets(%dma_start3A_159 : memref<128xi32, #tpu.memory_space<vmem>>) semaphore(%arg13 : memref<!tpu.dma_semaphore, #tpu.memory_space<semaphore_mem>>)
      %dma_wait3A_167 = arith.constant 3 : i32
      %dma_wait3A_168 = arith.constant 0 : i32
      %dma_wait3A_169 = tpu.memref_slice %arg7[%dma_wait3A_167, %dma_wait3A_168] : memref<8x128xi32, #tpu.memory_space<vmem>> -> memref<1x128xi32, #tpu.memory_space<vmem>>
      %dma_wait3A_170 = tpu.memref_squeeze %dma_wait3A_169 : memref<1x128xi32, #tpu.memory_space<vmem>> -> memref<128xi32, #tpu.memory_space<vmem>>
      %dma_wait3A_171 = arith.constant 0 : i32
      %dma_wait3A_172 = arith.constant 0 : i32
      %dma_wait3A_173 = tpu.memref_slice %arg2[%arg0, %dma_wait3A_171, %dma_wait3A_172] : memref<2x10000x128xf32, #tpu.memory_space<hbm>> -> memref<1x10000x128xf32, #tpu.memory_space<hbm>>
      %dma_wait3A_174 = tpu.memref_squeeze %dma_wait3A_173 : memref<1x10000x128xf32, #tpu.memory_space<hbm>> -> memref<10000x128xf32, #tpu.memory_space<hbm>>
      %dma_wait3A_175 = arith.constant 0 : i32
      %dma_wait3A_176 = arith.constant 0 : i32
      %dma_wait3A_177 = tpu.memref_slice %dma_wait3A_174[%dma_wait3A_175, %dma_wait3A_176] : memref<10000x128xf32, #tpu.memory_space<hbm>> -> memref<10000x128xf32, #tpu.memory_space<hbm>>
      tpu.wait_indirect_dma semaphore(%arg13 : memref<!tpu.dma_semaphore, #tpu.memory_space<semaphore_mem>>) src(%dma_wait3A_177 : memref<10000x128xf32, #tpu.memory_space<hbm>>) dst(%arg12 : memref<128x128xf32, #tpu.memory_space<vmem>>)
      %dma_start3A_178 = arith.constant 3 : i32
      %dma_start3A_179 = arith.constant 0 : i32
      %dma_start3A_180 = tpu.memref_slice %arg9[%dma_start3A_178, %dma_start3A_179] : memref<8x128xi32, #tpu.memory_space<vmem>> -> memref<1x128xi32, #tpu.memory_space<vmem>>
      %dma_start3A_181 = tpu.memref_squeeze %dma_start3A_180 : memref<1x128xi32, #tpu.memory_space<vmem>> -> memref<128xi32, #tpu.memory_space<vmem>>
      %dma_start3A_182 = arith.constant 0 : i32
      %dma_start3A_183 = arith.constant 0 : i32
      %dma_start3A_184 = tpu.memref_slice %arg15[%dma_start3A_182, %dma_start3A_183] : memref<10112x128xf32, #tpu.memory_space<vmem_shared>> -> memref<10112x128xf32, #tpu.memory_space<vmem_shared>>
      tpu.enqueue_indirect_dma source(%arg12 : memref<128x128xf32, #tpu.memory_space<vmem>>) target(%dma_start3A_184 : memref<10112x128xf32, #tpu.memory_space<vmem_shared>>) offsets(%dma_start3A_181 : memref<128xi32, #tpu.memory_space<vmem>>) semaphore(%arg14 : memref<!tpu.dma_semaphore, #tpu.memory_space<semaphore_mem>>) {add = true}
      %dma_wait3A_185 = arith.constant 3 : i32
      %dma_wait3A_186 = arith.constant 0 : i32
      %dma_wait3A_187 = tpu.memref_slice %arg9[%dma_wait3A_185, %dma_wait3A_186] : memref<8x128xi32, #tpu.memory_space<vmem>> -> memref<1x128xi32, #tpu.memory_space<vmem>>
      %dma_wait3A_188 = tpu.memref_squeeze %dma_wait3A_187 : memref<1x128xi32, #tpu.memory_space<vmem>> -> memref<128xi32, #tpu.memory_space<vmem>>
      %dma_wait3A_189 = arith.constant 0 : i32
      %dma_wait3A_190 = arith.constant 0 : i32
      %dma_wait3A_191 = tpu.memref_slice %arg15[%dma_wait3A_189, %dma_wait3A_190] : memref<10112x128xf32, #tpu.memory_space<vmem_shared>> -> memref<10112x128xf32, #tpu.memory_space<vmem_shared>>
      tpu.wait_indirect_dma semaphore(%arg14 : memref<!tpu.dma_semaphore, #tpu.memory_space<semaphore_mem>>) src(%arg11 : memref<128x128xf32, #tpu.memory_space<vmem>>) dst(%dma_wait3A_191 : memref<10112x128xf32, #tpu.memory_space<vmem_shared>>)
      %dma_start3A_192 = arith.constant 4 : i32
      %dma_start3A_193 = arith.constant 0 : i32
      %dma_start3A_194 = tpu.memref_slice %arg7[%dma_start3A_192, %dma_start3A_193] : memref<8x128xi32, #tpu.memory_space<vmem>> -> memref<1x128xi32, #tpu.memory_space<vmem>>
      %dma_start3A_195 = tpu.memref_squeeze %dma_start3A_194 : memref<1x128xi32, #tpu.memory_space<vmem>> -> memref<128xi32, #tpu.memory_space<vmem>>
      %dma_start3A_196 = arith.constant 0 : i32
      %dma_start3A_197 = arith.constant 0 : i32
      %dma_start3A_198 = tpu.memref_slice %arg2[%arg0, %dma_start3A_196, %dma_start3A_197] : memref<2x10000x128xf32, #tpu.memory_space<hbm>> -> memref<1x10000x128xf32, #tpu.memory_space<hbm>>
      %dma_start3A_199 = tpu.memref_squeeze %dma_start3A_198 : memref<1x10000x128xf32, #tpu.memory_space<hbm>> -> memref<10000x128xf32, #tpu.memory_space<hbm>>
      %dma_start3A_200 = arith.constant 0 : i32
      %dma_start3A_201 = arith.constant 0 : i32
      %dma_start3A_202 = tpu.memref_slice %dma_start3A_199[%dma_start3A_200, %dma_start3A_201] : memref<10000x128xf32, #tpu.memory_space<hbm>> -> memref<10000x128xf32, #tpu.memory_space<hbm>>
      tpu.enqueue_indirect_dma source(%dma_start3A_202 : memref<10000x128xf32, #tpu.memory_space<hbm>>) target(%arg11 : memref<128x128xf32, #tpu.memory_space<vmem>>) offsets(%dma_start3A_195 : memref<128xi32, #tpu.memory_space<vmem>>) semaphore(%arg13 : memref<!tpu.dma_semaphore, #tpu.memory_space<semaphore_mem>>)
      %dma_wait3A_203 = arith.constant 4 : i32
      %dma_wait3A_204 = arith.constant 0 : i32
      %dma_wait3A_205 = tpu.memref_slice %arg7[%dma_wait3A_203, %dma_wait3A_204] : memref<8x128xi32, #tpu.memory_space<vmem>> -> memref<1x128xi32, #tpu.memory_space<vmem>>
      %dma_wait3A_206 = tpu.memref_squeeze %dma_wait3A_205 : memref<1x128xi32, #tpu.memory_space<vmem>> -> memref<128xi32, #tpu.memory_space<vmem>>
      %dma_wait3A_207 = arith.constant 0 : i32
      %dma_wait3A_208 = arith.constant 0 : i32
      %dma_wait3A_209 = tpu.memref_slice %arg2[%arg0, %dma_wait3A_207, %dma_wait3A_208] : memref<2x10000x128xf32, #tpu.memory_space<hbm>> -> memref<1x10000x128xf32, #tpu.memory_space<hbm>>
      %dma_wait3A_210 = tpu.memref_squeeze %dma_wait3A_209 : memref<1x10000x128xf32, #tpu.memory_space<hbm>> -> memref<10000x128xf32, #tpu.memory_space<hbm>>
      %dma_wait3A_211 = arith.constant 0 : i32
      %dma_wait3A_212 = arith.constant 0 : i32
      %dma_wait3A_213 = tpu.memref_slice %dma_wait3A_210[%dma_wait3A_211, %dma_wait3A_212] : memref<10000x128xf32, #tpu.memory_space<hbm>> -> memref<10000x128xf32, #tpu.memory_space<hbm>>
      tpu.wait_indirect_dma semaphore(%arg13 : memref<!tpu.dma_semaphore, #tpu.memory_space<semaphore_mem>>) src(%dma_wait3A_213 : memref<10000x128xf32, #tpu.memory_space<hbm>>) dst(%arg11 : memref<128x128xf32, #tpu.memory_space<vmem>>)
      %dma_start3A_214 = arith.constant 4 : i32
      %dma_start3A_215 = arith.constant 0 : i32
      %dma_start3A_216 = tpu.memref_slice %arg9[%dma_start3A_214, %dma_start3A_215] : memref<8x128xi32, #tpu.memory_space<vmem>> -> memref<1x128xi32, #tpu.memory_space<vmem>>
      %dma_start3A_217 = tpu.memref_squeeze %dma_start3A_216 : memref<1x128xi32, #tpu.memory_space<vmem>> -> memref<128xi32, #tpu.memory_space<vmem>>
      %dma_start3A_218 = arith.constant 0 : i32
      %dma_start3A_219 = arith.constant 0 : i32
      %dma_start3A_220 = tpu.memref_slice %arg15[%dma_start3A_218, %dma_start3A_219] : memref<10112x128xf32, #tpu.memory_space<vmem_shared>> -> memref<10112x128xf32, #tpu.memory_space<vmem_shared>>
      tpu.enqueue_indirect_dma source(%arg11 : memref<128x128xf32, #tpu.memory_space<vmem>>) target(%dma_start3A_220 : memref<10112x128xf32, #tpu.memory_space<vmem_shared>>) offsets(%dma_start3A_217 : memref<128xi32, #tpu.memory_space<vmem>>) semaphore(%arg14 : memref<!tpu.dma_semaphore, #tpu.memory_space<semaphore_mem>>) {add = true}
      %dma_wait3A_221 = arith.constant 4 : i32
      %dma_wait3A_222 = arith.constant 0 : i32
      %dma_wait3A_223 = tpu.memref_slice %arg9[%dma_wait3A_221, %dma_wait3A_222] : memref<8x128xi32, #tpu.memory_space<vmem>> -> memref<1x128xi32, #tpu.memory_space<vmem>>
      %dma_wait3A_224 = tpu.memref_squeeze %dma_wait3A_223 : memref<1x128xi32, #tpu.memory_space<vmem>> -> memref<128xi32, #tpu.memory_space<vmem>>
      %dma_wait3A_225 = arith.constant 0 : i32
      %dma_wait3A_226 = arith.constant 0 : i32
      %dma_wait3A_227 = tpu.memref_slice %arg15[%dma_wait3A_225, %dma_wait3A_226] : memref<10112x128xf32, #tpu.memory_space<vmem_shared>> -> memref<10112x128xf32, #tpu.memory_space<vmem_shared>>
      tpu.wait_indirect_dma semaphore(%arg14 : memref<!tpu.dma_semaphore, #tpu.memory_space<semaphore_mem>>) src(%arg12 : memref<128x128xf32, #tpu.memory_space<vmem>>) dst(%dma_wait3A_227 : memref<10112x128xf32, #tpu.memory_space<vmem_shared>>)
      %dma_start3A_228 = arith.constant 5 : i32
      %dma_start3A_229 = arith.constant 0 : i32
      %dma_start3A_230 = tpu.memref_slice %arg7[%dma_start3A_228, %dma_start3A_229] : memref<8x128xi32, #tpu.memory_space<vmem>> -> memref<1x128xi32, #tpu.memory_space<vmem>>
      %dma_start3A_231 = tpu.memref_squeeze %dma_start3A_230 : memref<1x128xi32, #tpu.memory_space<vmem>> -> memref<128xi32, #tpu.memory_space<vmem>>
      %dma_start3A_232 = arith.constant 0 : i32
      %dma_start3A_233 = arith.constant 0 : i32
      %dma_start3A_234 = tpu.memref_slice %arg2[%arg0, %dma_start3A_232, %dma_start3A_233] : memref<2x10000x128xf32, #tpu.memory_space<hbm>> -> memref<1x10000x128xf32, #tpu.memory_space<hbm>>
      %dma_start3A_235 = tpu.memref_squeeze %dma_start3A_234 : memref<1x10000x128xf32, #tpu.memory_space<hbm>> -> memref<10000x128xf32, #tpu.memory_space<hbm>>
      %dma_start3A_236 = arith.constant 0 : i32
      %dma_start3A_237 = arith.constant 0 : i32
      %dma_start3A_238 = tpu.memref_slice %dma_start3A_235[%dma_start3A_236, %dma_start3A_237] : memref<10000x128xf32, #tpu.memory_space<hbm>> -> memref<10000x128xf32, #tpu.memory_space<hbm>>
      tpu.enqueue_indirect_dma source(%dma_start3A_238 : memref<10000x128xf32, #tpu.memory_space<hbm>>) target(%arg12 : memref<128x128xf32, #tpu.memory_space<vmem>>) offsets(%dma_start3A_231 : memref<128xi32, #tpu.memory_space<vmem>>) semaphore(%arg13 : memref<!tpu.dma_semaphore, #tpu.memory_space<semaphore_mem>>)
      %dma_wait3A_239 = arith.constant 5 : i32
      %dma_wait3A_240 = arith.constant 0 : i32
      %dma_wait3A_241 = tpu.memref_slice %arg7[%dma_wait3A_239, %dma_wait3A_240] : memref<8x128xi32, #tpu.memory_space<vmem>> -> memref<1x128xi32, #tpu.memory_space<vmem>>
      %dma_wait3A_242 = tpu.memref_squeeze %dma_wait3A_241 : memref<1x128xi32, #tpu.memory_space<vmem>> -> memref<128xi32, #tpu.memory_space<vmem>>
      %dma_wait3A_243 = arith.constant 0 : i32
      %dma_wait3A_244 = arith.constant 0 : i32
      %dma_wait3A_245 = tpu.memref_slice %arg2[%arg0, %dma_wait3A_243, %dma_wait3A_244] : memref<2x10000x128xf32, #tpu.memory_space<hbm>> -> memref<1x10000x128xf32, #tpu.memory_space<hbm>>
      %dma_wait3A_246 = tpu.memref_squeeze %dma_wait3A_245 : memref<1x10000x128xf32, #tpu.memory_space<hbm>> -> memref<10000x128xf32, #tpu.memory_space<hbm>>
      %dma_wait3A_247 = arith.constant 0 : i32
      %dma_wait3A_248 = arith.constant 0 : i32
      %dma_wait3A_249 = tpu.memref_slice %dma_wait3A_246[%dma_wait3A_247, %dma_wait3A_248] : memref<10000x128xf32, #tpu.memory_space<hbm>> -> memref<10000x128xf32, #tpu.memory_space<hbm>>
      tpu.wait_indirect_dma semaphore(%arg13 : memref<!tpu.dma_semaphore, #tpu.memory_space<semaphore_mem>>) src(%dma_wait3A_249 : memref<10000x128xf32, #tpu.memory_space<hbm>>) dst(%arg12 : memref<128x128xf32, #tpu.memory_space<vmem>>)
      %dma_start3A_250 = arith.constant 5 : i32
      %dma_start3A_251 = arith.constant 0 : i32
      %dma_start3A_252 = tpu.memref_slice %arg9[%dma_start3A_250, %dma_start3A_251] : memref<8x128xi32, #tpu.memory_space<vmem>> -> memref<1x128xi32, #tpu.memory_space<vmem>>
      %dma_start3A_253 = tpu.memref_squeeze %dma_start3A_252 : memref<1x128xi32, #tpu.memory_space<vmem>> -> memref<128xi32, #tpu.memory_space<vmem>>
      %dma_start3A_254 = arith.constant 0 : i32
      %dma_start3A_255 = arith.constant 0 : i32
      %dma_start3A_256 = tpu.memref_slice %arg15[%dma_start3A_254, %dma_start3A_255] : memref<10112x128xf32, #tpu.memory_space<vmem_shared>> -> memref<10112x128xf32, #tpu.memory_space<vmem_shared>>
      tpu.enqueue_indirect_dma source(%arg12 : memref<128x128xf32, #tpu.memory_space<vmem>>) target(%dma_start3A_256 : memref<10112x128xf32, #tpu.memory_space<vmem_shared>>) offsets(%dma_start3A_253 : memref<128xi32, #tpu.memory_space<vmem>>) semaphore(%arg14 : memref<!tpu.dma_semaphore, #tpu.memory_space<semaphore_mem>>) {add = true}
      %dma_wait3A_257 = arith.constant 5 : i32
      %dma_wait3A_258 = arith.constant 0 : i32
      %dma_wait3A_259 = tpu.memref_slice %arg9[%dma_wait3A_257, %dma_wait3A_258] : memref<8x128xi32, #tpu.memory_space<vmem>> -> memref<1x128xi32, #tpu.memory_space<vmem>>
      %dma_wait3A_260 = tpu.memref_squeeze %dma_wait3A_259 : memref<1x128xi32, #tpu.memory_space<vmem>> -> memref<128xi32, #tpu.memory_space<vmem>>
      %dma_wait3A_261 = arith.constant 0 : i32
      %dma_wait3A_262 = arith.constant 0 : i32
      %dma_wait3A_263 = tpu.memref_slice %arg15[%dma_wait3A_261, %dma_wait3A_262] : memref<10112x128xf32, #tpu.memory_space<vmem_shared>> -> memref<10112x128xf32, #tpu.memory_space<vmem_shared>>
      tpu.wait_indirect_dma semaphore(%arg14 : memref<!tpu.dma_semaphore, #tpu.memory_space<semaphore_mem>>) src(%arg11 : memref<128x128xf32, #tpu.memory_space<vmem>>) dst(%dma_wait3A_263 : memref<10112x128xf32, #tpu.memory_space<vmem_shared>>)
      %dma_start3A_264 = arith.constant 6 : i32
      %dma_start3A_265 = arith.constant 0 : i32
      %dma_start3A_266 = tpu.memref_slice %arg7[%dma_start3A_264, %dma_start3A_265] : memref<8x128xi32, #tpu.memory_space<vmem>> -> memref<1x128xi32, #tpu.memory_space<vmem>>
      %dma_start3A_267 = tpu.memref_squeeze %dma_start3A_266 : memref<1x128xi32, #tpu.memory_space<vmem>> -> memref<128xi32, #tpu.memory_space<vmem>>
      %dma_start3A_268 = arith.constant 0 : i32
      %dma_start3A_269 = arith.constant 0 : i32
      %dma_start3A_270 = tpu.memref_slice %arg2[%arg0, %dma_start3A_268, %dma_start3A_269] : memref<2x10000x128xf32, #tpu.memory_space<hbm>> -> memref<1x10000x128xf32, #tpu.memory_space<hbm>>
      %dma_start3A_271 = tpu.memref_squeeze %dma_start3A_270 : memref<1x10000x128xf32, #tpu.memory_space<hbm>> -> memref<10000x128xf32, #tpu.memory_space<hbm>>
      %dma_start3A_272 = arith.constant 0 : i32
      %dma_start3A_273 = arith.constant 0 : i32
      %dma_start3A_274 = tpu.memref_slice %dma_start3A_271[%dma_start3A_272, %dma_start3A_273] : memref<10000x128xf32, #tpu.memory_space<hbm>> -> memref<10000x128xf32, #tpu.memory_space<hbm>>
      tpu.enqueue_indirect_dma source(%dma_start3A_274 : memref<10000x128xf32, #tpu.memory_space<hbm>>) target(%arg11 : memref<128x128xf32, #tpu.memory_space<vmem>>) offsets(%dma_start3A_267 : memref<128xi32, #tpu.memory_space<vmem>>) semaphore(%arg13 : memref<!tpu.dma_semaphore, #tpu.memory_space<semaphore_mem>>)
      %dma_wait3A_275 = arith.constant 6 : i32
      %dma_wait3A_276 = arith.constant 0 : i32
      %dma_wait3A_277 = tpu.memref_slice %arg7[%dma_wait3A_275, %dma_wait3A_276] : memref<8x128xi32, #tpu.memory_space<vmem>> -> memref<1x128xi32, #tpu.memory_space<vmem>>
      %dma_wait3A_278 = tpu.memref_squeeze %dma_wait3A_277 : memref<1x128xi32, #tpu.memory_space<vmem>> -> memref<128xi32, #tpu.memory_space<vmem>>
      %dma_wait3A_279 = arith.constant 0 : i32
      %dma_wait3A_280 = arith.constant 0 : i32
      %dma_wait3A_281 = tpu.memref_slice %arg2[%arg0, %dma_wait3A_279, %dma_wait3A_280] : memref<2x10000x128xf32, #tpu.memory_space<hbm>> -> memref<1x10000x128xf32, #tpu.memory_space<hbm>>
      %dma_wait3A_282 = tpu.memref_squeeze %dma_wait3A_281 : memref<1x10000x128xf32, #tpu.memory_space<hbm>> -> memref<10000x128xf32, #tpu.memory_space<hbm>>
      %dma_wait3A_283 = arith.constant 0 : i32
      %dma_wait3A_284 = arith.constant 0 : i32
      %dma_wait3A_285 = tpu.memref_slice %dma_wait3A_282[%dma_wait3A_283, %dma_wait3A_284] : memref<10000x128xf32, #tpu.memory_space<hbm>> -> memref<10000x128xf32, #tpu.memory_space<hbm>>
      tpu.wait_indirect_dma semaphore(%arg13 : memref<!tpu.dma_semaphore, #tpu.memory_space<semaphore_mem>>) src(%dma_wait3A_285 : memref<10000x128xf32, #tpu.memory_space<hbm>>) dst(%arg11 : memref<128x128xf32, #tpu.memory_space<vmem>>)
      %dma_start3A_286 = arith.constant 6 : i32
      %dma_start3A_287 = arith.constant 0 : i32
      %dma_start3A_288 = tpu.memref_slice %arg9[%dma_start3A_286, %dma_start3A_287] : memref<8x128xi32, #tpu.memory_space<vmem>> -> memref<1x128xi32, #tpu.memory_space<vmem>>
      %dma_start3A_289 = tpu.memref_squeeze %dma_start3A_288 : memref<1x128xi32, #tpu.memory_space<vmem>> -> memref<128xi32, #tpu.memory_space<vmem>>
      %dma_start3A_290 = arith.constant 0 : i32
      %dma_start3A_291 = arith.constant 0 : i32
      %dma_start3A_292 = tpu.memref_slice %arg15[%dma_start3A_290, %dma_start3A_291] : memref<10112x128xf32, #tpu.memory_space<vmem_shared>> -> memref<10112x128xf32, #tpu.memory_space<vmem_shared>>
      tpu.enqueue_indirect_dma source(%arg11 : memref<128x128xf32, #tpu.memory_space<vmem>>) target(%dma_start3A_292 : memref<10112x128xf32, #tpu.memory_space<vmem_shared>>) offsets(%dma_start3A_289 : memref<128xi32, #tpu.memory_space<vmem>>) semaphore(%arg14 : memref<!tpu.dma_semaphore, #tpu.memory_space<semaphore_mem>>) {add = true}
      %dma_wait3A_293 = arith.constant 6 : i32
      %dma_wait3A_294 = arith.constant 0 : i32
      %dma_wait3A_295 = tpu.memref_slice %arg9[%dma_wait3A_293, %dma_wait3A_294] : memref<8x128xi32, #tpu.memory_space<vmem>> -> memref<1x128xi32, #tpu.memory_space<vmem>>
      %dma_wait3A_296 = tpu.memref_squeeze %dma_wait3A_295 : memref<1x128xi32, #tpu.memory_space<vmem>> -> memref<128xi32, #tpu.memory_space<vmem>>
      %dma_wait3A_297 = arith.constant 0 : i32
      %dma_wait3A_298 = arith.constant 0 : i32
      %dma_wait3A_299 = tpu.memref_slice %arg15[%dma_wait3A_297, %dma_wait3A_298] : memref<10112x128xf32, #tpu.memory_space<vmem_shared>> -> memref<10112x128xf32, #tpu.memory_space<vmem_shared>>
      tpu.wait_indirect_dma semaphore(%arg14 : memref<!tpu.dma_semaphore, #tpu.memory_space<semaphore_mem>>) src(%arg12 : memref<128x128xf32, #tpu.memory_space<vmem>>) dst(%dma_wait3A_299 : memref<10112x128xf32, #tpu.memory_space<vmem_shared>>)
      %dma_start3A_300 = arith.constant 7 : i32
      %dma_start3A_301 = arith.constant 0 : i32
      %dma_start3A_302 = tpu.memref_slice %arg7[%dma_start3A_300, %dma_start3A_301] : memref<8x128xi32, #tpu.memory_space<vmem>> -> memref<1x128xi32, #tpu.memory_space<vmem>>
      %dma_start3A_303 = tpu.memref_squeeze %dma_start3A_302 : memref<1x128xi32, #tpu.memory_space<vmem>> -> memref<128xi32, #tpu.memory_space<vmem>>
      %dma_start3A_304 = arith.constant 0 : i32
      %dma_start3A_305 = arith.constant 0 : i32
      %dma_start3A_306 = tpu.memref_slice %arg2[%arg0, %dma_start3A_304, %dma_start3A_305] : memref<2x10000x128xf32, #tpu.memory_space<hbm>> -> memref<1x10000x128xf32, #tpu.memory_space<hbm>>
      %dma_start3A_307 = tpu.memref_squeeze %dma_start3A_306 : memref<1x10000x128xf32, #tpu.memory_space<hbm>> -> memref<10000x128xf32, #tpu.memory_space<hbm>>
      %dma_start3A_308 = arith.constant 0 : i32
      %dma_start3A_309 = arith.constant 0 : i32
      %dma_start3A_310 = tpu.memref_slice %dma_start3A_307[%dma_start3A_308, %dma_start3A_309] : memref<10000x128xf32, #tpu.memory_space<hbm>> -> memref<10000x128xf32, #tpu.memory_space<hbm>>
      tpu.enqueue_indirect_dma source(%dma_start3A_310 : memref<10000x128xf32, #tpu.memory_space<hbm>>) target(%arg12 : memref<128x128xf32, #tpu.memory_space<vmem>>) offsets(%dma_start3A_303 : memref<128xi32, #tpu.memory_space<vmem>>) semaphore(%arg13 : memref<!tpu.dma_semaphore, #tpu.memory_space<semaphore_mem>>)
      %dma_wait3A_311 = arith.constant 7 : i32
      %dma_wait3A_312 = arith.constant 0 : i32
      %dma_wait3A_313 = tpu.memref_slice %arg7[%dma_wait3A_311, %dma_wait3A_312] : memref<8x128xi32, #tpu.memory_space<vmem>> -> memref<1x128xi32, #tpu.memory_space<vmem>>
      %dma_wait3A_314 = tpu.memref_squeeze %dma_wait3A_313 : memref<1x128xi32, #tpu.memory_space<vmem>> -> memref<128xi32, #tpu.memory_space<vmem>>
      %dma_wait3A_315 = arith.constant 0 : i32
      %dma_wait3A_316 = arith.constant 0 : i32
      %dma_wait3A_317 = tpu.memref_slice %arg2[%arg0, %dma_wait3A_315, %dma_wait3A_316] : memref<2x10000x128xf32, #tpu.memory_space<hbm>> -> memref<1x10000x128xf32, #tpu.memory_space<hbm>>
      %dma_wait3A_318 = tpu.memref_squeeze %dma_wait3A_317 : memref<1x10000x128xf32, #tpu.memory_space<hbm>> -> memref<10000x128xf32, #tpu.memory_space<hbm>>
      %dma_wait3A_319 = arith.constant 0 : i32
      %dma_wait3A_320 = arith.constant 0 : i32
      %dma_wait3A_321 = tpu.memref_slice %dma_wait3A_318[%dma_wait3A_319, %dma_wait3A_320] : memref<10000x128xf32, #tpu.memory_space<hbm>> -> memref<10000x128xf32, #tpu.memory_space<hbm>>
      tpu.wait_indirect_dma semaphore(%arg13 : memref<!tpu.dma_semaphore, #tpu.memory_space<semaphore_mem>>) src(%dma_wait3A_321 : memref<10000x128xf32, #tpu.memory_space<hbm>>) dst(%arg12 : memref<128x128xf32, #tpu.memory_space<vmem>>)
      %dma_start3A_322 = arith.constant 7 : i32
      %dma_start3A_323 = arith.constant 0 : i32
      %dma_start3A_324 = tpu.memref_slice %arg9[%dma_start3A_322, %dma_start3A_323] : memref<8x128xi32, #tpu.memory_space<vmem>> -> memref<1x128xi32, #tpu.memory_space<vmem>>
      %dma_start3A_325 = tpu.memref_squeeze %dma_start3A_324 : memref<1x128xi32, #tpu.memory_space<vmem>> -> memref<128xi32, #tpu.memory_space<vmem>>
      %dma_start3A_326 = arith.constant 0 : i32
      %dma_start3A_327 = arith.constant 0 : i32
      %dma_start3A_328 = tpu.memref_slice %arg15[%dma_start3A_326, %dma_start3A_327] : memref<10112x128xf32, #tpu.memory_space<vmem_shared>> -> memref<10112x128xf32, #tpu.memory_space<vmem_shared>>
      tpu.enqueue_indirect_dma source(%arg12 : memref<128x128xf32, #tpu.memory_space<vmem>>) target(%dma_start3A_328 : memref<10112x128xf32, #tpu.memory_space<vmem_shared>>) offsets(%dma_start3A_325 : memref<128xi32, #tpu.memory_space<vmem>>) semaphore(%arg14 : memref<!tpu.dma_semaphore, #tpu.memory_space<semaphore_mem>>) {add = true}
      %dma_wait3A_329 = arith.constant 7 : i32
      %dma_wait3A_330 = arith.constant 0 : i32
      %dma_wait3A_331 = tpu.memref_slice %arg9[%dma_wait3A_329, %dma_wait3A_330] : memref<8x128xi32, #tpu.memory_space<vmem>> -> memref<1x128xi32, #tpu.memory_space<vmem>>
      %dma_wait3A_332 = tpu.memref_squeeze %dma_wait3A_331 : memref<1x128xi32, #tpu.memory_space<vmem>> -> memref<128xi32, #tpu.memory_space<vmem>>
      %dma_wait3A_333 = arith.constant 0 : i32
      %dma_wait3A_334 = arith.constant 0 : i32
      %dma_wait3A_335 = tpu.memref_slice %arg15[%dma_wait3A_333, %dma_wait3A_334] : memref<10112x128xf32, #tpu.memory_space<vmem_shared>> -> memref<10112x128xf32, #tpu.memory_space<vmem_shared>>
      tpu.wait_indirect_dma semaphore(%arg14 : memref<!tpu.dma_semaphore, #tpu.memory_space<semaphore_mem>>) src(%arg11 : memref<128x128xf32, #tpu.memory_space<vmem>>) dst(%dma_wait3A_335 : memref<10112x128xf32, #tpu.memory_space<vmem_shared>>)
      %dma_start3A_336 = arith.constant 0 : i32
      %dma_start3A_337 = arith.constant 0 : i32
      %dma_start3A_338 = tpu.memref_slice %arg8[%dma_start3A_336, %dma_start3A_337] : memref<8x128xi32, #tpu.memory_space<vmem>> -> memref<1x128xi32, #tpu.memory_space<vmem>>
      %dma_start3A_339 = tpu.memref_squeeze %dma_start3A_338 : memref<1x128xi32, #tpu.memory_space<vmem>> -> memref<128xi32, #tpu.memory_space<vmem>>
      %dma_start3A_340 = arith.constant 0 : i32
      %dma_start3A_341 = arith.constant 0 : i32
      %dma_start3A_342 = tpu.memref_slice %arg2[%arg0, %dma_start3A_340, %dma_start3A_341] : memref<2x10000x128xf32, #tpu.memory_space<hbm>> -> memref<1x10000x128xf32, #tpu.memory_space<hbm>>
      %dma_start3A_343 = tpu.memref_squeeze %dma_start3A_342 : memref<1x10000x128xf32, #tpu.memory_space<hbm>> -> memref<10000x128xf32, #tpu.memory_space<hbm>>
      %dma_start3A_344 = arith.constant 0 : i32
      %dma_start3A_345 = arith.constant 0 : i32
      %dma_start3A_346 = tpu.memref_slice %dma_start3A_343[%dma_start3A_344, %dma_start3A_345] : memref<10000x128xf32, #tpu.memory_space<hbm>> -> memref<10000x128xf32, #tpu.memory_space<hbm>>
      tpu.enqueue_indirect_dma source(%dma_start3A_346 : memref<10000x128xf32, #tpu.memory_space<hbm>>) target(%arg11 : memref<128x128xf32, #tpu.memory_space<vmem>>) offsets(%dma_start3A_339 : memref<128xi32, #tpu.memory_space<vmem>>) semaphore(%arg13 : memref<!tpu.dma_semaphore, #tpu.memory_space<semaphore_mem>>)
      %add3A_347 = arith.constant 1 : i32
      %add3A_348 = arith.addi %mul3A_47, %add3A_347 : i32
      %add3A_349 = arith.constant 1 : i32
      %add3A_350 = arith.addi %add3A_348, %add3A_349 : i32
      %ge3A_351 = arith.constant 10 : i32
      %ge3A_352 = arith.cmpi sge, %add3A_350, %ge3A_351 : i32
      %jit3A_353 = arith.constant 0 : i32
      %select_n3A_354 = arith.select %ge3A_352, %jit3A_353, %add3A_350 : i32
      %mul3A_355 = arith.constant 8 : i32
      %mul3A_356 = arith.muli %select_n3A_354, %mul3A_355 : i32
      %add3A_357 = arith.addi %mul3A_2, %mul3A_356 : i32
      "tpu.region"() ({
        %run_scoped3A = tpu.sem_alloc : memref<!tpu.dma_semaphore, #tpu.memory_space<semaphore_mem>>
        %dma_start3A_649 = arith.constant 0 : i32
        %dma_start3A_650 = tpu.memref_slice %arg3[%add3A_357, %dma_start3A_649] : memref<1280x128xi32, #tpu.memory_space<hbm>> -> memref<8x128xi32, #tpu.memory_space<hbm>>
        %dma_start3A_651 = arith.constant 0 : i32
        %dma_start3A_652 = tpu.memref_slice %arg3[%add3A_357, %dma_start3A_651] : memref<1280x128xi32, #tpu.memory_space<hbm>> -> memref<8x128xi32, #tpu.memory_space<hbm>>
        tpu.enqueue_dma source(%dma_start3A_652 : memref<8x128xi32, #tpu.memory_space<hbm>>) target(%arg7 : memref<8x128xi32, #tpu.memory_space<vmem>>) target_semaphore(%run_scoped3A : memref<!tpu.dma_semaphore, #tpu.memory_space<semaphore_mem>>)
        %dma_wait3A_653 = arith.constant 0 : i32
        %dma_wait3A_654 = tpu.memref_slice %arg3[%add3A_357, %dma_wait3A_653] : memref<1280x128xi32, #tpu.memory_space<hbm>> -> memref<8x128xi32, #tpu.memory_space<hbm>>
        %dma_wait3A_655 = arith.constant 0 : i32
        %dma_wait3A_656 = tpu.memref_slice %arg3[%add3A_357, %dma_wait3A_655] : memref<1280x128xi32, #tpu.memory_space<hbm>> -> memref<8x128xi32, #tpu.memory_space<hbm>>
        tpu.wait_dma2 semaphore(%run_scoped3A : memref<!tpu.dma_semaphore, #tpu.memory_space<semaphore_mem>>) src(%dma_wait3A_656 : memref<8x128xi32, #tpu.memory_space<hbm>>) dst(%arg7 : memref<8x128xi32, #tpu.memory_space<vmem>>)
        tpu.yield
      }) : () -> ()
      %mul3A_358 = arith.constant 8 : i32
      %mul3A_359 = arith.muli %select_n3A_354, %mul3A_358 : i32
      %add3A_360 = arith.addi %mul3A_2, %mul3A_359 : i32
      "tpu.region"() ({
        %run_scoped3A = tpu.sem_alloc : memref<!tpu.dma_semaphore, #tpu.memory_space<semaphore_mem>>
        %dma_start3A_649 = arith.constant 0 : i32
        %dma_start3A_650 = tpu.memref_slice %arg4[%add3A_360, %dma_start3A_649] : memref<1280x128xi32, #tpu.memory_space<hbm>> -> memref<8x128xi32, #tpu.memory_space<hbm>>
        %dma_start3A_651 = arith.constant 0 : i32
        %dma_start3A_652 = tpu.memref_slice %arg4[%add3A_360, %dma_start3A_651] : memref<1280x128xi32, #tpu.memory_space<hbm>> -> memref<8x128xi32, #tpu.memory_space<hbm>>
        tpu.enqueue_dma source(%dma_start3A_652 : memref<8x128xi32, #tpu.memory_space<hbm>>) target(%arg9 : memref<8x128xi32, #tpu.memory_space<vmem>>) target_semaphore(%run_scoped3A : memref<!tpu.dma_semaphore, #tpu.memory_space<semaphore_mem>>)
        %dma_wait3A_653 = arith.constant 0 : i32
        %dma_wait3A_654 = tpu.memref_slice %arg4[%add3A_360, %dma_wait3A_653] : memref<1280x128xi32, #tpu.memory_space<hbm>> -> memref<8x128xi32, #tpu.memory_space<hbm>>
        %dma_wait3A_655 = arith.constant 0 : i32
        %dma_wait3A_656 = tpu.memref_slice %arg4[%add3A_360, %dma_wait3A_655] : memref<1280x128xi32, #tpu.memory_space<hbm>> -> memref<8x128xi32, #tpu.memory_space<hbm>>
        tpu.wait_dma2 semaphore(%run_scoped3A : memref<!tpu.dma_semaphore, #tpu.memory_space<semaphore_mem>>) src(%dma_wait3A_656 : memref<8x128xi32, #tpu.memory_space<hbm>>) dst(%arg9 : memref<8x128xi32, #tpu.memory_space<vmem>>)
        tpu.yield
      }) : () -> ()
      %dma_wait3A_361 = arith.constant 0 : i32
      %dma_wait3A_362 = arith.constant 0 : i32
      %dma_wait3A_363 = tpu.memref_slice %arg8[%dma_wait3A_361, %dma_wait3A_362] : memref<8x128xi32, #tpu.memory_space<vmem>> -> memref<1x128xi32, #tpu.memory_space<vmem>>
      %dma_wait3A_364 = tpu.memref_squeeze %dma_wait3A_363 : memref<1x128xi32, #tpu.memory_space<vmem>> -> memref<128xi32, #tpu.memory_space<vmem>>
      %dma_wait3A_365 = arith.constant 0 : i32
      %dma_wait3A_366 = arith.constant 0 : i32
      %dma_wait3A_367 = tpu.memref_slice %arg2[%arg0, %dma_wait3A_365, %dma_wait3A_366] : memref<2x10000x128xf32, #tpu.memory_space<hbm>> -> memref<1x10000x128xf32, #tpu.memory_space<hbm>>
      %dma_wait3A_368 = tpu.memref_squeeze %dma_wait3A_367 : memref<1x10000x128xf32, #tpu.memory_space<hbm>> -> memref<10000x128xf32, #tpu.memory_space<hbm>>
      %dma_wait3A_369 = arith.constant 0 : i32
      %dma_wait3A_370 = arith.constant 0 : i32
      %dma_wait3A_371 = tpu.memref_slice %dma_wait3A_368[%dma_wait3A_369, %dma_wait3A_370] : memref<10000x128xf32, #tpu.memory_space<hbm>> -> memref<10000x128xf32, #tpu.memory_space<hbm>>
      tpu.wait_indirect_dma semaphore(%arg13 : memref<!tpu.dma_semaphore, #tpu.memory_space<semaphore_mem>>) src(%dma_wait3A_371 : memref<10000x128xf32, #tpu.memory_space<hbm>>) dst(%arg11 : memref<128x128xf32, #tpu.memory_space<vmem>>)
      %dma_start3A_372 = arith.constant 0 : i32
      %dma_start3A_373 = arith.constant 0 : i32
      %dma_start3A_374 = tpu.memref_slice %arg10[%dma_start3A_372, %dma_start3A_373] : memref<8x128xi32, #tpu.memory_space<vmem>> -> memref<1x128xi32, #tpu.memory_space<vmem>>
      %dma_start3A_375 = tpu.memref_squeeze %dma_start3A_374 : memref<1x128xi32, #tpu.memory_space<vmem>> -> memref<128xi32, #tpu.memory_space<vmem>>
      %dma_start3A_376 = arith.constant 0 : i32
      %dma_start3A_377 = arith.constant 0 : i32
      %dma_start3A_378 = tpu.memref_slice %arg15[%dma_start3A_376, %dma_start3A_377] : memref<10112x128xf32, #tpu.memory_space<vmem_shared>> -> memref<10112x128xf32, #tpu.memory_space<vmem_shared>>
      tpu.enqueue_indirect_dma source(%arg11 : memref<128x128xf32, #tpu.memory_space<vmem>>) target(%dma_start3A_378 : memref<10112x128xf32, #tpu.memory_space<vmem_shared>>) offsets(%dma_start3A_375 : memref<128xi32, #tpu.memory_space<vmem>>) semaphore(%arg14 : memref<!tpu.dma_semaphore, #tpu.memory_space<semaphore_mem>>) {add = true}
      %dma_wait3A_379 = arith.constant 0 : i32
      %dma_wait3A_380 = arith.constant 0 : i32
      %dma_wait3A_381 = tpu.memref_slice %arg10[%dma_wait3A_379, %dma_wait3A_380] : memref<8x128xi32, #tpu.memory_space<vmem>> -> memref<1x128xi32, #tpu.memory_space<vmem>>
      %dma_wait3A_382 = tpu.memref_squeeze %dma_wait3A_381 : memref<1x128xi32, #tpu.memory_space<vmem>> -> memref<128xi32, #tpu.memory_space<vmem>>
      %dma_wait3A_383 = arith.constant 0 : i32
      %dma_wait3A_384 = arith.constant 0 : i32
      %dma_wait3A_385 = tpu.memref_slice %arg15[%dma_wait3A_383, %dma_wait3A_384] : memref<10112x128xf32, #tpu.memory_space<vmem_shared>> -> memref<10112x128xf32, #tpu.memory_space<vmem_shared>>
      tpu.wait_indirect_dma semaphore(%arg14 : memref<!tpu.dma_semaphore, #tpu.memory_space<semaphore_mem>>) src(%arg12 : memref<128x128xf32, #tpu.memory_space<vmem>>) dst(%dma_wait3A_385 : memref<10112x128xf32, #tpu.memory_space<vmem_shared>>)
      %dma_start3A_386 = arith.constant 1 : i32
      %dma_start3A_387 = arith.constant 0 : i32
      %dma_start3A_388 = tpu.memref_slice %arg8[%dma_start3A_386, %dma_start3A_387] : memref<8x128xi32, #tpu.memory_space<vmem>> -> memref<1x128xi32, #tpu.memory_space<vmem>>
      %dma_start3A_389 = tpu.memref_squeeze %dma_start3A_388 : memref<1x128xi32, #tpu.memory_space<vmem>> -> memref<128xi32, #tpu.memory_space<vmem>>
      %dma_start3A_390 = arith.constant 0 : i32
      %dma_start3A_391 = arith.constant 0 : i32
      %dma_start3A_392 = tpu.memref_slice %arg2[%arg0, %dma_start3A_390, %dma_start3A_391] : memref<2x10000x128xf32, #tpu.memory_space<hbm>> -> memref<1x10000x128xf32, #tpu.memory_space<hbm>>
      %dma_start3A_393 = tpu.memref_squeeze %dma_start3A_392 : memref<1x10000x128xf32, #tpu.memory_space<hbm>> -> memref<10000x128xf32, #tpu.memory_space<hbm>>
      %dma_start3A_394 = arith.constant 0 : i32
      %dma_start3A_395 = arith.constant 0 : i32
      %dma_start3A_396 = tpu.memref_slice %dma_start3A_393[%dma_start3A_394, %dma_start3A_395] : memref<10000x128xf32, #tpu.memory_space<hbm>> -> memref<10000x128xf32, #tpu.memory_space<hbm>>
      tpu.enqueue_indirect_dma source(%dma_start3A_396 : memref<10000x128xf32, #tpu.memory_space<hbm>>) target(%arg12 : memref<128x128xf32, #tpu.memory_space<vmem>>) offsets(%dma_start3A_389 : memref<128xi32, #tpu.memory_space<vmem>>) semaphore(%arg13 : memref<!tpu.dma_semaphore, #tpu.memory_space<semaphore_mem>>)
      %dma_wait3A_397 = arith.constant 1 : i32
      %dma_wait3A_398 = arith.constant 0 : i32
      %dma_wait3A_399 = tpu.memref_slice %arg8[%dma_wait3A_397, %dma_wait3A_398] : memref<8x128xi32, #tpu.memory_space<vmem>> -> memref<1x128xi32, #tpu.memory_space<vmem>>
      %dma_wait3A_400 = tpu.memref_squeeze %dma_wait3A_399 : memref<1x128xi32, #tpu.memory_space<vmem>> -> memref<128xi32, #tpu.memory_space<vmem>>
      %dma_wait3A_401 = arith.constant 0 : i32
      %dma_wait3A_402 = arith.constant 0 : i32
      %dma_wait3A_403 = tpu.memref_slice %arg2[%arg0, %dma_wait3A_401, %dma_wait3A_402] : memref<2x10000x128xf32, #tpu.memory_space<hbm>> -> memref<1x10000x128xf32, #tpu.memory_space<hbm>>
      %dma_wait3A_404 = tpu.memref_squeeze %dma_wait3A_403 : memref<1x10000x128xf32, #tpu.memory_space<hbm>> -> memref<10000x128xf32, #tpu.memory_space<hbm>>
      %dma_wait3A_405 = arith.constant 0 : i32
      %dma_wait3A_406 = arith.constant 0 : i32
      %dma_wait3A_407 = tpu.memref_slice %dma_wait3A_404[%dma_wait3A_405, %dma_wait3A_406] : memref<10000x128xf32, #tpu.memory_space<hbm>> -> memref<10000x128xf32, #tpu.memory_space<hbm>>
      tpu.wait_indirect_dma semaphore(%arg13 : memref<!tpu.dma_semaphore, #tpu.memory_space<semaphore_mem>>) src(%dma_wait3A_407 : memref<10000x128xf32, #tpu.memory_space<hbm>>) dst(%arg12 : memref<128x128xf32, #tpu.memory_space<vmem>>)
      %dma_start3A_408 = arith.constant 1 : i32
      %dma_start3A_409 = arith.constant 0 : i32
      %dma_start3A_410 = tpu.memref_slice %arg10[%dma_start3A_408, %dma_start3A_409] : memref<8x128xi32, #tpu.memory_space<vmem>> -> memref<1x128xi32, #tpu.memory_space<vmem>>
      %dma_start3A_411 = tpu.memref_squeeze %dma_start3A_410 : memref<1x128xi32, #tpu.memory_space<vmem>> -> memref<128xi32, #tpu.memory_space<vmem>>
      %dma_start3A_412 = arith.constant 0 : i32
      %dma_start3A_413 = arith.constant 0 : i32
      %dma_start3A_414 = tpu.memref_slice %arg15[%dma_start3A_412, %dma_start3A_413] : memref<10112x128xf32, #tpu.memory_space<vmem_shared>> -> memref<10112x128xf32, #tpu.memory_space<vmem_shared>>
      tpu.enqueue_indirect_dma source(%arg12 : memref<128x128xf32, #tpu.memory_space<vmem>>) target(%dma_start3A_414 : memref<10112x128xf32, #tpu.memory_space<vmem_shared>>) offsets(%dma_start3A_411 : memref<128xi32, #tpu.memory_space<vmem>>) semaphore(%arg14 : memref<!tpu.dma_semaphore, #tpu.memory_space<semaphore_mem>>) {add = true}
      %dma_wait3A_415 = arith.constant 1 : i32
      %dma_wait3A_416 = arith.constant 0 : i32
      %dma_wait3A_417 = tpu.memref_slice %arg10[%dma_wait3A_415, %dma_wait3A_416] : memref<8x128xi32, #tpu.memory_space<vmem>> -> memref<1x128xi32, #tpu.memory_space<vmem>>
      %dma_wait3A_418 = tpu.memref_squeeze %dma_wait3A_417 : memref<1x128xi32, #tpu.memory_space<vmem>> -> memref<128xi32, #tpu.memory_space<vmem>>
      %dma_wait3A_419 = arith.constant 0 : i32
      %dma_wait3A_420 = arith.constant 0 : i32
      %dma_wait3A_421 = tpu.memref_slice %arg15[%dma_wait3A_419, %dma_wait3A_420] : memref<10112x128xf32, #tpu.memory_space<vmem_shared>> -> memref<10112x128xf32, #tpu.memory_space<vmem_shared>>
      tpu.wait_indirect_dma semaphore(%arg14 : memref<!tpu.dma_semaphore, #tpu.memory_space<semaphore_mem>>) src(%arg11 : memref<128x128xf32, #tpu.memory_space<vmem>>) dst(%dma_wait3A_421 : memref<10112x128xf32, #tpu.memory_space<vmem_shared>>)
      %dma_start3A_422 = arith.constant 2 : i32
      %dma_start3A_423 = arith.constant 0 : i32
      %dma_start3A_424 = tpu.memref_slice %arg8[%dma_start3A_422, %dma_start3A_423] : memref<8x128xi32, #tpu.memory_space<vmem>> -> memref<1x128xi32, #tpu.memory_space<vmem>>
      %dma_start3A_425 = tpu.memref_squeeze %dma_start3A_424 : memref<1x128xi32, #tpu.memory_space<vmem>> -> memref<128xi32, #tpu.memory_space<vmem>>
      %dma_start3A_426 = arith.constant 0 : i32
      %dma_start3A_427 = arith.constant 0 : i32
      %dma_start3A_428 = tpu.memref_slice %arg2[%arg0, %dma_start3A_426, %dma_start3A_427] : memref<2x10000x128xf32, #tpu.memory_space<hbm>> -> memref<1x10000x128xf32, #tpu.memory_space<hbm>>
      %dma_start3A_429 = tpu.memref_squeeze %dma_start3A_428 : memref<1x10000x128xf32, #tpu.memory_space<hbm>> -> memref<10000x128xf32, #tpu.memory_space<hbm>>
      %dma_start3A_430 = arith.constant 0 : i32
      %dma_start3A_431 = arith.constant 0 : i32
      %dma_start3A_432 = tpu.memref_slice %dma_start3A_429[%dma_start3A_430, %dma_start3A_431] : memref<10000x128xf32, #tpu.memory_space<hbm>> -> memref<10000x128xf32, #tpu.memory_space<hbm>>
      tpu.enqueue_indirect_dma source(%dma_start3A_432 : memref<10000x128xf32, #tpu.memory_space<hbm>>) target(%arg11 : memref<128x128xf32, #tpu.memory_space<vmem>>) offsets(%dma_start3A_425 : memref<128xi32, #tpu.memory_space<vmem>>) semaphore(%arg13 : memref<!tpu.dma_semaphore, #tpu.memory_space<semaphore_mem>>)
      %dma_wait3A_433 = arith.constant 2 : i32
      %dma_wait3A_434 = arith.constant 0 : i32
      %dma_wait3A_435 = tpu.memref_slice %arg8[%dma_wait3A_433, %dma_wait3A_434] : memref<8x128xi32, #tpu.memory_space<vmem>> -> memref<1x128xi32, #tpu.memory_space<vmem>>
      %dma_wait3A_436 = tpu.memref_squeeze %dma_wait3A_435 : memref<1x128xi32, #tpu.memory_space<vmem>> -> memref<128xi32, #tpu.memory_space<vmem>>
      %dma_wait3A_437 = arith.constant 0 : i32
      %dma_wait3A_438 = arith.constant 0 : i32
      %dma_wait3A_439 = tpu.memref_slice %arg2[%arg0, %dma_wait3A_437, %dma_wait3A_438] : memref<2x10000x128xf32, #tpu.memory_space<hbm>> -> memref<1x10000x128xf32, #tpu.memory_space<hbm>>
      %dma_wait3A_440 = tpu.memref_squeeze %dma_wait3A_439 : memref<1x10000x128xf32, #tpu.memory_space<hbm>> -> memref<10000x128xf32, #tpu.memory_space<hbm>>
      %dma_wait3A_441 = arith.constant 0 : i32
      %dma_wait3A_442 = arith.constant 0 : i32
      %dma_wait3A_443 = tpu.memref_slice %dma_wait3A_440[%dma_wait3A_441, %dma_wait3A_442] : memref<10000x128xf32, #tpu.memory_space<hbm>> -> memref<10000x128xf32, #tpu.memory_space<hbm>>
      tpu.wait_indirect_dma semaphore(%arg13 : memref<!tpu.dma_semaphore, #tpu.memory_space<semaphore_mem>>) src(%dma_wait3A_443 : memref<10000x128xf32, #tpu.memory_space<hbm>>) dst(%arg11 : memref<128x128xf32, #tpu.memory_space<vmem>>)
      %dma_start3A_444 = arith.constant 2 : i32
      %dma_start3A_445 = arith.constant 0 : i32
      %dma_start3A_446 = tpu.memref_slice %arg10[%dma_start3A_444, %dma_start3A_445] : memref<8x128xi32, #tpu.memory_space<vmem>> -> memref<1x128xi32, #tpu.memory_space<vmem>>
      %dma_start3A_447 = tpu.memref_squeeze %dma_start3A_446 : memref<1x128xi32, #tpu.memory_space<vmem>> -> memref<128xi32, #tpu.memory_space<vmem>>
      %dma_start3A_448 = arith.constant 0 : i32
      %dma_start3A_449 = arith.constant 0 : i32
      %dma_start3A_450 = tpu.memref_slice %arg15[%dma_start3A_448, %dma_start3A_449] : memref<10112x128xf32, #tpu.memory_space<vmem_shared>> -> memref<10112x128xf32, #tpu.memory_space<vmem_shared>>
      tpu.enqueue_indirect_dma source(%arg11 : memref<128x128xf32, #tpu.memory_space<vmem>>) target(%dma_start3A_450 : memref<10112x128xf32, #tpu.memory_space<vmem_shared>>) offsets(%dma_start3A_447 : memref<128xi32, #tpu.memory_space<vmem>>) semaphore(%arg14 : memref<!tpu.dma_semaphore, #tpu.memory_space<semaphore_mem>>) {add = true}
      %dma_wait3A_451 = arith.constant 2 : i32
      %dma_wait3A_452 = arith.constant 0 : i32
      %dma_wait3A_453 = tpu.memref_slice %arg10[%dma_wait3A_451, %dma_wait3A_452] : memref<8x128xi32, #tpu.memory_space<vmem>> -> memref<1x128xi32, #tpu.memory_space<vmem>>
      %dma_wait3A_454 = tpu.memref_squeeze %dma_wait3A_453 : memref<1x128xi32, #tpu.memory_space<vmem>> -> memref<128xi32, #tpu.memory_space<vmem>>
      %dma_wait3A_455 = arith.constant 0 : i32
      %dma_wait3A_456 = arith.constant 0 : i32
      %dma_wait3A_457 = tpu.memref_slice %arg15[%dma_wait3A_455, %dma_wait3A_456] : memref<10112x128xf32, #tpu.memory_space<vmem_shared>> -> memref<10112x128xf32, #tpu.memory_space<vmem_shared>>
      tpu.wait_indirect_dma semaphore(%arg14 : memref<!tpu.dma_semaphore, #tpu.memory_space<semaphore_mem>>) src(%arg12 : memref<128x128xf32, #tpu.memory_space<vmem>>) dst(%dma_wait3A_457 : memref<10112x128xf32, #tpu.memory_space<vmem_shared>>)
      %dma_start3A_458 = arith.constant 3 : i32
      %dma_start3A_459 = arith.constant 0 : i32
      %dma_start3A_460 = tpu.memref_slice %arg8[%dma_start3A_458, %dma_start3A_459] : memref<8x128xi32, #tpu.memory_space<vmem>> -> memref<1x128xi32, #tpu.memory_space<vmem>>
      %dma_start3A_461 = tpu.memref_squeeze %dma_start3A_460 : memref<1x128xi32, #tpu.memory_space<vmem>> -> memref<128xi32, #tpu.memory_space<vmem>>
      %dma_start3A_462 = arith.constant 0 : i32
      %dma_start3A_463 = arith.constant 0 : i32
      %dma_start3A_464 = tpu.memref_slice %arg2[%arg0, %dma_start3A_462, %dma_start3A_463] : memref<2x10000x128xf32, #tpu.memory_space<hbm>> -> memref<1x10000x128xf32, #tpu.memory_space<hbm>>
      %dma_start3A_465 = tpu.memref_squeeze %dma_start3A_464 : memref<1x10000x128xf32, #tpu.memory_space<hbm>> -> memref<10000x128xf32, #tpu.memory_space<hbm>>
      %dma_start3A_466 = arith.constant 0 : i32
      %dma_start3A_467 = arith.constant 0 : i32
      %dma_start3A_468 = tpu.memref_slice %dma_start3A_465[%dma_start3A_466, %dma_start3A_467] : memref<10000x128xf32, #tpu.memory_space<hbm>> -> memref<10000x128xf32, #tpu.memory_space<hbm>>
      tpu.enqueue_indirect_dma source(%dma_start3A_468 : memref<10000x128xf32, #tpu.memory_space<hbm>>) target(%arg12 : memref<128x128xf32, #tpu.memory_space<vmem>>) offsets(%dma_start3A_461 : memref<128xi32, #tpu.memory_space<vmem>>) semaphore(%arg13 : memref<!tpu.dma_semaphore, #tpu.memory_space<semaphore_mem>>)
      %dma_wait3A_469 = arith.constant 3 : i32
      %dma_wait3A_470 = arith.constant 0 : i32
      %dma_wait3A_471 = tpu.memref_slice %arg8[%dma_wait3A_469, %dma_wait3A_470] : memref<8x128xi32, #tpu.memory_space<vmem>> -> memref<1x128xi32, #tpu.memory_space<vmem>>
      %dma_wait3A_472 = tpu.memref_squeeze %dma_wait3A_471 : memref<1x128xi32, #tpu.memory_space<vmem>> -> memref<128xi32, #tpu.memory_space<vmem>>
      %dma_wait3A_473 = arith.constant 0 : i32
      %dma_wait3A_474 = arith.constant 0 : i32
      %dma_wait3A_475 = tpu.memref_slice %arg2[%arg0, %dma_wait3A_473, %dma_wait3A_474] : memref<2x10000x128xf32, #tpu.memory_space<hbm>> -> memref<1x10000x128xf32, #tpu.memory_space<hbm>>
      %dma_wait3A_476 = tpu.memref_squeeze %dma_wait3A_475 : memref<1x10000x128xf32, #tpu.memory_space<hbm>> -> memref<10000x128xf32, #tpu.memory_space<hbm>>
      %dma_wait3A_477 = arith.constant 0 : i32
      %dma_wait3A_478 = arith.constant 0 : i32
      %dma_wait3A_479 = tpu.memref_slice %dma_wait3A_476[%dma_wait3A_477, %dma_wait3A_478] : memref<10000x128xf32, #tpu.memory_space<hbm>> -> memref<10000x128xf32, #tpu.memory_space<hbm>>
      tpu.wait_indirect_dma semaphore(%arg13 : memref<!tpu.dma_semaphore, #tpu.memory_space<semaphore_mem>>) src(%dma_wait3A_479 : memref<10000x128xf32, #tpu.memory_space<hbm>>) dst(%arg12 : memref<128x128xf32, #tpu.memory_space<vmem>>)
      %dma_start3A_480 = arith.constant 3 : i32
      %dma_start3A_481 = arith.constant 0 : i32
      %dma_start3A_482 = tpu.memref_slice %arg10[%dma_start3A_480, %dma_start3A_481] : memref<8x128xi32, #tpu.memory_space<vmem>> -> memref<1x128xi32, #tpu.memory_space<vmem>>
      %dma_start3A_483 = tpu.memref_squeeze %dma_start3A_482 : memref<1x128xi32, #tpu.memory_space<vmem>> -> memref<128xi32, #tpu.memory_space<vmem>>
      %dma_start3A_484 = arith.constant 0 : i32
      %dma_start3A_485 = arith.constant 0 : i32
      %dma_start3A_486 = tpu.memref_slice %arg15[%dma_start3A_484, %dma_start3A_485] : memref<10112x128xf32, #tpu.memory_space<vmem_shared>> -> memref<10112x128xf32, #tpu.memory_space<vmem_shared>>
      tpu.enqueue_indirect_dma source(%arg12 : memref<128x128xf32, #tpu.memory_space<vmem>>) target(%dma_start3A_486 : memref<10112x128xf32, #tpu.memory_space<vmem_shared>>) offsets(%dma_start3A_483 : memref<128xi32, #tpu.memory_space<vmem>>) semaphore(%arg14 : memref<!tpu.dma_semaphore, #tpu.memory_space<semaphore_mem>>) {add = true}
      %dma_wait3A_487 = arith.constant 3 : i32
      %dma_wait3A_488 = arith.constant 0 : i32
      %dma_wait3A_489 = tpu.memref_slice %arg10[%dma_wait3A_487, %dma_wait3A_488] : memref<8x128xi32, #tpu.memory_space<vmem>> -> memref<1x128xi32, #tpu.memory_space<vmem>>
      %dma_wait3A_490 = tpu.memref_squeeze %dma_wait3A_489 : memref<1x128xi32, #tpu.memory_space<vmem>> -> memref<128xi32, #tpu.memory_space<vmem>>
      %dma_wait3A_491 = arith.constant 0 : i32
      %dma_wait3A_492 = arith.constant 0 : i32
      %dma_wait3A_493 = tpu.memref_slice %arg15[%dma_wait3A_491, %dma_wait3A_492] : memref<10112x128xf32, #tpu.memory_space<vmem_shared>> -> memref<10112x128xf32, #tpu.memory_space<vmem_shared>>
      tpu.wait_indirect_dma semaphore(%arg14 : memref<!tpu.dma_semaphore, #tpu.memory_space<semaphore_mem>>) src(%arg11 : memref<128x128xf32, #tpu.memory_space<vmem>>) dst(%dma_wait3A_493 : memref<10112x128xf32, #tpu.memory_space<vmem_shared>>)
      %dma_start3A_494 = arith.constant 4 : i32
      %dma_start3A_495 = arith.constant 0 : i32
      %dma_start3A_496 = tpu.memref_slice %arg8[%dma_start3A_494, %dma_start3A_495] : memref<8x128xi32, #tpu.memory_space<vmem>> -> memref<1x128xi32, #tpu.memory_space<vmem>>
      %dma_start3A_497 = tpu.memref_squeeze %dma_start3A_496 : memref<1x128xi32, #tpu.memory_space<vmem>> -> memref<128xi32, #tpu.memory_space<vmem>>
      %dma_start3A_498 = arith.constant 0 : i32
      %dma_start3A_499 = arith.constant 0 : i32
      %dma_start3A_500 = tpu.memref_slice %arg2[%arg0, %dma_start3A_498, %dma_start3A_499] : memref<2x10000x128xf32, #tpu.memory_space<hbm>> -> memref<1x10000x128xf32, #tpu.memory_space<hbm>>
      %dma_start3A_501 = tpu.memref_squeeze %dma_start3A_500 : memref<1x10000x128xf32, #tpu.memory_space<hbm>> -> memref<10000x128xf32, #tpu.memory_space<hbm>>
      %dma_start3A_502 = arith.constant 0 : i32
      %dma_start3A_503 = arith.constant 0 : i32
      %dma_start3A_504 = tpu.memref_slice %dma_start3A_501[%dma_start3A_502, %dma_start3A_503] : memref<10000x128xf32, #tpu.memory_space<hbm>> -> memref<10000x128xf32, #tpu.memory_space<hbm>>
      tpu.enqueue_indirect_dma source(%dma_start3A_504 : memref<10000x128xf32, #tpu.memory_space<hbm>>) target(%arg11 : memref<128x128xf32, #tpu.memory_space<vmem>>) offsets(%dma_start3A_497 : memref<128xi32, #tpu.memory_space<vmem>>) semaphore(%arg13 : memref<!tpu.dma_semaphore, #tpu.memory_space<semaphore_mem>>)
      %dma_wait3A_505 = arith.constant 4 : i32
      %dma_wait3A_506 = arith.constant 0 : i32
      %dma_wait3A_507 = tpu.memref_slice %arg8[%dma_wait3A_505, %dma_wait3A_506] : memref<8x128xi32, #tpu.memory_space<vmem>> -> memref<1x128xi32, #tpu.memory_space<vmem>>
      %dma_wait3A_508 = tpu.memref_squeeze %dma_wait3A_507 : memref<1x128xi32, #tpu.memory_space<vmem>> -> memref<128xi32, #tpu.memory_space<vmem>>
      %dma_wait3A_509 = arith.constant 0 : i32
      %dma_wait3A_510 = arith.constant 0 : i32
      %dma_wait3A_511 = tpu.memref_slice %arg2[%arg0, %dma_wait3A_509, %dma_wait3A_510] : memref<2x10000x128xf32, #tpu.memory_space<hbm>> -> memref<1x10000x128xf32, #tpu.memory_space<hbm>>
      %dma_wait3A_512 = tpu.memref_squeeze %dma_wait3A_511 : memref<1x10000x128xf32, #tpu.memory_space<hbm>> -> memref<10000x128xf32, #tpu.memory_space<hbm>>
      %dma_wait3A_513 = arith.constant 0 : i32
      %dma_wait3A_514 = arith.constant 0 : i32
      %dma_wait3A_515 = tpu.memref_slice %dma_wait3A_512[%dma_wait3A_513, %dma_wait3A_514] : memref<10000x128xf32, #tpu.memory_space<hbm>> -> memref<10000x128xf32, #tpu.memory_space<hbm>>
      tpu.wait_indirect_dma semaphore(%arg13 : memref<!tpu.dma_semaphore, #tpu.memory_space<semaphore_mem>>) src(%dma_wait3A_515 : memref<10000x128xf32, #tpu.memory_space<hbm>>) dst(%arg11 : memref<128x128xf32, #tpu.memory_space<vmem>>)
      %dma_start3A_516 = arith.constant 4 : i32
      %dma_start3A_517 = arith.constant 0 : i32
      %dma_start3A_518 = tpu.memref_slice %arg10[%dma_start3A_516, %dma_start3A_517] : memref<8x128xi32, #tpu.memory_space<vmem>> -> memref<1x128xi32, #tpu.memory_space<vmem>>
      %dma_start3A_519 = tpu.memref_squeeze %dma_start3A_518 : memref<1x128xi32, #tpu.memory_space<vmem>> -> memref<128xi32, #tpu.memory_space<vmem>>
      %dma_start3A_520 = arith.constant 0 : i32
      %dma_start3A_521 = arith.constant 0 : i32
      %dma_start3A_522 = tpu.memref_slice %arg15[%dma_start3A_520, %dma_start3A_521] : memref<10112x128xf32, #tpu.memory_space<vmem_shared>> -> memref<10112x128xf32, #tpu.memory_space<vmem_shared>>
      tpu.enqueue_indirect_dma source(%arg11 : memref<128x128xf32, #tpu.memory_space<vmem>>) target(%dma_start3A_522 : memref<10112x128xf32, #tpu.memory_space<vmem_shared>>) offsets(%dma_start3A_519 : memref<128xi32, #tpu.memory_space<vmem>>) semaphore(%arg14 : memref<!tpu.dma_semaphore, #tpu.memory_space<semaphore_mem>>) {add = true}
      %dma_wait3A_523 = arith.constant 4 : i32
      %dma_wait3A_524 = arith.constant 0 : i32
      %dma_wait3A_525 = tpu.memref_slice %arg10[%dma_wait3A_523, %dma_wait3A_524] : memref<8x128xi32, #tpu.memory_space<vmem>> -> memref<1x128xi32, #tpu.memory_space<vmem>>
      %dma_wait3A_526 = tpu.memref_squeeze %dma_wait3A_525 : memref<1x128xi32, #tpu.memory_space<vmem>> -> memref<128xi32, #tpu.memory_space<vmem>>
      %dma_wait3A_527 = arith.constant 0 : i32
      %dma_wait3A_528 = arith.constant 0 : i32
      %dma_wait3A_529 = tpu.memref_slice %arg15[%dma_wait3A_527, %dma_wait3A_528] : memref<10112x128xf32, #tpu.memory_space<vmem_shared>> -> memref<10112x128xf32, #tpu.memory_space<vmem_shared>>
      tpu.wait_indirect_dma semaphore(%arg14 : memref<!tpu.dma_semaphore, #tpu.memory_space<semaphore_mem>>) src(%arg12 : memref<128x128xf32, #tpu.memory_space<vmem>>) dst(%dma_wait3A_529 : memref<10112x128xf32, #tpu.memory_space<vmem_shared>>)
      %dma_start3A_530 = arith.constant 5 : i32
      %dma_start3A_531 = arith.constant 0 : i32
      %dma_start3A_532 = tpu.memref_slice %arg8[%dma_start3A_530, %dma_start3A_531] : memref<8x128xi32, #tpu.memory_space<vmem>> -> memref<1x128xi32, #tpu.memory_space<vmem>>
      %dma_start3A_533 = tpu.memref_squeeze %dma_start3A_532 : memref<1x128xi32, #tpu.memory_space<vmem>> -> memref<128xi32, #tpu.memory_space<vmem>>
      %dma_start3A_534 = arith.constant 0 : i32
      %dma_start3A_535 = arith.constant 0 : i32
      %dma_start3A_536 = tpu.memref_slice %arg2[%arg0, %dma_start3A_534, %dma_start3A_535] : memref<2x10000x128xf32, #tpu.memory_space<hbm>> -> memref<1x10000x128xf32, #tpu.memory_space<hbm>>
      %dma_start3A_537 = tpu.memref_squeeze %dma_start3A_536 : memref<1x10000x128xf32, #tpu.memory_space<hbm>> -> memref<10000x128xf32, #tpu.memory_space<hbm>>
      %dma_start3A_538 = arith.constant 0 : i32
      %dma_start3A_539 = arith.constant 0 : i32
      %dma_start3A_540 = tpu.memref_slice %dma_start3A_537[%dma_start3A_538, %dma_start3A_539] : memref<10000x128xf32, #tpu.memory_space<hbm>> -> memref<10000x128xf32, #tpu.memory_space<hbm>>
      tpu.enqueue_indirect_dma source(%dma_start3A_540 : memref<10000x128xf32, #tpu.memory_space<hbm>>) target(%arg12 : memref<128x128xf32, #tpu.memory_space<vmem>>) offsets(%dma_start3A_533 : memref<128xi32, #tpu.memory_space<vmem>>) semaphore(%arg13 : memref<!tpu.dma_semaphore, #tpu.memory_space<semaphore_mem>>)
      %dma_wait3A_541 = arith.constant 5 : i32
      %dma_wait3A_542 = arith.constant 0 : i32
      %dma_wait3A_543 = tpu.memref_slice %arg8[%dma_wait3A_541, %dma_wait3A_542] : memref<8x128xi32, #tpu.memory_space<vmem>> -> memref<1x128xi32, #tpu.memory_space<vmem>>
      %dma_wait3A_544 = tpu.memref_squeeze %dma_wait3A_543 : memref<1x128xi32, #tpu.memory_space<vmem>> -> memref<128xi32, #tpu.memory_space<vmem>>
      %dma_wait3A_545 = arith.constant 0 : i32
      %dma_wait3A_546 = arith.constant 0 : i32
      %dma_wait3A_547 = tpu.memref_slice %arg2[%arg0, %dma_wait3A_545, %dma_wait3A_546] : memref<2x10000x128xf32, #tpu.memory_space<hbm>> -> memref<1x10000x128xf32, #tpu.memory_space<hbm>>
      %dma_wait3A_548 = tpu.memref_squeeze %dma_wait3A_547 : memref<1x10000x128xf32, #tpu.memory_space<hbm>> -> memref<10000x128xf32, #tpu.memory_space<hbm>>
      %dma_wait3A_549 = arith.constant 0 : i32
      %dma_wait3A_550 = arith.constant 0 : i32
      %dma_wait3A_551 = tpu.memref_slice %dma_wait3A_548[%dma_wait3A_549, %dma_wait3A_550] : memref<10000x128xf32, #tpu.memory_space<hbm>> -> memref<10000x128xf32, #tpu.memory_space<hbm>>
      tpu.wait_indirect_dma semaphore(%arg13 : memref<!tpu.dma_semaphore, #tpu.memory_space<semaphore_mem>>) src(%dma_wait3A_551 : memref<10000x128xf32, #tpu.memory_space<hbm>>) dst(%arg12 : memref<128x128xf32, #tpu.memory_space<vmem>>)
      %dma_start3A_552 = arith.constant 5 : i32
      %dma_start3A_553 = arith.constant 0 : i32
      %dma_start3A_554 = tpu.memref_slice %arg10[%dma_start3A_552, %dma_start3A_553] : memref<8x128xi32, #tpu.memory_space<vmem>> -> memref<1x128xi32, #tpu.memory_space<vmem>>
      %dma_start3A_555 = tpu.memref_squeeze %dma_start3A_554 : memref<1x128xi32, #tpu.memory_space<vmem>> -> memref<128xi32, #tpu.memory_space<vmem>>
      %dma_start3A_556 = arith.constant 0 : i32
      %dma_start3A_557 = arith.constant 0 : i32
      %dma_start3A_558 = tpu.memref_slice %arg15[%dma_start3A_556, %dma_start3A_557] : memref<10112x128xf32, #tpu.memory_space<vmem_shared>> -> memref<10112x128xf32, #tpu.memory_space<vmem_shared>>
      tpu.enqueue_indirect_dma source(%arg12 : memref<128x128xf32, #tpu.memory_space<vmem>>) target(%dma_start3A_558 : memref<10112x128xf32, #tpu.memory_space<vmem_shared>>) offsets(%dma_start3A_555 : memref<128xi32, #tpu.memory_space<vmem>>) semaphore(%arg14 : memref<!tpu.dma_semaphore, #tpu.memory_space<semaphore_mem>>) {add = true}
      %dma_wait3A_559 = arith.constant 5 : i32
      %dma_wait3A_560 = arith.constant 0 : i32
      %dma_wait3A_561 = tpu.memref_slice %arg10[%dma_wait3A_559, %dma_wait3A_560] : memref<8x128xi32, #tpu.memory_space<vmem>> -> memref<1x128xi32, #tpu.memory_space<vmem>>
      %dma_wait3A_562 = tpu.memref_squeeze %dma_wait3A_561 : memref<1x128xi32, #tpu.memory_space<vmem>> -> memref<128xi32, #tpu.memory_space<vmem>>
      %dma_wait3A_563 = arith.constant 0 : i32
      %dma_wait3A_564 = arith.constant 0 : i32
      %dma_wait3A_565 = tpu.memref_slice %arg15[%dma_wait3A_563, %dma_wait3A_564] : memref<10112x128xf32, #tpu.memory_space<vmem_shared>> -> memref<10112x128xf32, #tpu.memory_space<vmem_shared>>
      tpu.wait_indirect_dma semaphore(%arg14 : memref<!tpu.dma_semaphore, #tpu.memory_space<semaphore_mem>>) src(%arg11 : memref<128x128xf32, #tpu.memory_space<vmem>>) dst(%dma_wait3A_565 : memref<10112x128xf32, #tpu.memory_space<vmem_shared>>)
      %dma_start3A_566 = arith.constant 6 : i32
      %dma_start3A_567 = arith.constant 0 : i32
      %dma_start3A_568 = tpu.memref_slice %arg8[%dma_start3A_566, %dma_start3A_567] : memref<8x128xi32, #tpu.memory_space<vmem>> -> memref<1x128xi32, #tpu.memory_space<vmem>>
      %dma_start3A_569 = tpu.memref_squeeze %dma_start3A_568 : memref<1x128xi32, #tpu.memory_space<vmem>> -> memref<128xi32, #tpu.memory_space<vmem>>
      %dma_start3A_570 = arith.constant 0 : i32
      %dma_start3A_571 = arith.constant 0 : i32
      %dma_start3A_572 = tpu.memref_slice %arg2[%arg0, %dma_start3A_570, %dma_start3A_571] : memref<2x10000x128xf32, #tpu.memory_space<hbm>> -> memref<1x10000x128xf32, #tpu.memory_space<hbm>>
      %dma_start3A_573 = tpu.memref_squeeze %dma_start3A_572 : memref<1x10000x128xf32, #tpu.memory_space<hbm>> -> memref<10000x128xf32, #tpu.memory_space<hbm>>
      %dma_start3A_574 = arith.constant 0 : i32
      %dma_start3A_575 = arith.constant 0 : i32
      %dma_start3A_576 = tpu.memref_slice %dma_start3A_573[%dma_start3A_574, %dma_start3A_575] : memref<10000x128xf32, #tpu.memory_space<hbm>> -> memref<10000x128xf32, #tpu.memory_space<hbm>>
      tpu.enqueue_indirect_dma source(%dma_start3A_576 : memref<10000x128xf32, #tpu.memory_space<hbm>>) target(%arg11 : memref<128x128xf32, #tpu.memory_space<vmem>>) offsets(%dma_start3A_569 : memref<128xi32, #tpu.memory_space<vmem>>) semaphore(%arg13 : memref<!tpu.dma_semaphore, #tpu.memory_space<semaphore_mem>>)
      %dma_wait3A_577 = arith.constant 6 : i32
      %dma_wait3A_578 = arith.constant 0 : i32
      %dma_wait3A_579 = tpu.memref_slice %arg8[%dma_wait3A_577, %dma_wait3A_578] : memref<8x128xi32, #tpu.memory_space<vmem>> -> memref<1x128xi32, #tpu.memory_space<vmem>>
      %dma_wait3A_580 = tpu.memref_squeeze %dma_wait3A_579 : memref<1x128xi32, #tpu.memory_space<vmem>> -> memref<128xi32, #tpu.memory_space<vmem>>
      %dma_wait3A_581 = arith.constant 0 : i32
      %dma_wait3A_582 = arith.constant 0 : i32
      %dma_wait3A_583 = tpu.memref_slice %arg2[%arg0, %dma_wait3A_581, %dma_wait3A_582] : memref<2x10000x128xf32, #tpu.memory_space<hbm>> -> memref<1x10000x128xf32, #tpu.memory_space<hbm>>
      %dma_wait3A_584 = tpu.memref_squeeze %dma_wait3A_583 : memref<1x10000x128xf32, #tpu.memory_space<hbm>> -> memref<10000x128xf32, #tpu.memory_space<hbm>>
      %dma_wait3A_585 = arith.constant 0 : i32
      %dma_wait3A_586 = arith.constant 0 : i32
      %dma_wait3A_587 = tpu.memref_slice %dma_wait3A_584[%dma_wait3A_585, %dma_wait3A_586] : memref<10000x128xf32, #tpu.memory_space<hbm>> -> memref<10000x128xf32, #tpu.memory_space<hbm>>
      tpu.wait_indirect_dma semaphore(%arg13 : memref<!tpu.dma_semaphore, #tpu.memory_space<semaphore_mem>>) src(%dma_wait3A_587 : memref<10000x128xf32, #tpu.memory_space<hbm>>) dst(%arg11 : memref<128x128xf32, #tpu.memory_space<vmem>>)
      %dma_start3A_588 = arith.constant 6 : i32
      %dma_start3A_589 = arith.constant 0 : i32
      %dma_start3A_590 = tpu.memref_slice %arg10[%dma_start3A_588, %dma_start3A_589] : memref<8x128xi32, #tpu.memory_space<vmem>> -> memref<1x128xi32, #tpu.memory_space<vmem>>
      %dma_start3A_591 = tpu.memref_squeeze %dma_start3A_590 : memref<1x128xi32, #tpu.memory_space<vmem>> -> memref<128xi32, #tpu.memory_space<vmem>>
      %dma_start3A_592 = arith.constant 0 : i32
      %dma_start3A_593 = arith.constant 0 : i32
      %dma_start3A_594 = tpu.memref_slice %arg15[%dma_start3A_592, %dma_start3A_593] : memref<10112x128xf32, #tpu.memory_space<vmem_shared>> -> memref<10112x128xf32, #tpu.memory_space<vmem_shared>>
      tpu.enqueue_indirect_dma source(%arg11 : memref<128x128xf32, #tpu.memory_space<vmem>>) target(%dma_start3A_594 : memref<10112x128xf32, #tpu.memory_space<vmem_shared>>) offsets(%dma_start3A_591 : memref<128xi32, #tpu.memory_space<vmem>>) semaphore(%arg14 : memref<!tpu.dma_semaphore, #tpu.memory_space<semaphore_mem>>) {add = true}
      %dma_wait3A_595 = arith.constant 6 : i32
      %dma_wait3A_596 = arith.constant 0 : i32
      %dma_wait3A_597 = tpu.memref_slice %arg10[%dma_wait3A_595, %dma_wait3A_596] : memref<8x128xi32, #tpu.memory_space<vmem>> -> memref<1x128xi32, #tpu.memory_space<vmem>>
      %dma_wait3A_598 = tpu.memref_squeeze %dma_wait3A_597 : memref<1x128xi32, #tpu.memory_space<vmem>> -> memref<128xi32, #tpu.memory_space<vmem>>
      %dma_wait3A_599 = arith.constant 0 : i32
      %dma_wait3A_600 = arith.constant 0 : i32
      %dma_wait3A_601 = tpu.memref_slice %arg15[%dma_wait3A_599, %dma_wait3A_600] : memref<10112x128xf32, #tpu.memory_space<vmem_shared>> -> memref<10112x128xf32, #tpu.memory_space<vmem_shared>>
      tpu.wait_indirect_dma semaphore(%arg14 : memref<!tpu.dma_semaphore, #tpu.memory_space<semaphore_mem>>) src(%arg12 : memref<128x128xf32, #tpu.memory_space<vmem>>) dst(%dma_wait3A_601 : memref<10112x128xf32, #tpu.memory_space<vmem_shared>>)
      %dma_start3A_602 = arith.constant 7 : i32
      %dma_start3A_603 = arith.constant 0 : i32
      %dma_start3A_604 = tpu.memref_slice %arg8[%dma_start3A_602, %dma_start3A_603] : memref<8x128xi32, #tpu.memory_space<vmem>> -> memref<1x128xi32, #tpu.memory_space<vmem>>
      %dma_start3A_605 = tpu.memref_squeeze %dma_start3A_604 : memref<1x128xi32, #tpu.memory_space<vmem>> -> memref<128xi32, #tpu.memory_space<vmem>>
      %dma_start3A_606 = arith.constant 0 : i32
      %dma_start3A_607 = arith.constant 0 : i32
      %dma_start3A_608 = tpu.memref_slice %arg2[%arg0, %dma_start3A_606, %dma_start3A_607] : memref<2x10000x128xf32, #tpu.memory_space<hbm>> -> memref<1x10000x128xf32, #tpu.memory_space<hbm>>
      %dma_start3A_609 = tpu.memref_squeeze %dma_start3A_608 : memref<1x10000x128xf32, #tpu.memory_space<hbm>> -> memref<10000x128xf32, #tpu.memory_space<hbm>>
      %dma_start3A_610 = arith.constant 0 : i32
      %dma_start3A_611 = arith.constant 0 : i32
      %dma_start3A_612 = tpu.memref_slice %dma_start3A_609[%dma_start3A_610, %dma_start3A_611] : memref<10000x128xf32, #tpu.memory_space<hbm>> -> memref<10000x128xf32, #tpu.memory_space<hbm>>
      tpu.enqueue_indirect_dma source(%dma_start3A_612 : memref<10000x128xf32, #tpu.memory_space<hbm>>) target(%arg12 : memref<128x128xf32, #tpu.memory_space<vmem>>) offsets(%dma_start3A_605 : memref<128xi32, #tpu.memory_space<vmem>>) semaphore(%arg13 : memref<!tpu.dma_semaphore, #tpu.memory_space<semaphore_mem>>)
      %dma_wait3A_613 = arith.constant 7 : i32
      %dma_wait3A_614 = arith.constant 0 : i32
      %dma_wait3A_615 = tpu.memref_slice %arg8[%dma_wait3A_613, %dma_wait3A_614] : memref<8x128xi32, #tpu.memory_space<vmem>> -> memref<1x128xi32, #tpu.memory_space<vmem>>
      %dma_wait3A_616 = tpu.memref_squeeze %dma_wait3A_615 : memref<1x128xi32, #tpu.memory_space<vmem>> -> memref<128xi32, #tpu.memory_space<vmem>>
      %dma_wait3A_617 = arith.constant 0 : i32
      %dma_wait3A_618 = arith.constant 0 : i32
      %dma_wait3A_619 = tpu.memref_slice %arg2[%arg0, %dma_wait3A_617, %dma_wait3A_618] : memref<2x10000x128xf32, #tpu.memory_space<hbm>> -> memref<1x10000x128xf32, #tpu.memory_space<hbm>>
      %dma_wait3A_620 = tpu.memref_squeeze %dma_wait3A_619 : memref<1x10000x128xf32, #tpu.memory_space<hbm>> -> memref<10000x128xf32, #tpu.memory_space<hbm>>
      %dma_wait3A_621 = arith.constant 0 : i32
      %dma_wait3A_622 = arith.constant 0 : i32
      %dma_wait3A_623 = tpu.memref_slice %dma_wait3A_620[%dma_wait3A_621, %dma_wait3A_622] : memref<10000x128xf32, #tpu.memory_space<hbm>> -> memref<10000x128xf32, #tpu.memory_space<hbm>>
      tpu.wait_indirect_dma semaphore(%arg13 : memref<!tpu.dma_semaphore, #tpu.memory_space<semaphore_mem>>) src(%dma_wait3A_623 : memref<10000x128xf32, #tpu.memory_space<hbm>>) dst(%arg12 : memref<128x128xf32, #tpu.memory_space<vmem>>)
      %dma_start3A_624 = arith.constant 7 : i32
      %dma_start3A_625 = arith.constant 0 : i32
      %dma_start3A_626 = tpu.memref_slice %arg10[%dma_start3A_624, %dma_start3A_625] : memref<8x128xi32, #tpu.memory_space<vmem>> -> memref<1x128xi32, #tpu.memory_space<vmem>>
      %dma_start3A_627 = tpu.memref_squeeze %dma_start3A_626 : memref<1x128xi32, #tpu.memory_space<vmem>> -> memref<128xi32, #tpu.memory_space<vmem>>
      %dma_start3A_628 = arith.constant 0 : i32
      %dma_start3A_629 = arith.constant 0 : i32
      %dma_start3A_630 = tpu.memref_slice %arg15[%dma_start3A_628, %dma_start3A_629] : memref<10112x128xf32, #tpu.memory_space<vmem_shared>> -> memref<10112x128xf32, #tpu.memory_space<vmem_shared>>
      tpu.enqueue_indirect_dma source(%arg12 : memref<128x128xf32, #tpu.memory_space<vmem>>) target(%dma_start3A_630 : memref<10112x128xf32, #tpu.memory_space<vmem_shared>>) offsets(%dma_start3A_627 : memref<128xi32, #tpu.memory_space<vmem>>) semaphore(%arg14 : memref<!tpu.dma_semaphore, #tpu.memory_space<semaphore_mem>>) {add = true}
      %dma_wait3A_631 = arith.constant 7 : i32
      %dma_wait3A_632 = arith.constant 0 : i32
      %dma_wait3A_633 = tpu.memref_slice %arg10[%dma_wait3A_631, %dma_wait3A_632] : memref<8x128xi32, #tpu.memory_space<vmem>> -> memref<1x128xi32, #tpu.memory_space<vmem>>
      %dma_wait3A_634 = tpu.memref_squeeze %dma_wait3A_633 : memref<1x128xi32, #tpu.memory_space<vmem>> -> memref<128xi32, #tpu.memory_space<vmem>>
      %dma_wait3A_635 = arith.constant 0 : i32
      %dma_wait3A_636 = arith.constant 0 : i32
      %dma_wait3A_637 = tpu.memref_slice %arg15[%dma_wait3A_635, %dma_wait3A_636] : memref<10112x128xf32, #tpu.memory_space<vmem_shared>> -> memref<10112x128xf32, #tpu.memory_space<vmem_shared>>
      tpu.wait_indirect_dma semaphore(%arg14 : memref<!tpu.dma_semaphore, #tpu.memory_space<semaphore_mem>>) src(%arg11 : memref<128x128xf32, #tpu.memory_space<vmem>>) dst(%dma_wait3A_637 : memref<10112x128xf32, #tpu.memory_space<vmem_shared>>)
      %dma_start3A_638 = arith.constant 0 : i32
      %dma_start3A_639 = arith.constant 0 : i32
      %dma_start3A_640 = tpu.memref_slice %arg7[%dma_start3A_638, %dma_start3A_639] : memref<8x128xi32, #tpu.memory_space<vmem>> -> memref<1x128xi32, #tpu.memory_space<vmem>>
      %dma_start3A_641 = tpu.memref_squeeze %dma_start3A_640 : memref<1x128xi32, #tpu.memory_space<vmem>> -> memref<128xi32, #tpu.memory_space<vmem>>
      %dma_start3A_642 = arith.constant 0 : i32
      %dma_start3A_643 = arith.constant 0 : i32
      %dma_start3A_644 = tpu.memref_slice %arg2[%arg0, %dma_start3A_642, %dma_start3A_643] : memref<2x10000x128xf32, #tpu.memory_space<hbm>> -> memref<1x10000x128xf32, #tpu.memory_space<hbm>>
      %dma_start3A_645 = tpu.memref_squeeze %dma_start3A_644 : memref<1x10000x128xf32, #tpu.memory_space<hbm>> -> memref<10000x128xf32, #tpu.memory_space<hbm>>
      %dma_start3A_646 = arith.constant 0 : i32
      %dma_start3A_647 = arith.constant 0 : i32
      %dma_start3A_648 = tpu.memref_slice %dma_start3A_645[%dma_start3A_646, %dma_start3A_647] : memref<10000x128xf32, #tpu.memory_space<hbm>> -> memref<10000x128xf32, #tpu.memory_space<hbm>>
      tpu.enqueue_indirect_dma source(%dma_start3A_648 : memref<10000x128xf32, #tpu.memory_space<hbm>>) target(%arg11 : memref<128x128xf32, #tpu.memory_space<vmem>>) offsets(%dma_start3A_641 : memref<128xi32, #tpu.memory_space<vmem>>) semaphore(%arg13 : memref<!tpu.dma_semaphore, #tpu.memory_space<semaphore_mem>>)
    }
    %scan3A_23 = arith.constant 5 : i32
    %dma_wait3A = arith.constant 0 : i32
    %dma_wait3A_24 = arith.constant 0 : i32
    %dma_wait3A_25 = tpu.memref_slice %arg7[%dma_wait3A, %dma_wait3A_24] : memref<8x128xi32, #tpu.memory_space<vmem>> -> memref<1x128xi32, #tpu.memory_space<vmem>>
    %dma_wait3A_26 = tpu.memref_squeeze %dma_wait3A_25 : memref<1x128xi32, #tpu.memory_space<vmem>> -> memref<128xi32, #tpu.memory_space<vmem>>
    %dma_wait3A_27 = arith.constant 0 : i32
    %dma_wait3A_28 = arith.constant 0 : i32
    %dma_wait3A_29 = tpu.memref_slice %arg2[%arg0, %dma_wait3A_27, %dma_wait3A_28] : memref<2x10000x128xf32, #tpu.memory_space<hbm>> -> memref<1x10000x128xf32, #tpu.memory_space<hbm>>
    %dma_wait3A_30 = tpu.memref_squeeze %dma_wait3A_29 : memref<1x10000x128xf32, #tpu.memory_space<hbm>> -> memref<10000x128xf32, #tpu.memory_space<hbm>>
    %dma_wait3A_31 = arith.constant 0 : i32
    %dma_wait3A_32 = arith.constant 0 : i32
    %dma_wait3A_33 = tpu.memref_slice %dma_wait3A_30[%dma_wait3A_31, %dma_wait3A_32] : memref<10000x128xf32, #tpu.memory_space<hbm>> -> memref<10000x128xf32, #tpu.memory_space<hbm>>
    tpu.wait_indirect_dma semaphore(%arg13 : memref<!tpu.dma_semaphore, #tpu.memory_space<semaphore_mem>>) src(%dma_wait3A_33 : memref<10000x128xf32, #tpu.memory_space<hbm>>) dst(%arg11 : memref<128x128xf32, #tpu.memory_space<vmem>>)
    %dma_wait3A_34 = arith.constant 0 : i32
    %dma_wait3A_35 = arith.constant 0 : i32
    %dma_wait3A_36 = tpu.memref_slice %arg9[%dma_wait3A_34, %dma_wait3A_35] : memref<8x128xi32, #tpu.memory_space<vmem>> -> memref<1x128xi32, #tpu.memory_space<vmem>>
    %dma_wait3A_37 = tpu.memref_squeeze %dma_wait3A_36 : memref<1x128xi32, #tpu.memory_space<vmem>> -> memref<128xi32, #tpu.memory_space<vmem>>
    %dma_wait3A_38 = arith.constant 0 : i32
    %dma_wait3A_39 = arith.constant 0 : i32
    %dma_wait3A_40 = tpu.memref_slice %arg15[%dma_wait3A_38, %dma_wait3A_39] : memref<10112x128xf32, #tpu.memory_space<vmem_shared>> -> memref<10112x128xf32, #tpu.memory_space<vmem_shared>>
    tpu.wait_indirect_dma semaphore(%arg14 : memref<!tpu.dma_semaphore, #tpu.memory_space<semaphore_mem>>) src(%arg11 : memref<128x128xf32, #tpu.memory_space<vmem>>) dst(%dma_wait3A_40 : memref<10112x128xf32, #tpu.memory_space<vmem_shared>>)
    %barrier3A_41 = arith.constant 0 : index
    tpu.barrier barrier_id(%barrier3A_41)
    "tpu.region"() ({
      %run_scoped3A = tpu.sem_alloc : memref<!tpu.dma_semaphore, #tpu.memory_space<semaphore_mem>>
      %dma_start3A_42 = arith.constant 0 : i32
      %dma_start3A_43 = arith.constant 0 : i32
      %dma_start3A_44 = tpu.memref_slice %arg6[%arg0, %dma_start3A_42, %dma_start3A_43] : memref<2x10112x128xf32, #tpu.memory_space<hbm>> -> memref<1x10112x128xf32, #tpu.memory_space<hbm>>
      %dma_start3A_45 = tpu.memref_squeeze %dma_start3A_44 : memref<1x10112x128xf32, #tpu.memory_space<hbm>> -> memref<10112x128xf32, #tpu.memory_space<hbm>>
      %dma_start3A_46 = arith.constant 0 : i32
      %dma_start3A_47 = tpu.memref_slice %dma_start3A_45[%mul3A_0, %dma_start3A_46] : memref<10112x128xf32, #tpu.memory_space<hbm>> -> memref<632x128xf32, #tpu.memory_space<hbm>>
      %dma_start3A_48 = arith.constant 0 : i32
      %dma_start3A_49 = tpu.memref_slice %arg15[%mul3A_0, %dma_start3A_48] : memref<10112x128xf32, #tpu.memory_space<vmem_shared>> -> memref<632x128xf32, #tpu.memory_space<vmem_shared>>
      tpu.enqueue_dma source(%dma_start3A_49 : memref<632x128xf32, #tpu.memory_space<vmem_shared>>) target(%dma_start3A_47 : memref<632x128xf32, #tpu.memory_space<hbm>>) target_semaphore(%run_scoped3A : memref<!tpu.dma_semaphore, #tpu.memory_space<semaphore_mem>>)
      %dma_wait3A_50 = arith.constant 0 : i32
      %dma_wait3A_51 = arith.constant 0 : i32
      %dma_wait3A_52 = tpu.memref_slice %arg6[%arg0, %dma_wait3A_50, %dma_wait3A_51] : memref<2x10112x128xf32, #tpu.memory_space<hbm>> -> memref<1x10112x128xf32, #tpu.memory_space<hbm>>
      %dma_wait3A_53 = tpu.memref_squeeze %dma_wait3A_52 : memref<1x10112x128xf32, #tpu.memory_space<hbm>> -> memref<10112x128xf32, #tpu.memory_space<hbm>>
      %dma_wait3A_54 = arith.constant 0 : i32
      %dma_wait3A_55 = tpu.memref_slice %dma_wait3A_53[%mul3A_0, %dma_wait3A_54] : memref<10112x128xf32, #tpu.memory_space<hbm>> -> memref<632x128xf32, #tpu.memory_space<hbm>>
      %dma_wait3A_56 = arith.constant 0 : i32
      %dma_wait3A_57 = tpu.memref_slice %arg15[%mul3A_0, %dma_wait3A_56] : memref<10112x128xf32, #tpu.memory_space<vmem_shared>> -> memref<632x128xf32, #tpu.memory_space<vmem_shared>>
      tpu.wait_dma2 semaphore(%run_scoped3A : memref<!tpu.dma_semaphore, #tpu.memory_space<semaphore_mem>>) src(%dma_wait3A_57 : memref<632x128xf32, #tpu.memory_space<vmem_shared>>) dst(%dma_wait3A_55 : memref<632x128xf32, #tpu.memory_space<hbm>>)
      tpu.yield
    }) : () -> ()
    return
  }
}

module attributes {stable_mosaic.version = 14 : i64} {
  func.func @_prescale_body(%arg0: i32, %arg1: memref<400x256xf32, #tpu.memory_space<vmem>>, %arg2: memref<400x128xf32, #tpu.memory_space<vmem>>, %arg3: memref<2x400x128xf32, #tpu.memory_space<vmem>>) attributes {dimension_semantics = [#tpu.dimension_semantics<arbitrary>], iteration_bounds = array<i64: 25>, scalar_prefetch = 0 : i64, scratch_operands = 0 : i64, tpu.core_type = #tpu.core_type<tc>, window_params = [{transform_indices = @transform_0, window_bounds = array<i64: 400, 256>}, {transform_indices = @transform_1, window_bounds = array<i64: 400, 128>}, {transform_indices = @transform_2, window_bounds = array<i64: 2, 400, 128>}]} {
    %get3A = arith.constant 0 : index
    %get3A_0 = arith.constant 0 : index
    %get3A_1 = vector.load %arg1[%get3A, %get3A_0] : memref<400x256xf32, #tpu.memory_space<vmem>>, vector<400x256xf32>
    %get3A_2 = arith.constant 0 : index
    %get3A_3 = arith.constant 0 : index
    %get3A_4 = vector.load %arg2[%get3A_2, %get3A_3] : memref<400x128xf32, #tpu.memory_space<vmem>>, vector<400x128xf32>
    %slice3A = vector.extract_strided_slice %get3A_4 {offsets = [0, 0], sizes = [400, 1], strides = [1, 1]} : vector<400x128xf32> to vector<400x1xf32>
    %max3A = arith.constant 1.000000e+00 : f32
    %max3A_5 = vector.broadcast %max3A : f32 to vector<400x1xf32>
    %max3A_6 = arith.maximumf %slice3A, %max3A_5 : vector<400x1xf32>
    %rsqrt3A = math.rsqrt %max3A_6 : vector<400x1xf32>
    %mul3A = vector.broadcast %rsqrt3A : vector<400x1xf32> to vector<400x256xf32>
    %mul3A_7 = arith.mulf %get3A_1, %mul3A : vector<400x256xf32>
    %slice3A_8 = vector.extract_strided_slice %mul3A_7 {offsets = [0, 0], sizes = [400, 128], strides = [1, 1]} : vector<400x256xf32> to vector<400x128xf32>
    %swap3A = arith.constant 0 : index
    %swap3A_9 = arith.constant 0 : index
    %swap3A_10 = arith.constant 0 : index
    %swap3A_11 = vector.load %arg3[%swap3A, %swap3A_9, %swap3A_10] : memref<2x400x128xf32, #tpu.memory_space<vmem>>, vector<1x400x128xf32>
    %swap3A_12 = vector.shape_cast %swap3A_11 : vector<1x400x128xf32> to vector<400x128xf32>
    %swap3A_13 = vector.shape_cast %slice3A_8 : vector<400x128xf32> to vector<1x400x128xf32>
    tpu.vector_store %arg3[%swap3A, %swap3A_9, %swap3A_10], %swap3A_13 {strides = array<i32>} : memref<2x400x128xf32, #tpu.memory_space<vmem>>, vector<1x400x128xf32>,
    %slice3A_14 = vector.extract_strided_slice %mul3A_7 {offsets = [0, 128], sizes = [400, 128], strides = [1, 1]} : vector<400x256xf32> to vector<400x128xf32>
    %swap3A_15 = arith.constant 1 : index
    %swap3A_16 = arith.constant 0 : index
    %swap3A_17 = arith.constant 0 : index
    %swap3A_18 = vector.load %arg3[%swap3A_15, %swap3A_16, %swap3A_17] : memref<2x400x128xf32, #tpu.memory_space<vmem>>, vector<1x400x128xf32>
    %swap3A_19 = vector.shape_cast %swap3A_18 : vector<1x400x128xf32> to vector<400x128xf32>
    %swap3A_20 = vector.shape_cast %slice3A_14 : vector<400x128xf32> to vector<1x400x128xf32>
    tpu.vector_store %arg3[%swap3A_15, %swap3A_16, %swap3A_17], %swap3A_20 {strides = array<i32>} : memref<2x400x128xf32, #tpu.memory_space<vmem>>, vector<1x400x128xf32>,
    return
  }
  func.func @transform_0(%arg0: i32) -> (i32, i32) {
    %c0_i32 = arith.constant 0 : i32
    %c0_i32_0 = arith.constant 0 : i32
    return %arg0, %c0_i32 : i32, i32
  }
  func.func @transform_1(%arg0: i32) -> (i32, i32) {
    %c0_i32 = arith.constant 0 : i32
    %c0_i32_0 = arith.constant 0 : i32
    return %arg0, %c0_i32 : i32, i32
  }
  func.func @transform_2(%arg0: i32) -> (i32, i32, i32) {
    %c0_i32 = arith.constant 0 : i32
    %c0_i32_0 = arith.constant 0 : i32
    %c0_i32_1 = arith.constant 0 : i32
    return %c0_i32, %arg0, %c0_i32_0 : i32, i32, i32
  }
}

module attributes {stable_mosaic.version = 14 : i64} {
  func.func @_dense_body(%arg0: i32, %arg1: memref<2x400x128xf32, #tpu.memory_space<vmem>>, %arg2: memref<400x128xf32, #tpu.memory_space<vmem>>, %arg3: memref<400x128xf32, #tpu.memory_space<vmem>>, %arg4: memref<256x512xf32, #tpu.memory_space<vmem>>, %arg5: memref<1x512xf32, #tpu.memory_space<vmem>>, %arg6: memref<512x256xf32, #tpu.memory_space<vmem>>, %arg7: memref<2x400x128xf32, #tpu.memory_space<vmem>>) attributes {dimension_semantics = [#tpu.dimension_semantics<arbitrary>], iteration_bounds = array<i64: 25>, scalar_prefetch = 0 : i64, scratch_operands = 0 : i64, tpu.core_type = #tpu.core_type<tc>, window_params = [{transform_indices = @transform_0, window_bounds = array<i64: 2, 400, 128>}, {transform_indices = @transform_1, window_bounds = array<i64: 400, 128>}, {transform_indices = @transform_2, window_bounds = array<i64: 400, 128>}, {pipeline_mode = #tpu.pipeline_mode<synchronous>, transform_indices = @transform_3, window_bounds = array<i64: 256, 512>}, {pipeline_mode = #tpu.pipeline_mode<synchronous>, transform_indices = @transform_4, window_bounds = array<i64: 1, 512>}, {pipeline_mode = #tpu.pipeline_mode<synchronous>, transform_indices = @transform_5, window_bounds = array<i64: 512, 256>}, {transform_indices = @transform_6, window_bounds = array<i64: 2, 400, 128>}]} {
    %get3A = arith.constant 0 : index
    %get3A_0 = arith.constant 0 : index
    %get3A_1 = arith.constant 0 : index
    %get3A_2 = vector.load %arg1[%get3A, %get3A_0, %get3A_1] : memref<2x400x128xf32, #tpu.memory_space<vmem>>, vector<1x400x128xf32>
    %get3A_3 = vector.shape_cast %get3A_2 : vector<1x400x128xf32> to vector<400x128xf32>
    %get3A_4 = arith.constant 1 : index
    %get3A_5 = arith.constant 0 : index
    %get3A_6 = arith.constant 0 : index
    %get3A_7 = vector.load %arg1[%get3A_4, %get3A_5, %get3A_6] : memref<2x400x128xf32, #tpu.memory_space<vmem>>, vector<1x400x128xf32>
    %get3A_8 = vector.shape_cast %get3A_7 : vector<1x400x128xf32> to vector<400x128xf32>
    %concatenate3A = tpu.concatenate %get3A_3, %get3A_8 in 1 : vector<400x128xf32>, vector<400x128xf32> -> vector<400x256xf32>
    %get3A_9 = arith.constant 0 : index
    %get3A_10 = arith.constant 0 : index
    %get3A_11 = vector.load %arg3[%get3A_9, %get3A_10] : memref<400x128xf32, #tpu.memory_space<vmem>>, vector<400x128xf32>
    %slice3A = vector.extract_strided_slice %get3A_11 {offsets = [0, 0], sizes = [400, 1], strides = [1, 1]} : vector<400x128xf32> to vector<400x1xf32>
    %max3A = arith.constant 1.000000e+00 : f32
    %max3A_12 = vector.broadcast %max3A : f32 to vector<400x1xf32>
    %max3A_13 = arith.maximumf %slice3A, %max3A_12 : vector<400x1xf32>
    %rsqrt3A = math.rsqrt %max3A_13 : vector<400x1xf32>
    %mul3A = vector.broadcast %rsqrt3A : vector<400x1xf32> to vector<400x256xf32>
    %mul3A_14 = arith.mulf %concatenate3A, %mul3A : vector<400x256xf32>
    %get3A_15 = arith.constant 0 : index
    %get3A_16 = arith.constant 0 : index
    %get3A_17 = vector.load %arg4[%get3A_15, %get3A_16] : memref<256x512xf32, #tpu.memory_space<vmem>>, vector<256x512xf32>
    %dot_general3A = arith.constant dense<0.000000e+00> : vector<400x512xf32>
    %dot_general3A_18 = tpu.matmul %mul3A_14, %get3A_17, %dot_general3A {dimension_numbers = #tpu.dot_dimension_numbers<[1], [0], [0], [1], [0, 0, 1, 1], [], []>, transpose_lhs_hint = false} : vector<400x256xf32>, vector<256x512xf32>, vector<400x512xf32> -> vector<400x512xf32>
    %get3A_19 = arith.constant 0 : index
    %get3A_20 = arith.constant 0 : index
    %get3A_21 = vector.load %arg5[%get3A_19, %get3A_20] : memref<1x512xf32, #tpu.memory_space<vmem>>, vector<1x512xf32>
    %add3A = vector.broadcast %get3A_21 : vector<1x512xf32> to vector<400x512xf32>
    %add3A_22 = arith.addf %dot_general3A_18, %add3A : vector<400x512xf32>
    %max3A_23 = arith.constant 0.000000e+00 : f32
    %max3A_24 = vector.broadcast %max3A_23 : f32 to vector<400x512xf32>
    %max3A_25 = arith.maximumf %add3A_22, %max3A_24 : vector<400x512xf32>
    %get3A_26 = arith.constant 0 : index
    %get3A_27 = arith.constant 0 : index
    %get3A_28 = vector.load %arg2[%get3A_26, %get3A_27] : memref<400x128xf32, #tpu.memory_space<vmem>>, vector<400x128xf32>
    %slice3A_29 = vector.extract_strided_slice %get3A_28 {offsets = [0, 0], sizes = [400, 1], strides = [1, 1]} : vector<400x128xf32> to vector<400x1xf32>
    %max3A_30 = arith.constant 1.000000e+00 : f32
    %max3A_31 = vector.broadcast %max3A_30 : f32 to vector<400x1xf32>
    %max3A_32 = arith.maximumf %slice3A_29, %max3A_31 : vector<400x1xf32>
    %rsqrt3A_33 = math.rsqrt %max3A_32 : vector<400x1xf32>
    %mul3A_34 = vector.broadcast %rsqrt3A_33 : vector<400x1xf32> to vector<400x512xf32>
    %mul3A_35 = arith.mulf %max3A_25, %mul3A_34 : vector<400x512xf32>
    %get3A_36 = arith.constant 0 : index
    %get3A_37 = arith.constant 0 : index
    %get3A_38 = vector.load %arg6[%get3A_36, %get3A_37] : memref<512x256xf32, #tpu.memory_space<vmem>>, vector<512x256xf32>
    %dot_general3A_39 = arith.constant dense<0.000000e+00> : vector<400x256xf32>
    %dot_general3A_40 = tpu.matmul %mul3A_35, %get3A_38, %dot_general3A_39 {dimension_numbers = #tpu.dot_dimension_numbers<[1], [0], [0], [1], [0, 0, 1, 1], [], []>, transpose_lhs_hint = false} : vector<400x512xf32>, vector<512x256xf32>, vector<400x256xf32> -> vector<400x256xf32>
    %slice3A_41 = vector.extract_strided_slice %dot_general3A_40 {offsets = [0, 0], sizes = [400, 128], strides = [1, 1]} : vector<400x256xf32> to vector<400x128xf32>
    %swap3A = arith.constant 0 : index
    %swap3A_42 = arith.constant 0 : index
    %swap3A_43 = arith.constant 0 : index
    %swap3A_44 = vector.load %arg7[%swap3A, %swap3A_42, %swap3A_43] : memref<2x400x128xf32, #tpu.memory_space<vmem>>, vector<1x400x128xf32>
    %swap3A_45 = vector.shape_cast %swap3A_44 : vector<1x400x128xf32> to vector<400x128xf32>
    %swap3A_46 = vector.shape_cast %slice3A_41 : vector<400x128xf32> to vector<1x400x128xf32>
    tpu.vector_store %arg7[%swap3A, %swap3A_42, %swap3A_43], %swap3A_46 {strides = array<i32>} : memref<2x400x128xf32, #tpu.memory_space<vmem>>, vector<1x400x128xf32>,
    %slice3A_47 = vector.extract_strided_slice %dot_general3A_40 {offsets = [0, 128], sizes = [400, 128], strides = [1, 1]} : vector<400x256xf32> to vector<400x128xf32>
    %swap3A_48 = arith.constant 1 : index
    %swap3A_49 = arith.constant 0 : index
    %swap3A_50 = arith.constant 0 : index
    %swap3A_51 = vector.load %arg7[%swap3A_48, %swap3A_49, %swap3A_50] : memref<2x400x128xf32, #tpu.memory_space<vmem>>, vector<1x400x128xf32>
    %swap3A_52 = vector.shape_cast %swap3A_51 : vector<1x400x128xf32> to vector<400x128xf32>
    %swap3A_53 = vector.shape_cast %slice3A_47 : vector<400x128xf32> to vector<1x400x128xf32>
    tpu.vector_store %arg7[%swap3A_48, %swap3A_49, %swap3A_50], %swap3A_53 {strides = array<i32>} : memref<2x400x128xf32, #tpu.memory_space<vmem>>, vector<1x400x128xf32>,
    return
  }
  func.func @transform_0(%arg0: i32) -> (i32, i32, i32) {
    %c0_i32 = arith.constant 0 : i32
    %c0_i32_0 = arith.constant 0 : i32
    %c0_i32_1 = arith.constant 0 : i32
    return %c0_i32, %arg0, %c0_i32_0 : i32, i32, i32
  }
  func.func @transform_1(%arg0: i32) -> (i32, i32) {
    %c0_i32 = arith.constant 0 : i32
    %c0_i32_0 = arith.constant 0 : i32
    return %arg0, %c0_i32 : i32, i32
  }
  func.func @transform_2(%arg0: i32) -> (i32, i32) {
    %c0_i32 = arith.constant 0 : i32
    %c0_i32_0 = arith.constant 0 : i32
    return %arg0, %c0_i32 : i32, i32
  }
  func.func @transform_3(%arg0: i32) -> (i32, i32) {
    %c0_i32 = arith.constant 0 : i32
    %c0_i32_0 = arith.constant 0 : i32
    %c0_i32_1 = arith.constant 0 : i32
    return %c0_i32, %c0_i32_0 : i32, i32
  }
  func.func @transform_4(%arg0: i32) -> (i32, i32) {
    %c0_i32 = arith.constant 0 : i32
    %c0_i32_0 = arith.constant 0 : i32
    %c0_i32_1 = arith.constant 0 : i32
    return %c0_i32, %c0_i32_0 : i32, i32
  }
  func.func @transform_5(%arg0: i32) -> (i32, i32) {
    %c0_i32 = arith.constant 0 : i32
    %c0_i32_0 = arith.constant 0 : i32
    %c0_i32_1 = arith.constant 0 : i32
    return %c0_i32, %c0_i32_0 : i32, i32
  }
  func.func @transform_6(%arg0: i32) -> (i32, i32, i32) {
    %c0_i32 = arith.constant 0 : i32
    %c0_i32_0 = arith.constant 0 : i32
    %c0_i32_1 = arith.constant 0 : i32
    return %c0_i32, %arg0, %c0_i32_0 : i32, i32, i32
  }
}

module attributes {stable_mosaic.version = 14 : i64} {
  func.func @_finish_body(%arg0: i32, %arg1: memref<2x400x128xf32, #tpu.memory_space<vmem>>, %arg2: memref<400x128xf32, #tpu.memory_space<vmem>>, %arg3: memref<1x256xf32, #tpu.memory_space<vmem>>, %arg4: memref<400x256xf32, #tpu.memory_space<vmem>>) attributes {dimension_semantics = [#tpu.dimension_semantics<arbitrary>], iteration_bounds = array<i64: 25>, scalar_prefetch = 0 : i64, scratch_operands = 0 : i64, tpu.core_type = #tpu.core_type<tc>, window_params = [{transform_indices = @transform_0, window_bounds = array<i64: 2, 400, 128>}, {transform_indices = @transform_1, window_bounds = array<i64: 400, 128>}, {pipeline_mode = #tpu.pipeline_mode<synchronous>, transform_indices = @transform_2, window_bounds = array<i64: 1, 256>}, {transform_indices = @transform_3, window_bounds = array<i64: 400, 256>}]} {
    %get3A = arith.constant 0 : index
    %get3A_0 = arith.constant 0 : index
    %get3A_1 = arith.constant 0 : index
    %get3A_2 = vector.load %arg1[%get3A, %get3A_0, %get3A_1] : memref<2x400x128xf32, #tpu.memory_space<vmem>>, vector<1x400x128xf32>
    %get3A_3 = vector.shape_cast %get3A_2 : vector<1x400x128xf32> to vector<400x128xf32>
    %get3A_4 = arith.constant 1 : index
    %get3A_5 = arith.constant 0 : index
    %get3A_6 = arith.constant 0 : index
    %get3A_7 = vector.load %arg1[%get3A_4, %get3A_5, %get3A_6] : memref<2x400x128xf32, #tpu.memory_space<vmem>>, vector<1x400x128xf32>
    %get3A_8 = vector.shape_cast %get3A_7 : vector<1x400x128xf32> to vector<400x128xf32>
    %concatenate3A = tpu.concatenate %get3A_3, %get3A_8 in 1 : vector<400x128xf32>, vector<400x128xf32> -> vector<400x256xf32>
    %get3A_9 = arith.constant 0 : index
    %get3A_10 = arith.constant 0 : index
    %get3A_11 = vector.load %arg2[%get3A_9, %get3A_10] : memref<400x128xf32, #tpu.memory_space<vmem>>, vector<400x128xf32>
    %slice3A = vector.extract_strided_slice %get3A_11 {offsets = [0, 0], sizes = [400, 1], strides = [1, 1]} : vector<400x128xf32> to vector<400x1xf32>
    %max3A = arith.constant 1.000000e+00 : f32
    %max3A_12 = vector.broadcast %max3A : f32 to vector<400x1xf32>
    %max3A_13 = arith.maximumf %slice3A, %max3A_12 : vector<400x1xf32>
    %rsqrt3A = math.rsqrt %max3A_13 : vector<400x1xf32>
    %mul3A = vector.broadcast %rsqrt3A : vector<400x1xf32> to vector<400x256xf32>
    %mul3A_14 = arith.mulf %concatenate3A, %mul3A : vector<400x256xf32>
    %get3A_15 = arith.constant 0 : index
    %get3A_16 = arith.constant 0 : index
    %get3A_17 = vector.load %arg3[%get3A_15, %get3A_16] : memref<1x256xf32, #tpu.memory_space<vmem>>, vector<1x256xf32>
    %add3A = vector.broadcast %get3A_17 : vector<1x256xf32> to vector<400x256xf32>
    %add3A_18 = arith.addf %mul3A_14, %add3A : vector<400x256xf32>
    %swap3A = arith.constant 0 : index
    %swap3A_19 = arith.constant 0 : index
    %swap3A_20 = vector.load %arg4[%swap3A, %swap3A_19] : memref<400x256xf32, #tpu.memory_space<vmem>>, vector<400x256xf32>
    tpu.vector_store %arg4[%swap3A, %swap3A_19], %add3A_18 {strides = array<i32>} : memref<400x256xf32, #tpu.memory_space<vmem>>, vector<400x256xf32>,
    return
  }
  func.func @transform_0(%arg0: i32) -> (i32, i32, i32) {
    %c0_i32 = arith.constant 0 : i32
    %c0_i32_0 = arith.constant 0 : i32
    %c0_i32_1 = arith.constant 0 : i32
    return %c0_i32, %arg0, %c0_i32_0 : i32, i32, i32
  }
  func.func @transform_1(%arg0: i32) -> (i32, i32) {
    %c0_i32 = arith.constant 0 : i32
    %c0_i32_0 = arith.constant 0 : i32
    return %arg0, %c0_i32 : i32, i32
  }
  func.func @transform_2(%arg0: i32) -> (i32, i32) {
    %c0_i32 = arith.constant 0 : i32
    %c0_i32_0 = arith.constant 0 : i32
    %c0_i32_1 = arith.constant 0 : i32
    return %c0_i32, %c0_i32_0 : i32, i32
  }
  func.func @transform_3(%arg0: i32) -> (i32, i32) {
    %c0_i32 = arith.constant 0 : i32
    %c0_i32_0 = arith.constant 0 : i32
    return %arg0, %c0_i32 : i32, i32
  }
}

</mosaic_0001>

<sc_bundles>
// kernel: kernel.11.cloned.1.call-start
scs
__scs_entry_jumppad:
0x0: {  	(pc) =	sbr.rel $0x88, $3  }
0x1: {  	(tag) =	ssettag $0x0;
	lr =	simm.s32 $0x1  }
0x2: {  	[smem:$0x3F9B] =	sst lr;
	_ =	strace $0xD0000000  }
0x3: {  	_ = 	snop  }
0x4: {  	_ = 	snop  }
0x5: {  	_ = 	snop  }
0x6: {  	_ = 	snop  }
0x7: {  	_ = 	snop  }
__scs_overlays_trampoline_lowered:
0x8: {  	[smem:$0x3FAA] =	sst s0  }
0x9: {  	[smem:$0x3FAB] =	sst s1  }
0xa: {  	[smem:$0x3FAC] =	sst s2  }
0xb: {  	[smem:$0x3FAD] =	sst s3  }
0xc: {  	[smem:$0x3FAE] =	sst s4  }
0xd: {  	[smem:$0x3FAF] =	sst s5  }
0xe: {  	[smem:$0x3FB0] =	sst s6  }
0xf: {  	[smem:$0x3FB1] =	sst s7  }
0x10: {  	[smem:$0x3FB2] =	sst s8  }
0x11: {  	[smem:$0x3FB3] =	sst s9;
	s0 =	simm.s32 @!p0 $0x0  }
0x12: {  	s1 =	sld [smem:$0x3F99];
	s0 =	simm.s32 @p0 $0x1  }
0x13: {  	[smem:$0x3FB4] =	sst s0;
	s0 =	simm.s32 @!p1 $0x0  }
0x14: {  	s2 =	sld [smem:$0x3F98];
	s0 =	simm.s32 @p1 $0x1  }
0x15: {  	[smem:$0x3FB5] =	sst s0;
	s0 =	simm.s32 @!p2 $0x0  }
0x16: {  	s3 =	sld [smem:$0x3FDB];
	s0 =	simm.s32 @p2 $0x1  }
0x17: {  	s4 =	simm.s32 $0x1BF5;
	[smem:$0x3FB7] =	sst s0  }
0x18: {  	s0 =	sld [smem:$0x3F9A];
	_ =	swait.ge [sflag:s4], $0x0  }
0x19: {  	s7 =	sld [smem:$0x3F9B]  }
0x1a: {  	s8 =	sadd.s32 $0xFFFFE003, lr  }
0x1b: {  	s9 =	sadd.s32 $0xFFFFFEF7, lr;
	s5 =	simm.s32 $0xFFFFFFFF;
	p2 =	slt.u32 s8, $0xFFFFF086  }
0x1c: {  	p1 =	slt.u32 s9, $0xF7A;
	s5 =	simm.s32 @!p2 $0x0  }
0x1d: {  	s5 =	simm.s32 @p1 $0x1;
	p0 =	seq.s32 s7, s2  }
0x1e: {  	s7 =	smul.u32 @!p0 $0xF7A, s2;
	p2 =	seq.s32 @!p0 s5, $0x0  }
0x1f: {  	s9 =	smul.u32 $0xF7A, s1;
	s8 =	simm.s32 @!p0 $0x1BF5;
	p2 =	por !p2, p0  }
0x20: {  	[sflag:s8] =	ssyncset.s32 @!p0 $0xFFFFF086;
	s6 =	sadd.s32 @!p0 s3, s7;
	s7 =	simm.s32 @!p0 $0x108  }
0x21: {  	s3 =	sadd.s32 s3, s9;
	s6 =	sadd.s32 @!p0 $0x88, s6;
	s7 =	simm.s32 @p2 $0x1082  }
0x22: {  	[simem:s7], [sflag:s8] =	dma.local @!p0 [hbm:s6], $0xF7A  }
0x23: {  	s9 =	sor.u32 $0xD0000000, s2;
	s6 =	simm.s32 $0x108;
	_ =	swait.ge @!p0 [sflag:s8], $0x0  }
0x24: {  	s3 =	sadd.s32 $0x88, s3;
	s6 =	simm.s32 @!p1 $0x1082;
	[sflag:s4] =	ssyncset.s32 $0xFFFFF086  }
0x25: {  	[simem:s6], [sflag:s4] =	dma.local [hbm:s3], $0xF7A  }
0x26: {  	[smem:$0x3F9B] =	sst s1;
	(tag) =	ssettag s2;
	_ =	strace s9  }
0x27: {  	s1 =	sld [smem:$0x3FAB]  }
0x28: {  	s2 =	sld [smem:$0x3FAC]  }
0x29: {  	s4 =	sld [smem:$0x3FAE]  }
0x2a: {  	p0 =	seq.s32 s5, $0x0;
	s5 =	sld [smem:$0x3FAF]  }
0x2b: {  	s6 =	sld [smem:$0x3FB0]  }
0x2c: {  	s7 =	sld [smem:$0x3FB1]  }
0x2d: {  	s3 =	simm.s32 $0x108;
	s8 =	sld [smem:$0x3FB2]  }
0x2e: {  	s3 =	simm.s32 @!p0 $0x1082;
	s9 =	sld [smem:$0x3FB3]  }
0x2f: {  	lr =	sadd.s32 s0, s3;
	s0 =	sld [smem:$0x3FAA]  }
0x30: {  	s3 =	sld [smem:$0x3FAD]  }
0x31: {  	[smem:$0x3FB6] =	sst s10  }
0x32: {  	s10 =	sld [smem:$0x3FB4];
	_ =	sdelay $0x3  }
0x33: {  	p0 =	seq.s32 s10, $0x1;
	s10 =	sld [smem:$0x3FB6];
	_ =	sdelay $0x3  }
0x34: {  	[smem:$0x3FB6] =	sst s10  }
0x35: {  	s10 =	sld [smem:$0x3FB5];
	_ =	sdelay $0x3  }
0x36: {  	p1 =	seq.s32 s10, $0x1;
	s10 =	sld [smem:$0x3FB6];
	_ =	sdelay $0x3  }
0x37: {  	[smem:$0x3FB6] =	sst s10  }
0x38: {  	s10 =	sld [smem:$0x3FB7]  }
0x39: {  	_ = 	snop;
	(pc) =	sbr.ind lr, $3  }
0x3a: {  	_ = 	snop  }
0x3b: {  	_ = 	snop  }
0x3c: {  	p2 =	seq.s32 s10, $0x1;
	s10 =	sld [smem:$0x3FB6]  }
0x3d: {  	_ =	shalt  }
0x3e: {  	_ =	shalt  }
0x3f: {  	_ =	shalt  }
0x40: {  	_ =	shalt  }
0x41: {  	_ =	shalt  }
0x42: {  	_ =	shalt  }
0x43: {  	_ =	shalt  }
0x44: {  	_ =	shalt  }
0x45: {  	_ =	shalt  }
0x46: {  	_ =	shalt  }
0x47: {  	_ =	shalt  }
0x48: {  	_ =	shalt  }
0x49: {  	_ =	shalt  }
0x4a: {  	_ =	shalt  }
0x4b: {  	_ =	shalt  }
0x4c: {  	_ =	shalt  }
0x4d: {  	_ =	shalt  }
0x4e: {  	_ =	shalt  }
0x4f: {  	_ =	shalt  }
0x50: {  	_ =	shalt  }
0x51: {  	_ =	shalt  }
0x52: {  	_ =	shalt  }
0x53: {  	_ =	shalt  }
0x54: {  	_ =	shalt  }
0x55: {  	_ =	shalt  }
0x56: {  	_ =	shalt  }
0x57: {  	_ =	shalt  }
0x58: {  	_ =	shalt  }
0x59: {  	_ =	shalt  }
0x5a: {  	_ =	shalt  }
0x5b: {  	_ =	shalt  }
0x5c: {  	_ =	shalt  }
0x5d: {  	_ =	shalt  }
0x5e: {  	_ =	shalt  }
0x5f: {  	_ =	shalt  }
0x60: {  	_ =	shalt  }
0x61: {  	_ =	shalt  }
0x62: {  	_ =	shalt  }
0x63: {  	_ =	shalt  }
0x64: {  	_ =	shalt  }
0x65: {  	_ =	shalt  }
0x66: {  	_ =	shalt  }
0x67: {  	_ =	shalt  }
0x68: {  	_ =	shalt  }
0x69: {  	_ =	shalt  }
0x6a: {  	_ =	shalt  }
0x6b: {  	_ =	shalt  }
0x6c: {  	_ =	shalt  }
0x6d: {  	_ =	shalt  }
0x6e: {  	_ =	shalt  }
0x6f: {  	_ =	shalt  }
0x70: {  	_ =	shalt  }
0x71: {  	_ =	shalt  }
0x72: {  	_ =	shalt  }
0x73: {  	_ =	shalt  }
0x74: {  	_ =	shalt  }
0x75: {  	_ =	shalt  }
0x76: {  	_ =	shalt  }
0x77: {  	_ =	shalt  }
0x78: {  	_ =	shalt  }
0x79: {  	_ =	shalt  }
0x7a: {  	_ =	shalt  }
0x7b: {  	_ =	shalt  }
0x7c: {  	_ =	shalt  }
0x7d: {  	_ =	shalt  }
0x7e: {  	_ =	shalt  }
0x7f: {  	_ =	shalt  }
0x80: {  	_ =	shalt  }
0x81: {  	_ =	shalt  }
0x82: {  	_ =	shalt  }
0x83: {  	_ =	shalt  }
0x84: {  	_ =	shalt  }
0x85: {  	_ =	shalt  }
0x86: {  	_ =	shalt  }
0x87: {  	_ =	shalt  }
.Lfunc_end0:
.L_simem_size_0:
called_computation.1_lowered:
.L_overlay_start_0:
0x88: {  	s2 =	sld [smem:$0x3FD9]  }
0x89: {  	s3 =	sld [smem:$0x3FFE];
	_ =	sdelay $0x1  }
0x8a: {  	s1 =	srdreg.scid  }
0x8b: {  	s0 =	sand.u32 $0x1, s1  }
0x8c: {  	s17 =	sshll.u32 s0, $0xA;
	s2 =	sadd.s32 s3, s2  }
0x8d: {  	s2 =	sadd.s32 s2, s17  }
0x8e: {  	[smem:$0x3FC2] =	sst s2  }
0x8f: {  	_ = 	snop  }
0x90: {  	s2 =	sld [smem:$0x3FD0];
	(tm) =	ssettm $0x1  }
0x91: {  	s18 =	sld [smem:$0x3FFB];
	_ =	sdelay $0x3  }
0x92: {  	_ =	strace s18  }
0x93: {  	s3 =	sld [smem:$0x3FFC];
	_ =	sdelay $0x3  }
0x94: {  	_ =	strace s3  }
0x95: {  	s3 =	sld [smem:$0x3FFD];
	_ =	sdelay $0x3  }
0x96: {  	_ =	strace s3  }
0x97: {  	_ =	strace $0x8FFFFFFF  }
0x98: {  	s19 =	sld [smem:$0x3FDB];
	_ =	sdelay $0x1  }
0x99: {  	s4 =	simm.s32 $_scs_section_size  }
0x9a: {  	s5 =	simm.s32 $_size__tile_overlayer_lowered;
	s6 =	simm.s32 $_tile_overlayer_lowered  }
0x9b: {  	s22 =	simm.s32 $0x1BFF;
	s21 =	sshll.u32 s6, $0x1;
	s3 =	sadd.s32 s4, s19  }
0x9c: {  	s7 =	simm.s32 $0x0;
	s20 =	sshll.u32 s5, $0x1;
	s5 =	sadd.s32 s21, s3  }
0x9d: {  	[timem:s7], [sflag:s22] =	dma.local [hbm:s5], s20  }
0x9e: {  	_ =	swait.ge [sflag:s22], s20  }
0x9f: {  	s4 =	ssub.s32 $0x0, s20;
	[sflag:s22] =	ssyncset.done $0x0  }
0xa0: {  	[sflag:s22] =	ssyncadd.s32 s4;
	_ =	sdelay $0x1  }
0xa1: {  	s23 =	simm.s32 $0x1B8B  }
0xa2: {  	_ =	swait.ge [sflag:s23], $0x1  }
0xa3: {  	[sflag:s23] =	ssyncset.done $0x0  }
0xa4: {  	s25 =	simm.s32 $0x1B8E;
	s24 =	sld [smem:$0x3FFE];
	[sflag:s23] =	ssyncadd.s32 $0xFFFFFFFF  }
0xa5: {  	s26 =	simm.s32 $execute0_lowered;
	[smem:$0x3FD2] =	sst s25  }
0xa6: {  	s5 =	sshll.u32 s26, $0x1;
	_ =	strace $0x80000049;
	[dreg:$0x1] =	wrdreg $0xFFFFFFFF  }
0xa7: {  	s28 =	simm.s32 $_size_execute0_lowered;
	s3 =	sadd.s32 s3, s5;
	[dreg:$0x0] =	wrdreg $0x0  }
0xa8: {  	s5 =	sshll.u32 s28, $0x1;
	[dreg:$0x2] =	wrdreg s3  }
0xa9: {  	[dreg:$0x3] =	wrdreg s5  }
0xaa: {  	[dreg:$0x4] =	wrdreg $0xC0  }
0xab: {  	_ =	task [dreg:s7], $0x5FFFF  }
0xac: {  	[dreg:$0x1] =	wrdreg $0xFFFFFFFF  }
0xad: {  	[dreg:$0x0] =	wrdreg $0x60  }
0xae: {  	[dreg:$0x2] =	wrdreg s2  }
0xaf: {  	[dreg:$0x3] =	wrdreg s24  }
0xb0: {  	[dreg:$0x4] =	wrdreg $0x90000  }
0xb1: {  	[dreg:$0x5] =	wrdreg $0x9  }
0xb2: {  	_ =	task.clear_ibuf [dreg:s7], $0x6FFFF;
	_ =	strace $0x90000049  }
0xb3: {  	s29 =	simm.s32 $0x9;
	_ =	strace $0x8000004B  }
0xb4: {  	_ =	swait.ge [sflag:s29], $0x1  }
0xb5: {  	[sflag:s29] =	ssyncadd.s32 $0xFFFFFFFF  }
0xb6: {  	_ =	strace $0x9000004B  }
0xb7: {  	_ =	sfence  }
0xb8: {  	s30 =	sld [smem:$0x0];
	_ =	sdelay $0x2  }
0xb9: {  	s31 =	sshll.u32 s1, $0xD;
	s1 =	sshrl.u32 s1, $0x2  }
0xba: {  	s3 =	sand.u32 $0x4000, s31;
	s1 =	sadd.s32 s1, s30  }
0xbb: {  	s0 =	sor.u32 s3, s0;
	s1 =	sshll.u32 s1, $0x11  }
0xbc: {  	s0 =	sor.u32 s1, s0  }
0xbd: {  	s0 =	sadd.s32 $0x8F2B, s0  }
0xbe: {  	[sflag:s0] =	ssyncadd.remote.s32 $0x1  }
0xbf: {  	_ =	sfence.sel $0xFFFF  }
0xc0: {  	[dreg:$0x0] =	wrdreg $0xFFFFFFFF;
	(pc) =	sbr.abs _section_cstart, $3  }
0xc1: {  	[dreg:$0x1] =	wrdreg $0xFFFFFFFF  }
0xc2: {  	_ =	task.clear_ibuf [dreg:s7], $0x2FFFF;
	_ =	strace $0x9FFFFFFF  }
0xc3: {  	(tm) =	ssettm $0x7FFFFFFF  }
tec
execute0_lowered:
.L_overlay_start_1:
0x0: {  	(tag) =	ssettag $0x1  }
0x1: {  	s0 =	rddreg [dreg:$0x0]  }
0x2: {  	s3 =	rddreg [dreg:$0x1]  }
0x3: {  	s1 =	rddreg [dreg:$0x2];
	s2 =	simm.s32 $0x0;
	s4 =	srdreg.scid  }
0x4: {  	s6 =	stileid.u32;
	s17 =	simm.s32 $0x880;
	s19 =	simm.s32 $0x100  }
0x5: {  	s20 =	simm.s32 $0x900;
	s21 =	simm.s32 $0x180;
	s22 =	simm.s32 $0x980  }
0x6: {  	s23 =	simm.s32 $0x200;
	[smem:$0x7FF] =	sst s2;
	s12 =	sadd.s32 $0x1E00, s3  }
0x7: {  	s24 =	simm.s32 $0xA00;
	_ =	strace $0x8000004A;
	[dreg:$0x19] =	wrdreg s12  }
0x8: {  	s25 =	simm.s32 $0x280;
	s28 =	simm.s32 $0xE80;
	[dreg:$0x5] =	wrdreg s17  }
0x9: {  	s29 =	simm.s32 $0x700;
	s30 =	simm.s32 $0xF00;
	[dreg:$0x6] =	wrdreg s19  }
0xa: {  	s31 =	simm.s32 $0x780;
	s9 =	smul.u32 $0x50, s6;
	[dreg:$0x7] =	wrdreg s20  }
0xb: {  	s8 =	sand.u32 $0x1, s4;
	s11 =	smul.u32 $0x4F000, s6;
	[dreg:$0x8] =	wrdreg s21  }
0xc: {  	s4 =	sadd.s32 $0x58600, s3;
	s18 =	smul.u32 $0x500, s6;
	[dreg:$0x9] =	wrdreg s22  }
0xd: {  	s5 =	sadd.s32 $0x53600, s3;
	s26 =	smul.u32 $0x2780, s6;
	[dreg:$0xa] =	wrdreg s23  }
0xe: {  	s16 =	sshll.u32 s6, $0x6;
	s7 =	smul.u32 $0x27800, s8;
	[dreg:$0xb] =	wrdreg s24  }
0xf: {  	s10 =	ssub.s32 $0x2, s8;
	s8 =	smul.u32 $0x27100, s8;
	[dreg:$0xc] =	wrdreg s25  }
0x10: {  	s17 =	simm.s32 $0x380;
	s19 =	simm.s32 $0x480;
	[dreg:$0x4] =	wrdreg s9  }
0x11: {  	s20 =	simm.s32 $0xC80;
	s21 =	simm.s32 $0x500;
	[dreg:$0x10] =	wrdreg s17  }
0x12: {  	s22 =	simm.s32 $0xD00;
	s23 =	simm.s32 $0x580;
	[dreg:$0x12] =	wrdreg s19  }
0x13: {  	s24 =	simm.s32 $0xD80;
	s25 =	simm.s32 $0x600;
	[dreg:$0x13] =	wrdreg s20  }
0x14: {  	s14 =	sshrl.u32 s10, $0x1;
	s15 =	sshrl.u32 s11, $0x2;
	[dreg:$0x14] =	wrdreg s21  }
0x15: {  	s13 =	sadd.s32 s4, s18;
	s9 =	simm.s32 $0xA80;
	[dreg:$0x15] =	wrdreg s22  }
0x16: {  	s17 =	simm.s32 $0x80;
	s19 =	simm.s32 $0x5000;
	[dreg:$0x16] =	wrdreg s23  }
0x17: {  	s20 =	simm.s32 $0x400;
	s21 =	simm.s32 $0xC00;
	[dreg:$0x17] =	wrdreg s24  }
0x18: {  	s22 =	simm.s32 $0x1;
	[dreg:$0x18] =	wrdreg s25;
	s23 =	simm.s32 $0x2  }
0x19: {  	s25 =	simm.s32 $0xE00;
	s3 =	sadd.s32 s7, s3;
	s12 =	ssub.s32 s10, s14  }
0x1a: {  	s11 =	sadd.s32 s15, s1;
	s7 =	sor.u32 $0x1C03, s16;
	s14 =	sadd.s32 s5, s18  }
0x1b: {  	s10 =	sadd.s32 s0, s8;
	[dreg:$0xd] =	wrdreg s9;
	s15 =	simm.s32 $0x300  }
0x1c: {  	[dreg:$0x1a] =	wrdreg s13;
	s9 =	sadd.s32 $0x80, s13;
	s16 =	simm.s32 $0xB00  }
0x1d: {  	s18 =	simm.s32 $0xB80;
	s0 =	simm.s32 $0xF80;
	[dreg:$0xe] =	wrdreg s15  }
0x1e: {  	s3 =	sadd.s32 $0x4600, s3;
	s12 =	smax.u32 s12, $0x1;
	[dreg:$0x1b] =	wrdreg s14  }
0x1f: {  	s13 =	sadd.s32 $0x80, s14;
	[dreg:$0xf] =	wrdreg s16;
	s14 =	sshrl.u32 s11, $0x3  }
0x20: {  	s15 =	simm.s32 $0x3;
	[dreg:$0x11] =	wrdreg s18;
	s16 =	simm.s32 $0x800  }
0x21: {  	s18 =	simm.s32 $0x1000;
	[dreg:$0x1c] =	wrdreg s12;
	s26 =	sadd.s32 s26, s3  }
0x22: {  	s3 =	simm.s32 $0x0;
	[dreg:$0x1d] =	wrdreg s26;
	s26 =	simm.s32 $0x680  }
.LBB2_1:
0x23: {  	s6 =	rddreg [dreg:$0x19]  }
0x24: {  	[spmem:s14], [sflag:s7] =	dma.local [hbm:s6], $0x2780  }
0x25: {  	_ =	swait.ge [sflag:s15], $0x2780  }
0x26: {  	[sflag:s15] =	ssyncset.done $0x0  }
0x27: {  	s8 =	rddreg [dreg:$0x1a];
	[sflag:s15] =	ssyncadd.s32 $0xFFFFD880  }
0x28: {  	[tilespmem:s2], [sflag:$0x3] =	stream.linear.gather [hbm4b:s8+s2], $0x400, $0x38;
	[tilespmem:$0x1CC00] =	vst v63  }
0x29: {  	_ =	swait.ge [sflag:s15], $0x400  }
0x2a: {  	[sflag:s15] =	ssyncset.done $0x0  }
0x2b: {  	s12 =	rddreg [dreg:$0x1b];
	[sflag:s15] =	ssyncadd.s32 $0xFFFFFC00  }
0x2c: {  	[tilespmem:s16], [sflag:$0x3] =	stream.linear.gather [hbm4b:s12+s2], $0x400, $0x38;
	[tilespmem:$0x1CC00] =	vst v63  }
0x2d: {  	_ =	swait.ge [sflag:s15], $0x400  }
0x2e: {  	[sflag:s15] =	ssyncset.done $0x0  }
0x2f: {  	[sflag:s15] =	ssyncadd.s32 $0xFFFFFC00  }
0x30: {  	[tilespmem:s18], [sflag:$0x1] =	stream.indirect.gather [hbm4b:s10+s17], $0x80, s2, s17, $0xb8;
	[tilespmem:$0x1CC00] =	vst v63  }
0x31: {  	_ = 	snop  }
0x32: {  	[tilespmem:s19], [sflag:$0x3] =	stream.linear.gather [hbm4b:s6+s2], $0x4000, $0x38;
	[tilespmem:$0x1CC00] =	vst v63  }
0x33: {  	_ =	swait.ge [sflag:s15], $0x4000  }
0x34: {  	[sflag:s15] =	ssyncset.done $0x0  }
0x35: {  	[sflag:s15] =	ssyncadd.s32 $0xFFFFC000  }
0x36: {  	[spmem:s1] =	stream.indirect.scatter.add.f32 [tilespmem:s19], [sflag:$0x2], $0x80, s16, s17, $0xb8;
	[tilespmem:$0x1CC00] =	vst v63  }
0x37: {  	[bflag:$0x0] =	sbarrier.arrive $0xFFFF  }
0x38: {  	[tilespmem:s20], [sflag:$0x3] =	stream.linear.gather [hbm4b:s9+s2], $0x400, $0x38;
	[tilespmem:$0x1CC00] =	vst v63  }
0x39: {  	_ =	swait.ge [sflag:s15], $0x400  }
0x3a: {  	[sflag:s15] =	ssyncset.done $0x0  }
0x3b: {  	[sflag:s15] =	ssyncadd.s32 $0xFFFFFC00  }
0x3c: {  	[tilespmem:s21], [sflag:$0x3] =	stream.linear.gather [hbm4b:s13+s2], $0x400, $0x38;
	[tilespmem:$0x1CC00] =	vst v63  }
0x3d: {  	_ =	swait.ge [sflag:s15], $0x400  }
0x3e: {  	[sflag:s15] =	ssyncset.done $0x0  }
0x3f: {  	[sflag:s15] =	ssyncadd.s32 $0xFFFFFC00  }
0x40: {  	_ =	swait.ge [sflag:s22], $0x4000  }
0x41: {  	[sflag:s22] =	ssyncset.done $0x0  }
0x42: {  	[sflag:s22] =	ssyncadd.s32 $0xFFFFC000  }
0x43: {  	[spmem:s1] =	stream.indirect.scatter.add.f32 [tilespmem:s18], [sflag:$0x2], $0x80, s16, s17, $0xb8;
	[tilespmem:$0x1CC00] =	vst v63  }
0x44: {  	_ =	swait.ge [sflag:s23], $0x4000  }
0x45: {  	[sflag:s23] =	ssyncset.done $0x0  }
0x46: {  	[sflag:s23] =	ssyncadd.s32 $0xFFFFC000  }
0x47: {  	[tilespmem:s19], [sflag:$0x1] =	stream.indirect.gather [hbm4b:s10+s17], $0x80, s17, s17, $0xb8;
	[tilespmem:$0x1CC00] =	vst v63  }
0x48: {  	_ =	swait.ge [sflag:s22], $0x4000  }
0x49: {  	[sflag:s22] =	ssyncset.done $0x0  }
0x4a: {  	s24 =	rddreg [dreg:$0x5];
	[sflag:s22] =	ssyncadd.s32 $0xFFFFC000  }
0x4b: {  	[spmem:s1] =	stream.indirect.scatter.add.f32 [tilespmem:s19], [sflag:$0x2], $0x80, s24, s17, $0xb8;
	[tilespmem:$0x1CC00] =	vst v63  }
0x4c: {  	_ =	swait.ge [sflag:s23], $0x4000  }
0x4d: {  	[sflag:s23] =	ssyncset.done $0x0  }
0x4e: {  	s6 =	rddreg [dreg:$0x6];
	[sflag:s23] =	ssyncadd.s32 $0xFFFFC000  }
0x4f: {  	[tilespmem:s18], [sflag:$0x1] =	stream.indirect.gather [hbm4b:s10+s17], $0x80, s6, s17, $0xb8;
	[tilespmem:$0x1CC00] =	vst v63  }
0x50: {  	_ =	swait.ge [sflag:s22], $0x4000  }
0x51: {  	[sflag:s22] =	ssyncset.done $0x0  }
0x52: {  	s11 =	rddreg [dreg:$0x7];
	[sflag:s22] =	ssyncadd.s32 $0xFFFFC000  }
0x53: {  	[spmem:s1] =	stream.indirect.scatter.add.f32 [tilespmem:s18], [sflag:$0x2], $0x80, s11, s17, $0xb8;
	[tilespmem:$0x1CC00] =	vst v63  }
0x54: {  	_ =	swait.ge [sflag:s23], $0x4000  }
0x55: {  	[sflag:s23] =	ssyncset.done $0x0  }
0x56: {  	s12 =	rddreg [dreg:$0x8];
	[sflag:s23] =	ssyncadd.s32 $0xFFFFC000  }
0x57: {  	[tilespmem:s19], [sflag:$0x1] =	stream.indirect.gather [hbm4b:s10+s17], $0x80, s12, s17, $0xb8;
	[tilespmem:$0x1CC00] =	vst v63  }
0x58: {  	_ =	swait.ge [sflag:s22], $0x4000  }
0x59: {  	[sflag:s22] =	ssyncset.done $0x0  }
0x5a: {  	s24 =	rddreg [dreg:$0x9];
	[sflag:s22] =	ssyncadd.s32 $0xFFFFC000  }
0x5b: {  	[spmem:s1] =	stream.indirect.scatter.add.f32 [tilespmem:s19], [sflag:$0x2], $0x80, s24, s17, $0xb8;
	[tilespmem:$0x1CC00] =	vst v63  }
0x5c: {  	_ =	swait.ge [sflag:s23], $0x4000  }
0x5d: {  	[sflag:s23] =	ssyncset.done $0x0  }
0x5e: {  	s6 =	rddreg [dreg:$0xa];
	[sflag:s23] =	ssyncadd.s32 $0xFFFFC000  }
0x5f: {  	[tilespmem:s18], [sflag:$0x1] =	stream.indirect.gather [hbm4b:s10+s17], $0x80, s6, s17, $0xb8;
	[tilespmem:$0x1CC00] =	vst v63  }
0x60: {  	_ =	swait.ge [sflag:s22], $0x4000  }
0x61: {  	[sflag:s22] =	ssyncset.done $0x0  }
0x62: {  	s11 =	rddreg [dreg:$0xb];
	[sflag:s22] =	ssyncadd.s32 $0xFFFFC000  }
0x63: {  	[spmem:s1] =	stream.indirect.scatter.add.f32 [tilespmem:s18], [sflag:$0x2], $0x80, s11, s17, $0xb8;
	[tilespmem:$0x1CC00] =	vst v63  }
0x64: {  	_ =	swait.ge [sflag:s23], $0x4000  }
0x65: {  	[sflag:s23] =	ssyncset.done $0x0  }
0x66: {  	s12 =	rddreg [dreg:$0xc];
	[sflag:s23] =	ssyncadd.s32 $0xFFFFC000  }
0x67: {  	[tilespmem:s19], [sflag:$0x1] =	stream.indirect.gather [hbm4b:s10+s17], $0x80, s12, s17, $0xb8;
	[tilespmem:$0x1CC00] =	vst v63  }
0x68: {  	_ =	swait.ge [sflag:s22], $0x4000  }
0x69: {  	[sflag:s22] =	ssyncset.done $0x0  }
0x6a: {  	s24 =	rddreg [dreg:$0xd];
	[sflag:s22] =	ssyncadd.s32 $0xFFFFC000  }
0x6b: {  	[spmem:s1] =	stream.indirect.scatter.add.f32 [tilespmem:s19], [sflag:$0x2], $0x80, s24, s17, $0xb8;
	[tilespmem:$0x1CC00] =	vst v63  }
0x6c: {  	_ =	swait.ge [sflag:s23], $0x4000  }
0x6d: {  	[sflag:s23] =	ssyncset.done $0x0  }
0x6e: {  	s6 =	rddreg [dreg:$0xe];
	[sflag:s23] =	ssyncadd.s32 $0xFFFFC000  }
0x6f: {  	[tilespmem:s18], [sflag:$0x1] =	stream.indirect.gather [hbm4b:s10+s17], $0x80, s6, s17, $0xb8;
	[tilespmem:$0x1CC00] =	vst v63  }
0x70: {  	_ =	swait.ge [sflag:s22], $0x4000  }
0x71: {  	[sflag:s22] =	ssyncset.done $0x0  }
0x72: {  	s11 =	rddreg [dreg:$0xf];
	[sflag:s22] =	ssyncadd.s32 $0xFFFFC000  }
0x73: {  	[spmem:s1] =	stream.indirect.scatter.add.f32 [tilespmem:s18], [sflag:$0x2], $0x80, s11, s17, $0xb8;
	[tilespmem:$0x1CC00] =	vst v63  }
0x74: {  	_ =	swait.ge [sflag:s23], $0x4000  }
0x75: {  	[sflag:s23] =	ssyncset.done $0x0  }
0x76: {  	s12 =	rddreg [dreg:$0x10];
	[sflag:s23] =	ssyncadd.s32 $0xFFFFC000  }
0x77: {  	[tilespmem:s19], [sflag:$0x1] =	stream.indirect.gather [hbm4b:s10+s17], $0x80, s12, s17, $0xb8;
	[tilespmem:$0x1CC00] =	vst v63  }
0x78: {  	_ =	swait.ge [sflag:s22], $0x4000  }
0x79: {  	[sflag:s22] =	ssyncset.done $0x0  }
0x7a: {  	s24 =	rddreg [dreg:$0x11];
	[sflag:s22] =	ssyncadd.s32 $0xFFFFC000  }
0x7b: {  	[spmem:s1] =	stream.indirect.scatter.add.f32 [tilespmem:s19], [sflag:$0x2], $0x80, s24, s17, $0xb8;
	[tilespmem:$0x1CC00] =	vst v63  }
0x7c: {  	p0 =	por $0x0, $0x0;
	s8 =	simm.s32 $0x10;
	_ =	swait.ge [sflag:s23], $0x4000  }
0x7d: {  	s8 =	simm.s32 @p0 $0x0;
	[sflag:s23] =	ssyncset.done $0x0;
	s11 =	rddreg [dreg:$0x4]  }
0x7e: {  	[sflag:s23] =	ssyncadd.s32 $0xFFFFC000;
	s8 =	sadd.s32 s11, s8  }
0x7f: {  	[tilespmem:s18], [sflag:$0x1] =	stream.indirect.gather [hbm4b:s10+s17], $0x80, s20, s17, $0xb8;
	[tilespmem:$0x1CC00] =	vst v63  }
0x80: {  	s8 =	sshll.u32 s8, $0x4  }
0x81: {  	s6 =	sadd.s32 s4, s8  }
0x82: {  	[tilespmem:s2], [sflag:$0x3] =	stream.linear.gather [hbm4b:s6+s2], $0x400, $0x38;
	[tilespmem:$0x1CC00] =	vst v63  }
0x83: {  	_ =	swait.ge [sflag:s15], $0x400  }
0x84: {  	[sflag:s15] =	ssyncset.done $0x0  }
0x85: {  	s8 =	sadd.s32 s5, s8;
	[sflag:s15] =	ssyncadd.s32 $0xFFFFFC00  }
0x86: {  	[tilespmem:s16], [sflag:$0x3] =	stream.linear.gather [hbm4b:s8+s2], $0x400, $0x38;
	[tilespmem:$0x1CC00] =	vst v63  }
0x87: {  	_ =	swait.ge [sflag:s15], $0x400  }
0x88: {  	[sflag:s15] =	ssyncset.done $0x0  }
0x89: {  	[sflag:s15] =	ssyncadd.s32 $0xFFFFFC00  }
0x8a: {  	_ =	swait.ge [sflag:s22], $0x4000  }
0x8b: {  	[sflag:s22] =	ssyncset.done $0x0  }
0x8c: {  	[sflag:s22] =	ssyncadd.s32 $0xFFFFC000  }
0x8d: {  	[spmem:s1] =	stream.indirect.scatter.add.f32 [tilespmem:s18], [sflag:$0x2], $0x80, s21, s17, $0xb8;
	[tilespmem:$0x1CC00] =	vst v63  }
0x8e: {  	_ =	swait.ge [sflag:s23], $0x4000  }
0x8f: {  	[sflag:s23] =	ssyncset.done $0x0  }
0x90: {  	s11 =	rddreg [dreg:$0x12];
	[sflag:s23] =	ssyncadd.s32 $0xFFFFC000  }
0x91: {  	[tilespmem:s19], [sflag:$0x1] =	stream.indirect.gather [hbm4b:s10+s17], $0x80, s11, s17, $0xb8;
	[tilespmem:$0x1CC00] =	vst v63  }
0x92: {  	_ =	swait.ge [sflag:s22], $0x4000  }
0x93: {  	[sflag:s22] =	ssyncset.done $0x0  }
0x94: {  	s12 =	rddreg [dreg:$0x13];
	[sflag:s22] =	ssyncadd.s32 $0xFFFFC000  }
0x95: {  	[spmem:s1] =	stream.indirect.scatter.add.f32 [tilespmem:s19], [sflag:$0x2], $0x80, s12, s17, $0xb8;
	[tilespmem:$0x1CC00] =	vst v63  }
0x96: {  	_ =	swait.ge [sflag:s23], $0x4000  }
0x97: {  	[sflag:s23] =	ssyncset.done $0x0  }
0x98: {  	s24 =	rddreg [dreg:$0x14];
	[sflag:s23] =	ssyncadd.s32 $0xFFFFC000  }
0x99: {  	[tilespmem:s18], [sflag:$0x1] =	stream.indirect.gather [hbm4b:s10+s17], $0x80, s24, s17, $0xb8;
	[tilespmem:$0x1CC00] =	vst v63  }
0x9a: {  	_ =	swait.ge [sflag:s22], $0x4000  }
0x9b: {  	[sflag:s22] =	ssyncset.done $0x0  }
0x9c: {  	s6 =	rddreg [dreg:$0x15];
	[sflag:s22] =	ssyncadd.s32 $0xFFFFC000  }
0x9d: {  	[spmem:s1] =	stream.indirect.scatter.add.f32 [tilespmem:s18], [sflag:$0x2], $0x80, s6, s17, $0xb8;
	[tilespmem:$0x1CC00] =	vst v63  }
0x9e: {  	_ =	swait.ge [sflag:s23], $0x4000  }
0x9f: {  	[sflag:s23] =	ssyncset.done $0x0  }
0xa0: {  	s11 =	rddreg [dreg:$0x16];
	[sflag:s23] =	ssyncadd.s32 $0xFFFFC000  }
0xa1: {  	[tilespmem:s19], [sflag:$0x1] =	stream.indirect.gather [hbm4b:s10+s17], $0x80, s11, s17, $0xb8;
	[tilespmem:$0x1CC00] =	vst v63  }
0xa2: {  	_ =	swait.ge [sflag:s22], $0x4000  }
0xa3: {  	[sflag:s22] =	ssyncset.done $0x0  }
0xa4: {  	s12 =	rddreg [dreg:$0x17];
	[sflag:s22] =	ssyncadd.s32 $0xFFFFC000  }
0xa5: {  	[spmem:s1] =	stream.indirect.scatter.add.f32 [tilespmem:s19], [sflag:$0x2], $0x80, s12, s17, $0xb8;
	[tilespmem:$0x1CC00] =	vst v63  }
0xa6: {  	_ =	swait.ge [sflag:s23], $0x4000  }
0xa7: {  	[sflag:s23] =	ssyncset.done $0x0  }
0xa8: {  	s24 =	rddreg [dreg:$0x18];
	[sflag:s23] =	ssyncadd.s32 $0xFFFFC000  }
0xa9: {  	[tilespmem:s18], [sflag:$0x1] =	stream.indirect.gather [hbm4b:s10+s17], $0x80, s24, s17, $0xb8;
	[tilespmem:$0x1CC00] =	vst v63  }
0xaa: {  	_ =	swait.ge [sflag:s22], $0x4000  }
0xab: {  	[sflag:s22] =	ssyncset.done $0x0  }
0xac: {  	[sflag:s22] =	ssyncadd.s32 $0xFFFFC000  }
0xad: {  	[spmem:s1] =	stream.indirect.scatter.add.f32 [tilespmem:s18], [sflag:$0x2], $0x80, s25, s17, $0xb8;
	[tilespmem:$0x1CC00] =	vst v63  }
0xae: {  	_ =	swait.ge [sflag:s23], $0x4000  }
0xaf: {  	[sflag:s23] =	ssyncset.done $0x0  }
0xb0: {  	[sflag:s23] =	ssyncadd.s32 $0xFFFFC000  }
0xb1: {  	[tilespmem:s19], [sflag:$0x1] =	stream.indirect.gather [hbm4b:s10+s17], $0x80, s26, s17, $0xb8;
	[tilespmem:$0x1CC00] =	vst v63  }
0xb2: {  	_ =	swait.ge [sflag:s22], $0x4000  }
0xb3: {  	[sflag:s22] =	ssyncset.done $0x0  }
0xb4: {  	[sflag:s22] =	ssyncadd.s32 $0xFFFFC000  }
0xb5: {  	[spmem:s1] =	stream.indirect.scatter.add.f32 [tilespmem:s19], [sflag:$0x2], $0x80, s28, s17, $0xb8;
	[tilespmem:$0x1CC00] =	vst v63  }
0xb6: {  	_ =	swait.ge [sflag:s23], $0x4000  }
0xb7: {  	[sflag:s23] =	ssyncset.done $0x0  }
0xb8: {  	[sflag:s23] =	ssyncadd.s32 $0xFFFFC000  }
0xb9: {  	[tilespmem:s18], [sflag:$0x1] =	stream.indirect.gather [hbm4b:s10+s17], $0x80, s29, s17, $0xb8;
	[tilespmem:$0x1CC00] =	vst v63  }
0xba: {  	_ =	swait.ge [sflag:s22], $0x4000  }
0xbb: {  	[sflag:s22] =	ssyncset.done $0x0  }
0xbc: {  	[sflag:s22] =	ssyncadd.s32 $0xFFFFC000  }
0xbd: {  	[spmem:s1] =	stream.indirect.scatter.add.f32 [tilespmem:s18], [sflag:$0x2], $0x80, s30, s17, $0xb8;
	[tilespmem:$0x1CC00] =	vst v63  }
0xbe: {  	_ =	swait.ge [sflag:s23], $0x4000  }
0xbf: {  	[sflag:s23] =	ssyncset.done $0x0  }
0xc0: {  	[sflag:s23] =	ssyncadd.s32 $0xFFFFC000  }
0xc1: {  	[tilespmem:s19], [sflag:$0x1] =	stream.indirect.gather [hbm4b:s10+s17], $0x80, s31, s17, $0xb8;
	[tilespmem:$0x1CC00] =	vst v63  }
0xc2: {  	s8 =	sadd.s32 $0x100, s13;
	_ =	swait.ge [sflag:s22], $0x4000  }
0xc3: {  	s11 =	simm.s32 $0x20;
	s12 =	smov.u32 s9;
	[sflag:s22] =	ssyncset.done $0x0  }
.LBB2_2:
0xc4: {  	[sflag:s22] =	ssyncadd.s32 $0xFFFFC000  }
0xc5: {  	[spmem:s1] =	stream.indirect.scatter.add.f32 [tilespmem:s19], [sflag:$0x2], $0x80, s0, s17, $0xb8;
	[tilespmem:$0x1CC00] =	vst v63  }
0xc6: {  	_ =	swait.ge [sflag:s23], $0x4000  }
0xc7: {  	[sflag:s23] =	ssyncset.done $0x0  }
0xc8: {  	[sflag:s23] =	ssyncadd.s32 $0xFFFFC000  }
0xc9: {  	[tilespmem:s18], [sflag:$0x1] =	stream.indirect.gather [hbm4b:s10+s17], $0x80, s2, s17, $0xb8;
	[tilespmem:$0x1CC00] =	vst v63  }
0xca: {  	s12 =	sadd.s32 $0x100, s12  }
0xcb: {  	[tilespmem:s20], [sflag:$0x3] =	stream.linear.gather [hbm4b:s12+s2], $0x400, $0x38;
	[tilespmem:$0x1CC00] =	vst v63  }
0xcc: {  	_ =	swait.ge [sflag:s15], $0x400  }
0xcd: {  	[sflag:s15] =	ssyncset.done $0x0  }
0xce: {  	[sflag:s15] =	ssyncadd.s32 $0xFFFFFC00  }
0xcf: {  	[tilespmem:s21], [sflag:$0x3] =	stream.linear.gather [hbm4b:s8+s2], $0x400, $0x38;
	[tilespmem:$0x1CC00] =	vst v63  }
0xd0: {  	_ =	swait.ge [sflag:s15], $0x400  }
0xd1: {  	[sflag:s15] =	ssyncset.done $0x0  }
0xd2: {  	[sflag:s15] =	ssyncadd.s32 $0xFFFFFC00  }
0xd3: {  	_ =	swait.ge [sflag:s22], $0x4000  }
0xd4: {  	[sflag:s22] =	ssyncset.done $0x0  }
0xd5: {  	[sflag:s22] =	ssyncadd.s32 $0xFFFFC000  }
0xd6: {  	[spmem:s1] =	stream.indirect.scatter.add.f32 [tilespmem:s18], [sflag:$0x2], $0x80, s16, s17, $0xb8;
	[tilespmem:$0x1CC00] =	vst v63  }
0xd7: {  	_ =	swait.ge [sflag:s23], $0x4000  }
0xd8: {  	[sflag:s23] =	ssyncset.done $0x0  }
0xd9: {  	[sflag:s23] =	ssyncadd.s32 $0xFFFFC000  }
0xda: {  	[tilespmem:s19], [sflag:$0x1] =	stream.indirect.gather [hbm4b:s10+s17], $0x80, s17, s17, $0xb8;
	[tilespmem:$0x1CC00] =	vst v63  }
0xdb: {  	_ =	swait.ge [sflag:s22], $0x4000  }
0xdc: {  	[sflag:s22] =	ssyncset.done $0x0  }
0xdd: {  	s6 =	rddreg [dreg:$0x5];
	[sflag:s22] =	ssyncadd.s32 $0xFFFFC000  }
0xde: {  	[spmem:s1] =	stream.indirect.scatter.add.f32 [tilespmem:s19], [sflag:$0x2], $0x80, s6, s17, $0xb8;
	[tilespmem:$0x1CC00] =	vst v63  }
0xdf: {  	_ =	swait.ge [sflag:s23], $0x4000  }
0xe0: {  	[sflag:s23] =	ssyncset.done $0x0  }
0xe1: {  	s6 =	rddreg [dreg:$0x6];
	[sflag:s23] =	ssyncadd.s32 $0xFFFFC000  }
0xe2: {  	[tilespmem:s18], [sflag:$0x1] =	stream.indirect.gather [hbm4b:s10+s17], $0x80, s6, s17, $0xb8;
	[tilespmem:$0x1CC00] =	vst v63  }
0xe3: {  	_ =	swait.ge [sflag:s22], $0x4000  }
0xe4: {  	[sflag:s22] =	ssyncset.done $0x0  }
0xe5: {  	s6 =	rddreg [dreg:$0x7];
	[sflag:s22] =	ssyncadd.s32 $0xFFFFC000  }
0xe6: {  	[spmem:s1] =	stream.indirect.scatter.add.f32 [tilespmem:s18], [sflag:$0x2], $0x80, s6, s17, $0xb8;
	[tilespmem:$0x1CC00] =	vst v63  }
0xe7: {  	_ =	swait.ge [sflag:s23], $0x4000  }
0xe8: {  	[sflag:s23] =	ssyncset.done $0x0  }
0xe9: {  	s6 =	rddreg [dreg:$0x8];
	[sflag:s23] =	ssyncadd.s32 $0xFFFFC000  }
0xea: {  	[tilespmem:s19], [sflag:$0x1] =	stream.indirect.gather [hbm4b:s10+s17], $0x80, s6, s17, $0xb8;
	[tilespmem:$0x1CC00] =	vst v63  }
0xeb: {  	_ =	swait.ge [sflag:s22], $0x4000  }
0xec: {  	[sflag:s22] =	ssyncset.done $0x0  }
0xed: {  	s6 =	rddreg [dreg:$0x9];
	[sflag:s22] =	ssyncadd.s32 $0xFFFFC000  }
0xee: {  	[spmem:s1] =	stream.indirect.scatter.add.f32 [tilespmem:s19], [sflag:$0x2], $0x80, s6, s17, $0xb8;
	[tilespmem:$0x1CC00] =	vst v63  }
0xef: {  	_ =	swait.ge [sflag:s23], $0x4000  }
0xf0: {  	[sflag:s23] =	ssyncset.done $0x0  }
0xf1: {  	s6 =	rddreg [dreg:$0xa];
	[sflag:s23] =	ssyncadd.s32 $0xFFFFC000  }
0xf2: {  	[tilespmem:s18], [sflag:$0x1] =	stream.indirect.gather [hbm4b:s10+s17], $0x80, s6, s17, $0xb8;
	[tilespmem:$0x1CC00] =	vst v63  }
0xf3: {  	_ =	swait.ge [sflag:s22], $0x4000  }
0xf4: {  	[sflag:s22] =	ssyncset.done $0x0  }
0xf5: {  	s6 =	rddreg [dreg:$0xb];
	[sflag:s22] =	ssyncadd.s32 $0xFFFFC000  }
0xf6: {  	[spmem:s1] =	stream.indirect.scatter.add.f32 [tilespmem:s18], [sflag:$0x2], $0x80, s6, s17, $0xb8;
	[tilespmem:$0x1CC00] =	vst v63  }
0xf7: {  	_ =	swait.ge [sflag:s23], $0x4000  }
0xf8: {  	[sflag:s23] =	ssyncset.done $0x0  }
0xf9: {  	s6 =	rddreg [dreg:$0xc];
	[sflag:s23] =	ssyncadd.s32 $0xFFFFC000  }
0xfa: {  	[tilespmem:s19], [sflag:$0x1] =	stream.indirect.gather [hbm4b:s10+s17], $0x80, s6, s17, $0xb8;
	[tilespmem:$0x1CC00] =	vst v63  }
0xfb: {  	_ =	swait.ge [sflag:s22], $0x4000  }
0xfc: {  	[sflag:s22] =	ssyncset.done $0x0  }
0xfd: {  	s6 =	rddreg [dreg:$0xd];
	[sflag:s22] =	ssyncadd.s32 $0xFFFFC000  }
0xfe: {  	[spmem:s1] =	stream.indirect.scatter.add.f32 [tilespmem:s19], [sflag:$0x2], $0x80, s6, s17, $0xb8;
	[tilespmem:$0x1CC00] =	vst v63  }
0xff: {  	_ =	swait.ge [sflag:s23], $0x4000  }
0x100: {  	[sflag:s23] =	ssyncset.done $0x0  }
0x101: {  	s6 =	rddreg [dreg:$0xe];
	[sflag:s23] =	ssyncadd.s32 $0xFFFFC000  }
0x102: {  	[tilespmem:s18], [sflag:$0x1] =	stream.indirect.gather [hbm4b:s10+s17], $0x80, s6, s17, $0xb8;
	[tilespmem:$0x1CC00] =	vst v63  }
0x103: {  	_ =	swait.ge [sflag:s22], $0x4000  }
0x104: {  	[sflag:s22] =	ssyncset.done $0x0  }
0x105: {  	s6 =	rddreg [dreg:$0xf];
	[sflag:s22] =	ssyncadd.s32 $0xFFFFC000  }
0x106: {  	[spmem:s1] =	stream.indirect.scatter.add.f32 [tilespmem:s18], [sflag:$0x2], $0x80, s6, s17, $0xb8;
	[tilespmem:$0x1CC00] =	vst v63  }
0x107: {  	_ =	swait.ge [sflag:s23], $0x4000  }
0x108: {  	[sflag:s23] =	ssyncset.done $0x0  }
0x109: {  	s6 =	rddreg [dreg:$0x10];
	[sflag:s23] =	ssyncadd.s32 $0xFFFFC000  }
0x10a: {  	[tilespmem:s19], [sflag:$0x1] =	stream.indirect.gather [hbm4b:s10+s17], $0x80, s6, s17, $0xb8;
	[tilespmem:$0x1CC00] =	vst v63  }
0x10b: {  	_ =	swait.ge [sflag:s22], $0x4000  }
0x10c: {  	[sflag:s22] =	ssyncset.done $0x0  }
0x10d: {  	s24 =	smov.u32 s11;
	s6 =	rddreg [dreg:$0x11];
	[sflag:s22] =	ssyncadd.s32 $0xFFFFC000  }
0x10e: {  	[spmem:s1] =	stream.indirect.scatter.add.f32 [tilespmem:s19], [sflag:$0x2], $0x80, s6, s17, $0xb8;
	[tilespmem:$0x1CC00] =	vst v63  }
0x10f: {  	p1 =	seq.s32 s24, $0x50;
	_ =	swait.ge [sflag:s23], $0x4000  }
0x110: {  	s24 =	simm.s32 @p1 $0x0;
	[sflag:s23] =	ssyncset.done $0x0;
	s6 =	rddreg [dreg:$0x4]  }
0x111: {  	[sflag:s23] =	ssyncadd.s32 $0xFFFFC000;
	s6 =	sadd.s32 s6, s24  }
0x112: {  	[tilespmem:s18], [sflag:$0x1] =	stream.indirect.gather [hbm4b:s10+s17], $0x80, s20, s17, $0xb8;
	[tilespmem:$0x1CC00] =	vst v63  }
0x113: {  	s6 =	sshll.u32 s6, $0x4  }
0x114: {  	s24 =	sadd.s32 s4, s6  }
0x115: {  	[tilespmem:s2], [sflag:$0x3] =	stream.linear.gather [hbm4b:s24+s2], $0x400, $0x38;
	[tilespmem:$0x1CC00] =	vst v63  }
0x116: {  	_ =	swait.ge [sflag:s15], $0x400  }
0x117: {  	[sflag:s15] =	ssyncset.done $0x0  }
0x118: {  	s6 =	sadd.s32 s5, s6;
	[sflag:s15] =	ssyncadd.s32 $0xFFFFFC00  }
0x119: {  	[tilespmem:s16], [sflag:$0x3] =	stream.linear.gather [hbm4b:s6+s2], $0x400, $0x38;
	[tilespmem:$0x1CC00] =	vst v63  }
0x11a: {  	_ =	swait.ge [sflag:s15], $0x400  }
0x11b: {  	[sflag:s15] =	ssyncset.done $0x0  }
0x11c: {  	[sflag:s15] =	ssyncadd.s32 $0xFFFFFC00  }
0x11d: {  	_ =	swait.ge [sflag:s22], $0x4000  }
0x11e: {  	[sflag:s22] =	ssyncset.done $0x0  }
0x11f: {  	[sflag:s22] =	ssyncadd.s32 $0xFFFFC000  }
0x120: {  	[spmem:s1] =	stream.indirect.scatter.add.f32 [tilespmem:s18], [sflag:$0x2], $0x80, s21, s17, $0xb8;
	[tilespmem:$0x1CC00] =	vst v63  }
0x121: {  	_ =	swait.ge [sflag:s23], $0x4000  }
0x122: {  	[sflag:s23] =	ssyncset.done $0x0  }
0x123: {  	s24 =	rddreg [dreg:$0x12];
	[sflag:s23] =	ssyncadd.s32 $0xFFFFC000  }
0x124: {  	[tilespmem:s19], [sflag:$0x1] =	stream.indirect.gather [hbm4b:s10+s17], $0x80, s24, s17, $0xb8;
	[tilespmem:$0x1CC00] =	vst v63  }
0x125: {  	_ =	swait.ge [sflag:s22], $0x4000  }
0x126: {  	[sflag:s22] =	ssyncset.done $0x0  }
0x127: {  	s24 =	rddreg [dreg:$0x13];
	[sflag:s22] =	ssyncadd.s32 $0xFFFFC000  }
0x128: {  	[spmem:s1] =	stream.indirect.scatter.add.f32 [tilespmem:s19], [sflag:$0x2], $0x80, s24, s17, $0xb8;
	[tilespmem:$0x1CC00] =	vst v63  }
0x129: {  	_ =	swait.ge [sflag:s23], $0x4000  }
0x12a: {  	[sflag:s23] =	ssyncset.done $0x0  }
0x12b: {  	s24 =	rddreg [dreg:$0x14];
	[sflag:s23] =	ssyncadd.s32 $0xFFFFC000  }
0x12c: {  	[tilespmem:s18], [sflag:$0x1] =	stream.indirect.gather [hbm4b:s10+s17], $0x80, s24, s17, $0xb8;
	[tilespmem:$0x1CC00] =	vst v63  }
0x12d: {  	_ =	swait.ge [sflag:s22], $0x4000  }
0x12e: {  	[sflag:s22] =	ssyncset.done $0x0  }
0x12f: {  	s24 =	rddreg [dreg:$0x15];
	[sflag:s22] =	ssyncadd.s32 $0xFFFFC000  }
0x130: {  	[spmem:s1] =	stream.indirect.scatter.add.f32 [tilespmem:s18], [sflag:$0x2], $0x80, s24, s17, $0xb8;
	[tilespmem:$0x1CC00] =	vst v63  }
0x131: {  	_ =	swait.ge [sflag:s23], $0x4000  }
0x132: {  	[sflag:s23] =	ssyncset.done $0x0  }
0x133: {  	s24 =	rddreg [dreg:$0x16];
	[sflag:s23] =	ssyncadd.s32 $0xFFFFC000  }
0x134: {  	[tilespmem:s19], [sflag:$0x1] =	stream.indirect.gather [hbm4b:s10+s17], $0x80, s24, s17, $0xb8;
	[tilespmem:$0x1CC00] =	vst v63  }
0x135: {  	_ =	swait.ge [sflag:s22], $0x4000  }
0x136: {  	[sflag:s22] =	ssyncset.done $0x0  }
0x137: {  	s24 =	rddreg [dreg:$0x17];
	[sflag:s22] =	ssyncadd.s32 $0xFFFFC000  }
0x138: {  	[spmem:s1] =	stream.indirect.scatter.add.f32 [tilespmem:s19], [sflag:$0x2], $0x80, s24, s17, $0xb8;
	[tilespmem:$0x1CC00] =	vst v63  }
0x139: {  	_ =	swait.ge [sflag:s23], $0x4000  }
0x13a: {  	[sflag:s23] =	ssyncset.done $0x0  }
0x13b: {  	s24 =	rddreg [dreg:$0x18];
	[sflag:s23] =	ssyncadd.s32 $0xFFFFC000  }
0x13c: {  	[tilespmem:s18], [sflag:$0x1] =	stream.indirect.gather [hbm4b:s10+s17], $0x80, s24, s17, $0xb8;
	[tilespmem:$0x1CC00] =	vst v63  }
0x13d: {  	_ =	swait.ge [sflag:s22], $0x4000  }
0x13e: {  	[sflag:s22] =	ssyncset.done $0x0  }
0x13f: {  	[sflag:s22] =	ssyncadd.s32 $0xFFFFC000  }
0x140: {  	[spmem:s1] =	stream.indirect.scatter.add.f32 [tilespmem:s18], [sflag:$0x2], $0x80, s25, s17, $0xb8;
	[tilespmem:$0x1CC00] =	vst v63  }
0x141: {  	_ =	swait.ge [sflag:s23], $0x4000  }
0x142: {  	[sflag:s23] =	ssyncset.done $0x0  }
0x143: {  	[sflag:s23] =	ssyncadd.s32 $0xFFFFC000  }
0x144: {  	[tilespmem:s19], [sflag:$0x1] =	stream.indirect.gather [hbm4b:s10+s17], $0x80, s26, s17, $0xb8;
	[tilespmem:$0x1CC00] =	vst v63  }
0x145: {  	_ =	swait.ge [sflag:s22], $0x4000  }
0x146: {  	[sflag:s22] =	ssyncset.done $0x0  }
0x147: {  	[sflag:s22] =	ssyncadd.s32 $0xFFFFC000  }
0x148: {  	[spmem:s1] =	stream.indirect.scatter.add.f32 [tilespmem:s19], [sflag:$0x2], $0x80, s28, s17, $0xb8;
	[tilespmem:$0x1CC00] =	vst v63  }
0x149: {  	_ =	swait.ge [sflag:s23], $0x4000  }
0x14a: {  	[sflag:s23] =	ssyncset.done $0x0  }
0x14b: {  	[sflag:s23] =	ssyncadd.s32 $0xFFFFC000  }
0x14c: {  	[tilespmem:s18], [sflag:$0x1] =	stream.indirect.gather [hbm4b:s10+s17], $0x80, s29, s17, $0xb8;
	[tilespmem:$0x1CC00] =	vst v63  }
0x14d: {  	_ =	swait.ge [sflag:s22], $0x4000  }
0x14e: {  	[sflag:s22] =	ssyncset.done $0x0  }
0x14f: {  	[sflag:s22] =	ssyncadd.s32 $0xFFFFC000  }
0x150: {  	[spmem:s1] =	stream.indirect.scatter.add.f32 [tilespmem:s18], [sflag:$0x2], $0x80, s30, s17, $0xb8;
	[tilespmem:$0x1CC00] =	vst v63  }
0x151: {  	p0 =	sne.s32 s11, $0x50;
	_ =	swait.ge [sflag:s23], $0x4000  }
.Ltmp0:
0x152: {  	[sflag:s23] =	ssyncset.done $0x0;
	(pc) =	sbr.rel @p0 .LBB2_2-.Ltmp0, $4  }
0x153: {  	[sflag:s23] =	ssyncadd.s32 $0xFFFFC000  }
0x154: {  	[tilespmem:s19], [sflag:$0x1] =	stream.indirect.gather [hbm4b:s10+s17], $0x80, s31, s17, $0xb8;
	[tilespmem:$0x1CC00] =	vst v63  }
0x155: {  	_ =	swait.ge [sflag:s22], $0x4000  }
0x156: {  	s11 =	sadd.s32 $0x10, s11;
	s8 =	sadd.s32 $0x100, s8;
	[sflag:s22] =	ssyncset.done $0x0  }
0x157: {  	[sflag:s22] =	ssyncadd.s32 $0xFFFFC000  }
0x158: {  	[spmem:s1] =	stream.indirect.scatter.add.f32 [tilespmem:s19], [sflag:$0x2], $0x80, s0, s17, $0xb8;
	[tilespmem:$0x1CC00] =	vst v63  }
0x159: {  	_ =	swait.ge [sflag:s23], $0x4000  }
0x15a: {  	[sflag:s23] =	ssyncset.done $0x0  }
0x15b: {  	[sflag:s23] =	ssyncadd.s32 $0xFFFFC000  }
0x15c: {  	[tilespmem:s18], [sflag:$0x1] =	stream.indirect.gather [hbm4b:s10+s17], $0x80, s2, s17, $0xb8;
	[tilespmem:$0x1CC00] =	vst v63  }
0x15d: {  	_ =	swait.ge [sflag:s22], $0x4000  }
0x15e: {  	[sflag:s22] =	ssyncset.done $0x0  }
0x15f: {  	[sflag:s22] =	ssyncadd.s32 $0xFFFFC000  }
0x160: {  	_ =	swait.ge [sflag:s23], $0x4000  }
0x161: {  	[sflag:s23] =	ssyncset.done $0x0  }
0x162: {  	[sflag:s23] =	ssyncadd.s32 $0xFFFFC000  }
0x163: {  	[bflag:$0x0] =	sbarrier.arrive $0xFFFF  }
0x164: {  	s6 =	rddreg [dreg:$0x1d]  }
0x165: {  	[hbm:s6], [sflag:s7] =	dma.local [spmem:s14], $0x2780  }
0x166: {  	_ =	swait.ge [sflag:s15], $0x2780  }
0x167: {  	s3 =	sadd.s32 $0x1, s3;
	s24 =	rddreg [dreg:$0x1c]  }
0x168: {  	p0 =	sne.s32 s3, s24  }
.Ltmp1:
0x169: {  	_ = 	snop;
	(pc) =	sbr.rel @p0 .LBB2_1-.Ltmp1, $3  }
0x16a: {  	_ =	sdelay $0x1  }
0x16b: {  	[sflag:s15] =	ssyncset.done $0x0  }
0x16c: {  	[sflag:s15] =	ssyncadd.s32 $0xFFFFD880  }
0x16d: {  	_ =	sfence.sel $0x180000  }
0x16e: {  	[bflag:$0x0] =	sbarrier.arrive $0xFFFF  }
0x16f: {  	_ =	strace $0x9000004A  }
0x170: {  	s0 =	stileid.u32;
	[bflag:$0x2] =	sbarrier.arrive $0xFFFF  }
0x171: {  	p0 =	sne.s32 s0, $0x0;
	s0 =	rddreg [dreg:$0x3]  }
0x172: {  	s0 =	sadd.s32 @!p0 $0x100000, s0  }
0x173: {  	[sflag:s0] =	ssyncadd.tile.s32 @!p0 $0x1;
	_ =	shalt  }
.Lfunc_end2:
_tile_overlayer_lowered:
.L_overlay_start_2:
0x174: {  	(tag) =	ssettag $0x2  }
0x175: {  	s0 =	rddreg [dreg:$0x0];
	s2 =	stileid.u32  }
0x176: {  	s1 =	rddreg [dreg:$0x1];
	p0 =	sne.s32 s2, $0x0  }
0x177: {  	s3 =	rddreg [dreg:$0x2];
	[bflag:$0x3] =	sbarrier.arrive $0xFFFF;
	s2 =	simm.s32 @!p0 $0x1C03  }
0x178: {  	[timem:s3], [sflag:s2] =	dma.local @!p0 [hbm:s0], s1  }
0x179: {  	s0 =	simm.s32 @!p0 $0x3  }
0x17a: {  	_ =	swait.ge @!p0 [sflag:s0], s1  }
0x17b: {  	s1 =	ssub.s32 @!p0 $0x0, s1;
	[sflag:s0] =	ssyncset.done @!p0 $0x0  }
0x17c: {  	[sflag:s0] =	ssyncadd.s32 @!p0 s1  }
0x17d: {  	[bflag:$0x3] =	sbarrier.arrive $0xFFFF  }
0x17e: {  	_ =	shalt  }

// kernel: kernel.14.cloned.1.call-start
scs
__scs_entry_jumppad:
0x0: {  	(pc) =	sbr.rel $0x88, $3  }
0x1: {  	(tag) =	ssettag $0x0;
	lr =	simm.s32 $0x1  }
0x2: {  	[smem:$0x3F9B] =	sst lr;
	_ =	strace $0xD0000000  }
0x3: {  	_ = 	snop  }
0x4: {  	_ = 	snop  }
0x5: {  	_ = 	snop  }
0x6: {  	_ = 	snop  }
0x7: {  	_ = 	snop  }
__scs_overlays_trampoline_lowered:
0x8: {  	[smem:$0x3FAA] =	sst s0  }
0x9: {  	[smem:$0x3FAB] =	sst s1  }
0xa: {  	[smem:$0x3FAC] =	sst s2  }
0xb: {  	[smem:$0x3FAD] =	sst s3  }
0xc: {  	[smem:$0x3FAE] =	sst s4  }
0xd: {  	[smem:$0x3FAF] =	sst s5  }
0xe: {  	[smem:$0x3FB0] =	sst s6  }
0xf: {  	[smem:$0x3FB1] =	sst s7  }
0x10: {  	[smem:$0x3FB2] =	sst s8  }
0x11: {  	[smem:$0x3FB3] =	sst s9;
	s0 =	simm.s32 @!p0 $0x0  }
0x12: {  	s1 =	sld [smem:$0x3F99];
	s0 =	simm.s32 @p0 $0x1  }
0x13: {  	[smem:$0x3FB4] =	sst s0;
	s0 =	simm.s32 @!p1 $0x0  }
0x14: {  	s2 =	sld [smem:$0x3F98];
	s0 =	simm.s32 @p1 $0x1  }
0x15: {  	[smem:$0x3FB5] =	sst s0;
	s0 =	simm.s32 @!p2 $0x0  }
0x16: {  	s3 =	sld [smem:$0x3FDB];
	s0 =	simm.s32 @p2 $0x1  }
0x17: {  	s4 =	simm.s32 $0x1BF5;
	[smem:$0x3FB7] =	sst s0  }
0x18: {  	s0 =	sld [smem:$0x3F9A];
	_ =	swait.ge [sflag:s4], $0x0  }
0x19: {  	s7 =	sld [smem:$0x3F9B]  }
0x1a: {  	s8 =	sadd.s32 $0xFFFFE003, lr  }
0x1b: {  	s9 =	sadd.s32 $0xFFFFFEF7, lr;
	s5 =	simm.s32 $0xFFFFFFFF;
	p2 =	slt.u32 s8, $0xFFFFF086  }
0x1c: {  	p1 =	slt.u32 s9, $0xF7A;
	s5 =	simm.s32 @!p2 $0x0  }
0x1d: {  	s5 =	simm.s32 @p1 $0x1;
	p0 =	seq.s32 s7, s2  }
0x1e: {  	s7 =	smul.u32 @!p0 $0xF7A, s2;
	p2 =	seq.s32 @!p0 s5, $0x0  }
0x1f: {  	s9 =	smul.u32 $0xF7A, s1;
	s8 =	simm.s32 @!p0 $0x1BF5;
	p2 =	por !p2, p0  }
0x20: {  	[sflag:s8] =	ssyncset.s32 @!p0 $0xFFFFF086;
	s6 =	sadd.s32 @!p0 s3, s7;
	s7 =	simm.s32 @!p0 $0x108  }
0x21: {  	s3 =	sadd.s32 s3, s9;
	s6 =	sadd.s32 @!p0 $0x88, s6;
	s7 =	simm.s32 @p2 $0x1082  }
0x22: {  	[simem:s7], [sflag:s8] =	dma.local @!p0 [hbm:s6], $0xF7A  }
0x23: {  	s9 =	sor.u32 $0xD0000000, s2;
	s6 =	simm.s32 $0x108;
	_ =	swait.ge @!p0 [sflag:s8], $0x0  }
0x24: {  	s3 =	sadd.s32 $0x88, s3;
	s6 =	simm.s32 @!p1 $0x1082;
	[sflag:s4] =	ssyncset.s32 $0xFFFFF086  }
0x25: {  	[simem:s6], [sflag:s4] =	dma.local [hbm:s3], $0xF7A  }
0x26: {  	[smem:$0x3F9B] =	sst s1;
	(tag) =	ssettag s2;
	_ =	strace s9  }
0x27: {  	s1 =	sld [smem:$0x3FAB]  }
0x28: {  	s2 =	sld [smem:$0x3FAC]  }
0x29: {  	s4 =	sld [smem:$0x3FAE]  }
0x2a: {  	p0 =	seq.s32 s5, $0x0;
	s5 =	sld [smem:$0x3FAF]  }
0x2b: {  	s6 =	sld [smem:$0x3FB0]  }
0x2c: {  	s7 =	sld [smem:$0x3FB1]  }
0x2d: {  	s3 =	simm.s32 $0x108;
	s8 =	sld [smem:$0x3FB2]  }
0x2e: {  	s3 =	simm.s32 @!p0 $0x1082;
	s9 =	sld [smem:$0x3FB3]  }
0x2f: {  	lr =	sadd.s32 s0, s3;
	s0 =	sld [smem:$0x3FAA]  }
0x30: {  	s3 =	sld [smem:$0x3FAD]  }
0x31: {  	[smem:$0x3FB6] =	sst s10  }
0x32: {  	s10 =	sld [smem:$0x3FB4];
	_ =	sdelay $0x3  }
0x33: {  	p0 =	seq.s32 s10, $0x1;
	s10 =	sld [smem:$0x3FB6];
	_ =	sdelay $0x3  }
0x34: {  	[smem:$0x3FB6] =	sst s10  }
0x35: {  	s10 =	sld [smem:$0x3FB5];
	_ =	sdelay $0x3  }
0x36: {  	p1 =	seq.s32 s10, $0x1;
	s10 =	sld [smem:$0x3FB6];
	_ =	sdelay $0x3  }
0x37: {  	[smem:$0x3FB6] =	sst s10  }
0x38: {  	s10 =	sld [smem:$0x3FB7]  }
0x39: {  	_ = 	snop;
	(pc) =	sbr.ind lr, $3  }
0x3a: {  	_ = 	snop  }
0x3b: {  	_ = 	snop  }
0x3c: {  	p2 =	seq.s32 s10, $0x1;
	s10 =	sld [smem:$0x3FB6]  }
0x3d: {  	_ =	shalt  }
0x3e: {  	_ =	shalt  }
0x3f: {  	_ =	shalt  }
0x40: {  	_ =	shalt  }
0x41: {  	_ =	shalt  }
0x42: {  	_ =	shalt  }
0x43: {  	_ =	shalt  }
0x44: {  	_ =	shalt  }
0x45: {  	_ =	shalt  }
0x46: {  	_ =	shalt  }
0x47: {  	_ =	shalt  }
0x48: {  	_ =	shalt  }
0x49: {  	_ =	shalt  }
0x4a: {  	_ =	shalt  }
0x4b: {  	_ =	shalt  }
0x4c: {  	_ =	shalt  }
0x4d: {  	_ =	shalt  }
0x4e: {  	_ =	shalt  }
0x4f: {  	_ =	shalt  }
0x50: {  	_ =	shalt  }
0x51: {  	_ =	shalt  }
0x52: {  	_ =	shalt  }
0x53: {  	_ =	shalt  }
0x54: {  	_ =	shalt  }
0x55: {  	_ =	shalt  }
0x56: {  	_ =	shalt  }
0x57: {  	_ =	shalt  }
0x58: {  	_ =	shalt  }
0x59: {  	_ =	shalt  }
0x5a: {  	_ =	shalt  }
0x5b: {  	_ =	shalt  }
0x5c: {  	_ =	shalt  }
0x5d: {  	_ =	shalt  }
0x5e: {  	_ =	shalt  }
0x5f: {  	_ =	shalt  }
0x60: {  	_ =	shalt  }
0x61: {  	_ =	shalt  }
0x62: {  	_ =	shalt  }
0x63: {  	_ =	shalt  }
0x64: {  	_ =	shalt  }
0x65: {  	_ =	shalt  }
0x66: {  	_ =	shalt  }
0x67: {  	_ =	shalt  }
0x68: {  	_ =	shalt  }
0x69: {  	_ =	shalt  }
0x6a: {  	_ =	shalt  }
0x6b: {  	_ =	shalt  }
0x6c: {  	_ =	shalt  }
0x6d: {  	_ =	shalt  }
0x6e: {  	_ =	shalt  }
0x6f: {  	_ =	shalt  }
0x70: {  	_ =	shalt  }
0x71: {  	_ =	shalt  }
0x72: {  	_ =	shalt  }
0x73: {  	_ =	shalt  }
0x74: {  	_ =	shalt  }
0x75: {  	_ =	shalt  }
0x76: {  	_ =	shalt  }
0x77: {  	_ =	shalt  }
0x78: {  	_ =	shalt  }
0x79: {  	_ =	shalt  }
0x7a: {  	_ =	shalt  }
0x7b: {  	_ =	shalt  }
0x7c: {  	_ =	shalt  }
0x7d: {  	_ =	shalt  }
0x7e: {  	_ =	shalt  }
0x7f: {  	_ =	shalt  }
0x80: {  	_ =	shalt  }
0x81: {  	_ =	shalt  }
0x82: {  	_ =	shalt  }
0x83: {  	_ =	shalt  }
0x84: {  	_ =	shalt  }
0x85: {  	_ =	shalt  }
0x86: {  	_ =	shalt  }
0x87: {  	_ =	shalt  }
.Lfunc_end0:
.L_simem_size_0:
called_computation.2_lowered:
.L_overlay_start_0:
0x88: {  	s2 =	sld [smem:$0x3FD9]  }
0x89: {  	s3 =	sld [smem:$0x3FFE];
	_ =	sdelay $0x1  }
0x8a: {  	s1 =	srdreg.scid  }
0x8b: {  	s0 =	sand.u32 $0x1, s1  }
0x8c: {  	s17 =	sshll.u32 s0, $0xA;
	s2 =	sadd.s32 s3, s2  }
0x8d: {  	s2 =	sadd.s32 s2, s17  }
0x8e: {  	[smem:$0x3FC2] =	sst s2  }
0x8f: {  	_ = 	snop  }
0x90: {  	s2 =	sld [smem:$0x3FD0];
	(tm) =	ssettm $0x1  }
0x91: {  	s18 =	sld [smem:$0x3FFB];
	_ =	sdelay $0x3  }
0x92: {  	_ =	strace s18  }
0x93: {  	s3 =	sld [smem:$0x3FFC];
	_ =	sdelay $0x3  }
0x94: {  	_ =	strace s3  }
0x95: {  	s3 =	sld [smem:$0x3FFD];
	_ =	sdelay $0x3  }
0x96: {  	_ =	strace s3  }
0x97: {  	_ =	strace $0x8FFFFFFF  }
0x98: {  	s19 =	sld [smem:$0x3FDB];
	_ =	sdelay $0x1  }
0x99: {  	s4 =	simm.s32 $_scs_section_size  }
0x9a: {  	s5 =	simm.s32 $_size__tile_overlayer_lowered;
	s6 =	simm.s32 $_tile_overlayer_lowered  }
0x9b: {  	s22 =	simm.s32 $0x1BFF;
	s21 =	sshll.u32 s6, $0x1;
	s3 =	sadd.s32 s4, s19  }
0x9c: {  	s7 =	simm.s32 $0x0;
	s20 =	sshll.u32 s5, $0x1;
	s5 =	sadd.s32 s21, s3  }
0x9d: {  	[timem:s7], [sflag:s22] =	dma.local [hbm:s5], s20  }
0x9e: {  	_ =	swait.ge [sflag:s22], s20  }
0x9f: {  	s4 =	ssub.s32 $0x0, s20;
	[sflag:s22] =	ssyncset.done $0x0  }
0xa0: {  	[sflag:s22] =	ssyncadd.s32 s4;
	_ =	sdelay $0x1  }
0xa1: {  	s23 =	simm.s32 $0x1B8B  }
0xa2: {  	_ =	swait.ge [sflag:s23], $0x1  }
0xa3: {  	[sflag:s23] =	ssyncset.done $0x0  }
0xa4: {  	s25 =	simm.s32 $0x1B8E;
	s24 =	sld [smem:$0x3FFE];
	[sflag:s23] =	ssyncadd.s32 $0xFFFFFFFF  }
0xa5: {  	s26 =	simm.s32 $execute0_lowered;
	[smem:$0x3FD2] =	sst s25  }
0xa6: {  	s5 =	sshll.u32 s26, $0x1;
	_ =	strace $0x8000004C;
	[dreg:$0x1] =	wrdreg $0xFFFFFFFF  }
0xa7: {  	s28 =	simm.s32 $_size_execute0_lowered;
	s3 =	sadd.s32 s3, s5;
	[dreg:$0x0] =	wrdreg $0x0  }
0xa8: {  	s5 =	sshll.u32 s28, $0x1;
	[dreg:$0x2] =	wrdreg s3  }
0xa9: {  	[dreg:$0x3] =	wrdreg s5  }
0xaa: {  	[dreg:$0x4] =	wrdreg $0xC0  }
0xab: {  	_ =	task [dreg:s7], $0x5FFFF  }
0xac: {  	[dreg:$0x1] =	wrdreg $0xFFFFFFFF  }
0xad: {  	[dreg:$0x0] =	wrdreg $0x60  }
0xae: {  	[dreg:$0x2] =	wrdreg s2  }
0xaf: {  	[dreg:$0x3] =	wrdreg s24  }
0xb0: {  	[dreg:$0x4] =	wrdreg $0x90000  }
0xb1: {  	[dreg:$0x5] =	wrdreg $0x9  }
0xb2: {  	_ =	task.clear_ibuf [dreg:s7], $0x6FFFF;
	_ =	strace $0x9000004C  }
0xb3: {  	s29 =	simm.s32 $0x9;
	_ =	strace $0x8000004E  }
0xb4: {  	_ =	swait.ge [sflag:s29], $0x1  }
0xb5: {  	[sflag:s29] =	ssyncadd.s32 $0xFFFFFFFF  }
0xb6: {  	_ =	strace $0x9000004E  }
0xb7: {  	_ =	sfence  }
0xb8: {  	s30 =	sld [smem:$0x0];
	_ =	sdelay $0x2  }
0xb9: {  	s31 =	sshll.u32 s1, $0xD;
	s1 =	sshrl.u32 s1, $0x2  }
0xba: {  	s3 =	sand.u32 $0x4000, s31;
	s1 =	sadd.s32 s1, s30  }
0xbb: {  	s0 =	sor.u32 s3, s0;
	s1 =	sshll.u32 s1, $0x11  }
0xbc: {  	s0 =	sor.u32 s1, s0  }
0xbd: {  	s0 =	sadd.s32 $0x8F2B, s0  }
0xbe: {  	[sflag:s0] =	ssyncadd.remote.s32 $0x1  }
0xbf: {  	_ =	sfence.sel $0xFFFF  }
0xc0: {  	[dreg:$0x0] =	wrdreg $0xFFFFFFFF;
	(pc) =	sbr.abs _section_cstart, $3  }
0xc1: {  	[dreg:$0x1] =	wrdreg $0xFFFFFFFF  }
0xc2: {  	_ =	task.clear_ibuf [dreg:s7], $0x2FFFF;
	_ =	strace $0x9FFFFFFF  }
0xc3: {  	(tm) =	ssettm $0x7FFFFFFF  }
tec
execute0_lowered:
.L_overlay_start_1:
0x0: {  	(tag) =	ssettag $0x1  }
0x1: {  	s0 =	rddreg [dreg:$0x0]  }
0x2: {  	s3 =	rddreg [dreg:$0x1]  }
0x3: {  	s1 =	rddreg [dreg:$0x2];
	s2 =	simm.s32 $0x0;
	s4 =	srdreg.scid  }
0x4: {  	s6 =	stileid.u32;
	s17 =	simm.s32 $0x880;
	s19 =	simm.s32 $0x100  }
0x5: {  	s20 =	simm.s32 $0x900;
	s21 =	simm.s32 $0x180;
	s22 =	simm.s32 $0x980  }
0x6: {  	s23 =	simm.s32 $0x200;
	[smem:$0x7FF] =	sst s2;
	s12 =	sadd.s32 $0x1E00, s3  }
0x7: {  	s24 =	simm.s32 $0xA00;
	_ =	strace $0x8000004D;
	[dreg:$0x19] =	wrdreg s12  }
0x8: {  	s25 =	simm.s32 $0x280;
	s28 =	simm.s32 $0xE80;
	[dreg:$0x5] =	wrdreg s17  }
0x9: {  	s29 =	simm.s32 $0x700;
	s30 =	simm.s32 $0xF00;
	[dreg:$0x6] =	wrdreg s19  }
0xa: {  	s31 =	simm.s32 $0x780;
	s9 =	smul.u32 $0x50, s6;
	[dreg:$0x7] =	wrdreg s20  }
0xb: {  	s8 =	sand.u32 $0x1, s4;
	s11 =	smul.u32 $0x4F000, s6;
	[dreg:$0x8] =	wrdreg s21  }
0xc: {  	s4 =	sadd.s32 $0x58600, s3;
	s18 =	smul.u32 $0x500, s6;
	[dreg:$0x9] =	wrdreg s22  }
0xd: {  	s5 =	sadd.s32 $0x53600, s3;
	s26 =	smul.u32 $0x2780, s6;
	[dreg:$0xa] =	wrdreg s23  }
0xe: {  	s16 =	sshll.u32 s6, $0x6;
	s7 =	smul.u32 $0x27800, s8;
	[dreg:$0xb] =	wrdreg s24  }
0xf: {  	s10 =	ssub.s32 $0x2, s8;
	s8 =	smul.u32 $0x27100, s8;
	[dreg:$0xc] =	wrdreg s25  }
0x10: {  	s17 =	simm.s32 $0x380;
	s19 =	simm.s32 $0x480;
	[dreg:$0x4] =	wrdreg s9  }
0x11: {  	s20 =	simm.s32 $0xC80;
	s21 =	simm.s32 $0x500;
	[dreg:$0x10] =	wrdreg s17  }
0x12: {  	s22 =	simm.s32 $0xD00;
	s23 =	simm.s32 $0x580;
	[dreg:$0x12] =	wrdreg s19  }
0x13: {  	s24 =	simm.s32 $0xD80;
	s25 =	simm.s32 $0x600;
	[dreg:$0x13] =	wrdreg s20  }
0x14: {  	s14 =	sshrl.u32 s10, $0x1;
	s15 =	sshrl.u32 s11, $0x2;
	[dreg:$0x14] =	wrdreg s21  }
0x15: {  	s13 =	sadd.s32 s4, s18;
	s9 =	simm.s32 $0xA80;
	[dreg:$0x15] =	wrdreg s22  }
0x16: {  	s17 =	simm.s32 $0x80;
	s19 =	simm.s32 $0x5000;
	[dreg:$0x16] =	wrdreg s23  }
0x17: {  	s20 =	simm.s32 $0x400;
	s21 =	simm.s32 $0xC00;
	[dreg:$0x17] =	wrdreg s24  }
0x18: {  	s22 =	simm.s32 $0x1;
	[dreg:$0x18] =	wrdreg s25;
	s23 =	simm.s32 $0x2  }
0x19: {  	s25 =	simm.s32 $0xE00;
	s3 =	sadd.s32 s7, s3;
	s12 =	ssub.s32 s10, s14  }
0x1a: {  	s11 =	sadd.s32 s15, s1;
	s7 =	sor.u32 $0x1C03, s16;
	s14 =	sadd.s32 s5, s18  }
0x1b: {  	s10 =	sadd.s32 s0, s8;
	[dreg:$0xd] =	wrdreg s9;
	s15 =	simm.s32 $0x300  }
0x1c: {  	[dreg:$0x1a] =	wrdreg s13;
	s9 =	sadd.s32 $0x80, s13;
	s16 =	simm.s32 $0xB00  }
0x1d: {  	s18 =	simm.s32 $0xB80;
	s0 =	simm.s32 $0xF80;
	[dreg:$0xe] =	wrdreg s15  }
0x1e: {  	s3 =	sadd.s32 $0x4600, s3;
	s12 =	smax.u32 s12, $0x1;
	[dreg:$0x1b] =	wrdreg s14  }
0x1f: {  	s13 =	sadd.s32 $0x80, s14;
	[dreg:$0xf] =	wrdreg s16;
	s14 =	sshrl.u32 s11, $0x3  }
0x20: {  	s15 =	simm.s32 $0x3;
	[dreg:$0x11] =	wrdreg s18;
	s16 =	simm.s32 $0x800  }
0x21: {  	s18 =	simm.s32 $0x1000;
	[dreg:$0x1c] =	wrdreg s12;
	s26 =	sadd.s32 s26, s3  }
0x22: {  	s3 =	simm.s32 $0x0;
	[dreg:$0x1d] =	wrdreg s26;
	s26 =	simm.s32 $0x680  }
.LBB2_1:
0x23: {  	s6 =	rddreg [dreg:$0x19]  }
0x24: {  	[spmem:s14], [sflag:s7] =	dma.local [hbm:s6], $0x2780  }
0x25: {  	_ =	swait.ge [sflag:s15], $0x2780  }
0x26: {  	[sflag:s15] =	ssyncset.done $0x0  }
0x27: {  	s8 =	rddreg [dreg:$0x1a];
	[sflag:s15] =	ssyncadd.s32 $0xFFFFD880  }
0x28: {  	[tilespmem:s2], [sflag:$0x3] =	stream.linear.gather [hbm4b:s8+s2], $0x400, $0x38;
	[tilespmem:$0x1CC00] =	vst v63  }
0x29: {  	_ =	swait.ge [sflag:s15], $0x400  }
0x2a: {  	[sflag:s15] =	ssyncset.done $0x0  }
0x2b: {  	s12 =	rddreg [dreg:$0x1b];
	[sflag:s15] =	ssyncadd.s32 $0xFFFFFC00  }
0x2c: {  	[tilespmem:s16], [sflag:$0x3] =	stream.linear.gather [hbm4b:s12+s2], $0x400, $0x38;
	[tilespmem:$0x1CC00] =	vst v63  }
0x2d: {  	_ =	swait.ge [sflag:s15], $0x400  }
0x2e: {  	[sflag:s15] =	ssyncset.done $0x0  }
0x2f: {  	[sflag:s15] =	ssyncadd.s32 $0xFFFFFC00  }
0x30: {  	[tilespmem:s18], [sflag:$0x1] =	stream.indirect.gather [hbm4b:s10+s17], $0x80, s2, s17, $0xb8;
	[tilespmem:$0x1CC00] =	vst v63  }
0x31: {  	_ = 	snop  }
0x32: {  	[tilespmem:s19], [sflag:$0x3] =	stream.linear.gather [hbm4b:s6+s2], $0x4000, $0x38;
	[tilespmem:$0x1CC00] =	vst v63  }
0x33: {  	_ =	swait.ge [sflag:s15], $0x4000  }
0x34: {  	[sflag:s15] =	ssyncset.done $0x0  }
0x35: {  	[sflag:s15] =	ssyncadd.s32 $0xFFFFC000  }
0x36: {  	[spmem:s1] =	stream.indirect.scatter.add.f32 [tilespmem:s19], [sflag:$0x2], $0x80, s16, s17, $0xb8;
	[tilespmem:$0x1CC00] =	vst v63  }
0x37: {  	[bflag:$0x0] =	sbarrier.arrive $0xFFFF  }
0x38: {  	[tilespmem:s20], [sflag:$0x3] =	stream.linear.gather [hbm4b:s9+s2], $0x400, $0x38;
	[tilespmem:$0x1CC00] =	vst v63  }
0x39: {  	_ =	swait.ge [sflag:s15], $0x400  }
0x3a: {  	[sflag:s15] =	ssyncset.done $0x0  }
0x3b: {  	[sflag:s15] =	ssyncadd.s32 $0xFFFFFC00  }
0x3c: {  	[tilespmem:s21], [sflag:$0x3] =	stream.linear.gather [hbm4b:s13+s2], $0x400, $0x38;
	[tilespmem:$0x1CC00] =	vst v63  }
0x3d: {  	_ =	swait.ge [sflag:s15], $0x400  }
0x3e: {  	[sflag:s15] =	ssyncset.done $0x0  }
0x3f: {  	[sflag:s15] =	ssyncadd.s32 $0xFFFFFC00  }
0x40: {  	_ =	swait.ge [sflag:s22], $0x4000  }
0x41: {  	[sflag:s22] =	ssyncset.done $0x0  }
0x42: {  	[sflag:s22] =	ssyncadd.s32 $0xFFFFC000  }
0x43: {  	[spmem:s1] =	stream.indirect.scatter.add.f32 [tilespmem:s18], [sflag:$0x2], $0x80, s16, s17, $0xb8;
	[tilespmem:$0x1CC00] =	vst v63  }
0x44: {  	_ =	swait.ge [sflag:s23], $0x4000  }
0x45: {  	[sflag:s23] =	ssyncset.done $0x0  }
0x46: {  	[sflag:s23] =	ssyncadd.s32 $0xFFFFC000  }
0x47: {  	[tilespmem:s19], [sflag:$0x1] =	stream.indirect.gather [hbm4b:s10+s17], $0x80, s17, s17, $0xb8;
	[tilespmem:$0x1CC00] =	vst v63  }
0x48: {  	_ =	swait.ge [sflag:s22], $0x4000  }
0x49: {  	[sflag:s22] =	ssyncset.done $0x0  }
0x4a: {  	s24 =	rddreg [dreg:$0x5];
	[sflag:s22] =	ssyncadd.s32 $0xFFFFC000  }
0x4b: {  	[spmem:s1] =	stream.indirect.scatter.add.f32 [tilespmem:s19], [sflag:$0x2], $0x80, s24, s17, $0xb8;
	[tilespmem:$0x1CC00] =	vst v63  }
0x4c: {  	_ =	swait.ge [sflag:s23], $0x4000  }
0x4d: {  	[sflag:s23] =	ssyncset.done $0x0  }
0x4e: {  	s6 =	rddreg [dreg:$0x6];
	[sflag:s23] =	ssyncadd.s32 $0xFFFFC000  }
0x4f: {  	[tilespmem:s18], [sflag:$0x1] =	stream.indirect.gather [hbm4b:s10+s17], $0x80, s6, s17, $0xb8;
	[tilespmem:$0x1CC00] =	vst v63  }
0x50: {  	_ =	swait.ge [sflag:s22], $0x4000  }
0x51: {  	[sflag:s22] =	ssyncset.done $0x0  }
0x52: {  	s11 =	rddreg [dreg:$0x7];
	[sflag:s22] =	ssyncadd.s32 $0xFFFFC000  }
0x53: {  	[spmem:s1] =	stream.indirect.scatter.add.f32 [tilespmem:s18], [sflag:$0x2], $0x80, s11, s17, $0xb8;
	[tilespmem:$0x1CC00] =	vst v63  }
0x54: {  	_ =	swait.ge [sflag:s23], $0x4000  }
0x55: {  	[sflag:s23] =	ssyncset.done $0x0  }
0x56: {  	s12 =	rddreg [dreg:$0x8];
	[sflag:s23] =	ssyncadd.s32 $0xFFFFC000  }
0x57: {  	[tilespmem:s19], [sflag:$0x1] =	stream.indirect.gather [hbm4b:s10+s17], $0x80, s12, s17, $0xb8;
	[tilespmem:$0x1CC00] =	vst v63  }
0x58: {  	_ =	swait.ge [sflag:s22], $0x4000  }
0x59: {  	[sflag:s22] =	ssyncset.done $0x0  }
0x5a: {  	s24 =	rddreg [dreg:$0x9];
	[sflag:s22] =	ssyncadd.s32 $0xFFFFC000  }
0x5b: {  	[spmem:s1] =	stream.indirect.scatter.add.f32 [tilespmem:s19], [sflag:$0x2], $0x80, s24, s17, $0xb8;
	[tilespmem:$0x1CC00] =	vst v63  }
0x5c: {  	_ =	swait.ge [sflag:s23], $0x4000  }
0x5d: {  	[sflag:s23] =	ssyncset.done $0x0  }
0x5e: {  	s6 =	rddreg [dreg:$0xa];
	[sflag:s23] =	ssyncadd.s32 $0xFFFFC000  }
0x5f: {  	[tilespmem:s18], [sflag:$0x1] =	stream.indirect.gather [hbm4b:s10+s17], $0x80, s6, s17, $0xb8;
	[tilespmem:$0x1CC00] =	vst v63  }
0x60: {  	_ =	swait.ge [sflag:s22], $0x4000  }
0x61: {  	[sflag:s22] =	ssyncset.done $0x0  }
0x62: {  	s11 =	rddreg [dreg:$0xb];
	[sflag:s22] =	ssyncadd.s32 $0xFFFFC000  }
0x63: {  	[spmem:s1] =	stream.indirect.scatter.add.f32 [tilespmem:s18], [sflag:$0x2], $0x80, s11, s17, $0xb8;
	[tilespmem:$0x1CC00] =	vst v63  }
0x64: {  	_ =	swait.ge [sflag:s23], $0x4000  }
0x65: {  	[sflag:s23] =	ssyncset.done $0x0  }
0x66: {  	s12 =	rddreg [dreg:$0xc];
	[sflag:s23] =	ssyncadd.s32 $0xFFFFC000  }
0x67: {  	[tilespmem:s19], [sflag:$0x1] =	stream.indirect.gather [hbm4b:s10+s17], $0x80, s12, s17, $0xb8;
	[tilespmem:$0x1CC00] =	vst v63  }
0x68: {  	_ =	swait.ge [sflag:s22], $0x4000  }
0x69: {  	[sflag:s22] =	ssyncset.done $0x0  }
0x6a: {  	s24 =	rddreg [dreg:$0xd];
	[sflag:s22] =	ssyncadd.s32 $0xFFFFC000  }
0x6b: {  	[spmem:s1] =	stream.indirect.scatter.add.f32 [tilespmem:s19], [sflag:$0x2], $0x80, s24, s17, $0xb8;
	[tilespmem:$0x1CC00] =	vst v63  }
0x6c: {  	_ =	swait.ge [sflag:s23], $0x4000  }
0x6d: {  	[sflag:s23] =	ssyncset.done $0x0  }
0x6e: {  	s6 =	rddreg [dreg:$0xe];
	[sflag:s23] =	ssyncadd.s32 $0xFFFFC000  }
0x6f: {  	[tilespmem:s18], [sflag:$0x1] =	stream.indirect.gather [hbm4b:s10+s17], $0x80, s6, s17, $0xb8;
	[tilespmem:$0x1CC00] =	vst v63  }
0x70: {  	_ =	swait.ge [sflag:s22], $0x4000  }
0x71: {  	[sflag:s22] =	ssyncset.done $0x0  }
0x72: {  	s11 =	rddreg [dreg:$0xf];
	[sflag:s22] =	ssyncadd.s32 $0xFFFFC000  }
0x73: {  	[spmem:s1] =	stream.indirect.scatter.add.f32 [tilespmem:s18], [sflag:$0x2], $0x80, s11, s17, $0xb8;
	[tilespmem:$0x1CC00] =	vst v63  }
0x74: {  	_ =	swait.ge [sflag:s23], $0x4000  }
0x75: {  	[sflag:s23] =	ssyncset.done $0x0  }
0x76: {  	s12 =	rddreg [dreg:$0x10];
	[sflag:s23] =	ssyncadd.s32 $0xFFFFC000  }
0x77: {  	[tilespmem:s19], [sflag:$0x1] =	stream.indirect.gather [hbm4b:s10+s17], $0x80, s12, s17, $0xb8;
	[tilespmem:$0x1CC00] =	vst v63  }
0x78: {  	_ =	swait.ge [sflag:s22], $0x4000  }
0x79: {  	[sflag:s22] =	ssyncset.done $0x0  }
0x7a: {  	s24 =	rddreg [dreg:$0x11];
	[sflag:s22] =	ssyncadd.s32 $0xFFFFC000  }
0x7b: {  	[spmem:s1] =	stream.indirect.scatter.add.f32 [tilespmem:s19], [sflag:$0x2], $0x80, s24, s17, $0xb8;
	[tilespmem:$0x1CC00] =	vst v63  }
0x7c: {  	p0 =	por $0x0, $0x0;
	s8 =	simm.s32 $0x10;
	_ =	swait.ge [sflag:s23], $0x4000  }
0x7d: {  	s8 =	simm.s32 @p0 $0x0;
	[sflag:s23] =	ssyncset.done $0x0;
	s11 =	rddreg [dreg:$0x4]  }
0x7e: {  	[sflag:s23] =	ssyncadd.s32 $0xFFFFC000;
	s8 =	sadd.s32 s11, s8  }
0x7f: {  	[tilespmem:s18], [sflag:$0x1] =	stream.indirect.gather [hbm4b:s10+s17], $0x80, s20, s17, $0xb8;
	[tilespmem:$0x1CC00] =	vst v63  }
0x80: {  	s8 =	sshll.u32 s8, $0x4  }
0x81: {  	s6 =	sadd.s32 s4, s8  }
0x82: {  	[tilespmem:s2], [sflag:$0x3] =	stream.linear.gather [hbm4b:s6+s2], $0x400, $0x38;
	[tilespmem:$0x1CC00] =	vst v63  }
0x83: {  	_ =	swait.ge [sflag:s15], $0x400  }
0x84: {  	[sflag:s15] =	ssyncset.done $0x0  }
0x85: {  	s8 =	sadd.s32 s5, s8;
	[sflag:s15] =	ssyncadd.s32 $0xFFFFFC00  }
0x86: {  	[tilespmem:s16], [sflag:$0x3] =	stream.linear.gather [hbm4b:s8+s2], $0x400, $0x38;
	[tilespmem:$0x1CC00] =	vst v63  }
0x87: {  	_ =	swait.ge [sflag:s15], $0x400  }
0x88: {  	[sflag:s15] =	ssyncset.done $0x0  }
0x89: {  	[sflag:s15] =	ssyncadd.s32 $0xFFFFFC00  }
0x8a: {  	_ =	swait.ge [sflag:s22], $0x4000  }
0x8b: {  	[sflag:s22] =	ssyncset.done $0x0  }
0x8c: {  	[sflag:s22] =	ssyncadd.s32 $0xFFFFC000  }
0x8d: {  	[spmem:s1] =	stream.indirect.scatter.add.f32 [tilespmem:s18], [sflag:$0x2], $0x80, s21, s17, $0xb8;
	[tilespmem:$0x1CC00] =	vst v63  }
0x8e: {  	_ =	swait.ge [sflag:s23], $0x4000  }
0x8f: {  	[sflag:s23] =	ssyncset.done $0x0  }
0x90: {  	s11 =	rddreg [dreg:$0x12];
	[sflag:s23] =	ssyncadd.s32 $0xFFFFC000  }
0x91: {  	[tilespmem:s19], [sflag:$0x1] =	stream.indirect.gather [hbm4b:s10+s17], $0x80, s11, s17, $0xb8;
	[tilespmem:$0x1CC00] =	vst v63  }
0x92: {  	_ =	swait.ge [sflag:s22], $0x4000  }
0x93: {  	[sflag:s22] =	ssyncset.done $0x0  }
0x94: {  	s12 =	rddreg [dreg:$0x13];
	[sflag:s22] =	ssyncadd.s32 $0xFFFFC000  }
0x95: {  	[spmem:s1] =	stream.indirect.scatter.add.f32 [tilespmem:s19], [sflag:$0x2], $0x80, s12, s17, $0xb8;
	[tilespmem:$0x1CC00] =	vst v63  }
0x96: {  	_ =	swait.ge [sflag:s23], $0x4000  }
0x97: {  	[sflag:s23] =	ssyncset.done $0x0  }
0x98: {  	s24 =	rddreg [dreg:$0x14];
	[sflag:s23] =	ssyncadd.s32 $0xFFFFC000  }
0x99: {  	[tilespmem:s18], [sflag:$0x1] =	stream.indirect.gather [hbm4b:s10+s17], $0x80, s24, s17, $0xb8;
	[tilespmem:$0x1CC00] =	vst v63  }
0x9a: {  	_ =	swait.ge [sflag:s22], $0x4000  }
0x9b: {  	[sflag:s22] =	ssyncset.done $0x0  }
0x9c: {  	s6 =	rddreg [dreg:$0x15];
	[sflag:s22] =	ssyncadd.s32 $0xFFFFC000  }
0x9d: {  	[spmem:s1] =	stream.indirect.scatter.add.f32 [tilespmem:s18], [sflag:$0x2], $0x80, s6, s17, $0xb8;
	[tilespmem:$0x1CC00] =	vst v63  }
0x9e: {  	_ =	swait.ge [sflag:s23], $0x4000  }
0x9f: {  	[sflag:s23] =	ssyncset.done $0x0  }
0xa0: {  	s11 =	rddreg [dreg:$0x16];
	[sflag:s23] =	ssyncadd.s32 $0xFFFFC000  }
0xa1: {  	[tilespmem:s19], [sflag:$0x1] =	stream.indirect.gather [hbm4b:s10+s17], $0x80, s11, s17, $0xb8;
	[tilespmem:$0x1CC00] =	vst v63  }
0xa2: {  	_ =	swait.ge [sflag:s22], $0x4000  }
0xa3: {  	[sflag:s22] =	ssyncset.done $0x0  }
0xa4: {  	s12 =	rddreg [dreg:$0x17];
	[sflag:s22] =	ssyncadd.s32 $0xFFFFC000  }
0xa5: {  	[spmem:s1] =	stream.indirect.scatter.add.f32 [tilespmem:s19], [sflag:$0x2], $0x80, s12, s17, $0xb8;
	[tilespmem:$0x1CC00] =	vst v63  }
0xa6: {  	_ =	swait.ge [sflag:s23], $0x4000  }
0xa7: {  	[sflag:s23] =	ssyncset.done $0x0  }
0xa8: {  	s24 =	rddreg [dreg:$0x18];
	[sflag:s23] =	ssyncadd.s32 $0xFFFFC000  }
0xa9: {  	[tilespmem:s18], [sflag:$0x1] =	stream.indirect.gather [hbm4b:s10+s17], $0x80, s24, s17, $0xb8;
	[tilespmem:$0x1CC00] =	vst v63  }
0xaa: {  	_ =	swait.ge [sflag:s22], $0x4000  }
0xab: {  	[sflag:s22] =	ssyncset.done $0x0  }
0xac: {  	[sflag:s22] =	ssyncadd.s32 $0xFFFFC000  }
0xad: {  	[spmem:s1] =	stream.indirect.scatter.add.f32 [tilespmem:s18], [sflag:$0x2], $0x80, s25, s17, $0xb8;
	[tilespmem:$0x1CC00] =	vst v63  }
0xae: {  	_ =	swait.ge [sflag:s23], $0x4000  }
0xaf: {  	[sflag:s23] =	ssyncset.done $0x0  }
0xb0: {  	[sflag:s23] =	ssyncadd.s32 $0xFFFFC000  }
0xb1: {  	[tilespmem:s19], [sflag:$0x1] =	stream.indirect.gather [hbm4b:s10+s17], $0x80, s26, s17, $0xb8;
	[tilespmem:$0x1CC00] =	vst v63  }
0xb2: {  	_ =	swait.ge [sflag:s22], $0x4000  }
0xb3: {  	[sflag:s22] =	ssyncset.done $0x0  }
0xb4: {  	[sflag:s22] =	ssyncadd.s32 $0xFFFFC000  }
0xb5: {  	[spmem:s1] =	stream.indirect.scatter.add.f32 [tilespmem:s19], [sflag:$0x2], $0x80, s28, s17, $0xb8;
	[tilespmem:$0x1CC00] =	vst v63  }
0xb6: {  	_ =	swait.ge [sflag:s23], $0x4000  }
0xb7: {  	[sflag:s23] =	ssyncset.done $0x0  }
0xb8: {  	[sflag:s23] =	ssyncadd.s32 $0xFFFFC000  }
0xb9: {  	[tilespmem:s18], [sflag:$0x1] =	stream.indirect.gather [hbm4b:s10+s17], $0x80, s29, s17, $0xb8;
	[tilespmem:$0x1CC00] =	vst v63  }
0xba: {  	_ =	swait.ge [sflag:s22], $0x4000  }
0xbb: {  	[sflag:s22] =	ssyncset.done $0x0  }
0xbc: {  	[sflag:s22] =	ssyncadd.s32 $0xFFFFC000  }
0xbd: {  	[spmem:s1] =	stream.indirect.scatter.add.f32 [tilespmem:s18], [sflag:$0x2], $0x80, s30, s17, $0xb8;
	[tilespmem:$0x1CC00] =	vst v63  }
0xbe: {  	_ =	swait.ge [sflag:s23], $0x4000  }
0xbf: {  	[sflag:s23] =	ssyncset.done $0x0  }
0xc0: {  	[sflag:s23] =	ssyncadd.s32 $0xFFFFC000  }
0xc1: {  	[tilespmem:s19], [sflag:$0x1] =	stream.indirect.gather [hbm4b:s10+s17], $0x80, s31, s17, $0xb8;
	[tilespmem:$0x1CC00] =	vst v63  }
0xc2: {  	s8 =	sadd.s32 $0x100, s13;
	_ =	swait.ge [sflag:s22], $0x4000  }
0xc3: {  	s11 =	simm.s32 $0x20;
	s12 =	smov.u32 s9;
	[sflag:s22] =	ssyncset.done $0x0  }
.LBB2_2:
0xc4: {  	[sflag:s22] =	ssyncadd.s32 $0xFFFFC000  }
0xc5: {  	[spmem:s1] =	stream.indirect.scatter.add.f32 [tilespmem:s19], [sflag:$0x2], $0x80, s0, s17, $0xb8;
	[tilespmem:$0x1CC00] =	vst v63  }
0xc6: {  	_ =	swait.ge [sflag:s23], $0x4000  }
0xc7: {  	[sflag:s23] =	ssyncset.done $0x0  }
0xc8: {  	[sflag:s23] =	ssyncadd.s32 $0xFFFFC000  }
0xc9: {  	[tilespmem:s18], [sflag:$0x1] =	stream.indirect.gather [hbm4b:s10+s17], $0x80, s2, s17, $0xb8;
	[tilespmem:$0x1CC00] =	vst v63  }
0xca: {  	s12 =	sadd.s32 $0x100, s12  }
0xcb: {  	[tilespmem:s20], [sflag:$0x3] =	stream.linear.gather [hbm4b:s12+s2], $0x400, $0x38;
	[tilespmem:$0x1CC00] =	vst v63  }
0xcc: {  	_ =	swait.ge [sflag:s15], $0x400  }
0xcd: {  	[sflag:s15] =	ssyncset.done $0x0  }
0xce: {  	[sflag:s15] =	ssyncadd.s32 $0xFFFFFC00  }
0xcf: {  	[tilespmem:s21], [sflag:$0x3] =	stream.linear.gather [hbm4b:s8+s2], $0x400, $0x38;
	[tilespmem:$0x1CC00] =	vst v63  }
0xd0: {  	_ =	swait.ge [sflag:s15], $0x400  }
0xd1: {  	[sflag:s15] =	ssyncset.done $0x0  }
0xd2: {  	[sflag:s15] =	ssyncadd.s32 $0xFFFFFC00  }
0xd3: {  	_ =	swait.ge [sflag:s22], $0x4000  }
0xd4: {  	[sflag:s22] =	ssyncset.done $0x0  }
0xd5: {  	[sflag:s22] =	ssyncadd.s32 $0xFFFFC000  }
0xd6: {  	[spmem:s1] =	stream.indirect.scatter.add.f32 [tilespmem:s18], [sflag:$0x2], $0x80, s16, s17, $0xb8;
	[tilespmem:$0x1CC00] =	vst v63  }
0xd7: {  	_ =	swait.ge [sflag:s23], $0x4000  }
0xd8: {  	[sflag:s23] =	ssyncset.done $0x0  }
0xd9: {  	[sflag:s23] =	ssyncadd.s32 $0xFFFFC000  }
0xda: {  	[tilespmem:s19], [sflag:$0x1] =	stream.indirect.gather [hbm4b:s10+s17], $0x80, s17, s17, $0xb8;
	[tilespmem:$0x1CC00] =	vst v63  }
0xdb: {  	_ =	swait.ge [sflag:s22], $0x4000  }
0xdc: {  	[sflag:s22] =	ssyncset.done $0x0  }
0xdd: {  	s6 =	rddreg [dreg:$0x5];
	[sflag:s22] =	ssyncadd.s32 $0xFFFFC000  }
0xde: {  	[spmem:s1] =	stream.indirect.scatter.add.f32 [tilespmem:s19], [sflag:$0x2], $0x80, s6, s17, $0xb8;
	[tilespmem:$0x1CC00] =	vst v63  }
0xdf: {  	_ =	swait.ge [sflag:s23], $0x4000  }
0xe0: {  	[sflag:s23] =	ssyncset.done $0x0  }
0xe1: {  	s6 =	rddreg [dreg:$0x6];
	[sflag:s23] =	ssyncadd.s32 $0xFFFFC000  }
0xe2: {  	[tilespmem:s18], [sflag:$0x1] =	stream.indirect.gather [hbm4b:s10+s17], $0x80, s6, s17, $0xb8;
	[tilespmem:$0x1CC00] =	vst v63  }
0xe3: {  	_ =	swait.ge [sflag:s22], $0x4000  }
0xe4: {  	[sflag:s22] =	ssyncset.done $0x0  }
0xe5: {  	s6 =	rddreg [dreg:$0x7];
	[sflag:s22] =	ssyncadd.s32 $0xFFFFC000  }
0xe6: {  	[spmem:s1] =	stream.indirect.scatter.add.f32 [tilespmem:s18], [sflag:$0x2], $0x80, s6, s17, $0xb8;
	[tilespmem:$0x1CC00] =	vst v63  }
0xe7: {  	_ =	swait.ge [sflag:s23], $0x4000  }
0xe8: {  	[sflag:s23] =	ssyncset.done $0x0  }
0xe9: {  	s6 =	rddreg [dreg:$0x8];
	[sflag:s23] =	ssyncadd.s32 $0xFFFFC000  }
0xea: {  	[tilespmem:s19], [sflag:$0x1] =	stream.indirect.gather [hbm4b:s10+s17], $0x80, s6, s17, $0xb8;
	[tilespmem:$0x1CC00] =	vst v63  }
0xeb: {  	_ =	swait.ge [sflag:s22], $0x4000  }
0xec: {  	[sflag:s22] =	ssyncset.done $0x0  }
0xed: {  	s6 =	rddreg [dreg:$0x9];
	[sflag:s22] =	ssyncadd.s32 $0xFFFFC000  }
0xee: {  	[spmem:s1] =	stream.indirect.scatter.add.f32 [tilespmem:s19], [sflag:$0x2], $0x80, s6, s17, $0xb8;
	[tilespmem:$0x1CC00] =	vst v63  }
0xef: {  	_ =	swait.ge [sflag:s23], $0x4000  }
0xf0: {  	[sflag:s23] =	ssyncset.done $0x0  }
0xf1: {  	s6 =	rddreg [dreg:$0xa];
	[sflag:s23] =	ssyncadd.s32 $0xFFFFC000  }
0xf2: {  	[tilespmem:s18], [sflag:$0x1] =	stream.indirect.gather [hbm4b:s10+s17], $0x80, s6, s17, $0xb8;
	[tilespmem:$0x1CC00] =	vst v63  }
0xf3: {  	_ =	swait.ge [sflag:s22], $0x4000  }
0xf4: {  	[sflag:s22] =	ssyncset.done $0x0  }
0xf5: {  	s6 =	rddreg [dreg:$0xb];
	[sflag:s22] =	ssyncadd.s32 $0xFFFFC000  }
0xf6: {  	[spmem:s1] =	stream.indirect.scatter.add.f32 [tilespmem:s18], [sflag:$0x2], $0x80, s6, s17, $0xb8;
	[tilespmem:$0x1CC00] =	vst v63  }
0xf7: {  	_ =	swait.ge [sflag:s23], $0x4000  }
0xf8: {  	[sflag:s23] =	ssyncset.done $0x0  }
0xf9: {  	s6 =	rddreg [dreg:$0xc];
	[sflag:s23] =	ssyncadd.s32 $0xFFFFC000  }
0xfa: {  	[tilespmem:s19], [sflag:$0x1] =	stream.indirect.gather [hbm4b:s10+s17], $0x80, s6, s17, $0xb8;
	[tilespmem:$0x1CC00] =	vst v63  }
0xfb: {  	_ =	swait.ge [sflag:s22], $0x4000  }
0xfc: {  	[sflag:s22] =	ssyncset.done $0x0  }
0xfd: {  	s6 =	rddreg [dreg:$0xd];
	[sflag:s22] =	ssyncadd.s32 $0xFFFFC000  }
0xfe: {  	[spmem:s1] =	stream.indirect.scatter.add.f32 [tilespmem:s19], [sflag:$0x2], $0x80, s6, s17, $0xb8;
	[tilespmem:$0x1CC00] =	vst v63  }
0xff: {  	_ =	swait.ge [sflag:s23], $0x4000  }
0x100: {  	[sflag:s23] =	ssyncset.done $0x0  }
0x101: {  	s6 =	rddreg [dreg:$0xe];
	[sflag:s23] =	ssyncadd.s32 $0xFFFFC000  }
0x102: {  	[tilespmem:s18], [sflag:$0x1] =	stream.indirect.gather [hbm4b:s10+s17], $0x80, s6, s17, $0xb8;
	[tilespmem:$0x1CC00] =	vst v63  }
0x103: {  	_ =	swait.ge [sflag:s22], $0x4000  }
0x104: {  	[sflag:s22] =	ssyncset.done $0x0  }
0x105: {  	s6 =	rddreg [dreg:$0xf];
	[sflag:s22] =	ssyncadd.s32 $0xFFFFC000  }
0x106: {  	[spmem:s1] =	stream.indirect.scatter.add.f32 [tilespmem:s18], [sflag:$0x2], $0x80, s6, s17, $0xb8;
	[tilespmem:$0x1CC00] =	vst v63  }
0x107: {  	_ =	swait.ge [sflag:s23], $0x4000  }
0x108: {  	[sflag:s23] =	ssyncset.done $0x0  }
0x109: {  	s6 =	rddreg [dreg:$0x10];
	[sflag:s23] =	ssyncadd.s32 $0xFFFFC000  }
0x10a: {  	[tilespmem:s19], [sflag:$0x1] =	stream.indirect.gather [hbm4b:s10+s17], $0x80, s6, s17, $0xb8;
	[tilespmem:$0x1CC00] =	vst v63  }
0x10b: {  	_ =	swait.ge [sflag:s22], $0x4000  }
0x10c: {  	[sflag:s22] =	ssyncset.done $0x0  }
0x10d: {  	s24 =	smov.u32 s11;
	s6 =	rddreg [dreg:$0x11];
	[sflag:s22] =	ssyncadd.s32 $0xFFFFC000  }
0x10e: {  	[spmem:s1] =	stream.indirect.scatter.add.f32 [tilespmem:s19], [sflag:$0x2], $0x80, s6, s17, $0xb8;
	[tilespmem:$0x1CC00] =	vst v63  }
0x10f: {  	p1 =	seq.s32 s24, $0x50;
	_ =	swait.ge [sflag:s23], $0x4000  }
0x110: {  	s24 =	simm.s32 @p1 $0x0;
	[sflag:s23] =	ssyncset.done $0x0;
	s6 =	rddreg [dreg:$0x4]  }
0x111: {  	[sflag:s23] =	ssyncadd.s32 $0xFFFFC000;
	s6 =	sadd.s32 s6, s24  }
0x112: {  	[tilespmem:s18], [sflag:$0x1] =	stream.indirect.gather [hbm4b:s10+s17], $0x80, s20, s17, $0xb8;
	[tilespmem:$0x1CC00] =	vst v63  }
0x113: {  	s6 =	sshll.u32 s6, $0x4  }
0x114: {  	s24 =	sadd.s32 s4, s6  }
0x115: {  	[tilespmem:s2], [sflag:$0x3] =	stream.linear.gather [hbm4b:s24+s2], $0x400, $0x38;
	[tilespmem:$0x1CC00] =	vst v63  }
0x116: {  	_ =	swait.ge [sflag:s15], $0x400  }
0x117: {  	[sflag:s15] =	ssyncset.done $0x0  }
0x118: {  	s6 =	sadd.s32 s5, s6;
	[sflag:s15] =	ssyncadd.s32 $0xFFFFFC00  }
0x119: {  	[tilespmem:s16], [sflag:$0x3] =	stream.linear.gather [hbm4b:s6+s2], $0x400, $0x38;
	[tilespmem:$0x1CC00] =	vst v63  }
0x11a: {  	_ =	swait.ge [sflag:s15], $0x400  }
0x11b: {  	[sflag:s15] =	ssyncset.done $0x0  }
0x11c: {  	[sflag:s15] =	ssyncadd.s32 $0xFFFFFC00  }
0x11d: {  	_ =	swait.ge [sflag:s22], $0x4000  }
0x11e: {  	[sflag:s22] =	ssyncset.done $0x0  }
0x11f: {  	[sflag:s22] =	ssyncadd.s32 $0xFFFFC000  }
0x120: {  	[spmem:s1] =	stream.indirect.scatter.add.f32 [tilespmem:s18], [sflag:$0x2], $0x80, s21, s17, $0xb8;
	[tilespmem:$0x1CC00] =	vst v63  }
0x121: {  	_ =	swait.ge [sflag:s23], $0x4000  }
0x122: {  	[sflag:s23] =	ssyncset.done $0x0  }
0x123: {  	s24 =	rddreg [dreg:$0x12];
	[sflag:s23] =	ssyncadd.s32 $0xFFFFC000  }
0x124: {  	[tilespmem:s19], [sflag:$0x1] =	stream.indirect.gather [hbm4b:s10+s17], $0x80, s24, s17, $0xb8;
	[tilespmem:$0x1CC00] =	vst v63  }
0x125: {  	_ =	swait.ge [sflag:s22], $0x4000  }
0x126: {  	[sflag:s22] =	ssyncset.done $0x0  }
0x127: {  	s24 =	rddreg [dreg:$0x13];
	[sflag:s22] =	ssyncadd.s32 $0xFFFFC000  }
0x128: {  	[spmem:s1] =	stream.indirect.scatter.add.f32 [tilespmem:s19], [sflag:$0x2], $0x80, s24, s17, $0xb8;
	[tilespmem:$0x1CC00] =	vst v63  }
0x129: {  	_ =	swait.ge [sflag:s23], $0x4000  }
0x12a: {  	[sflag:s23] =	ssyncset.done $0x0  }
0x12b: {  	s24 =	rddreg [dreg:$0x14];
	[sflag:s23] =	ssyncadd.s32 $0xFFFFC000  }
0x12c: {  	[tilespmem:s18], [sflag:$0x1] =	stream.indirect.gather [hbm4b:s10+s17], $0x80, s24, s17, $0xb8;
	[tilespmem:$0x1CC00] =	vst v63  }
0x12d: {  	_ =	swait.ge [sflag:s22], $0x4000  }
0x12e: {  	[sflag:s22] =	ssyncset.done $0x0  }
0x12f: {  	s24 =	rddreg [dreg:$0x15];
	[sflag:s22] =	ssyncadd.s32 $0xFFFFC000  }
0x130: {  	[spmem:s1] =	stream.indirect.scatter.add.f32 [tilespmem:s18], [sflag:$0x2], $0x80, s24, s17, $0xb8;
	[tilespmem:$0x1CC00] =	vst v63  }
0x131: {  	_ =	swait.ge [sflag:s23], $0x4000  }
0x132: {  	[sflag:s23] =	ssyncset.done $0x0  }
0x133: {  	s24 =	rddreg [dreg:$0x16];
	[sflag:s23] =	ssyncadd.s32 $0xFFFFC000  }
0x134: {  	[tilespmem:s19], [sflag:$0x1] =	stream.indirect.gather [hbm4b:s10+s17], $0x80, s24, s17, $0xb8;
	[tilespmem:$0x1CC00] =	vst v63  }
0x135: {  	_ =	swait.ge [sflag:s22], $0x4000  }
0x136: {  	[sflag:s22] =	ssyncset.done $0x0  }
0x137: {  	s24 =	rddreg [dreg:$0x17];
	[sflag:s22] =	ssyncadd.s32 $0xFFFFC000  }
0x138: {  	[spmem:s1] =	stream.indirect.scatter.add.f32 [tilespmem:s19], [sflag:$0x2], $0x80, s24, s17, $0xb8;
	[tilespmem:$0x1CC00] =	vst v63  }
0x139: {  	_ =	swait.ge [sflag:s23], $0x4000  }
0x13a: {  	[sflag:s23] =	ssyncset.done $0x0  }
0x13b: {  	s24 =	rddreg [dreg:$0x18];
	[sflag:s23] =	ssyncadd.s32 $0xFFFFC000  }
0x13c: {  	[tilespmem:s18], [sflag:$0x1] =	stream.indirect.gather [hbm4b:s10+s17], $0x80, s24, s17, $0xb8;
	[tilespmem:$0x1CC00] =	vst v63  }
0x13d: {  	_ =	swait.ge [sflag:s22], $0x4000  }
0x13e: {  	[sflag:s22] =	ssyncset.done $0x0  }
0x13f: {  	[sflag:s22] =	ssyncadd.s32 $0xFFFFC000  }
0x140: {  	[spmem:s1] =	stream.indirect.scatter.add.f32 [tilespmem:s18], [sflag:$0x2], $0x80, s25, s17, $0xb8;
	[tilespmem:$0x1CC00] =	vst v63  }
0x141: {  	_ =	swait.ge [sflag:s23], $0x4000  }
0x142: {  	[sflag:s23] =	ssyncset.done $0x0  }
0x143: {  	[sflag:s23] =	ssyncadd.s32 $0xFFFFC000  }
0x144: {  	[tilespmem:s19], [sflag:$0x1] =	stream.indirect.gather [hbm4b:s10+s17], $0x80, s26, s17, $0xb8;
	[tilespmem:$0x1CC00] =	vst v63  }
0x145: {  	_ =	swait.ge [sflag:s22], $0x4000  }
0x146: {  	[sflag:s22] =	ssyncset.done $0x0  }
0x147: {  	[sflag:s22] =	ssyncadd.s32 $0xFFFFC000  }
0x148: {  	[spmem:s1] =	stream.indirect.scatter.add.f32 [tilespmem:s19], [sflag:$0x2], $0x80, s28, s17, $0xb8;
	[tilespmem:$0x1CC00] =	vst v63  }
0x149: {  	_ =	swait.ge [sflag:s23], $0x4000  }
0x14a: {  	[sflag:s23] =	ssyncset.done $0x0  }
0x14b: {  	[sflag:s23] =	ssyncadd.s32 $0xFFFFC000  }
0x14c: {  	[tilespmem:s18], [sflag:$0x1] =	stream.indirect.gather [hbm4b:s10+s17], $0x80, s29, s17, $0xb8;
	[tilespmem:$0x1CC00] =	vst v63  }
0x14d: {  	_ =	swait.ge [sflag:s22], $0x4000  }
0x14e: {  	[sflag:s22] =	ssyncset.done $0x0  }
0x14f: {  	[sflag:s22] =	ssyncadd.s32 $0xFFFFC000  }
0x150: {  	[spmem:s1] =	stream.indirect.scatter.add.f32 [tilespmem:s18], [sflag:$0x2], $0x80, s30, s17, $0xb8;
	[tilespmem:$0x1CC00] =	vst v63  }
0x151: {  	p0 =	sne.s32 s11, $0x50;
	_ =	swait.ge [sflag:s23], $0x4000  }
.Ltmp0:
0x152: {  	[sflag:s23] =	ssyncset.done $0x0;
	(pc) =	sbr.rel @p0 .LBB2_2-.Ltmp0, $4  }
0x153: {  	[sflag:s23] =	ssyncadd.s32 $0xFFFFC000  }
0x154: {  	[tilespmem:s19], [sflag:$0x1] =	stream.indirect.gather [hbm4b:s10+s17], $0x80, s31, s17, $0xb8;
	[tilespmem:$0x1CC00] =	vst v63  }
0x155: {  	_ =	swait.ge [sflag:s22], $0x4000  }
0x156: {  	s11 =	sadd.s32 $0x10, s11;
	s8 =	sadd.s32 $0x100, s8;
	[sflag:s22] =	ssyncset.done $0x0  }
0x157: {  	[sflag:s22] =	ssyncadd.s32 $0xFFFFC000  }
0x158: {  	[spmem:s1] =	stream.indirect.scatter.add.f32 [tilespmem:s19], [sflag:$0x2], $0x80, s0, s17, $0xb8;
	[tilespmem:$0x1CC00] =	vst v63  }
0x159: {  	_ =	swait.ge [sflag:s23], $0x4000  }
0x15a: {  	[sflag:s23] =	ssyncset.done $0x0  }
0x15b: {  	[sflag:s23] =	ssyncadd.s32 $0xFFFFC000  }
0x15c: {  	[tilespmem:s18], [sflag:$0x1] =	stream.indirect.gather [hbm4b:s10+s17], $0x80, s2, s17, $0xb8;
	[tilespmem:$0x1CC00] =	vst v63  }
0x15d: {  	_ =	swait.ge [sflag:s22], $0x4000  }
0x15e: {  	[sflag:s22] =	ssyncset.done $0x0  }
0x15f: {  	[sflag:s22] =	ssyncadd.s32 $0xFFFFC000  }
0x160: {  	_ =	swait.ge [sflag:s23], $0x4000  }
0x161: {  	[sflag:s23] =	ssyncset.done $0x0  }
0x162: {  	[sflag:s23] =	ssyncadd.s32 $0xFFFFC000  }
0x163: {  	[bflag:$0x0] =	sbarrier.arrive $0xFFFF  }
0x164: {  	s6 =	rddreg [dreg:$0x1d]  }
0x165: {  	[hbm:s6], [sflag:s7] =	dma.local [spmem:s14], $0x2780  }
0x166: {  	_ =	swait.ge [sflag:s15], $0x2780  }
0x167: {  	s3 =	sadd.s32 $0x1, s3;
	s24 =	rddreg [dreg:$0x1c]  }
0x168: {  	p0 =	sne.s32 s3, s24  }
.Ltmp1:
0x169: {  	_ = 	snop;
	(pc) =	sbr.rel @p0 .LBB2_1-.Ltmp1, $3  }
0x16a: {  	_ =	sdelay $0x1  }
0x16b: {  	[sflag:s15] =	ssyncset.done $0x0  }
0x16c: {  	[sflag:s15] =	ssyncadd.s32 $0xFFFFD880  }
0x16d: {  	_ =	sfence.sel $0x180000  }
0x16e: {  	[bflag:$0x0] =	sbarrier.arrive $0xFFFF  }
0x16f: {  	_ =	strace $0x9000004D  }
0x170: {  	s0 =	stileid.u32;
	[bflag:$0x2] =	sbarrier.arrive $0xFFFF  }
0x171: {  	p0 =	sne.s32 s0, $0x0;
	s0 =	rddreg [dreg:$0x3]  }
0x172: {  	s0 =	sadd.s32 @!p0 $0x100000, s0  }
0x173: {  	[sflag:s0] =	ssyncadd.tile.s32 @!p0 $0x1;
	_ =	shalt  }
.Lfunc_end2:
_tile_overlayer_lowered:
.L_overlay_start_2:
0x174: {  	(tag) =	ssettag $0x2  }
0x175: {  	s0 =	rddreg [dreg:$0x0];
	s2 =	stileid.u32  }
0x176: {  	s1 =	rddreg [dreg:$0x1];
	p0 =	sne.s32 s2, $0x0  }
0x177: {  	s3 =	rddreg [dreg:$0x2];
	[bflag:$0x3] =	sbarrier.arrive $0xFFFF;
	s2 =	simm.s32 @!p0 $0x1C03  }
0x178: {  	[timem:s3], [sflag:s2] =	dma.local @!p0 [hbm:s0], s1  }
0x179: {  	s0 =	simm.s32 @!p0 $0x3  }
0x17a: {  	_ =	swait.ge @!p0 [sflag:s0], s1  }
0x17b: {  	s1 =	ssub.s32 @!p0 $0x0, s1;
	[sflag:s0] =	ssyncset.done @!p0 $0x0  }
0x17c: {  	[sflag:s0] =	ssyncadd.s32 @!p0 s1  }
0x17d: {  	[bflag:$0x3] =	sbarrier.arrive $0xFFFF  }
0x17e: {  	_ =	shalt  }

// kernel: kernel.8.cloned.1.call-start
scs
__scs_entry_jumppad:
0x0: {  	(pc) =	sbr.rel $0x88, $3  }
0x1: {  	(tag) =	ssettag $0x0;
	lr =	simm.s32 $0x1  }
0x2: {  	[smem:$0x3F9B] =	sst lr;
	_ =	strace $0xD0000000  }
0x3: {  	_ = 	snop  }
0x4: {  	_ = 	snop  }
0x5: {  	_ = 	snop  }
0x6: {  	_ = 	snop  }
0x7: {  	_ = 	snop  }
__scs_overlays_trampoline_lowered:
0x8: {  	[smem:$0x3FAA] =	sst s0  }
0x9: {  	[smem:$0x3FAB] =	sst s1  }
0xa: {  	[smem:$0x3FAC] =	sst s2  }
0xb: {  	[smem:$0x3FAD] =	sst s3  }
0xc: {  	[smem:$0x3FAE] =	sst s4  }
0xd: {  	[smem:$0x3FAF] =	sst s5  }
0xe: {  	[smem:$0x3FB0] =	sst s6  }
0xf: {  	[smem:$0x3FB1] =	sst s7  }
0x10: {  	[smem:$0x3FB2] =	sst s8  }
0x11: {  	[smem:$0x3FB3] =	sst s9;
	s0 =	simm.s32 @!p0 $0x0  }
0x12: {  	s1 =	sld [smem:$0x3F99];
	s0 =	simm.s32 @p0 $0x1  }
0x13: {  	[smem:$0x3FB4] =	sst s0;
	s0 =	simm.s32 @!p1 $0x0  }
0x14: {  	s2 =	sld [smem:$0x3F98];
	s0 =	simm.s32 @p1 $0x1  }
0x15: {  	[smem:$0x3FB5] =	sst s0;
	s0 =	simm.s32 @!p2 $0x0  }
0x16: {  	s3 =	sld [smem:$0x3FDB];
	s0 =	simm.s32 @p2 $0x1  }
0x17: {  	s4 =	simm.s32 $0x1BF5;
	[smem:$0x3FB7] =	sst s0  }
0x18: {  	s0 =	sld [smem:$0x3F9A];
	_ =	swait.ge [sflag:s4], $0x0  }
0x19: {  	s7 =	sld [smem:$0x3F9B]  }
0x1a: {  	s8 =	sadd.s32 $0xFFFFE003, lr  }
0x1b: {  	s9 =	sadd.s32 $0xFFFFFEF7, lr;
	s5 =	simm.s32 $0xFFFFFFFF;
	p2 =	slt.u32 s8, $0xFFFFF086  }
0x1c: {  	p1 =	slt.u32 s9, $0xF7A;
	s5 =	simm.s32 @!p2 $0x0  }
0x1d: {  	s5 =	simm.s32 @p1 $0x1;
	p0 =	seq.s32 s7, s2  }
0x1e: {  	s7 =	smul.u32 @!p0 $0xF7A, s2;
	p2 =	seq.s32 @!p0 s5, $0x0  }
0x1f: {  	s9 =	smul.u32 $0xF7A, s1;
	s8 =	simm.s32 @!p0 $0x1BF5;
	p2 =	por !p2, p0  }
0x20: {  	[sflag:s8] =	ssyncset.s32 @!p0 $0xFFFFF086;
	s6 =	sadd.s32 @!p0 s3, s7;
	s7 =	simm.s32 @!p0 $0x108  }
0x21: {  	s3 =	sadd.s32 s3, s9;
	s6 =	sadd.s32 @!p0 $0x88, s6;
	s7 =	simm.s32 @p2 $0x1082  }
0x22: {  	[simem:s7], [sflag:s8] =	dma.local @!p0 [hbm:s6], $0xF7A  }
0x23: {  	s9 =	sor.u32 $0xD0000000, s2;
	s6 =	simm.s32 $0x108;
	_ =	swait.ge @!p0 [sflag:s8], $0x0  }
0x24: {  	s3 =	sadd.s32 $0x88, s3;
	s6 =	simm.s32 @!p1 $0x1082;
	[sflag:s4] =	ssyncset.s32 $0xFFFFF086  }
0x25: {  	[simem:s6], [sflag:s4] =	dma.local [hbm:s3], $0xF7A  }
0x26: {  	[smem:$0x3F9B] =	sst s1;
	(tag) =	ssettag s2;
	_ =	strace s9  }
0x27: {  	s1 =	sld [smem:$0x3FAB]  }
0x28: {  	s2 =	sld [smem:$0x3FAC]  }
0x29: {  	s4 =	sld [smem:$0x3FAE]  }
0x2a: {  	p0 =	seq.s32 s5, $0x0;
	s5 =	sld [smem:$0x3FAF]  }
0x2b: {  	s6 =	sld [smem:$0x3FB0]  }
0x2c: {  	s7 =	sld [smem:$0x3FB1]  }
0x2d: {  	s3 =	simm.s32 $0x108;
	s8 =	sld [smem:$0x3FB2]  }
0x2e: {  	s3 =	simm.s32 @!p0 $0x1082;
	s9 =	sld [smem:$0x3FB3]  }
0x2f: {  	lr =	sadd.s32 s0, s3;
	s0 =	sld [smem:$0x3FAA]  }
0x30: {  	s3 =	sld [smem:$0x3FAD]  }
0x31: {  	[smem:$0x3FB6] =	sst s10  }
0x32: {  	s10 =	sld [smem:$0x3FB4];
	_ =	sdelay $0x3  }
0x33: {  	p0 =	seq.s32 s10, $0x1;
	s10 =	sld [smem:$0x3FB6];
	_ =	sdelay $0x3  }
0x34: {  	[smem:$0x3FB6] =	sst s10  }
0x35: {  	s10 =	sld [smem:$0x3FB5];
	_ =	sdelay $0x3  }
0x36: {  	p1 =	seq.s32 s10, $0x1;
	s10 =	sld [smem:$0x3FB6];
	_ =	sdelay $0x3  }
0x37: {  	[smem:$0x3FB6] =	sst s10  }
0x38: {  	s10 =	sld [smem:$0x3FB7]  }
0x39: {  	_ = 	snop;
	(pc) =	sbr.ind lr, $3  }
0x3a: {  	_ = 	snop  }
0x3b: {  	_ = 	snop  }
0x3c: {  	p2 =	seq.s32 s10, $0x1;
	s10 =	sld [smem:$0x3FB6]  }
0x3d: {  	_ =	shalt  }
0x3e: {  	_ =	shalt  }
0x3f: {  	_ =	shalt  }
0x40: {  	_ =	shalt  }
0x41: {  	_ =	shalt  }
0x42: {  	_ =	shalt  }
0x43: {  	_ =	shalt  }
0x44: {  	_ =	shalt  }
0x45: {  	_ =	shalt  }
0x46: {  	_ =	shalt  }
0x47: {  	_ =	shalt  }
0x48: {  	_ =	shalt  }
0x49: {  	_ =	shalt  }
0x4a: {  	_ =	shalt  }
0x4b: {  	_ =	shalt  }
0x4c: {  	_ =	shalt  }
0x4d: {  	_ =	shalt  }
0x4e: {  	_ =	shalt  }
0x4f: {  	_ =	shalt  }
0x50: {  	_ =	shalt  }
0x51: {  	_ =	shalt  }
0x52: {  	_ =	shalt  }
0x53: {  	_ =	shalt  }
0x54: {  	_ =	shalt  }
0x55: {  	_ =	shalt  }
0x56: {  	_ =	shalt  }
0x57: {  	_ =	shalt  }
0x58: {  	_ =	shalt  }
0x59: {  	_ =	shalt  }
0x5a: {  	_ =	shalt  }
0x5b: {  	_ =	shalt  }
0x5c: {  	_ =	shalt  }
0x5d: {  	_ =	shalt  }
0x5e: {  	_ =	shalt  }
0x5f: {  	_ =	shalt  }
0x60: {  	_ =	shalt  }
0x61: {  	_ =	shalt  }
0x62: {  	_ =	shalt  }
0x63: {  	_ =	shalt  }
0x64: {  	_ =	shalt  }
0x65: {  	_ =	shalt  }
0x66: {  	_ =	shalt  }
0x67: {  	_ =	shalt  }
0x68: {  	_ =	shalt  }
0x69: {  	_ =	shalt  }
0x6a: {  	_ =	shalt  }
0x6b: {  	_ =	shalt  }
0x6c: {  	_ =	shalt  }
0x6d: {  	_ =	shalt  }
0x6e: {  	_ =	shalt  }
0x6f: {  	_ =	shalt  }
0x70: {  	_ =	shalt  }
0x71: {  	_ =	shalt  }
0x72: {  	_ =	shalt  }
0x73: {  	_ =	shalt  }
0x74: {  	_ =	shalt  }
0x75: {  	_ =	shalt  }
0x76: {  	_ =	shalt  }
0x77: {  	_ =	shalt  }
0x78: {  	_ =	shalt  }
0x79: {  	_ =	shalt  }
0x7a: {  	_ =	shalt  }
0x7b: {  	_ =	shalt  }
0x7c: {  	_ =	shalt  }
0x7d: {  	_ =	shalt  }
0x7e: {  	_ =	shalt  }
0x7f: {  	_ =	shalt  }
0x80: {  	_ =	shalt  }
0x81: {  	_ =	shalt  }
0x82: {  	_ =	shalt  }
0x83: {  	_ =	shalt  }
0x84: {  	_ =	shalt  }
0x85: {  	_ =	shalt  }
0x86: {  	_ =	shalt  }
0x87: {  	_ =	shalt  }
.Lfunc_end0:
.L_simem_size_0:
called_computation_lowered:
.L_overlay_start_0:
0x88: {  	s2 =	sld [smem:$0x3FD9]  }
0x89: {  	s3 =	sld [smem:$0x3FFE];
	_ =	sdelay $0x1  }
0x8a: {  	s1 =	srdreg.scid  }
0x8b: {  	s0 =	sand.u32 $0x1, s1  }
0x8c: {  	s17 =	sshll.u32 s0, $0xA;
	s2 =	sadd.s32 s3, s2  }
0x8d: {  	s2 =	sadd.s32 s2, s17  }
0x8e: {  	[smem:$0x3FC2] =	sst s2  }
0x8f: {  	_ = 	snop  }
0x90: {  	s2 =	sld [smem:$0x3FD0];
	(tm) =	ssettm $0x1  }
0x91: {  	s18 =	sld [smem:$0x3FFB];
	_ =	sdelay $0x3  }
0x92: {  	_ =	strace s18  }
0x93: {  	s3 =	sld [smem:$0x3FFC];
	_ =	sdelay $0x3  }
0x94: {  	_ =	strace s3  }
0x95: {  	s3 =	sld [smem:$0x3FFD];
	_ =	sdelay $0x3  }
0x96: {  	_ =	strace s3  }
0x97: {  	_ =	strace $0x8FFFFFFF  }
0x98: {  	s19 =	sld [smem:$0x3FDB];
	_ =	sdelay $0x1  }
0x99: {  	s4 =	simm.s32 $_scs_section_size  }
0x9a: {  	s5 =	simm.s32 $_size__tile_overlayer_lowered;
	s6 =	simm.s32 $_tile_overlayer_lowered  }
0x9b: {  	s22 =	simm.s32 $0x1BFF;
	s21 =	sshll.u32 s6, $0x1;
	s3 =	sadd.s32 s4, s19  }
0x9c: {  	s7 =	simm.s32 $0x0;
	s20 =	sshll.u32 s5, $0x1;
	s5 =	sadd.s32 s21, s3  }
0x9d: {  	[timem:s7], [sflag:s22] =	dma.local [hbm:s5], s20  }
0x9e: {  	_ =	swait.ge [sflag:s22], s20  }
0x9f: {  	s4 =	ssub.s32 $0x0, s20;
	[sflag:s22] =	ssyncset.done $0x0  }
0xa0: {  	[sflag:s22] =	ssyncadd.s32 s4;
	_ =	sdelay $0x1  }
0xa1: {  	s23 =	simm.s32 $0x1B8B  }
0xa2: {  	_ =	swait.ge [sflag:s23], $0x1  }
0xa3: {  	[sflag:s23] =	ssyncset.done $0x0  }
0xa4: {  	s25 =	simm.s32 $0x1B8E;
	s24 =	sld [smem:$0x3FFE];
	[sflag:s23] =	ssyncadd.s32 $0xFFFFFFFF  }
0xa5: {  	s26 =	simm.s32 $execute0_lowered;
	[smem:$0x3FD2] =	sst s25  }
0xa6: {  	s5 =	sshll.u32 s26, $0x1;
	_ =	strace $0x80000046;
	[dreg:$0x1] =	wrdreg $0xFFFFFFFF  }
0xa7: {  	s28 =	simm.s32 $_size_execute0_lowered;
	s3 =	sadd.s32 s3, s5;
	[dreg:$0x0] =	wrdreg $0x0  }
0xa8: {  	s5 =	sshll.u32 s28, $0x1;
	[dreg:$0x2] =	wrdreg s3  }
0xa9: {  	[dreg:$0x3] =	wrdreg s5  }
0xaa: {  	[dreg:$0x4] =	wrdreg $0xC0  }
0xab: {  	_ =	task [dreg:s7], $0x5FFFF  }
0xac: {  	[dreg:$0x1] =	wrdreg $0xFFFFFFFF  }
0xad: {  	[dreg:$0x0] =	wrdreg $0x60  }
0xae: {  	[dreg:$0x2] =	wrdreg s2  }
0xaf: {  	[dreg:$0x3] =	wrdreg s24  }
0xb0: {  	[dreg:$0x4] =	wrdreg $0x68000  }
0xb1: {  	[dreg:$0x5] =	wrdreg $0x9  }
0xb2: {  	_ =	task.clear_ibuf [dreg:s7], $0x6FFFF;
	_ =	strace $0x90000046  }
0xb3: {  	s29 =	simm.s32 $0x9;
	_ =	strace $0x80000048  }
0xb4: {  	_ =	swait.ge [sflag:s29], $0x1  }
0xb5: {  	[sflag:s29] =	ssyncadd.s32 $0xFFFFFFFF  }
0xb6: {  	_ =	strace $0x90000048  }
0xb7: {  	_ =	sfence  }
0xb8: {  	s30 =	sld [smem:$0x0];
	_ =	sdelay $0x2  }
0xb9: {  	s31 =	sshll.u32 s1, $0xD;
	s1 =	sshrl.u32 s1, $0x2  }
0xba: {  	s3 =	sand.u32 $0x4000, s31;
	s1 =	sadd.s32 s1, s30  }
0xbb: {  	s0 =	sor.u32 s3, s0;
	s1 =	sshll.u32 s1, $0x11  }
0xbc: {  	s0 =	sor.u32 s1, s0  }
0xbd: {  	s0 =	sadd.s32 $0x8F2B, s0  }
0xbe: {  	[sflag:s0] =	ssyncadd.remote.s32 $0x1  }
0xbf: {  	_ =	sfence.sel $0xFFFF  }
0xc0: {  	[dreg:$0x0] =	wrdreg $0xFFFFFFFF;
	(pc) =	sbr.abs _section_cstart, $3  }
0xc1: {  	[dreg:$0x1] =	wrdreg $0xFFFFFFFF  }
0xc2: {  	_ =	task.clear_ibuf [dreg:s7], $0x2FFFF;
	_ =	strace $0x9FFFFFFF  }
0xc3: {  	(tm) =	ssettm $0x7FFFFFFF  }
tec
execute0_lowered:
.L_overlay_start_1:
0x0: {  	(tag) =	ssettag $0x1  }
0x1: {  	s7 =	rddreg [dreg:$0x0]  }
0x2: {  	s6 =	rddreg [dreg:$0x1]  }
0x3: {  	s1 =	rddreg [dreg:$0x2]  }
0x4: {  	s0 =	rddreg [dreg:$0x3];
	s2 =	simm.s32 $0x0;
	s3 =	srdreg.scid  }
0x5: {  	s12 =	simm.s32 $0x80;
	s13 =	simm.s32 $0x1;
	[smem:$0x7FF] =	sst s2  }
0x6: {  	s8 =	sand.u32 $0x1, s3;
	s4 =	sadd.s32 $0x1600, s6;
	s3 =	stileid.u32  }
0x7: {  	s5 =	sadd.s32 $0x1E00, s6;
	_ =	strace $0x80000047;
	s9 =	smul.u32 $0x27800, s8  }
0x8: {  	s10 =	smul.u32 $0x4F000, s3;
	s11 =	sshll.u32 s8, $0x4;
	s28 =	ssub.s32 $0x2, s8  }
0x9: {  	s31 =	sshll.u32 s3, $0x6;
	s15 =	smul.u32 $0x2780, s3;
	s29 =	sor.u32 s3, s11  }
0xa: {  	s30 =	sshrl.u32 s28, $0x1;
	s9 =	sadd.s32 s9, s6;
	s8 =	smul.u32 $0x500, s29  }
0xb: {  	s10 =	sshrl.u32 s10, $0x2;
	s11 =	ssub.s32 s28, s30;
	s6 =	sor.u32 $0x1C02, s31  }
0xc: {  	s10 =	sadd.s32 s10, s1;
	s14 =	sadd.s32 $0x4600, s9;
	s7 =	sadd.s32 s7, s8  }
0xd: {  	s8 =	smax.u32 s11, $0x1;
	s9 =	sshrl.u32 s10, $0x3;
	s10 =	simm.s32 $0x2  }
0xe: {  	s11 =	simm.s32 $0x2800;
	s14 =	sadd.s32 s15, s14;
	s15 =	simm.s32 $0x0  }
.LBB2_1:
0xf: {  	[spmem:s9], [sflag:s6] =	dma.local [hbm:s5], $0x2780  }
0x10: {  	_ =	swait.ge [sflag:s10], $0x2780  }
0x11: {  	[sflag:s10] =	ssyncset.done $0x0  }
0x12: {  	[sflag:s10] =	ssyncadd.s32 $0xFFFFD880  }
0x13: {  	[tilespmem:s2], [sflag:$0x2] =	stream.linear.gather [hbm4b:s7+s2], $0x2800, $0x38;
	[tilespmem:$0x1A400] =	vst v63  }
0x14: {  	_ =	swait.ge [sflag:s10], $0x2800  }
0x15: {  	[sflag:s10] =	ssyncset.done $0x0  }
0x16: {  	[sflag:s10] =	ssyncadd.s32 $0xFFFFD800  }
0x17: {  	[tilespmem:s11], [sflag:$0x2] =	stream.linear.gather [hbm4b:s4+s2], $0x4000, $0x38;
	[tilespmem:$0x1A400] =	vst v63  }
0x18: {  	_ =	swait.ge [sflag:s10], $0x4000  }
0x19: {  	[sflag:s10] =	ssyncset.done $0x0  }
0x1a: {  	[sflag:s10] =	ssyncadd.s32 $0xFFFFC000  }
0x1b: {  	s16 =	simm.s32 $0x0;
	[bflag:$0x0] =	sbarrier.arrive $0xFFFF  }
.LBB2_2:
0x1c: {  	p0 =	sne.s32 s16, $0x9E00  }
.Ltmp0:
0x1d: {  	_ = 	snop;
	(pc) =	sbr.rel @p0 .LBB2_2-.Ltmp0, $3  }
0x1e: {  	_ =	sdelay $0x1  }
0x1f: {  	s17 =	sshra.s32 s16, $0x2;
	s16 =	sadd.s32 $0x200, s16  }
0x20: {  	[spmem:s1] =	stream.indirect.scatter.add.f32 [tilespmem:s11], [sflag:$0x1], $0x80, s17, s12, $0xb8;
	[tilespmem:$0x1A400] =	vst v63  }
0x21: {  	_ =	swait.ge [sflag:s13], $0x4000  }
0x22: {  	s16 =	simm.s32 $0x4F;
	[sflag:s13] =	ssyncset.done $0x0  }
.LBB2_4:
0x23: {  	p0 =	sne.s32 s16, $0x1;
	s16 =	sadd.s32 $0xFFFFFFFF, s16;
	[sflag:s13] =	ssyncadd.s32 $0xFFFFC000  }
.Ltmp1:
0x24: {  	(pc) =	sbr.rel @p0 .LBB2_4-.Ltmp1, $3  }
0x25: {  	_ =	sdelay $0x1  }
0x26: {  	_ =	swait.ge [sflag:s13], $0x4000  }
0x27: {  	[sflag:s13] =	ssyncset.done $0x0  }
0x28: {  	s15 =	sadd.s32 $0x1, s15  }
0x29: {  	[sflag:s13] =	ssyncadd.s32 $0xFFFFC000;
	p0 =	sne.s32 s15, s8  }
.Ltmp2:
0x2a: {  	[bflag:$0x0] =	sbarrier.arrive $0xFFFF;
	(pc) =	sbr.rel @p0 .LBB2_1-.Ltmp2, $4  }
0x2b: {  	[hbm:s14], [sflag:s6] =	dma.local [spmem:s9], $0x2780  }
0x2c: {  	_ =	swait.ge [sflag:s10], $0x2780  }
0x2d: {  	[sflag:s10] =	ssyncset.done $0x0  }
0x2e: {  	[sflag:s10] =	ssyncadd.s32 $0xFFFFD880  }
0x2f: {  	_ =	sfence.sel $0x180000  }
0x30: {  	[bflag:$0x0] =	sbarrier.arrive $0xFFFF  }
0x31: {  	p0 =	sne.s32 s3, $0x0;
	_ =	strace $0x90000047  }
0x32: {  	s0 =	sadd.s32 @!p0 $0x100000, s0;
	[bflag:$0x2] =	sbarrier.arrive $0xFFFF  }
0x33: {  	[sflag:s0] =	ssyncadd.tile.s32 @!p0 $0x1;
	_ =	shalt  }
.Lfunc_end2:
_tile_overlayer_lowered:
.L_overlay_start_2:
0x34: {  	(tag) =	ssettag $0x2  }
0x35: {  	s0 =	rddreg [dreg:$0x0];
	s2 =	stileid.u32  }
0x36: {  	s1 =	rddreg [dreg:$0x1];
	p0 =	sne.s32 s2, $0x0  }
0x37: {  	s3 =	rddreg [dreg:$0x2];
	[bflag:$0x3] =	sbarrier.arrive $0xFFFF;
	s2 =	simm.s32 @!p0 $0x1C02  }
0x38: {  	[timem:s3], [sflag:s2] =	dma.local @!p0 [hbm:s0], s1  }
0x39: {  	s0 =	simm.s32 @!p0 $0x2  }
0x3a: {  	_ =	swait.ge @!p0 [sflag:s0], s1  }
0x3b: {  	s1 =	ssub.s32 @!p0 $0x0, s1;
	[sflag:s0] =	ssyncset.done @!p0 $0x0  }
0x3c: {  	[sflag:s0] =	ssyncadd.s32 @!p0 s1  }
0x3d: {  	[bflag:$0x3] =	sbarrier.arrive $0xFFFF  }
0x3e: {  	_ =	shalt  }

</sc_bundles>
